<compile_context>
chip_gen: v7x
topology: tpu7x:2x2x1
jax: 0.10.2.dev20260603
libtpu: 0.0.44.dev20260713+nightly
codegen_flags: <defaults>
</compile_context>

<pallas_src>
import functools

import jax
import jax.numpy as jnp
from jax import lax
from jax.experimental import pallas as pl
from jax.experimental.pallas import tpu as pltpu
from jax.experimental.pallas import tpu_sc as plsc

_CHUNK = 80



def _acc_slices(n_nodes, ns):
  per = (n_nodes // ns) & ~7
  tail0 = per * ns
  tail = n_nodes - tail0
  return per, tail0, tail


def _pipelined_agg(n_iter, base_blk, packed_hbm, table_hbm, acc_sh,
                   idx, rows, gs, ss):

  def fetch(i, k):
    pltpu.sync_copy(packed_hbm.at[base_blk + i], idx[k])

  def start_g(k):
    pltpu.async_copy(table_hbm.at[idx[k].at[0]], rows[k], gs[k])

  def wait_g(k):
    pltpu.make_async_copy(table_hbm.at[idx[k].at[0]], rows[k], gs[k]).wait()

  def start_s(k):
    pltpu.async_copy(rows[k], acc_sh.at[idx[k].at[1]], ss[k], add=True)

  def wait_s(k):
    pltpu.make_async_copy(rows[k], acc_sh.at[idx[k].at[1]], ss[k]).wait()

  def substep(i, k, q=None):
    kn = (k + 2) % 4
    if q is None:
      if i >= 2:
        wait_s(kn)
      if i + 2 < n_iter:
        fetch(i + 2, kn)
        start_g(kn)
    else:
      @pl.when(i >= 2)
      def _():
        wait_s(kn)

      @pl.when(i + 2 < n_iter)
      def _():
        fetch(i + 2, kn)
        start_g(kn)

    wait_g(k)
    start_s(k)

  fetch(0, 0)
  start_g(0)
  fetch(1, 1)
  start_g(1)
  plsc.subcore_barrier()

  nq = n_iter // 4

  @pl.loop(0, nq)
  def _(q):
    i0 = q * 4
    for k in range(4):
      substep(i0 + k, k, q=q)

  for i in range(nq * 4, n_iter):
    substep(i, i % 4)

  wait_s((n_iter - 2) % 4)
  wait_s((n_iter - 1) % 4)


def _make_agg_edge_split(n_nodes, n_acc, n_edges, feat):
  info = plsc.get_sparse_core_info()
  nc, ns = info.num_cores, info.num_subcores
  per_tile = n_edges // (nc * ns)
  n_iter = per_tile // _CHUNK
  per, tail0, tail = _acc_slices(n_nodes, ns)
  mesh = plsc.VectorSubcoreMesh(core_axis_name="c", subcore_axis_name="s")

  @functools.partial(
      pl.kernel,
      mesh=mesh,
      out_type=[
          jax.ShapeDtypeStruct((n_nodes, feat), jnp.float32),
          jax.ShapeDtypeStruct((n_nodes, feat), jnp.float32),
      ],
      scratch_types=[
          pltpu.VMEM((2, _CHUNK), jnp.int32),
          pltpu.VMEM((2, _CHUNK), jnp.int32),
          pltpu.VMEM((2, _CHUNK), jnp.int32),
          pltpu.VMEM((2, _CHUNK), jnp.int32),
          pltpu.VMEM((_CHUNK, feat), jnp.float32),
          pltpu.VMEM((_CHUNK, feat), jnp.float32),
          pltpu.VMEM((_CHUNK, feat), jnp.float32),
          pltpu.VMEM((_CHUNK, feat), jnp.float32),
          pltpu.VMEM_SHARED((n_acc, feat), jnp.float32),
          pltpu.SemaphoreType.DMA,
          pltpu.SemaphoreType.DMA,
          pltpu.SemaphoreType.DMA,
          pltpu.SemaphoreType.DMA,
          pltpu.SemaphoreType.DMA,
          pltpu.SemaphoreType.DMA,
          pltpu.SemaphoreType.DMA,
          pltpu.SemaphoreType.DMA,
      ],
  )
  def agg(packed_hbm, table_hbm, zeros_hbm, out0_hbm, out1_hbm,
          i0, i1, i2, i3, r0, r1, r2, r3, acc_sh,
          g0, g1, g2, g3, s0, s1, s2, s3):
    c = lax.axis_index("c")
    s = lax.axis_index("s")
    w = c * ns + s
    sl = pl.ds(pl.multiple_of(s * per, 8), per)
    pltpu.sync_copy(zeros_hbm.at[sl], acc_sh.at[sl])

    @pl.when(s == ns - 1)
    def _():
      tl = pl.ds(tail0, tail)
      pltpu.sync_copy(zeros_hbm.at[tl], acc_sh.at[tl])

    _pipelined_agg(n_iter, w * n_iter, packed_hbm, table_hbm, acc_sh,
                   (i0, i1, i2, i3), (r0, r1, r2, r3),
                   (g0, g1, g2, g3), (s0, s1, s2, s3))
    plsc.subcore_barrier()

    def write_out(out_hbm):
      pltpu.sync_copy(acc_sh.at[sl], out_hbm.at[sl])

      @pl.when(s == ns - 1)
      def _():
        tl = pl.ds(tail0, tail)
        pltpu.sync_copy(acc_sh.at[tl], out_hbm.at[tl])

    @pl.when(c == 0)
    def _():
      write_out(out0_hbm)

    @pl.when(c == 1)
    def _():
      write_out(out1_hbm)

  return agg


def _make_agg_feat_split(n_nodes, n_acc, n_edges, feat_half):
  info = plsc.get_sparse_core_info()
  ns = info.num_subcores
  per_tile = n_edges // ns
  n_iter = per_tile // _CHUNK
  per, tail0, tail = _acc_slices(n_nodes, ns)
  mesh = plsc.VectorSubcoreMesh(core_axis_name="c", subcore_axis_name="s")

  @functools.partial(
      pl.kernel,
      mesh=mesh,
      out_type=[
          jax.ShapeDtypeStruct((n_nodes, feat_half), jnp.float32),
          jax.ShapeDtypeStruct((n_nodes, feat_half), jnp.float32),
      ],
      scratch_types=[
          pltpu.VMEM((2, _CHUNK), jnp.int32),
          pltpu.VMEM((2, _CHUNK), jnp.int32),
          pltpu.VMEM((2, _CHUNK), jnp.int32),
          pltpu.VMEM((2, _CHUNK), jnp.int32),
          pltpu.VMEM((_CHUNK, feat_half), jnp.float32),
          pltpu.VMEM((_CHUNK, feat_half), jnp.float32),
          pltpu.VMEM((_CHUNK, feat_half), jnp.float32),
          pltpu.VMEM((_CHUNK, feat_half), jnp.float32),
          pltpu.VMEM_SHARED((n_acc, feat_half), jnp.float32),
          pltpu.SemaphoreType.DMA,
          pltpu.SemaphoreType.DMA,
          pltpu.SemaphoreType.DMA,
          pltpu.SemaphoreType.DMA,
          pltpu.SemaphoreType.DMA,
          pltpu.SemaphoreType.DMA,
          pltpu.SemaphoreType.DMA,
          pltpu.SemaphoreType.DMA,
      ],
  )
  def agg(packed_hbm, t0_hbm, t1_hbm, zeros_hbm, out0_hbm, out1_hbm,
          i0, i1, i2, i3, r0, r1, r2, r3, acc_sh,
          g0, g1, g2, g3, s0, s1, s2, s3):
    c = lax.axis_index("c")
    s = lax.axis_index("s")
    sl = pl.ds(pl.multiple_of(s * per, 8), per)
    pltpu.sync_copy(zeros_hbm.at[sl], acc_sh.at[sl])

    @pl.when(s == ns - 1)
    def _():
      tl = pl.ds(tail0, tail)
      pltpu.sync_copy(zeros_hbm.at[tl], acc_sh.at[tl])

    @pl.when(c == 0)
    def _():
      _pipelined_agg(n_iter, s * n_iter, packed_hbm, t0_hbm, acc_sh,
                     (i0, i1, i2, i3), (r0, r1, r2, r3),
                     (g0, g1, g2, g3), (s0, s1, s2, s3))

    @pl.when(c == 1)
    def _():
      _pipelined_agg(n_iter, s * n_iter, packed_hbm, t1_hbm, acc_sh,
                     (i0, i1, i2, i3), (r0, r1, r2, r3),
                     (g0, g1, g2, g3), (s0, s1, s2, s3))

    plsc.subcore_barrier()

    def write_out(out_hbm):
      pltpu.sync_copy(acc_sh.at[sl], out_hbm.at[sl])

      @pl.when(s == ns - 1)
      def _():
        tl = pl.ds(tail0, tail)
        pltpu.sync_copy(acc_sh.at[tl], out_hbm.at[tl])

    @pl.when(c == 0)
    def _():
      write_out(out0_hbm)

    @pl.when(c == 1)
    def _():
      write_out(out1_hbm)

  return agg



_BLK = 1000


def _norm_body(x_ref, o_ref):
  x = x_ref[...]
  s = jnp.sum(x * x, axis=1, keepdims=True)
  o_ref[...] = x / jnp.maximum(jnp.sqrt(s), 1e-12)


def _tc_norm(x):
  n, f = x.shape
  grid = n // _BLK
  return pl.pallas_call(
      _norm_body,
      grid=(grid,),
      in_specs=[pl.BlockSpec((_BLK, f), lambda i: (i, 0))],
      out_specs=pl.BlockSpec((_BLK, f), lambda i: (i, 0)),
      out_shape=jax.ShapeDtypeStruct((n, f), jnp.float32),
  )(x)


def _layer1_body(a0_ref, a1_ref, w_ref, b_ref, o0_ref, o1_ref):
  a = a0_ref[...] + a1_ref[...]
  h = jnp.dot(a, w_ref[...], preferred_element_type=jnp.float32) + b_ref[...]
  h = jnp.maximum(h, 0.0)
  s = jnp.sum(h * h, axis=1, keepdims=True)
  y = h / jnp.maximum(jnp.sqrt(s), 1e-12)
  hh = y.shape[1] // 2
  o0_ref[...] = y[:, :hh]
  o1_ref[...] = y[:, hh:]


def _tc_layer1(p0, p1, w, b):
  n, f = p0.shape
  h = w.shape[1]
  grid = n // _BLK
  return pl.pallas_call(
      _layer1_body,
      grid=(grid,),
      in_specs=[
          pl.BlockSpec((_BLK, f), lambda i: (i, 0)),
          pl.BlockSpec((_BLK, f), lambda i: (i, 0)),
          pl.BlockSpec((f, h), lambda i: (0, 0)),
          pl.BlockSpec((1, h), lambda i: (0, 0)),
      ],
      out_specs=[
          pl.BlockSpec((_BLK, h // 2), lambda i: (i, 0)),
          pl.BlockSpec((_BLK, h // 2), lambda i: (i, 0)),
      ],
      out_shape=[
          jax.ShapeDtypeStruct((n, h // 2), jnp.float32),
          jax.ShapeDtypeStruct((n, h // 2), jnp.float32),
      ],
  )(p0, p1, w, b.reshape(1, h))


def _mid_body(a0_ref, a1_ref, w_ref, b_ref, o0_ref, o1_ref):
  a = jnp.concatenate([a0_ref[...], a1_ref[...]], axis=1)
  h = jnp.dot(a, w_ref[...], preferred_element_type=jnp.float32) + b_ref[...]
  h = jnp.maximum(h, 0.0)
  s = jnp.sum(h * h, axis=1, keepdims=True)
  y = h / jnp.maximum(jnp.sqrt(s), 1e-12)
  hh = y.shape[1] // 2
  o0_ref[...] = y[:, :hh]
  o1_ref[...] = y[:, hh:]


def _tc_mid_layer(a0, a1, w, b):
  n, fh = a0.shape
  f = 2 * fh
  h = w.shape[1]
  grid = n // _BLK
  return pl.pallas_call(
      _mid_body,
      grid=(grid,),
      in_specs=[
          pl.BlockSpec((_BLK, fh), lambda i: (i, 0)),
          pl.BlockSpec((_BLK, fh), lambda i: (i, 0)),
          pl.BlockSpec((f, h), lambda i: (0, 0)),
          pl.BlockSpec((1, h), lambda i: (0, 0)),
      ],
      out_specs=[
          pl.BlockSpec((_BLK, h // 2), lambda i: (i, 0)),
          pl.BlockSpec((_BLK, h // 2), lambda i: (i, 0)),
      ],
      out_shape=[
          jax.ShapeDtypeStruct((n, h // 2), jnp.float32),
          jax.ShapeDtypeStruct((n, h // 2), jnp.float32),
      ],
  )(a0, a1, w, b.reshape(1, h))


def _final_body(a0_ref, a1_ref, w_ref, b_ref, w1_ref, b1_ref, w2_ref, b2_ref,
                o_ref, acc_ref, *, inv_n):
  i = pl.program_id(0)

  @pl.when(i == 0)
  def _():
    acc_ref[...] = jnp.zeros_like(acc_ref)

  a = jnp.concatenate([a0_ref[...], a1_ref[...]], axis=1)
  hm = jnp.dot(a, w_ref[...], preferred_element_type=jnp.float32) + b_ref[...]
  hm = jnp.maximum(hm, 0.0)
  acc_ref[...] += jnp.sum(hm, axis=0, keepdims=True)

  @pl.when(i == pl.num_programs(0) - 1)
  def _():
    g = acc_ref[...] * inv_n
    g = jnp.dot(g, w1_ref[...],
                preferred_element_type=jnp.float32) + b1_ref[...]
    g = jnp.maximum(g, 0.0)
    z = jnp.dot(g, w2_ref[...],
                preferred_element_type=jnp.float32) + b2_ref[...]
    m = jnp.max(z, axis=1, keepdims=True)
    e = jnp.exp(z - m)
    lse = jnp.log(jnp.sum(e, axis=1, keepdims=True)) + m
    o_ref[...] = z - lse


def _tc_final_head(a0, a1, w, b, w1, b1, w2, b2, n_nodes):
  n, fh = a0.shape
  f = 2 * fh
  h = w.shape[1]
  c = w2.shape[1]
  grid = n // _BLK
  return pl.pallas_call(
      functools.partial(_final_body, inv_n=1.0 / n_nodes),
      grid=(grid,),
      in_specs=[
          pl.BlockSpec((_BLK, fh), lambda i: (i, 0)),
          pl.BlockSpec((_BLK, fh), lambda i: (i, 0)),
          pl.BlockSpec((f, h), lambda i: (0, 0)),
          pl.BlockSpec((1, h), lambda i: (0, 0)),
          pl.BlockSpec((h, h), lambda i: (0, 0)),
          pl.BlockSpec((1, h), lambda i: (0, 0)),
          pl.BlockSpec((h, c), lambda i: (0, 0)),
          pl.BlockSpec((1, c), lambda i: (0, 0)),
      ],
      out_specs=pl.BlockSpec((1, c), lambda i: (0, 0)),
      out_shape=jax.ShapeDtypeStruct((1, c), jnp.float32),
      scratch_shapes=[pltpu.VMEM((1, h), jnp.float32)],
  )(a0, a1, w, b.reshape(1, h), w1, b1.reshape(1, h), w2, b2.reshape(1, c))



def kernel(x, edge_index, batch, W1, b1, Wc1, bc1, Wc2, bc2,
           lin1_W, lin1_b, lin2_W, lin2_b):
  n, f_in = x.shape
  e = edge_index.shape[1]
  h = W1.shape[1]
  del batch

  info = plsc.get_sparse_core_info()
  blk = info.num_cores * info.num_subcores * _CHUNK
  e_pad = ((e + blk - 1) // blk) * blk
  pad = e_pad - e
  if pad:
    src_p = jnp.concatenate([edge_index[0], jnp.zeros((pad,), jnp.int32)])
    dst_p = jnp.concatenate([edge_index[1], jnp.full((pad,), n, jnp.int32)])
  else:
    src_p, dst_p = edge_index[0], edge_index[1]
  packed = jnp.stack(
      [src_p.reshape(e_pad // _CHUNK, _CHUNK),
       dst_p.reshape(e_pad // _CHUNK, _CHUNK)], axis=1)
  n_acc = n + 16
  zeros_f = jnp.zeros((n, h // 2), jnp.float32)

  agg1 = _make_agg_edge_split(n, n_acc, e_pad, f_in)
  aggf = _make_agg_feat_split(n, n_acc, e_pad, h // 2)

  xn = _tc_norm(x)
  p0, p1 = agg1(packed, xn, zeros_f[:, :f_in])
  h0, h1 = _tc_layer1(p0, p1, W1, b1)
  a0, a1 = aggf(packed, h0, h1, zeros_f)
  h0, h1 = _tc_mid_layer(a0, a1, Wc1, bc1)
  a0, a1 = aggf(packed, h0, h1, zeros_f)
  return _tc_final_head(a0, a1, Wc2, bc2, lin1_W, lin1_b, lin2_W, lin2_b, n)

# --- scband reference (transcript-rebuilt; emitter-appended) ---
"""Pipeline reference for scband-gcn-37752762532356 (READ-ONLY COPY).

The authoritative reference and input builder live on the scoring server;
editing this copy changes nothing except your own understanding.
"""

import jax, jax.numpy as jnp
import numpy as np

N = 10000
E = 320000
F_IN = 128
H = 256
C = 40


def _l2_normalize(x, eps=1e-12):
    # matches torch F.normalize(x, p=2.0, dim=-1)
    n = jnp.linalg.norm(x, ord=2, axis=-1, keepdims=True)
    return x / jnp.maximum(n, eps)


def _gcn_conv(x, edge_index, W, b):
    # PyG GCNConv with normalize=False, edge_weight=None:
    # h = x @ W; out[dst] = sum_{(src,dst) in E} h[src]; out += b
    h = x @ W
    src = edge_index[0]
    dst = edge_index[1]
    agg = jax.ops.segment_sum(h[src], dst, num_segments=x.shape[0])
    return agg + b


def setup_inputs(seed: int = 0) -> dict:
    key = jax.random.key(seed)
    ks = jax.random.split(key, 12)
    inp = {}
    inp["x"] = jax.random.normal(ks[0], (N, F_IN), dtype=jnp.float32)
    inp["edge_index"] = jax.random.randint(ks[1], (2, E), 0, N, dtype=jnp.int32)
    inp["batch"] = jnp.zeros((N,), dtype=jnp.int32)
    # parameters (glorot-ish scaling)
    inp["W1"] = jax.random.normal(ks[2], (F_IN, H), dtype=jnp.float32) * (1.0 / np.sqrt(F_IN))
    inp["b1"] = jnp.zeros((H,), dtype=jnp.float32)
    inp["Wc1"] = jax.random.normal(ks[3], (H, H), dtype=jnp.float32) * (1.0 / np.sqrt(H))
    inp["bc1"] = jnp.zeros((H,), dtype=jnp.float32)
    inp["Wc2"] = jax.random.normal(ks[4], (H, H), dtype=jnp.float32) * (1.0 / np.sqrt(H))
    inp["bc2"] = jnp.zeros((H,), dtype=jnp.float32)
    inp["lin1_W"] = jax.random.normal(ks[5], (H, H), dtype=jnp.float32) * (1.0 / np.sqrt(H))
    inp["lin1_b"] = jnp.zeros((H,), dtype=jnp.float32)
    inp["lin2_W"] = jax.random.normal(ks[6], (H, C), dtype=jnp.float32) * (1.0 / np.sqrt(H))
    inp["lin2_b"] = jnp.zeros((C,), dtype=jnp.float32)
    return inp


def reference(x, edge_index, batch, W1, b1, Wc1, bc1, Wc2, bc2, lin1_W, lin1_b, lin2_W, lin2_b):
    h = jax.nn.relu(_gcn_conv(_l2_normalize(x), edge_index, W1, b1))
    for W, b in ((Wc1, bc1), (Wc2, bc2)):
        h = jax.nn.relu(_gcn_conv(_l2_normalize(h), edge_index, W, b))
    # global_mean_pool with batch (all zeros -> single graph)
    num_graphs = 1
    sums = jax.ops.segment_sum(h, batch, num_segments=num_graphs)
    cnts = jax.ops.segment_sum(jnp.ones((h.shape[0], 1), dtype=h.dtype), batch, num_segments=num_graphs)
    g = sums / cnts
    g = jax.nn.relu(g @ lin1_W + lin1_b)
    # dropout is identity in eval mode
    g = g @ lin2_W + lin2_b
    return jax.nn.log_softmax(g, axis=-1)

if __name__ == "__main__":
    import jax
    _d = setup_inputs()
    print(jax.jit(kernel)(*tuple(_d.values())))

</pallas_src>

<mosaic_0001>
#map = affine_map<(d0, d1) -> (0, 0, 0)>
#map1 = affine_map<(d0, d1) -> (0, 0)>
module attributes {stable_mosaic.version = 14 : i64} {
  func.func @agg(%arg0: i32, %arg1: i32, %arg2: memref<4000x2x80xi32, #tpu.memory_space<hbm>>, %arg3: memref<10000x128xf32, #tpu.memory_space<hbm>>, %arg4: memref<10000x128xf32, #tpu.memory_space<hbm>>, %arg5: memref<10000x128xf32, #tpu.memory_space<hbm>>, %arg6: memref<10000x128xf32, #tpu.memory_space<hbm>>, %arg7: memref<10000x128xf32, #tpu.memory_space<hbm>>, %arg8: memref<2x80xi32, #tpu.memory_space<vmem>>, %arg9: memref<2x80xi32, #tpu.memory_space<vmem>>, %arg10: memref<2x80xi32, #tpu.memory_space<vmem>>, %arg11: memref<2x80xi32, #tpu.memory_space<vmem>>, %arg12: memref<80x128xf32, #tpu.memory_space<vmem>>, %arg13: memref<80x128xf32, #tpu.memory_space<vmem>>, %arg14: memref<80x128xf32, #tpu.memory_space<vmem>>, %arg15: memref<80x128xf32, #tpu.memory_space<vmem>>, %arg16: memref<10016x128xf32, #tpu.memory_space<vmem_shared>>, %arg17: memref<!tpu.dma_semaphore, #tpu.memory_space<semaphore_mem>>, %arg18: memref<!tpu.dma_semaphore, #tpu.memory_space<semaphore_mem>>, %arg19: memref<!tpu.dma_semaphore, #tpu.memory_space<semaphore_mem>>, %arg20: memref<!tpu.dma_semaphore, #tpu.memory_space<semaphore_mem>>, %arg21: memref<!tpu.dma_semaphore, #tpu.memory_space<semaphore_mem>>, %arg22: memref<!tpu.dma_semaphore, #tpu.memory_space<semaphore_mem>>, %arg23: memref<!tpu.dma_semaphore, #tpu.memory_space<semaphore_mem>>, %arg24: memref<!tpu.dma_semaphore, #tpu.memory_space<semaphore_mem>>) attributes {dimension_semantics = [#tpu.dimension_semantics<core_parallel>, #tpu.dimension_semantics<subcore_parallel>], iteration_bounds = array<i64: 2, 16>, scalar_prefetch = 0 : i64, scratch_operands = 17 : i64, tpu.core_type = #tpu.core_type<sc_vector_subcore>, window_params = [{transform_indices = #map}, {transform_indices = #map1}, {transform_indices = #map1}, {transform_indices = #map1}, {transform_indices = #map1}, {transform_indices = #map1}]} {
    %mul3A = arith.constant 624 : i32
    %mul3A_0 = arith.muli %arg1, %mul3A : i32
    %multiple_of3A = tpu.assume_multiple %mul3A_0, 8 : i32
    "tpu.region"() ({
      %run_scoped3A = tpu.sem_alloc : memref<!tpu.dma_semaphore, #tpu.memory_space<semaphore_mem>>
      %dma_start3A = arith.constant 0 : i32
      %dma_start3A_23 = tpu.memref_slice %arg16[%multiple_of3A, %dma_start3A] : memref<10016x128xf32, #tpu.memory_space<vmem_shared>> -> memref<624x128xf32, #tpu.memory_space<vmem_shared>>
      %dma_start3A_24 = arith.constant 0 : i32
      %dma_start3A_25 = tpu.memref_slice %arg5[%multiple_of3A, %dma_start3A_24] : memref<10000x128xf32, #tpu.memory_space<hbm>> -> memref<624x128xf32, #tpu.memory_space<hbm>>
      tpu.enqueue_dma source(%dma_start3A_25 : memref<624x128xf32, #tpu.memory_space<hbm>>) target(%dma_start3A_23 : memref<624x128xf32, #tpu.memory_space<vmem_shared>>) target_semaphore(%run_scoped3A : memref<!tpu.dma_semaphore, #tpu.memory_space<semaphore_mem>>)
      %dma_wait3A = arith.constant 0 : i32
      %dma_wait3A_26 = tpu.memref_slice %arg16[%multiple_of3A, %dma_wait3A] : memref<10016x128xf32, #tpu.memory_space<vmem_shared>> -> memref<624x128xf32, #tpu.memory_space<vmem_shared>>
      %dma_wait3A_27 = arith.constant 0 : i32
      %dma_wait3A_28 = tpu.memref_slice %arg5[%multiple_of3A, %dma_wait3A_27] : memref<10000x128xf32, #tpu.memory_space<hbm>> -> memref<624x128xf32, #tpu.memory_space<hbm>>
      tpu.wait_dma2 semaphore(%run_scoped3A : memref<!tpu.dma_semaphore, #tpu.memory_space<semaphore_mem>>) src(%dma_wait3A_28 : memref<624x128xf32, #tpu.memory_space<hbm>>) dst(%dma_wait3A_26 : memref<624x128xf32, #tpu.memory_space<vmem_shared>>)
      tpu.yield
    }) : () -> ()
    %eq3A = arith.constant 15 : i32
    %eq3A_1 = arith.cmpi eq, %arg1, %eq3A : i32
    %convert_element_type3A = arith.extui %eq3A_1 : i1 to i32
    %cond3A = arith.constant 0 : i32
    %cond3A_2 = arith.cmpi ne, %convert_element_type3A, %cond3A : i32
    scf.if %cond3A_2 {
      "tpu.region"() ({
        %run_scoped3A = tpu.sem_alloc : memref<!tpu.dma_semaphore, #tpu.memory_space<semaphore_mem>>
        %dma_start3A = arith.constant 9984 : i32
        %dma_start3A_23 = arith.constant 0 : i32
        %dma_start3A_24 = tpu.memref_slice %arg16[%dma_start3A, %dma_start3A_23] : memref<10016x128xf32, #tpu.memory_space<vmem_shared>> -> memref<16x128xf32, #tpu.memory_space<vmem_shared>>
        %dma_start3A_25 = arith.constant 9984 : i32
        %dma_start3A_26 = arith.constant 0 : i32
        %dma_start3A_27 = tpu.memref_slice %arg5[%dma_start3A_25, %dma_start3A_26] : memref<10000x128xf32, #tpu.memory_space<hbm>> -> memref<16x128xf32, #tpu.memory_space<hbm>>
        tpu.enqueue_dma source(%dma_start3A_27 : memref<16x128xf32, #tpu.memory_space<hbm>>) target(%dma_start3A_24 : memref<16x128xf32, #tpu.memory_space<vmem_shared>>) target_semaphore(%run_scoped3A : memref<!tpu.dma_semaphore, #tpu.memory_space<semaphore_mem>>)
        %dma_wait3A = arith.constant 9984 : i32
        %dma_wait3A_28 = arith.constant 0 : i32
        %dma_wait3A_29 = tpu.memref_slice %arg16[%dma_wait3A, %dma_wait3A_28] : memref<10016x128xf32, #tpu.memory_space<vmem_shared>> -> memref<16x128xf32, #tpu.memory_space<vmem_shared>>
        %dma_wait3A_30 = arith.constant 9984 : i32
        %dma_wait3A_31 = arith.constant 0 : i32
        %dma_wait3A_32 = tpu.memref_slice %arg5[%dma_wait3A_30, %dma_wait3A_31] : memref<10000x128xf32, #tpu.memory_space<hbm>> -> memref<16x128xf32, #tpu.memory_space<hbm>>
        tpu.wait_dma2 semaphore(%run_scoped3A : memref<!tpu.dma_semaphore, #tpu.memory_space<semaphore_mem>>) src(%dma_wait3A_32 : memref<16x128xf32, #tpu.memory_space<hbm>>) dst(%dma_wait3A_29 : memref<16x128xf32, #tpu.memory_space<vmem_shared>>)
        tpu.yield
      }) : () -> ()
    } else {
    }
    %eq3A_3 = arith.constant 0 : i32
    %eq3A_4 = arith.cmpi eq, %arg0, %eq3A_3 : i32
    %convert_element_type3A_5 = arith.extui %eq3A_4 : i1 to i32
    %cond3A_6 = arith.constant 0 : i32
    %cond3A_7 = arith.cmpi ne, %convert_element_type3A_5, %cond3A_6 : i32
    scf.if %cond3A_7 {
      %mul3A_23 = arith.constant 250 : i32
      %mul3A_24 = arith.muli %arg1, %mul3A_23 : i32
      %add3A = arith.constant 0 : i32
      %add3A_25 = arith.addi %mul3A_24, %add3A : i32
      "tpu.region"() ({
        %run_scoped3A = tpu.sem_alloc : memref<!tpu.dma_semaphore, #tpu.memory_space<semaphore_mem>>
        %dma_start3A_101 = arith.constant 0 : i32
        %dma_start3A_102 = arith.constant 0 : i32
        %dma_start3A_103 = tpu.memref_slice %arg2[%add3A_25, %dma_start3A_101, %dma_start3A_102] : memref<4000x2x80xi32, #tpu.memory_space<hbm>> -> memref<1x2x80xi32, #tpu.memory_space<hbm>>
        %dma_start3A_104 = tpu.memref_squeeze %dma_start3A_103 : memref<1x2x80xi32, #tpu.memory_space<hbm>> -> memref<2x80xi32, #tpu.memory_space<hbm>>
        %dma_start3A_105 = arith.constant 0 : i32
        %dma_start3A_106 = arith.constant 0 : i32
        %dma_start3A_107 = tpu.memref_slice %arg2[%add3A_25, %dma_start3A_105, %dma_start3A_106] : memref<4000x2x80xi32, #tpu.memory_space<hbm>> -> memref<1x2x80xi32, #tpu.memory_space<hbm>>
        %dma_start3A_108 = tpu.memref_squeeze %dma_start3A_107 : memref<1x2x80xi32, #tpu.memory_space<hbm>> -> memref<2x80xi32, #tpu.memory_space<hbm>>
        tpu.enqueue_dma source(%dma_start3A_108 : memref<2x80xi32, #tpu.memory_space<hbm>>) target(%arg8 : memref<2x80xi32, #tpu.memory_space<vmem>>) target_semaphore(%run_scoped3A : memref<!tpu.dma_semaphore, #tpu.memory_space<semaphore_mem>>)
        %dma_wait3A_109 = arith.constant 0 : i32
        %dma_wait3A_110 = arith.constant 0 : i32
        %dma_wait3A_111 = tpu.memref_slice %arg2[%add3A_25, %dma_wait3A_109, %dma_wait3A_110] : memref<4000x2x80xi32, #tpu.memory_space<hbm>> -> memref<1x2x80xi32, #tpu.memory_space<hbm>>
        %dma_wait3A_112 = tpu.memref_squeeze %dma_wait3A_111 : memref<1x2x80xi32, #tpu.memory_space<hbm>> -> memref<2x80xi32, #tpu.memory_space<hbm>>
        %dma_wait3A_113 = arith.constant 0 : i32
        %dma_wait3A_114 = arith.constant 0 : i32
        %dma_wait3A_115 = tpu.memref_slice %arg2[%add3A_25, %dma_wait3A_113, %dma_wait3A_114] : memref<4000x2x80xi32, #tpu.memory_space<hbm>> -> memref<1x2x80xi32, #tpu.memory_space<hbm>>
        %dma_wait3A_116 = tpu.memref_squeeze %dma_wait3A_115 : memref<1x2x80xi32, #tpu.memory_space<hbm>> -> memref<2x80xi32, #tpu.memory_space<hbm>>
        tpu.wait_dma2 semaphore(%run_scoped3A : memref<!tpu.dma_semaphore, #tpu.memory_space<semaphore_mem>>) src(%dma_wait3A_116 : memref<2x80xi32, #tpu.memory_space<hbm>>) dst(%arg8 : memref<2x80xi32, #tpu.memory_space<vmem>>)
        tpu.yield
      }) : () -> ()
      %dma_start3A = arith.constant 0 : i32
      %dma_start3A_26 = arith.constant 0 : i32
      %dma_start3A_27 = tpu.memref_slice %arg8[%dma_start3A, %dma_start3A_26] : memref<2x80xi32, #tpu.memory_space<vmem>> -> memref<1x80xi32, #tpu.memory_space<vmem>>
      %dma_start3A_28 = tpu.memref_squeeze %dma_start3A_27 : memref<1x80xi32, #tpu.memory_space<vmem>> -> memref<80xi32, #tpu.memory_space<vmem>>
      %dma_start3A_29 = arith.constant 0 : i32
      %dma_start3A_30 = arith.constant 0 : i32
      %dma_start3A_31 = tpu.memref_slice %arg3[%dma_start3A_29, %dma_start3A_30] : memref<10000x128xf32, #tpu.memory_space<hbm>> -> memref<10000x128xf32, #tpu.memory_space<hbm>>
      tpu.enqueue_indirect_dma source(%dma_start3A_31 : memref<10000x128xf32, #tpu.memory_space<hbm>>) target(%arg12 : memref<80x128xf32, #tpu.memory_space<vmem>>) offsets(%dma_start3A_28 : memref<80xi32, #tpu.memory_space<vmem>>) semaphore(%arg17 : memref<!tpu.dma_semaphore, #tpu.memory_space<semaphore_mem>>)
      %add3A_32 = arith.constant 1 : i32
      %add3A_33 = arith.addi %mul3A_24, %add3A_32 : i32
      "tpu.region"() ({
        %run_scoped3A = tpu.sem_alloc : memref<!tpu.dma_semaphore, #tpu.memory_space<semaphore_mem>>
        %dma_start3A_101 = arith.constant 0 : i32
        %dma_start3A_102 = arith.constant 0 : i32
        %dma_start3A_103 = tpu.memref_slice %arg2[%add3A_33, %dma_start3A_101, %dma_start3A_102] : memref<4000x2x80xi32, #tpu.memory_space<hbm>> -> memref<1x2x80xi32, #tpu.memory_space<hbm>>
        %dma_start3A_104 = tpu.memref_squeeze %dma_start3A_103 : memref<1x2x80xi32, #tpu.memory_space<hbm>> -> memref<2x80xi32, #tpu.memory_space<hbm>>
        %dma_start3A_105 = arith.constant 0 : i32
        %dma_start3A_106 = arith.constant 0 : i32
        %dma_start3A_107 = tpu.memref_slice %arg2[%add3A_33, %dma_start3A_105, %dma_start3A_106] : memref<4000x2x80xi32, #tpu.memory_space<hbm>> -> memref<1x2x80xi32, #tpu.memory_space<hbm>>
        %dma_start3A_108 = tpu.memref_squeeze %dma_start3A_107 : memref<1x2x80xi32, #tpu.memory_space<hbm>> -> memref<2x80xi32, #tpu.memory_space<hbm>>
        tpu.enqueue_dma source(%dma_start3A_108 : memref<2x80xi32, #tpu.memory_space<hbm>>) target(%arg9 : memref<2x80xi32, #tpu.memory_space<vmem>>) target_semaphore(%run_scoped3A : memref<!tpu.dma_semaphore, #tpu.memory_space<semaphore_mem>>)
        %dma_wait3A_109 = arith.constant 0 : i32
        %dma_wait3A_110 = arith.constant 0 : i32
        %dma_wait3A_111 = tpu.memref_slice %arg2[%add3A_33, %dma_wait3A_109, %dma_wait3A_110] : memref<4000x2x80xi32, #tpu.memory_space<hbm>> -> memref<1x2x80xi32, #tpu.memory_space<hbm>>
        %dma_wait3A_112 = tpu.memref_squeeze %dma_wait3A_111 : memref<1x2x80xi32, #tpu.memory_space<hbm>> -> memref<2x80xi32, #tpu.memory_space<hbm>>
        %dma_wait3A_113 = arith.constant 0 : i32
        %dma_wait3A_114 = arith.constant 0 : i32
        %dma_wait3A_115 = tpu.memref_slice %arg2[%add3A_33, %dma_wait3A_113, %dma_wait3A_114] : memref<4000x2x80xi32, #tpu.memory_space<hbm>> -> memref<1x2x80xi32, #tpu.memory_space<hbm>>
        %dma_wait3A_116 = tpu.memref_squeeze %dma_wait3A_115 : memref<1x2x80xi32, #tpu.memory_space<hbm>> -> memref<2x80xi32, #tpu.memory_space<hbm>>
        tpu.wait_dma2 semaphore(%run_scoped3A : memref<!tpu.dma_semaphore, #tpu.memory_space<semaphore_mem>>) src(%dma_wait3A_116 : memref<2x80xi32, #tpu.memory_space<hbm>>) dst(%arg9 : memref<2x80xi32, #tpu.memory_space<vmem>>)
        tpu.yield
      }) : () -> ()
      %dma_start3A_34 = arith.constant 0 : i32
      %dma_start3A_35 = arith.constant 0 : i32
      %dma_start3A_36 = tpu.memref_slice %arg9[%dma_start3A_34, %dma_start3A_35] : memref<2x80xi32, #tpu.memory_space<vmem>> -> memref<1x80xi32, #tpu.memory_space<vmem>>
      %dma_start3A_37 = tpu.memref_squeeze %dma_start3A_36 : memref<1x80xi32, #tpu.memory_space<vmem>> -> memref<80xi32, #tpu.memory_space<vmem>>
      %dma_start3A_38 = arith.constant 0 : i32
      %dma_start3A_39 = arith.constant 0 : i32
      %dma_start3A_40 = tpu.memref_slice %arg3[%dma_start3A_38, %dma_start3A_39] : memref<10000x128xf32, #tpu.memory_space<hbm>> -> memref<10000x128xf32, #tpu.memory_space<hbm>>
      tpu.enqueue_indirect_dma source(%dma_start3A_40 : memref<10000x128xf32, #tpu.memory_space<hbm>>) target(%arg13 : memref<80x128xf32, #tpu.memory_space<vmem>>) offsets(%dma_start3A_37 : memref<80xi32, #tpu.memory_space<vmem>>) semaphore(%arg18 : memref<!tpu.dma_semaphore, #tpu.memory_space<semaphore_mem>>)
      %barrier3A_41 = arith.constant 0 : index
      tpu.barrier barrier_id(%barrier3A_41)
      %scan3A = arith.constant 0 : i32
      %scan3A_42 = arith.constant 62 : i32
      %scan3A_43 = arith.addi %scan3A, %scan3A_42 : i32
      %scan3A_44 = arith.constant 1 : i32
      scf.for %scan3A_101 = %scan3A to %scan3A_43 step %scan3A_44  : i32 {
        %mul3A_102 = arith.constant 1 : i32
        %mul3A_103 = arith.muli %scan3A_101, %mul3A_102 : i32
        %add3A_104 = arith.constant 0 : i32
        %add3A_105 = arith.addi %add3A_104, %mul3A_103 : i32
        %mul3A_106 = arith.constant 4 : i32
        %mul3A_107 = arith.muli %add3A_105, %mul3A_106 : i32
        %add3A_108 = arith.constant 0 : i32
        %add3A_109 = arith.addi %mul3A_107, %add3A_108 : i32
        %ge3A = arith.constant 2 : i32
        %ge3A_110 = arith.cmpi sge, %add3A_109, %ge3A : i32
        %convert_element_type3A_111 = arith.extui %ge3A_110 : i1 to i32
        %cond3A_112 = arith.constant 0 : i32
        %cond3A_113 = arith.cmpi ne, %convert_element_type3A_111, %cond3A_112 : i32
        scf.if %cond3A_113 {
          %dma_wait3A_218 = arith.constant 1 : i32
          %dma_wait3A_219 = arith.constant 0 : i32
          %dma_wait3A_220 = tpu.memref_slice %arg10[%dma_wait3A_218, %dma_wait3A_219] : memref<2x80xi32, #tpu.memory_space<vmem>> -> memref<1x80xi32, #tpu.memory_space<vmem>>
          %dma_wait3A_221 = tpu.memref_squeeze %dma_wait3A_220 : memref<1x80xi32, #tpu.memory_space<vmem>> -> memref<80xi32, #tpu.memory_space<vmem>>
          %dma_wait3A_222 = arith.constant 0 : i32
          %dma_wait3A_223 = arith.constant 0 : i32
          %dma_wait3A_224 = tpu.memref_slice %arg16[%dma_wait3A_222, %dma_wait3A_223] : memref<10016x128xf32, #tpu.memory_space<vmem_shared>> -> memref<10016x128xf32, #tpu.memory_space<vmem_shared>>
          tpu.wait_indirect_dma semaphore(%arg23 : memref<!tpu.dma_semaphore, #tpu.memory_space<semaphore_mem>>) src(%arg14 : memref<80x128xf32, #tpu.memory_space<vmem>>) dst(%dma_wait3A_224 : memref<10016x128xf32, #tpu.memory_space<vmem_shared>>)
        } else {
        }
        %add3A_114 = arith.constant 2 : i32
        %add3A_115 = arith.addi %add3A_109, %add3A_114 : i32
        %lt3A = arith.constant 250 : i32
        %lt3A_116 = arith.cmpi slt, %add3A_115, %lt3A : i32
        %convert_element_type3A_117 = arith.extui %lt3A_116 : i1 to i32
        %cond3A_118 = arith.constant 0 : i32
        %cond3A_119 = arith.cmpi ne, %convert_element_type3A_117, %cond3A_118 : i32
        scf.if %cond3A_119 {
          %add3A_218 = arith.constant 2 : i32
          %add3A_219 = arith.addi %add3A_109, %add3A_218 : i32
          %add3A_220 = arith.addi %mul3A_24, %add3A_219 : i32
          "tpu.region"() ({
            %run_scoped3A = tpu.sem_alloc : memref<!tpu.dma_semaphore, #tpu.memory_space<semaphore_mem>>
            %dma_start3A_228 = arith.constant 0 : i32
            %dma_start3A_229 = arith.constant 0 : i32
            %dma_start3A_230 = tpu.memref_slice %arg2[%add3A_220, %dma_start3A_228, %dma_start3A_229] : memref<4000x2x80xi32, #tpu.memory_space<hbm>> -> memref<1x2x80xi32, #tpu.memory_space<hbm>>
            %dma_start3A_231 = tpu.memref_squeeze %dma_start3A_230 : memref<1x2x80xi32, #tpu.memory_space<hbm>> -> memref<2x80xi32, #tpu.memory_space<hbm>>
            %dma_start3A_232 = arith.constant 0 : i32
            %dma_start3A_233 = arith.constant 0 : i32
            %dma_start3A_234 = tpu.memref_slice %arg2[%add3A_220, %dma_start3A_232, %dma_start3A_233] : memref<4000x2x80xi32, #tpu.memory_space<hbm>> -> memref<1x2x80xi32, #tpu.memory_space<hbm>>
            %dma_start3A_235 = tpu.memref_squeeze %dma_start3A_234 : memref<1x2x80xi32, #tpu.memory_space<hbm>> -> memref<2x80xi32, #tpu.memory_space<hbm>>
            tpu.enqueue_dma source(%dma_start3A_235 : memref<2x80xi32, #tpu.memory_space<hbm>>) target(%arg10 : memref<2x80xi32, #tpu.memory_space<vmem>>) target_semaphore(%run_scoped3A : memref<!tpu.dma_semaphore, #tpu.memory_space<semaphore_mem>>)
            %dma_wait3A_236 = arith.constant 0 : i32
            %dma_wait3A_237 = arith.constant 0 : i32
            %dma_wait3A_238 = tpu.memref_slice %arg2[%add3A_220, %dma_wait3A_236, %dma_wait3A_237] : memref<4000x2x80xi32, #tpu.memory_space<hbm>> -> memref<1x2x80xi32, #tpu.memory_space<hbm>>
            %dma_wait3A_239 = tpu.memref_squeeze %dma_wait3A_238 : memref<1x2x80xi32, #tpu.memory_space<hbm>> -> memref<2x80xi32, #tpu.memory_space<hbm>>
            %dma_wait3A_240 = arith.constant 0 : i32
            %dma_wait3A_241 = arith.constant 0 : i32
            %dma_wait3A_242 = tpu.memref_slice %arg2[%add3A_220, %dma_wait3A_240, %dma_wait3A_241] : memref<4000x2x80xi32, #tpu.memory_space<hbm>> -> memref<1x2x80xi32, #tpu.memory_space<hbm>>
            %dma_wait3A_243 = tpu.memref_squeeze %dma_wait3A_242 : memref<1x2x80xi32, #tpu.memory_space<hbm>> -> memref<2x80xi32, #tpu.memory_space<hbm>>
            tpu.wait_dma2 semaphore(%run_scoped3A : memref<!tpu.dma_semaphore, #tpu.memory_space<semaphore_mem>>) src(%dma_wait3A_243 : memref<2x80xi32, #tpu.memory_space<hbm>>) dst(%arg10 : memref<2x80xi32, #tpu.memory_space<vmem>>)
            tpu.yield
          }) : () -> ()
          %dma_start3A_221 = arith.constant 0 : i32
          %dma_start3A_222 = arith.constant 0 : i32
          %dma_start3A_223 = tpu.memref_slice %arg10[%dma_start3A_221, %dma_start3A_222] : memref<2x80xi32, #tpu.memory_space<vmem>> -> memref<1x80xi32, #tpu.memory_space<vmem>>
          %dma_start3A_224 = tpu.memref_squeeze %dma_start3A_223 : memref<1x80xi32, #tpu.memory_space<vmem>> -> memref<80xi32, #tpu.memory_space<vmem>>
          %dma_start3A_225 = arith.constant 0 : i32
          %dma_start3A_226 = arith.constant 0 : i32
          %dma_start3A_227 = tpu.memref_slice %arg3[%dma_start3A_225, %dma_start3A_226] : memref<10000x128xf32, #tpu.memory_space<hbm>> -> memref<10000x128xf32, #tpu.memory_space<hbm>>
          tpu.enqueue_indirect_dma source(%dma_start3A_227 : memref<10000x128xf32, #tpu.memory_space<hbm>>) target(%arg14 : memref<80x128xf32, #tpu.memory_space<vmem>>) offsets(%dma_start3A_224 : memref<80xi32, #tpu.memory_space<vmem>>) semaphore(%arg19 : memref<!tpu.dma_semaphore, #tpu.memory_space<semaphore_mem>>)
        } else {
        }
        %dma_wait3A_120 = arith.constant 0 : i32
        %dma_wait3A_121 = arith.constant 0 : i32
        %dma_wait3A_122 = tpu.memref_slice %arg8[%dma_wait3A_120, %dma_wait3A_121] : memref<2x80xi32, #tpu.memory_space<vmem>> -> memref<1x80xi32, #tpu.memory_space<vmem>>
        %dma_wait3A_123 = tpu.memref_squeeze %dma_wait3A_122 : memref<1x80xi32, #tpu.memory_space<vmem>> -> memref<80xi32, #tpu.memory_space<vmem>>
        %dma_wait3A_124 = arith.constant 0 : i32
        %dma_wait3A_125 = arith.constant 0 : i32
        %dma_wait3A_126 = tpu.memref_slice %arg3[%dma_wait3A_124, %dma_wait3A_125] : memref<10000x128xf32, #tpu.memory_space<hbm>> -> memref<10000x128xf32, #tpu.memory_space<hbm>>
        tpu.wait_indirect_dma semaphore(%arg17 : memref<!tpu.dma_semaphore, #tpu.memory_space<semaphore_mem>>) src(%dma_wait3A_126 : memref<10000x128xf32, #tpu.memory_space<hbm>>) dst(%arg12 : memref<80x128xf32, #tpu.memory_space<vmem>>)
        %dma_start3A_127 = arith.constant 1 : i32
        %dma_start3A_128 = arith.constant 0 : i32
        %dma_start3A_129 = tpu.memref_slice %arg8[%dma_start3A_127, %dma_start3A_128] : memref<2x80xi32, #tpu.memory_space<vmem>> -> memref<1x80xi32, #tpu.memory_space<vmem>>
        %dma_start3A_130 = tpu.memref_squeeze %dma_start3A_129 : memref<1x80xi32, #tpu.memory_space<vmem>> -> memref<80xi32, #tpu.memory_space<vmem>>
        %dma_start3A_131 = arith.constant 0 : i32
        %dma_start3A_132 = arith.constant 0 : i32
        %dma_start3A_133 = tpu.memref_slice %arg16[%dma_start3A_131, %dma_start3A_132] : memref<10016x128xf32, #tpu.memory_space<vmem_shared>> -> memref<10016x128xf32, #tpu.memory_space<vmem_shared>>
        tpu.enqueue_indirect_dma source(%arg12 : memref<80x128xf32, #tpu.memory_space<vmem>>) target(%dma_start3A_133 : memref<10016x128xf32, #tpu.memory_space<vmem_shared>>) offsets(%dma_start3A_130 : memref<80xi32, #tpu.memory_space<vmem>>) semaphore(%arg21 : memref<!tpu.dma_semaphore, #tpu.memory_space<semaphore_mem>>) {add = true}
        %add3A_134 = arith.constant 1 : i32
        %add3A_135 = arith.addi %mul3A_107, %add3A_134 : i32
        %ge3A_136 = arith.constant 2 : i32
        %ge3A_137 = arith.cmpi sge, %add3A_135, %ge3A_136 : i32
        %convert_element_type3A_138 = arith.extui %ge3A_137 : i1 to i32
        %cond3A_139 = arith.constant 0 : i32
        %cond3A_140 = arith.cmpi ne, %convert_element_type3A_138, %cond3A_139 : i32
        scf.if %cond3A_140 {
          %dma_wait3A_218 = arith.constant 1 : i32
          %dma_wait3A_219 = arith.constant 0 : i32
          %dma_wait3A_220 = tpu.memref_slice %arg11[%dma_wait3A_218, %dma_wait3A_219] : memref<2x80xi32, #tpu.memory_space<vmem>> -> memref<1x80xi32, #tpu.memory_space<vmem>>
          %dma_wait3A_221 = tpu.memref_squeeze %dma_wait3A_220 : memref<1x80xi32, #tpu.memory_space<vmem>> -> memref<80xi32, #tpu.memory_space<vmem>>
          %dma_wait3A_222 = arith.constant 0 : i32
          %dma_wait3A_223 = arith.constant 0 : i32
          %dma_wait3A_224 = tpu.memref_slice %arg16[%dma_wait3A_222, %dma_wait3A_223] : memref<10016x128xf32, #tpu.memory_space<vmem_shared>> -> memref<10016x128xf32, #tpu.memory_space<vmem_shared>>
          tpu.wait_indirect_dma semaphore(%arg24 : memref<!tpu.dma_semaphore, #tpu.memory_space<semaphore_mem>>) src(%arg15 : memref<80x128xf32, #tpu.memory_space<vmem>>) dst(%dma_wait3A_224 : memref<10016x128xf32, #tpu.memory_space<vmem_shared>>)
        } else {
        }
        %add3A_141 = arith.constant 2 : i32
        %add3A_142 = arith.addi %add3A_135, %add3A_141 : i32
        %lt3A_143 = arith.constant 250 : i32
        %lt3A_144 = arith.cmpi slt, %add3A_142, %lt3A_143 : i32
        %convert_element_type3A_145 = arith.extui %lt3A_144 : i1 to i32
        %cond3A_146 = arith.constant 0 : i32
        %cond3A_147 = arith.cmpi ne, %convert_element_type3A_145, %cond3A_146 : i32
        scf.if %cond3A_147 {
          %add3A_218 = arith.constant 2 : i32
          %add3A_219 = arith.addi %add3A_135, %add3A_218 : i32
          %add3A_220 = arith.addi %mul3A_24, %add3A_219 : i32
          "tpu.region"() ({
            %run_scoped3A = tpu.sem_alloc : memref<!tpu.dma_semaphore, #tpu.memory_space<semaphore_mem>>
            %dma_start3A_228 = arith.constant 0 : i32
            %dma_start3A_229 = arith.constant 0 : i32
            %dma_start3A_230 = tpu.memref_slice %arg2[%add3A_220, %dma_start3A_228, %dma_start3A_229] : memref<4000x2x80xi32, #tpu.memory_space<hbm>> -> memref<1x2x80xi32, #tpu.memory_space<hbm>>
            %dma_start3A_231 = tpu.memref_squeeze %dma_start3A_230 : memref<1x2x80xi32, #tpu.memory_space<hbm>> -> memref<2x80xi32, #tpu.memory_space<hbm>>
            %dma_start3A_232 = arith.constant 0 : i32
            %dma_start3A_233 = arith.constant 0 : i32
            %dma_start3A_234 = tpu.memref_slice %arg2[%add3A_220, %dma_start3A_232, %dma_start3A_233] : memref<4000x2x80xi32, #tpu.memory_space<hbm>> -> memref<1x2x80xi32, #tpu.memory_space<hbm>>
            %dma_start3A_235 = tpu.memref_squeeze %dma_start3A_234 : memref<1x2x80xi32, #tpu.memory_space<hbm>> -> memref<2x80xi32, #tpu.memory_space<hbm>>
            tpu.enqueue_dma source(%dma_start3A_235 : memref<2x80xi32, #tpu.memory_space<hbm>>) target(%arg11 : memref<2x80xi32, #tpu.memory_space<vmem>>) target_semaphore(%run_scoped3A : memref<!tpu.dma_semaphore, #tpu.memory_space<semaphore_mem>>)
            %dma_wait3A_236 = arith.constant 0 : i32
            %dma_wait3A_237 = arith.constant 0 : i32
            %dma_wait3A_238 = tpu.memref_slice %arg2[%add3A_220, %dma_wait3A_236, %dma_wait3A_237] : memref<4000x2x80xi32, #tpu.memory_space<hbm>> -> memref<1x2x80xi32, #tpu.memory_space<hbm>>
            %dma_wait3A_239 = tpu.memref_squeeze %dma_wait3A_238 : memref<1x2x80xi32, #tpu.memory_space<hbm>> -> memref<2x80xi32, #tpu.memory_space<hbm>>
            %dma_wait3A_240 = arith.constant 0 : i32
            %dma_wait3A_241 = arith.constant 0 : i32
            %dma_wait3A_242 = tpu.memref_slice %arg2[%add3A_220, %dma_wait3A_240, %dma_wait3A_241] : memref<4000x2x80xi32, #tpu.memory_space<hbm>> -> memref<1x2x80xi32, #tpu.memory_space<hbm>>
            %dma_wait3A_243 = tpu.memref_squeeze %dma_wait3A_242 : memref<1x2x80xi32, #tpu.memory_space<hbm>> -> memref<2x80xi32, #tpu.memory_space<hbm>>
            tpu.wait_dma2 semaphore(%run_scoped3A : memref<!tpu.dma_semaphore, #tpu.memory_space<semaphore_mem>>) src(%dma_wait3A_243 : memref<2x80xi32, #tpu.memory_space<hbm>>) dst(%arg11 : memref<2x80xi32, #tpu.memory_space<vmem>>)
            tpu.yield
          }) : () -> ()
          %dma_start3A_221 = arith.constant 0 : i32
          %dma_start3A_222 = arith.constant 0 : i32
          %dma_start3A_223 = tpu.memref_slice %arg11[%dma_start3A_221, %dma_start3A_222] : memref<2x80xi32, #tpu.memory_space<vmem>> -> memref<1x80xi32, #tpu.memory_space<vmem>>
          %dma_start3A_224 = tpu.memref_squeeze %dma_start3A_223 : memref<1x80xi32, #tpu.memory_space<vmem>> -> memref<80xi32, #tpu.memory_space<vmem>>
          %dma_start3A_225 = arith.constant 0 : i32
          %dma_start3A_226 = arith.constant 0 : i32
          %dma_start3A_227 = tpu.memref_slice %arg3[%dma_start3A_225, %dma_start3A_226] : memref<10000x128xf32, #tpu.memory_space<hbm>> -> memref<10000x128xf32, #tpu.memory_space<hbm>>
          tpu.enqueue_indirect_dma source(%dma_start3A_227 : memref<10000x128xf32, #tpu.memory_space<hbm>>) target(%arg15 : memref<80x128xf32, #tpu.memory_space<vmem>>) offsets(%dma_start3A_224 : memref<80xi32, #tpu.memory_space<vmem>>) semaphore(%arg20 : memref<!tpu.dma_semaphore, #tpu.memory_space<semaphore_mem>>)
        } else {
        }
        %dma_wait3A_148 = arith.constant 0 : i32
        %dma_wait3A_149 = arith.constant 0 : i32
        %dma_wait3A_150 = tpu.memref_slice %arg9[%dma_wait3A_148, %dma_wait3A_149] : memref<2x80xi32, #tpu.memory_space<vmem>> -> memref<1x80xi32, #tpu.memory_space<vmem>>
        %dma_wait3A_151 = tpu.memref_squeeze %dma_wait3A_150 : memref<1x80xi32, #tpu.memory_space<vmem>> -> memref<80xi32, #tpu.memory_space<vmem>>
        %dma_wait3A_152 = arith.constant 0 : i32
        %dma_wait3A_153 = arith.constant 0 : i32
        %dma_wait3A_154 = tpu.memref_slice %arg3[%dma_wait3A_152, %dma_wait3A_153] : memref<10000x128xf32, #tpu.memory_space<hbm>> -> memref<10000x128xf32, #tpu.memory_space<hbm>>
        tpu.wait_indirect_dma semaphore(%arg18 : memref<!tpu.dma_semaphore, #tpu.memory_space<semaphore_mem>>) src(%dma_wait3A_154 : memref<10000x128xf32, #tpu.memory_space<hbm>>) dst(%arg13 : memref<80x128xf32, #tpu.memory_space<vmem>>)
        %dma_start3A_155 = arith.constant 1 : i32
        %dma_start3A_156 = arith.constant 0 : i32
        %dma_start3A_157 = tpu.memref_slice %arg9[%dma_start3A_155, %dma_start3A_156] : memref<2x80xi32, #tpu.memory_space<vmem>> -> memref<1x80xi32, #tpu.memory_space<vmem>>
        %dma_start3A_158 = tpu.memref_squeeze %dma_start3A_157 : memref<1x80xi32, #tpu.memory_space<vmem>> -> memref<80xi32, #tpu.memory_space<vmem>>
        %dma_start3A_159 = arith.constant 0 : i32
        %dma_start3A_160 = arith.constant 0 : i32
        %dma_start3A_161 = tpu.memref_slice %arg16[%dma_start3A_159, %dma_start3A_160] : memref<10016x128xf32, #tpu.memory_space<vmem_shared>> -> memref<10016x128xf32, #tpu.memory_space<vmem_shared>>
        tpu.enqueue_indirect_dma source(%arg13 : memref<80x128xf32, #tpu.memory_space<vmem>>) target(%dma_start3A_161 : memref<10016x128xf32, #tpu.memory_space<vmem_shared>>) offsets(%dma_start3A_158 : memref<80xi32, #tpu.memory_space<vmem>>) semaphore(%arg22 : memref<!tpu.dma_semaphore, #tpu.memory_space<semaphore_mem>>) {add = true}
        %add3A_162 = arith.constant 2 : i32
        %add3A_163 = arith.addi %mul3A_107, %add3A_162 : i32
        %ge3A_164 = arith.constant 2 : i32
        %ge3A_165 = arith.cmpi sge, %add3A_163, %ge3A_164 : i32
        %convert_element_type3A_166 = arith.extui %ge3A_165 : i1 to i32
        %cond3A_167 = arith.constant 0 : i32
        %cond3A_168 = arith.cmpi ne, %convert_element_type3A_166, %cond3A_167 : i32
        scf.if %cond3A_168 {
          %dma_wait3A_218 = arith.constant 1 : i32
          %dma_wait3A_219 = arith.constant 0 : i32
          %dma_wait3A_220 = tpu.memref_slice %arg8[%dma_wait3A_218, %dma_wait3A_219] : memref<2x80xi32, #tpu.memory_space<vmem>> -> memref<1x80xi32, #tpu.memory_space<vmem>>
          %dma_wait3A_221 = tpu.memref_squeeze %dma_wait3A_220 : memref<1x80xi32, #tpu.memory_space<vmem>> -> memref<80xi32, #tpu.memory_space<vmem>>
          %dma_wait3A_222 = arith.constant 0 : i32
          %dma_wait3A_223 = arith.constant 0 : i32
          %dma_wait3A_224 = tpu.memref_slice %arg16[%dma_wait3A_222, %dma_wait3A_223] : memref<10016x128xf32, #tpu.memory_space<vmem_shared>> -> memref<10016x128xf32, #tpu.memory_space<vmem_shared>>
          tpu.wait_indirect_dma semaphore(%arg21 : memref<!tpu.dma_semaphore, #tpu.memory_space<semaphore_mem>>) src(%arg12 : memref<80x128xf32, #tpu.memory_space<vmem>>) dst(%dma_wait3A_224 : memref<10016x128xf32, #tpu.memory_space<vmem_shared>>)
        } else {
        }
        %add3A_169 = arith.constant 2 : i32
        %add3A_170 = arith.addi %add3A_163, %add3A_169 : i32
        %lt3A_171 = arith.constant 250 : i32
        %lt3A_172 = arith.cmpi slt, %add3A_170, %lt3A_171 : i32
        %convert_element_type3A_173 = arith.extui %lt3A_172 : i1 to i32
        %cond3A_174 = arith.constant 0 : i32
        %cond3A_175 = arith.cmpi ne, %convert_element_type3A_173, %cond3A_174 : i32
        scf.if %cond3A_175 {
          %add3A_218 = arith.constant 2 : i32
          %add3A_219 = arith.addi %add3A_163, %add3A_218 : i32
          %add3A_220 = arith.addi %mul3A_24, %add3A_219 : i32
          "tpu.region"() ({
            %run_scoped3A = tpu.sem_alloc : memref<!tpu.dma_semaphore, #tpu.memory_space<semaphore_mem>>
            %dma_start3A_228 = arith.constant 0 : i32
            %dma_start3A_229 = arith.constant 0 : i32
            %dma_start3A_230 = tpu.memref_slice %arg2[%add3A_220, %dma_start3A_228, %dma_start3A_229] : memref<4000x2x80xi32, #tpu.memory_space<hbm>> -> memref<1x2x80xi32, #tpu.memory_space<hbm>>
            %dma_start3A_231 = tpu.memref_squeeze %dma_start3A_230 : memref<1x2x80xi32, #tpu.memory_space<hbm>> -> memref<2x80xi32, #tpu.memory_space<hbm>>
            %dma_start3A_232 = arith.constant 0 : i32
            %dma_start3A_233 = arith.constant 0 : i32
            %dma_start3A_234 = tpu.memref_slice %arg2[%add3A_220, %dma_start3A_232, %dma_start3A_233] : memref<4000x2x80xi32, #tpu.memory_space<hbm>> -> memref<1x2x80xi32, #tpu.memory_space<hbm>>
            %dma_start3A_235 = tpu.memref_squeeze %dma_start3A_234 : memref<1x2x80xi32, #tpu.memory_space<hbm>> -> memref<2x80xi32, #tpu.memory_space<hbm>>
            tpu.enqueue_dma source(%dma_start3A_235 : memref<2x80xi32, #tpu.memory_space<hbm>>) target(%arg8 : memref<2x80xi32, #tpu.memory_space<vmem>>) target_semaphore(%run_scoped3A : memref<!tpu.dma_semaphore, #tpu.memory_space<semaphore_mem>>)
            %dma_wait3A_236 = arith.constant 0 : i32
            %dma_wait3A_237 = arith.constant 0 : i32
            %dma_wait3A_238 = tpu.memref_slice %arg2[%add3A_220, %dma_wait3A_236, %dma_wait3A_237] : memref<4000x2x80xi32, #tpu.memory_space<hbm>> -> memref<1x2x80xi32, #tpu.memory_space<hbm>>
            %dma_wait3A_239 = tpu.memref_squeeze %dma_wait3A_238 : memref<1x2x80xi32, #tpu.memory_space<hbm>> -> memref<2x80xi32, #tpu.memory_space<hbm>>
            %dma_wait3A_240 = arith.constant 0 : i32
            %dma_wait3A_241 = arith.constant 0 : i32
            %dma_wait3A_242 = tpu.memref_slice %arg2[%add3A_220, %dma_wait3A_240, %dma_wait3A_241] : memref<4000x2x80xi32, #tpu.memory_space<hbm>> -> memref<1x2x80xi32, #tpu.memory_space<hbm>>
            %dma_wait3A_243 = tpu.memref_squeeze %dma_wait3A_242 : memref<1x2x80xi32, #tpu.memory_space<hbm>> -> memref<2x80xi32, #tpu.memory_space<hbm>>
            tpu.wait_dma2 semaphore(%run_scoped3A : memref<!tpu.dma_semaphore, #tpu.memory_space<semaphore_mem>>) src(%dma_wait3A_243 : memref<2x80xi32, #tpu.memory_space<hbm>>) dst(%arg8 : memref<2x80xi32, #tpu.memory_space<vmem>>)
            tpu.yield
          }) : () -> ()
          %dma_start3A_221 = arith.constant 0 : i32
          %dma_start3A_222 = arith.constant 0 : i32
          %dma_start3A_223 = tpu.memref_slice %arg8[%dma_start3A_221, %dma_start3A_222] : memref<2x80xi32, #tpu.memory_space<vmem>> -> memref<1x80xi32, #tpu.memory_space<vmem>>
          %dma_start3A_224 = tpu.memref_squeeze %dma_start3A_223 : memref<1x80xi32, #tpu.memory_space<vmem>> -> memref<80xi32, #tpu.memory_space<vmem>>
          %dma_start3A_225 = arith.constant 0 : i32
          %dma_start3A_226 = arith.constant 0 : i32
          %dma_start3A_227 = tpu.memref_slice %arg3[%dma_start3A_225, %dma_start3A_226] : memref<10000x128xf32, #tpu.memory_space<hbm>> -> memref<10000x128xf32, #tpu.memory_space<hbm>>
          tpu.enqueue_indirect_dma source(%dma_start3A_227 : memref<10000x128xf32, #tpu.memory_space<hbm>>) target(%arg12 : memref<80x128xf32, #tpu.memory_space<vmem>>) offsets(%dma_start3A_224 : memref<80xi32, #tpu.memory_space<vmem>>) semaphore(%arg17 : memref<!tpu.dma_semaphore, #tpu.memory_space<semaphore_mem>>)
        } else {
        }
        %dma_wait3A_176 = arith.constant 0 : i32
        %dma_wait3A_177 = arith.constant 0 : i32
        %dma_wait3A_178 = tpu.memref_slice %arg10[%dma_wait3A_176, %dma_wait3A_177] : memref<2x80xi32, #tpu.memory_space<vmem>> -> memref<1x80xi32, #tpu.memory_space<vmem>>
        %dma_wait3A_179 = tpu.memref_squeeze %dma_wait3A_178 : memref<1x80xi32, #tpu.memory_space<vmem>> -> memref<80xi32, #tpu.memory_space<vmem>>
        %dma_wait3A_180 = arith.constant 0 : i32
        %dma_wait3A_181 = arith.constant 0 : i32
        %dma_wait3A_182 = tpu.memref_slice %arg3[%dma_wait3A_180, %dma_wait3A_181] : memref<10000x128xf32, #tpu.memory_space<hbm>> -> memref<10000x128xf32, #tpu.memory_space<hbm>>
        tpu.wait_indirect_dma semaphore(%arg19 : memref<!tpu.dma_semaphore, #tpu.memory_space<semaphore_mem>>) src(%dma_wait3A_182 : memref<10000x128xf32, #tpu.memory_space<hbm>>) dst(%arg14 : memref<80x128xf32, #tpu.memory_space<vmem>>)
        %dma_start3A_183 = arith.constant 1 : i32
        %dma_start3A_184 = arith.constant 0 : i32
        %dma_start3A_185 = tpu.memref_slice %arg10[%dma_start3A_183, %dma_start3A_184] : memref<2x80xi32, #tpu.memory_space<vmem>> -> memref<1x80xi32, #tpu.memory_space<vmem>>
        %dma_start3A_186 = tpu.memref_squeeze %dma_start3A_185 : memref<1x80xi32, #tpu.memory_space<vmem>> -> memref<80xi32, #tpu.memory_space<vmem>>
        %dma_start3A_187 = arith.constant 0 : i32
        %dma_start3A_188 = arith.constant 0 : i32
        %dma_start3A_189 = tpu.memref_slice %arg16[%dma_start3A_187, %dma_start3A_188] : memref<10016x128xf32, #tpu.memory_space<vmem_shared>> -> memref<10016x128xf32, #tpu.memory_space<vmem_shared>>
        tpu.enqueue_indirect_dma source(%arg14 : memref<80x128xf32, #tpu.memory_space<vmem>>) target(%dma_start3A_189 : memref<10016x128xf32, #tpu.memory_space<vmem_shared>>) offsets(%dma_start3A_186 : memref<80xi32, #tpu.memory_space<vmem>>) semaphore(%arg23 : memref<!tpu.dma_semaphore, #tpu.memory_space<semaphore_mem>>) {add = true}
        %add3A_190 = arith.constant 3 : i32
        %add3A_191 = arith.addi %mul3A_107, %add3A_190 : i32
        %ge3A_192 = arith.constant 2 : i32
        %ge3A_193 = arith.cmpi sge, %add3A_191, %ge3A_192 : i32
        %convert_element_type3A_194 = arith.extui %ge3A_193 : i1 to i32
        %cond3A_195 = arith.constant 0 : i32
        %cond3A_196 = arith.cmpi ne, %convert_element_type3A_194, %cond3A_195 : i32
        scf.if %cond3A_196 {
          %dma_wait3A_218 = arith.constant 1 : i32
          %dma_wait3A_219 = arith.constant 0 : i32
          %dma_wait3A_220 = tpu.memref_slice %arg9[%dma_wait3A_218, %dma_wait3A_219] : memref<2x80xi32, #tpu.memory_space<vmem>> -> memref<1x80xi32, #tpu.memory_space<vmem>>
          %dma_wait3A_221 = tpu.memref_squeeze %dma_wait3A_220 : memref<1x80xi32, #tpu.memory_space<vmem>> -> memref<80xi32, #tpu.memory_space<vmem>>
          %dma_wait3A_222 = arith.constant 0 : i32
          %dma_wait3A_223 = arith.constant 0 : i32
          %dma_wait3A_224 = tpu.memref_slice %arg16[%dma_wait3A_222, %dma_wait3A_223] : memref<10016x128xf32, #tpu.memory_space<vmem_shared>> -> memref<10016x128xf32, #tpu.memory_space<vmem_shared>>
          tpu.wait_indirect_dma semaphore(%arg22 : memref<!tpu.dma_semaphore, #tpu.memory_space<semaphore_mem>>) src(%arg13 : memref<80x128xf32, #tpu.memory_space<vmem>>) dst(%dma_wait3A_224 : memref<10016x128xf32, #tpu.memory_space<vmem_shared>>)
        } else {
        }
        %add3A_197 = arith.constant 2 : i32
        %add3A_198 = arith.addi %add3A_191, %add3A_197 : i32
        %lt3A_199 = arith.constant 250 : i32
        %lt3A_200 = arith.cmpi slt, %add3A_198, %lt3A_199 : i32
        %convert_element_type3A_201 = arith.extui %lt3A_200 : i1 to i32
        %cond3A_202 = arith.constant 0 : i32
        %cond3A_203 = arith.cmpi ne, %convert_element_type3A_201, %cond3A_202 : i32
        scf.if %cond3A_203 {
          %add3A_218 = arith.constant 2 : i32
          %add3A_219 = arith.addi %add3A_191, %add3A_218 : i32
          %add3A_220 = arith.addi %mul3A_24, %add3A_219 : i32
          "tpu.region"() ({
            %run_scoped3A = tpu.sem_alloc : memref<!tpu.dma_semaphore, #tpu.memory_space<semaphore_mem>>
            %dma_start3A_228 = arith.constant 0 : i32
            %dma_start3A_229 = arith.constant 0 : i32
            %dma_start3A_230 = tpu.memref_slice %arg2[%add3A_220, %dma_start3A_228, %dma_start3A_229] : memref<4000x2x80xi32, #tpu.memory_space<hbm>> -> memref<1x2x80xi32, #tpu.memory_space<hbm>>
            %dma_start3A_231 = tpu.memref_squeeze %dma_start3A_230 : memref<1x2x80xi32, #tpu.memory_space<hbm>> -> memref<2x80xi32, #tpu.memory_space<hbm>>
            %dma_start3A_232 = arith.constant 0 : i32
            %dma_start3A_233 = arith.constant 0 : i32
            %dma_start3A_234 = tpu.memref_slice %arg2[%add3A_220, %dma_start3A_232, %dma_start3A_233] : memref<4000x2x80xi32, #tpu.memory_space<hbm>> -> memref<1x2x80xi32, #tpu.memory_space<hbm>>
            %dma_start3A_235 = tpu.memref_squeeze %dma_start3A_234 : memref<1x2x80xi32, #tpu.memory_space<hbm>> -> memref<2x80xi32, #tpu.memory_space<hbm>>
            tpu.enqueue_dma source(%dma_start3A_235 : memref<2x80xi32, #tpu.memory_space<hbm>>) target(%arg9 : memref<2x80xi32, #tpu.memory_space<vmem>>) target_semaphore(%run_scoped3A : memref<!tpu.dma_semaphore, #tpu.memory_space<semaphore_mem>>)
            %dma_wait3A_236 = arith.constant 0 : i32
            %dma_wait3A_237 = arith.constant 0 : i32
            %dma_wait3A_238 = tpu.memref_slice %arg2[%add3A_220, %dma_wait3A_236, %dma_wait3A_237] : memref<4000x2x80xi32, #tpu.memory_space<hbm>> -> memref<1x2x80xi32, #tpu.memory_space<hbm>>
            %dma_wait3A_239 = tpu.memref_squeeze %dma_wait3A_238 : memref<1x2x80xi32, #tpu.memory_space<hbm>> -> memref<2x80xi32, #tpu.memory_space<hbm>>
            %dma_wait3A_240 = arith.constant 0 : i32
            %dma_wait3A_241 = arith.constant 0 : i32
            %dma_wait3A_242 = tpu.memref_slice %arg2[%add3A_220, %dma_wait3A_240, %dma_wait3A_241] : memref<4000x2x80xi32, #tpu.memory_space<hbm>> -> memref<1x2x80xi32, #tpu.memory_space<hbm>>
            %dma_wait3A_243 = tpu.memref_squeeze %dma_wait3A_242 : memref<1x2x80xi32, #tpu.memory_space<hbm>> -> memref<2x80xi32, #tpu.memory_space<hbm>>
            tpu.wait_dma2 semaphore(%run_scoped3A : memref<!tpu.dma_semaphore, #tpu.memory_space<semaphore_mem>>) src(%dma_wait3A_243 : memref<2x80xi32, #tpu.memory_space<hbm>>) dst(%arg9 : memref<2x80xi32, #tpu.memory_space<vmem>>)
            tpu.yield
          }) : () -> ()
          %dma_start3A_221 = arith.constant 0 : i32
          %dma_start3A_222 = arith.constant 0 : i32
          %dma_start3A_223 = tpu.memref_slice %arg9[%dma_start3A_221, %dma_start3A_222] : memref<2x80xi32, #tpu.memory_space<vmem>> -> memref<1x80xi32, #tpu.memory_space<vmem>>
          %dma_start3A_224 = tpu.memref_squeeze %dma_start3A_223 : memref<1x80xi32, #tpu.memory_space<vmem>> -> memref<80xi32, #tpu.memory_space<vmem>>
          %dma_start3A_225 = arith.constant 0 : i32
          %dma_start3A_226 = arith.constant 0 : i32
          %dma_start3A_227 = tpu.memref_slice %arg3[%dma_start3A_225, %dma_start3A_226] : memref<10000x128xf32, #tpu.memory_space<hbm>> -> memref<10000x128xf32, #tpu.memory_space<hbm>>
          tpu.enqueue_indirect_dma source(%dma_start3A_227 : memref<10000x128xf32, #tpu.memory_space<hbm>>) target(%arg13 : memref<80x128xf32, #tpu.memory_space<vmem>>) offsets(%dma_start3A_224 : memref<80xi32, #tpu.memory_space<vmem>>) semaphore(%arg18 : memref<!tpu.dma_semaphore, #tpu.memory_space<semaphore_mem>>)
        } else {
        }
        %dma_wait3A_204 = arith.constant 0 : i32
        %dma_wait3A_205 = arith.constant 0 : i32
        %dma_wait3A_206 = tpu.memref_slice %arg11[%dma_wait3A_204, %dma_wait3A_205] : memref<2x80xi32, #tpu.memory_space<vmem>> -> memref<1x80xi32, #tpu.memory_space<vmem>>
        %dma_wait3A_207 = tpu.memref_squeeze %dma_wait3A_206 : memref<1x80xi32, #tpu.memory_space<vmem>> -> memref<80xi32, #tpu.memory_space<vmem>>
        %dma_wait3A_208 = arith.constant 0 : i32
        %dma_wait3A_209 = arith.constant 0 : i32
        %dma_wait3A_210 = tpu.memref_slice %arg3[%dma_wait3A_208, %dma_wait3A_209] : memref<10000x128xf32, #tpu.memory_space<hbm>> -> memref<10000x128xf32, #tpu.memory_space<hbm>>
        tpu.wait_indirect_dma semaphore(%arg20 : memref<!tpu.dma_semaphore, #tpu.memory_space<semaphore_mem>>) src(%dma_wait3A_210 : memref<10000x128xf32, #tpu.memory_space<hbm>>) dst(%arg15 : memref<80x128xf32, #tpu.memory_space<vmem>>)
        %dma_start3A_211 = arith.constant 1 : i32
        %dma_start3A_212 = arith.constant 0 : i32
        %dma_start3A_213 = tpu.memref_slice %arg11[%dma_start3A_211, %dma_start3A_212] : memref<2x80xi32, #tpu.memory_space<vmem>> -> memref<1x80xi32, #tpu.memory_space<vmem>>
        %dma_start3A_214 = tpu.memref_squeeze %dma_start3A_213 : memref<1x80xi32, #tpu.memory_space<vmem>> -> memref<80xi32, #tpu.memory_space<vmem>>
        %dma_start3A_215 = arith.constant 0 : i32
        %dma_start3A_216 = arith.constant 0 : i32
        %dma_start3A_217 = tpu.memref_slice %arg16[%dma_start3A_215, %dma_start3A_216] : memref<10016x128xf32, #tpu.memory_space<vmem_shared>> -> memref<10016x128xf32, #tpu.memory_space<vmem_shared>>
        tpu.enqueue_indirect_dma source(%arg15 : memref<80x128xf32, #tpu.memory_space<vmem>>) target(%dma_start3A_217 : memref<10016x128xf32, #tpu.memory_space<vmem_shared>>) offsets(%dma_start3A_214 : memref<80xi32, #tpu.memory_space<vmem>>) semaphore(%arg24 : memref<!tpu.dma_semaphore, #tpu.memory_space<semaphore_mem>>) {add = true}
      }
      %scan3A_45 = arith.constant 62 : i32
      %dma_wait3A = arith.constant 1 : i32
      %dma_wait3A_46 = arith.constant 0 : i32
      %dma_wait3A_47 = tpu.memref_slice %arg10[%dma_wait3A, %dma_wait3A_46] : memref<2x80xi32, #tpu.memory_space<vmem>> -> memref<1x80xi32, #tpu.memory_space<vmem>>
      %dma_wait3A_48 = tpu.memref_squeeze %dma_wait3A_47 : memref<1x80xi32, #tpu.memory_space<vmem>> -> memref<80xi32, #tpu.memory_space<vmem>>
      %dma_wait3A_49 = arith.constant 0 : i32
      %dma_wait3A_50 = arith.constant 0 : i32
      %dma_wait3A_51 = tpu.memref_slice %arg16[%dma_wait3A_49, %dma_wait3A_50] : memref<10016x128xf32, #tpu.memory_space<vmem_shared>> -> memref<10016x128xf32, #tpu.memory_space<vmem_shared>>
      tpu.wait_indirect_dma semaphore(%arg23 : memref<!tpu.dma_semaphore, #tpu.memory_space<semaphore_mem>>) src(%arg14 : memref<80x128xf32, #tpu.memory_space<vmem>>) dst(%dma_wait3A_51 : memref<10016x128xf32, #tpu.memory_space<vmem_shared>>)
      %dma_wait3A_52 = arith.constant 0 : i32
      %dma_wait3A_53 = arith.constant 0 : i32
      %dma_wait3A_54 = tpu.memref_slice %arg8[%dma_wait3A_52, %dma_wait3A_53] : memref<2x80xi32, #tpu.memory_space<vmem>> -> memref<1x80xi32, #tpu.memory_space<vmem>>
      %dma_wait3A_55 = tpu.memref_squeeze %dma_wait3A_54 : memref<1x80xi32, #tpu.memory_space<vmem>> -> memref<80xi32, #tpu.memory_space<vmem>>
      %dma_wait3A_56 = arith.constant 0 : i32
      %dma_wait3A_57 = arith.constant 0 : i32
      %dma_wait3A_58 = tpu.memref_slice %arg3[%dma_wait3A_56, %dma_wait3A_57] : memref<10000x128xf32, #tpu.memory_space<hbm>> -> memref<10000x128xf32, #tpu.memory_space<hbm>>
      tpu.wait_indirect_dma semaphore(%arg17 : memref<!tpu.dma_semaphore, #tpu.memory_space<semaphore_mem>>) src(%dma_wait3A_58 : memref<10000x128xf32, #tpu.memory_space<hbm>>) dst(%arg12 : memref<80x128xf32, #tpu.memory_space<vmem>>)
      %dma_start3A_59 = arith.constant 1 : i32
      %dma_start3A_60 = arith.constant 0 : i32
      %dma_start3A_61 = tpu.memref_slice %arg8[%dma_start3A_59, %dma_start3A_60] : memref<2x80xi32, #tpu.memory_space<vmem>> -> memref<1x80xi32, #tpu.memory_space<vmem>>
      %dma_start3A_62 = tpu.memref_squeeze %dma_start3A_61 : memref<1x80xi32, #tpu.memory_space<vmem>> -> memref<80xi32, #tpu.memory_space<vmem>>
      %dma_start3A_63 = arith.constant 0 : i32
      %dma_start3A_64 = arith.constant 0 : i32
      %dma_start3A_65 = tpu.memref_slice %arg16[%dma_start3A_63, %dma_start3A_64] : memref<10016x128xf32, #tpu.memory_space<vmem_shared>> -> memref<10016x128xf32, #tpu.memory_space<vmem_shared>>
      tpu.enqueue_indirect_dma source(%arg12 : memref<80x128xf32, #tpu.memory_space<vmem>>) target(%dma_start3A_65 : memref<10016x128xf32, #tpu.memory_space<vmem_shared>>) offsets(%dma_start3A_62 : memref<80xi32, #tpu.memory_space<vmem>>) semaphore(%arg21 : memref<!tpu.dma_semaphore, #tpu.memory_space<semaphore_mem>>) {add = true}
      %dma_wait3A_66 = arith.constant 1 : i32
      %dma_wait3A_67 = arith.constant 0 : i32
      %dma_wait3A_68 = tpu.memref_slice %arg11[%dma_wait3A_66, %dma_wait3A_67] : memref<2x80xi32, #tpu.memory_space<vmem>> -> memref<1x80xi32, #tpu.memory_space<vmem>>
      %dma_wait3A_69 = tpu.memref_squeeze %dma_wait3A_68 : memref<1x80xi32, #tpu.memory_space<vmem>> -> memref<80xi32, #tpu.memory_space<vmem>>
      %dma_wait3A_70 = arith.constant 0 : i32
      %dma_wait3A_71 = arith.constant 0 : i32
      %dma_wait3A_72 = tpu.memref_slice %arg16[%dma_wait3A_70, %dma_wait3A_71] : memref<10016x128xf32, #tpu.memory_space<vmem_shared>> -> memref<10016x128xf32, #tpu.memory_space<vmem_shared>>
      tpu.wait_indirect_dma semaphore(%arg24 : memref<!tpu.dma_semaphore, #tpu.memory_space<semaphore_mem>>) src(%arg15 : memref<80x128xf32, #tpu.memory_space<vmem>>) dst(%dma_wait3A_72 : memref<10016x128xf32, #tpu.memory_space<vmem_shared>>)
      %dma_wait3A_73 = arith.constant 0 : i32
      %dma_wait3A_74 = arith.constant 0 : i32
      %dma_wait3A_75 = tpu.memref_slice %arg9[%dma_wait3A_73, %dma_wait3A_74] : memref<2x80xi32, #tpu.memory_space<vmem>> -> memref<1x80xi32, #tpu.memory_space<vmem>>
      %dma_wait3A_76 = tpu.memref_squeeze %dma_wait3A_75 : memref<1x80xi32, #tpu.memory_space<vmem>> -> memref<80xi32, #tpu.memory_space<vmem>>
      %dma_wait3A_77 = arith.constant 0 : i32
      %dma_wait3A_78 = arith.constant 0 : i32
      %dma_wait3A_79 = tpu.memref_slice %arg3[%dma_wait3A_77, %dma_wait3A_78] : memref<10000x128xf32, #tpu.memory_space<hbm>> -> memref<10000x128xf32, #tpu.memory_space<hbm>>
      tpu.wait_indirect_dma semaphore(%arg18 : memref<!tpu.dma_semaphore, #tpu.memory_space<semaphore_mem>>) src(%dma_wait3A_79 : memref<10000x128xf32, #tpu.memory_space<hbm>>) dst(%arg13 : memref<80x128xf32, #tpu.memory_space<vmem>>)
      %dma_start3A_80 = arith.constant 1 : i32
      %dma_start3A_81 = arith.constant 0 : i32
      %dma_start3A_82 = tpu.memref_slice %arg9[%dma_start3A_80, %dma_start3A_81] : memref<2x80xi32, #tpu.memory_space<vmem>> -> memref<1x80xi32, #tpu.memory_space<vmem>>
      %dma_start3A_83 = tpu.memref_squeeze %dma_start3A_82 : memref<1x80xi32, #tpu.memory_space<vmem>> -> memref<80xi32, #tpu.memory_space<vmem>>
      %dma_start3A_84 = arith.constant 0 : i32
      %dma_start3A_85 = arith.constant 0 : i32
      %dma_start3A_86 = tpu.memref_slice %arg16[%dma_start3A_84, %dma_start3A_85] : memref<10016x128xf32, #tpu.memory_space<vmem_shared>> -> memref<10016x128xf32, #tpu.memory_space<vmem_shared>>
      tpu.enqueue_indirect_dma source(%arg13 : memref<80x128xf32, #tpu.memory_space<vmem>>) target(%dma_start3A_86 : memref<10016x128xf32, #tpu.memory_space<vmem_shared>>) offsets(%dma_start3A_83 : memref<80xi32, #tpu.memory_space<vmem>>) semaphore(%arg22 : memref<!tpu.dma_semaphore, #tpu.memory_space<semaphore_mem>>) {add = true}
      %dma_wait3A_87 = arith.constant 1 : i32
      %dma_wait3A_88 = arith.constant 0 : i32
      %dma_wait3A_89 = tpu.memref_slice %arg8[%dma_wait3A_87, %dma_wait3A_88] : memref<2x80xi32, #tpu.memory_space<vmem>> -> memref<1x80xi32, #tpu.memory_space<vmem>>
      %dma_wait3A_90 = tpu.memref_squeeze %dma_wait3A_89 : memref<1x80xi32, #tpu.memory_space<vmem>> -> memref<80xi32, #tpu.memory_space<vmem>>
      %dma_wait3A_91 = arith.constant 0 : i32
      %dma_wait3A_92 = arith.constant 0 : i32
      %dma_wait3A_93 = tpu.memref_slice %arg16[%dma_wait3A_91, %dma_wait3A_92] : memref<10016x128xf32, #tpu.memory_space<vmem_shared>> -> memref<10016x128xf32, #tpu.memory_space<vmem_shared>>
      tpu.wait_indirect_dma semaphore(%arg21 : memref<!tpu.dma_semaphore, #tpu.memory_space<semaphore_mem>>) src(%arg12 : memref<80x128xf32, #tpu.memory_space<vmem>>) dst(%dma_wait3A_93 : memref<10016x128xf32, #tpu.memory_space<vmem_shared>>)
      %dma_wait3A_94 = arith.constant 1 : i32
      %dma_wait3A_95 = arith.constant 0 : i32
      %dma_wait3A_96 = tpu.memref_slice %arg9[%dma_wait3A_94, %dma_wait3A_95] : memref<2x80xi32, #tpu.memory_space<vmem>> -> memref<1x80xi32, #tpu.memory_space<vmem>>
      %dma_wait3A_97 = tpu.memref_squeeze %dma_wait3A_96 : memref<1x80xi32, #tpu.memory_space<vmem>> -> memref<80xi32, #tpu.memory_space<vmem>>
      %dma_wait3A_98 = arith.constant 0 : i32
      %dma_wait3A_99 = arith.constant 0 : i32
      %dma_wait3A_100 = tpu.memref_slice %arg16[%dma_wait3A_98, %dma_wait3A_99] : memref<10016x128xf32, #tpu.memory_space<vmem_shared>> -> memref<10016x128xf32, #tpu.memory_space<vmem_shared>>
      tpu.wait_indirect_dma semaphore(%arg22 : memref<!tpu.dma_semaphore, #tpu.memory_space<semaphore_mem>>) src(%arg13 : memref<80x128xf32, #tpu.memory_space<vmem>>) dst(%dma_wait3A_100 : memref<10016x128xf32, #tpu.memory_space<vmem_shared>>)
    } else {
    }
    %eq3A_8 = arith.constant 1 : i32
    %eq3A_9 = arith.cmpi eq, %arg0, %eq3A_8 : i32
    %convert_element_type3A_10 = arith.extui %eq3A_9 : i1 to i32
    %cond3A_11 = arith.constant 0 : i32
    %cond3A_12 = arith.cmpi ne, %convert_element_type3A_10, %cond3A_11 : i32
    scf.if %cond3A_12 {
      %mul3A_23 = arith.constant 250 : i32
      %mul3A_24 = arith.muli %arg1, %mul3A_23 : i32
      %add3A = arith.constant 0 : i32
      %add3A_25 = arith.addi %mul3A_24, %add3A : i32
      "tpu.region"() ({
        %run_scoped3A = tpu.sem_alloc : memref<!tpu.dma_semaphore, #tpu.memory_space<semaphore_mem>>
        %dma_start3A_101 = arith.constant 0 : i32
        %dma_start3A_102 = arith.constant 0 : i32
        %dma_start3A_103 = tpu.memref_slice %arg2[%add3A_25, %dma_start3A_101, %dma_start3A_102] : memref<4000x2x80xi32, #tpu.memory_space<hbm>> -> memref<1x2x80xi32, #tpu.memory_space<hbm>>
        %dma_start3A_104 = tpu.memref_squeeze %dma_start3A_103 : memref<1x2x80xi32, #tpu.memory_space<hbm>> -> memref<2x80xi32, #tpu.memory_space<hbm>>
        %dma_start3A_105 = arith.constant 0 : i32
        %dma_start3A_106 = arith.constant 0 : i32
        %dma_start3A_107 = tpu.memref_slice %arg2[%add3A_25, %dma_start3A_105, %dma_start3A_106] : memref<4000x2x80xi32, #tpu.memory_space<hbm>> -> memref<1x2x80xi32, #tpu.memory_space<hbm>>
        %dma_start3A_108 = tpu.memref_squeeze %dma_start3A_107 : memref<1x2x80xi32, #tpu.memory_space<hbm>> -> memref<2x80xi32, #tpu.memory_space<hbm>>
        tpu.enqueue_dma source(%dma_start3A_108 : memref<2x80xi32, #tpu.memory_space<hbm>>) target(%arg8 : memref<2x80xi32, #tpu.memory_space<vmem>>) target_semaphore(%run_scoped3A : memref<!tpu.dma_semaphore, #tpu.memory_space<semaphore_mem>>)
        %dma_wait3A_109 = arith.constant 0 : i32
        %dma_wait3A_110 = arith.constant 0 : i32
        %dma_wait3A_111 = tpu.memref_slice %arg2[%add3A_25, %dma_wait3A_109, %dma_wait3A_110] : memref<4000x2x80xi32, #tpu.memory_space<hbm>> -> memref<1x2x80xi32, #tpu.memory_space<hbm>>
        %dma_wait3A_112 = tpu.memref_squeeze %dma_wait3A_111 : memref<1x2x80xi32, #tpu.memory_space<hbm>> -> memref<2x80xi32, #tpu.memory_space<hbm>>
        %dma_wait3A_113 = arith.constant 0 : i32
        %dma_wait3A_114 = arith.constant 0 : i32
        %dma_wait3A_115 = tpu.memref_slice %arg2[%add3A_25, %dma_wait3A_113, %dma_wait3A_114] : memref<4000x2x80xi32, #tpu.memory_space<hbm>> -> memref<1x2x80xi32, #tpu.memory_space<hbm>>
        %dma_wait3A_116 = tpu.memref_squeeze %dma_wait3A_115 : memref<1x2x80xi32, #tpu.memory_space<hbm>> -> memref<2x80xi32, #tpu.memory_space<hbm>>
        tpu.wait_dma2 semaphore(%run_scoped3A : memref<!tpu.dma_semaphore, #tpu.memory_space<semaphore_mem>>) src(%dma_wait3A_116 : memref<2x80xi32, #tpu.memory_space<hbm>>) dst(%arg8 : memref<2x80xi32, #tpu.memory_space<vmem>>)
        tpu.yield
      }) : () -> ()
      %dma_start3A = arith.constant 0 : i32
      %dma_start3A_26 = arith.constant 0 : i32
      %dma_start3A_27 = tpu.memref_slice %arg8[%dma_start3A, %dma_start3A_26] : memref<2x80xi32, #tpu.memory_space<vmem>> -> memref<1x80xi32, #tpu.memory_space<vmem>>
      %dma_start3A_28 = tpu.memref_squeeze %dma_start3A_27 : memref<1x80xi32, #tpu.memory_space<vmem>> -> memref<80xi32, #tpu.memory_space<vmem>>
      %dma_start3A_29 = arith.constant 0 : i32
      %dma_start3A_30 = arith.constant 0 : i32
      %dma_start3A_31 = tpu.memref_slice %arg4[%dma_start3A_29, %dma_start3A_30] : memref<10000x128xf32, #tpu.memory_space<hbm>> -> memref<10000x128xf32, #tpu.memory_space<hbm>>
      tpu.enqueue_indirect_dma source(%dma_start3A_31 : memref<10000x128xf32, #tpu.memory_space<hbm>>) target(%arg12 : memref<80x128xf32, #tpu.memory_space<vmem>>) offsets(%dma_start3A_28 : memref<80xi32, #tpu.memory_space<vmem>>) semaphore(%arg17 : memref<!tpu.dma_semaphore, #tpu.memory_space<semaphore_mem>>)
      %add3A_32 = arith.constant 1 : i32
      %add3A_33 = arith.addi %mul3A_24, %add3A_32 : i32
      "tpu.region"() ({
        %run_scoped3A = tpu.sem_alloc : memref<!tpu.dma_semaphore, #tpu.memory_space<semaphore_mem>>
        %dma_start3A_101 = arith.constant 0 : i32
        %dma_start3A_102 = arith.constant 0 : i32
        %dma_start3A_103 = tpu.memref_slice %arg2[%add3A_33, %dma_start3A_101, %dma_start3A_102] : memref<4000x2x80xi32, #tpu.memory_space<hbm>> -> memref<1x2x80xi32, #tpu.memory_space<hbm>>
        %dma_start3A_104 = tpu.memref_squeeze %dma_start3A_103 : memref<1x2x80xi32, #tpu.memory_space<hbm>> -> memref<2x80xi32, #tpu.memory_space<hbm>>
        %dma_start3A_105 = arith.constant 0 : i32
        %dma_start3A_106 = arith.constant 0 : i32
        %dma_start3A_107 = tpu.memref_slice %arg2[%add3A_33, %dma_start3A_105, %dma_start3A_106] : memref<4000x2x80xi32, #tpu.memory_space<hbm>> -> memref<1x2x80xi32, #tpu.memory_space<hbm>>
        %dma_start3A_108 = tpu.memref_squeeze %dma_start3A_107 : memref<1x2x80xi32, #tpu.memory_space<hbm>> -> memref<2x80xi32, #tpu.memory_space<hbm>>
        tpu.enqueue_dma source(%dma_start3A_108 : memref<2x80xi32, #tpu.memory_space<hbm>>) target(%arg9 : memref<2x80xi32, #tpu.memory_space<vmem>>) target_semaphore(%run_scoped3A : memref<!tpu.dma_semaphore, #tpu.memory_space<semaphore_mem>>)
        %dma_wait3A_109 = arith.constant 0 : i32
        %dma_wait3A_110 = arith.constant 0 : i32
        %dma_wait3A_111 = tpu.memref_slice %arg2[%add3A_33, %dma_wait3A_109, %dma_wait3A_110] : memref<4000x2x80xi32, #tpu.memory_space<hbm>> -> memref<1x2x80xi32, #tpu.memory_space<hbm>>
        %dma_wait3A_112 = tpu.memref_squeeze %dma_wait3A_111 : memref<1x2x80xi32, #tpu.memory_space<hbm>> -> memref<2x80xi32, #tpu.memory_space<hbm>>
        %dma_wait3A_113 = arith.constant 0 : i32
        %dma_wait3A_114 = arith.constant 0 : i32
        %dma_wait3A_115 = tpu.memref_slice %arg2[%add3A_33, %dma_wait3A_113, %dma_wait3A_114] : memref<4000x2x80xi32, #tpu.memory_space<hbm>> -> memref<1x2x80xi32, #tpu.memory_space<hbm>>
        %dma_wait3A_116 = tpu.memref_squeeze %dma_wait3A_115 : memref<1x2x80xi32, #tpu.memory_space<hbm>> -> memref<2x80xi32, #tpu.memory_space<hbm>>
        tpu.wait_dma2 semaphore(%run_scoped3A : memref<!tpu.dma_semaphore, #tpu.memory_space<semaphore_mem>>) src(%dma_wait3A_116 : memref<2x80xi32, #tpu.memory_space<hbm>>) dst(%arg9 : memref<2x80xi32, #tpu.memory_space<vmem>>)
        tpu.yield
      }) : () -> ()
      %dma_start3A_34 = arith.constant 0 : i32
      %dma_start3A_35 = arith.constant 0 : i32
      %dma_start3A_36 = tpu.memref_slice %arg9[%dma_start3A_34, %dma_start3A_35] : memref<2x80xi32, #tpu.memory_space<vmem>> -> memref<1x80xi32, #tpu.memory_space<vmem>>
      %dma_start3A_37 = tpu.memref_squeeze %dma_start3A_36 : memref<1x80xi32, #tpu.memory_space<vmem>> -> memref<80xi32, #tpu.memory_space<vmem>>
      %dma_start3A_38 = arith.constant 0 : i32
      %dma_start3A_39 = arith.constant 0 : i32
      %dma_start3A_40 = tpu.memref_slice %arg4[%dma_start3A_38, %dma_start3A_39] : memref<10000x128xf32, #tpu.memory_space<hbm>> -> memref<10000x128xf32, #tpu.memory_space<hbm>>
      tpu.enqueue_indirect_dma source(%dma_start3A_40 : memref<10000x128xf32, #tpu.memory_space<hbm>>) target(%arg13 : memref<80x128xf32, #tpu.memory_space<vmem>>) offsets(%dma_start3A_37 : memref<80xi32, #tpu.memory_space<vmem>>) semaphore(%arg18 : memref<!tpu.dma_semaphore, #tpu.memory_space<semaphore_mem>>)
      %barrier3A_41 = arith.constant 0 : index
      tpu.barrier barrier_id(%barrier3A_41)
      %scan3A = arith.constant 0 : i32
      %scan3A_42 = arith.constant 62 : i32
      %scan3A_43 = arith.addi %scan3A, %scan3A_42 : i32
      %scan3A_44 = arith.constant 1 : i32
      scf.for %scan3A_101 = %scan3A to %scan3A_43 step %scan3A_44  : i32 {
        %mul3A_102 = arith.constant 1 : i32
        %mul3A_103 = arith.muli %scan3A_101, %mul3A_102 : i32
        %add3A_104 = arith.constant 0 : i32
        %add3A_105 = arith.addi %add3A_104, %mul3A_103 : i32
        %mul3A_106 = arith.constant 4 : i32
        %mul3A_107 = arith.muli %add3A_105, %mul3A_106 : i32
        %add3A_108 = arith.constant 0 : i32
        %add3A_109 = arith.addi %mul3A_107, %add3A_108 : i32
        %ge3A = arith.constant 2 : i32
        %ge3A_110 = arith.cmpi sge, %add3A_109, %ge3A : i32
        %convert_element_type3A_111 = arith.extui %ge3A_110 : i1 to i32
        %cond3A_112 = arith.constant 0 : i32
        %cond3A_113 = arith.cmpi ne, %convert_element_type3A_111, %cond3A_112 : i32
        scf.if %cond3A_113 {
          %dma_wait3A_218 = arith.constant 1 : i32
          %dma_wait3A_219 = arith.constant 0 : i32
          %dma_wait3A_220 = tpu.memref_slice %arg10[%dma_wait3A_218, %dma_wait3A_219] : memref<2x80xi32, #tpu.memory_space<vmem>> -> memref<1x80xi32, #tpu.memory_space<vmem>>
          %dma_wait3A_221 = tpu.memref_squeeze %dma_wait3A_220 : memref<1x80xi32, #tpu.memory_space<vmem>> -> memref<80xi32, #tpu.memory_space<vmem>>
          %dma_wait3A_222 = arith.constant 0 : i32
          %dma_wait3A_223 = arith.constant 0 : i32
          %dma_wait3A_224 = tpu.memref_slice %arg16[%dma_wait3A_222, %dma_wait3A_223] : memref<10016x128xf32, #tpu.memory_space<vmem_shared>> -> memref<10016x128xf32, #tpu.memory_space<vmem_shared>>
          tpu.wait_indirect_dma semaphore(%arg23 : memref<!tpu.dma_semaphore, #tpu.memory_space<semaphore_mem>>) src(%arg14 : memref<80x128xf32, #tpu.memory_space<vmem>>) dst(%dma_wait3A_224 : memref<10016x128xf32, #tpu.memory_space<vmem_shared>>)
        } else {
        }
        %add3A_114 = arith.constant 2 : i32
        %add3A_115 = arith.addi %add3A_109, %add3A_114 : i32
        %lt3A = arith.constant 250 : i32
        %lt3A_116 = arith.cmpi slt, %add3A_115, %lt3A : i32
        %convert_element_type3A_117 = arith.extui %lt3A_116 : i1 to i32
        %cond3A_118 = arith.constant 0 : i32
        %cond3A_119 = arith.cmpi ne, %convert_element_type3A_117, %cond3A_118 : i32
        scf.if %cond3A_119 {
          %add3A_218 = arith.constant 2 : i32
          %add3A_219 = arith.addi %add3A_109, %add3A_218 : i32
          %add3A_220 = arith.addi %mul3A_24, %add3A_219 : i32
          "tpu.region"() ({
            %run_scoped3A = tpu.sem_alloc : memref<!tpu.dma_semaphore, #tpu.memory_space<semaphore_mem>>
            %dma_start3A_228 = arith.constant 0 : i32
            %dma_start3A_229 = arith.constant 0 : i32
            %dma_start3A_230 = tpu.memref_slice %arg2[%add3A_220, %dma_start3A_228, %dma_start3A_229] : memref<4000x2x80xi32, #tpu.memory_space<hbm>> -> memref<1x2x80xi32, #tpu.memory_space<hbm>>
            %dma_start3A_231 = tpu.memref_squeeze %dma_start3A_230 : memref<1x2x80xi32, #tpu.memory_space<hbm>> -> memref<2x80xi32, #tpu.memory_space<hbm>>
            %dma_start3A_232 = arith.constant 0 : i32
            %dma_start3A_233 = arith.constant 0 : i32
            %dma_start3A_234 = tpu.memref_slice %arg2[%add3A_220, %dma_start3A_232, %dma_start3A_233] : memref<4000x2x80xi32, #tpu.memory_space<hbm>> -> memref<1x2x80xi32, #tpu.memory_space<hbm>>
            %dma_start3A_235 = tpu.memref_squeeze %dma_start3A_234 : memref<1x2x80xi32, #tpu.memory_space<hbm>> -> memref<2x80xi32, #tpu.memory_space<hbm>>
            tpu.enqueue_dma source(%dma_start3A_235 : memref<2x80xi32, #tpu.memory_space<hbm>>) target(%arg10 : memref<2x80xi32, #tpu.memory_space<vmem>>) target_semaphore(%run_scoped3A : memref<!tpu.dma_semaphore, #tpu.memory_space<semaphore_mem>>)
            %dma_wait3A_236 = arith.constant 0 : i32
            %dma_wait3A_237 = arith.constant 0 : i32
            %dma_wait3A_238 = tpu.memref_slice %arg2[%add3A_220, %dma_wait3A_236, %dma_wait3A_237] : memref<4000x2x80xi32, #tpu.memory_space<hbm>> -> memref<1x2x80xi32, #tpu.memory_space<hbm>>
            %dma_wait3A_239 = tpu.memref_squeeze %dma_wait3A_238 : memref<1x2x80xi32, #tpu.memory_space<hbm>> -> memref<2x80xi32, #tpu.memory_space<hbm>>
            %dma_wait3A_240 = arith.constant 0 : i32
            %dma_wait3A_241 = arith.constant 0 : i32
            %dma_wait3A_242 = tpu.memref_slice %arg2[%add3A_220, %dma_wait3A_240, %dma_wait3A_241] : memref<4000x2x80xi32, #tpu.memory_space<hbm>> -> memref<1x2x80xi32, #tpu.memory_space<hbm>>
            %dma_wait3A_243 = tpu.memref_squeeze %dma_wait3A_242 : memref<1x2x80xi32, #tpu.memory_space<hbm>> -> memref<2x80xi32, #tpu.memory_space<hbm>>
            tpu.wait_dma2 semaphore(%run_scoped3A : memref<!tpu.dma_semaphore, #tpu.memory_space<semaphore_mem>>) src(%dma_wait3A_243 : memref<2x80xi32, #tpu.memory_space<hbm>>) dst(%arg10 : memref<2x80xi32, #tpu.memory_space<vmem>>)
            tpu.yield
          }) : () -> ()
          %dma_start3A_221 = arith.constant 0 : i32
          %dma_start3A_222 = arith.constant 0 : i32
          %dma_start3A_223 = tpu.memref_slice %arg10[%dma_start3A_221, %dma_start3A_222] : memref<2x80xi32, #tpu.memory_space<vmem>> -> memref<1x80xi32, #tpu.memory_space<vmem>>
          %dma_start3A_224 = tpu.memref_squeeze %dma_start3A_223 : memref<1x80xi32, #tpu.memory_space<vmem>> -> memref<80xi32, #tpu.memory_space<vmem>>
          %dma_start3A_225 = arith.constant 0 : i32
          %dma_start3A_226 = arith.constant 0 : i32
          %dma_start3A_227 = tpu.memref_slice %arg4[%dma_start3A_225, %dma_start3A_226] : memref<10000x128xf32, #tpu.memory_space<hbm>> -> memref<10000x128xf32, #tpu.memory_space<hbm>>
          tpu.enqueue_indirect_dma source(%dma_start3A_227 : memref<10000x128xf32, #tpu.memory_space<hbm>>) target(%arg14 : memref<80x128xf32, #tpu.memory_space<vmem>>) offsets(%dma_start3A_224 : memref<80xi32, #tpu.memory_space<vmem>>) semaphore(%arg19 : memref<!tpu.dma_semaphore, #tpu.memory_space<semaphore_mem>>)
        } else {
        }
        %dma_wait3A_120 = arith.constant 0 : i32
        %dma_wait3A_121 = arith.constant 0 : i32
        %dma_wait3A_122 = tpu.memref_slice %arg8[%dma_wait3A_120, %dma_wait3A_121] : memref<2x80xi32, #tpu.memory_space<vmem>> -> memref<1x80xi32, #tpu.memory_space<vmem>>
        %dma_wait3A_123 = tpu.memref_squeeze %dma_wait3A_122 : memref<1x80xi32, #tpu.memory_space<vmem>> -> memref<80xi32, #tpu.memory_space<vmem>>
        %dma_wait3A_124 = arith.constant 0 : i32
        %dma_wait3A_125 = arith.constant 0 : i32
        %dma_wait3A_126 = tpu.memref_slice %arg4[%dma_wait3A_124, %dma_wait3A_125] : memref<10000x128xf32, #tpu.memory_space<hbm>> -> memref<10000x128xf32, #tpu.memory_space<hbm>>
        tpu.wait_indirect_dma semaphore(%arg17 : memref<!tpu.dma_semaphore, #tpu.memory_space<semaphore_mem>>) src(%dma_wait3A_126 : memref<10000x128xf32, #tpu.memory_space<hbm>>) dst(%arg12 : memref<80x128xf32, #tpu.memory_space<vmem>>)
        %dma_start3A_127 = arith.constant 1 : i32
        %dma_start3A_128 = arith.constant 0 : i32
        %dma_start3A_129 = tpu.memref_slice %arg8[%dma_start3A_127, %dma_start3A_128] : memref<2x80xi32, #tpu.memory_space<vmem>> -> memref<1x80xi32, #tpu.memory_space<vmem>>
        %dma_start3A_130 = tpu.memref_squeeze %dma_start3A_129 : memref<1x80xi32, #tpu.memory_space<vmem>> -> memref<80xi32, #tpu.memory_space<vmem>>
        %dma_start3A_131 = arith.constant 0 : i32
        %dma_start3A_132 = arith.constant 0 : i32
        %dma_start3A_133 = tpu.memref_slice %arg16[%dma_start3A_131, %dma_start3A_132] : memref<10016x128xf32, #tpu.memory_space<vmem_shared>> -> memref<10016x128xf32, #tpu.memory_space<vmem_shared>>
        tpu.enqueue_indirect_dma source(%arg12 : memref<80x128xf32, #tpu.memory_space<vmem>>) target(%dma_start3A_133 : memref<10016x128xf32, #tpu.memory_space<vmem_shared>>) offsets(%dma_start3A_130 : memref<80xi32, #tpu.memory_space<vmem>>) semaphore(%arg21 : memref<!tpu.dma_semaphore, #tpu.memory_space<semaphore_mem>>) {add = true}
        %add3A_134 = arith.constant 1 : i32
        %add3A_135 = arith.addi %mul3A_107, %add3A_134 : i32
        %ge3A_136 = arith.constant 2 : i32
        %ge3A_137 = arith.cmpi sge, %add3A_135, %ge3A_136 : i32
        %convert_element_type3A_138 = arith.extui %ge3A_137 : i1 to i32
        %cond3A_139 = arith.constant 0 : i32
        %cond3A_140 = arith.cmpi ne, %convert_element_type3A_138, %cond3A_139 : i32
        scf.if %cond3A_140 {
          %dma_wait3A_218 = arith.constant 1 : i32
          %dma_wait3A_219 = arith.constant 0 : i32
          %dma_wait3A_220 = tpu.memref_slice %arg11[%dma_wait3A_218, %dma_wait3A_219] : memref<2x80xi32, #tpu.memory_space<vmem>> -> memref<1x80xi32, #tpu.memory_space<vmem>>
          %dma_wait3A_221 = tpu.memref_squeeze %dma_wait3A_220 : memref<1x80xi32, #tpu.memory_space<vmem>> -> memref<80xi32, #tpu.memory_space<vmem>>
          %dma_wait3A_222 = arith.constant 0 : i32
          %dma_wait3A_223 = arith.constant 0 : i32
          %dma_wait3A_224 = tpu.memref_slice %arg16[%dma_wait3A_222, %dma_wait3A_223] : memref<10016x128xf32, #tpu.memory_space<vmem_shared>> -> memref<10016x128xf32, #tpu.memory_space<vmem_shared>>
          tpu.wait_indirect_dma semaphore(%arg24 : memref<!tpu.dma_semaphore, #tpu.memory_space<semaphore_mem>>) src(%arg15 : memref<80x128xf32, #tpu.memory_space<vmem>>) dst(%dma_wait3A_224 : memref<10016x128xf32, #tpu.memory_space<vmem_shared>>)
        } else {
        }
        %add3A_141 = arith.constant 2 : i32
        %add3A_142 = arith.addi %add3A_135, %add3A_141 : i32
        %lt3A_143 = arith.constant 250 : i32
        %lt3A_144 = arith.cmpi slt, %add3A_142, %lt3A_143 : i32
        %convert_element_type3A_145 = arith.extui %lt3A_144 : i1 to i32
        %cond3A_146 = arith.constant 0 : i32
        %cond3A_147 = arith.cmpi ne, %convert_element_type3A_145, %cond3A_146 : i32
        scf.if %cond3A_147 {
          %add3A_218 = arith.constant 2 : i32
          %add3A_219 = arith.addi %add3A_135, %add3A_218 : i32
          %add3A_220 = arith.addi %mul3A_24, %add3A_219 : i32
          "tpu.region"() ({
            %run_scoped3A = tpu.sem_alloc : memref<!tpu.dma_semaphore, #tpu.memory_space<semaphore_mem>>
            %dma_start3A_228 = arith.constant 0 : i32
            %dma_start3A_229 = arith.constant 0 : i32
            %dma_start3A_230 = tpu.memref_slice %arg2[%add3A_220, %dma_start3A_228, %dma_start3A_229] : memref<4000x2x80xi32, #tpu.memory_space<hbm>> -> memref<1x2x80xi32, #tpu.memory_space<hbm>>
            %dma_start3A_231 = tpu.memref_squeeze %dma_start3A_230 : memref<1x2x80xi32, #tpu.memory_space<hbm>> -> memref<2x80xi32, #tpu.memory_space<hbm>>
            %dma_start3A_232 = arith.constant 0 : i32
            %dma_start3A_233 = arith.constant 0 : i32
            %dma_start3A_234 = tpu.memref_slice %arg2[%add3A_220, %dma_start3A_232, %dma_start3A_233] : memref<4000x2x80xi32, #tpu.memory_space<hbm>> -> memref<1x2x80xi32, #tpu.memory_space<hbm>>
            %dma_start3A_235 = tpu.memref_squeeze %dma_start3A_234 : memref<1x2x80xi32, #tpu.memory_space<hbm>> -> memref<2x80xi32, #tpu.memory_space<hbm>>
            tpu.enqueue_dma source(%dma_start3A_235 : memref<2x80xi32, #tpu.memory_space<hbm>>) target(%arg11 : memref<2x80xi32, #tpu.memory_space<vmem>>) target_semaphore(%run_scoped3A : memref<!tpu.dma_semaphore, #tpu.memory_space<semaphore_mem>>)
            %dma_wait3A_236 = arith.constant 0 : i32
            %dma_wait3A_237 = arith.constant 0 : i32
            %dma_wait3A_238 = tpu.memref_slice %arg2[%add3A_220, %dma_wait3A_236, %dma_wait3A_237] : memref<4000x2x80xi32, #tpu.memory_space<hbm>> -> memref<1x2x80xi32, #tpu.memory_space<hbm>>
            %dma_wait3A_239 = tpu.memref_squeeze %dma_wait3A_238 : memref<1x2x80xi32, #tpu.memory_space<hbm>> -> memref<2x80xi32, #tpu.memory_space<hbm>>
            %dma_wait3A_240 = arith.constant 0 : i32
            %dma_wait3A_241 = arith.constant 0 : i32
            %dma_wait3A_242 = tpu.memref_slice %arg2[%add3A_220, %dma_wait3A_240, %dma_wait3A_241] : memref<4000x2x80xi32, #tpu.memory_space<hbm>> -> memref<1x2x80xi32, #tpu.memory_space<hbm>>
            %dma_wait3A_243 = tpu.memref_squeeze %dma_wait3A_242 : memref<1x2x80xi32, #tpu.memory_space<hbm>> -> memref<2x80xi32, #tpu.memory_space<hbm>>
            tpu.wait_dma2 semaphore(%run_scoped3A : memref<!tpu.dma_semaphore, #tpu.memory_space<semaphore_mem>>) src(%dma_wait3A_243 : memref<2x80xi32, #tpu.memory_space<hbm>>) dst(%arg11 : memref<2x80xi32, #tpu.memory_space<vmem>>)
            tpu.yield
          }) : () -> ()
          %dma_start3A_221 = arith.constant 0 : i32
          %dma_start3A_222 = arith.constant 0 : i32
          %dma_start3A_223 = tpu.memref_slice %arg11[%dma_start3A_221, %dma_start3A_222] : memref<2x80xi32, #tpu.memory_space<vmem>> -> memref<1x80xi32, #tpu.memory_space<vmem>>
          %dma_start3A_224 = tpu.memref_squeeze %dma_start3A_223 : memref<1x80xi32, #tpu.memory_space<vmem>> -> memref<80xi32, #tpu.memory_space<vmem>>
          %dma_start3A_225 = arith.constant 0 : i32
          %dma_start3A_226 = arith.constant 0 : i32
          %dma_start3A_227 = tpu.memref_slice %arg4[%dma_start3A_225, %dma_start3A_226] : memref<10000x128xf32, #tpu.memory_space<hbm>> -> memref<10000x128xf32, #tpu.memory_space<hbm>>
          tpu.enqueue_indirect_dma source(%dma_start3A_227 : memref<10000x128xf32, #tpu.memory_space<hbm>>) target(%arg15 : memref<80x128xf32, #tpu.memory_space<vmem>>) offsets(%dma_start3A_224 : memref<80xi32, #tpu.memory_space<vmem>>) semaphore(%arg20 : memref<!tpu.dma_semaphore, #tpu.memory_space<semaphore_mem>>)
        } else {
        }
        %dma_wait3A_148 = arith.constant 0 : i32
        %dma_wait3A_149 = arith.constant 0 : i32
        %dma_wait3A_150 = tpu.memref_slice %arg9[%dma_wait3A_148, %dma_wait3A_149] : memref<2x80xi32, #tpu.memory_space<vmem>> -> memref<1x80xi32, #tpu.memory_space<vmem>>
        %dma_wait3A_151 = tpu.memref_squeeze %dma_wait3A_150 : memref<1x80xi32, #tpu.memory_space<vmem>> -> memref<80xi32, #tpu.memory_space<vmem>>
        %dma_wait3A_152 = arith.constant 0 : i32
        %dma_wait3A_153 = arith.constant 0 : i32
        %dma_wait3A_154 = tpu.memref_slice %arg4[%dma_wait3A_152, %dma_wait3A_153] : memref<10000x128xf32, #tpu.memory_space<hbm>> -> memref<10000x128xf32, #tpu.memory_space<hbm>>
        tpu.wait_indirect_dma semaphore(%arg18 : memref<!tpu.dma_semaphore, #tpu.memory_space<semaphore_mem>>) src(%dma_wait3A_154 : memref<10000x128xf32, #tpu.memory_space<hbm>>) dst(%arg13 : memref<80x128xf32, #tpu.memory_space<vmem>>)
        %dma_start3A_155 = arith.constant 1 : i32
        %dma_start3A_156 = arith.constant 0 : i32
        %dma_start3A_157 = tpu.memref_slice %arg9[%dma_start3A_155, %dma_start3A_156] : memref<2x80xi32, #tpu.memory_space<vmem>> -> memref<1x80xi32, #tpu.memory_space<vmem>>
        %dma_start3A_158 = tpu.memref_squeeze %dma_start3A_157 : memref<1x80xi32, #tpu.memory_space<vmem>> -> memref<80xi32, #tpu.memory_space<vmem>>
        %dma_start3A_159 = arith.constant 0 : i32
        %dma_start3A_160 = arith.constant 0 : i32
        %dma_start3A_161 = tpu.memref_slice %arg16[%dma_start3A_159, %dma_start3A_160] : memref<10016x128xf32, #tpu.memory_space<vmem_shared>> -> memref<10016x128xf32, #tpu.memory_space<vmem_shared>>
        tpu.enqueue_indirect_dma source(%arg13 : memref<80x128xf32, #tpu.memory_space<vmem>>) target(%dma_start3A_161 : memref<10016x128xf32, #tpu.memory_space<vmem_shared>>) offsets(%dma_start3A_158 : memref<80xi32, #tpu.memory_space<vmem>>) semaphore(%arg22 : memref<!tpu.dma_semaphore, #tpu.memory_space<semaphore_mem>>) {add = true}
        %add3A_162 = arith.constant 2 : i32
        %add3A_163 = arith.addi %mul3A_107, %add3A_162 : i32
        %ge3A_164 = arith.constant 2 : i32
        %ge3A_165 = arith.cmpi sge, %add3A_163, %ge3A_164 : i32
        %convert_element_type3A_166 = arith.extui %ge3A_165 : i1 to i32
        %cond3A_167 = arith.constant 0 : i32
        %cond3A_168 = arith.cmpi ne, %convert_element_type3A_166, %cond3A_167 : i32
        scf.if %cond3A_168 {
          %dma_wait3A_218 = arith.constant 1 : i32
          %dma_wait3A_219 = arith.constant 0 : i32
          %dma_wait3A_220 = tpu.memref_slice %arg8[%dma_wait3A_218, %dma_wait3A_219] : memref<2x80xi32, #tpu.memory_space<vmem>> -> memref<1x80xi32, #tpu.memory_space<vmem>>
          %dma_wait3A_221 = tpu.memref_squeeze %dma_wait3A_220 : memref<1x80xi32, #tpu.memory_space<vmem>> -> memref<80xi32, #tpu.memory_space<vmem>>
          %dma_wait3A_222 = arith.constant 0 : i32
          %dma_wait3A_223 = arith.constant 0 : i32
          %dma_wait3A_224 = tpu.memref_slice %arg16[%dma_wait3A_222, %dma_wait3A_223] : memref<10016x128xf32, #tpu.memory_space<vmem_shared>> -> memref<10016x128xf32, #tpu.memory_space<vmem_shared>>
          tpu.wait_indirect_dma semaphore(%arg21 : memref<!tpu.dma_semaphore, #tpu.memory_space<semaphore_mem>>) src(%arg12 : memref<80x128xf32, #tpu.memory_space<vmem>>) dst(%dma_wait3A_224 : memref<10016x128xf32, #tpu.memory_space<vmem_shared>>)
        } else {
        }
        %add3A_169 = arith.constant 2 : i32
        %add3A_170 = arith.addi %add3A_163, %add3A_169 : i32
        %lt3A_171 = arith.constant 250 : i32
        %lt3A_172 = arith.cmpi slt, %add3A_170, %lt3A_171 : i32
        %convert_element_type3A_173 = arith.extui %lt3A_172 : i1 to i32
        %cond3A_174 = arith.constant 0 : i32
        %cond3A_175 = arith.cmpi ne, %convert_element_type3A_173, %cond3A_174 : i32
        scf.if %cond3A_175 {
          %add3A_218 = arith.constant 2 : i32
          %add3A_219 = arith.addi %add3A_163, %add3A_218 : i32
          %add3A_220 = arith.addi %mul3A_24, %add3A_219 : i32
          "tpu.region"() ({
            %run_scoped3A = tpu.sem_alloc : memref<!tpu.dma_semaphore, #tpu.memory_space<semaphore_mem>>
            %dma_start3A_228 = arith.constant 0 : i32
            %dma_start3A_229 = arith.constant 0 : i32
            %dma_start3A_230 = tpu.memref_slice %arg2[%add3A_220, %dma_start3A_228, %dma_start3A_229] : memref<4000x2x80xi32, #tpu.memory_space<hbm>> -> memref<1x2x80xi32, #tpu.memory_space<hbm>>
            %dma_start3A_231 = tpu.memref_squeeze %dma_start3A_230 : memref<1x2x80xi32, #tpu.memory_space<hbm>> -> memref<2x80xi32, #tpu.memory_space<hbm>>
            %dma_start3A_232 = arith.constant 0 : i32
            %dma_start3A_233 = arith.constant 0 : i32
            %dma_start3A_234 = tpu.memref_slice %arg2[%add3A_220, %dma_start3A_232, %dma_start3A_233] : memref<4000x2x80xi32, #tpu.memory_space<hbm>> -> memref<1x2x80xi32, #tpu.memory_space<hbm>>
            %dma_start3A_235 = tpu.memref_squeeze %dma_start3A_234 : memref<1x2x80xi32, #tpu.memory_space<hbm>> -> memref<2x80xi32, #tpu.memory_space<hbm>>
            tpu.enqueue_dma source(%dma_start3A_235 : memref<2x80xi32, #tpu.memory_space<hbm>>) target(%arg8 : memref<2x80xi32, #tpu.memory_space<vmem>>) target_semaphore(%run_scoped3A : memref<!tpu.dma_semaphore, #tpu.memory_space<semaphore_mem>>)
            %dma_wait3A_236 = arith.constant 0 : i32
            %dma_wait3A_237 = arith.constant 0 : i32
            %dma_wait3A_238 = tpu.memref_slice %arg2[%add3A_220, %dma_wait3A_236, %dma_wait3A_237] : memref<4000x2x80xi32, #tpu.memory_space<hbm>> -> memref<1x2x80xi32, #tpu.memory_space<hbm>>
            %dma_wait3A_239 = tpu.memref_squeeze %dma_wait3A_238 : memref<1x2x80xi32, #tpu.memory_space<hbm>> -> memref<2x80xi32, #tpu.memory_space<hbm>>
            %dma_wait3A_240 = arith.constant 0 : i32
            %dma_wait3A_241 = arith.constant 0 : i32
            %dma_wait3A_242 = tpu.memref_slice %arg2[%add3A_220, %dma_wait3A_240, %dma_wait3A_241] : memref<4000x2x80xi32, #tpu.memory_space<hbm>> -> memref<1x2x80xi32, #tpu.memory_space<hbm>>
            %dma_wait3A_243 = tpu.memref_squeeze %dma_wait3A_242 : memref<1x2x80xi32, #tpu.memory_space<hbm>> -> memref<2x80xi32, #tpu.memory_space<hbm>>
            tpu.wait_dma2 semaphore(%run_scoped3A : memref<!tpu.dma_semaphore, #tpu.memory_space<semaphore_mem>>) src(%dma_wait3A_243 : memref<2x80xi32, #tpu.memory_space<hbm>>) dst(%arg8 : memref<2x80xi32, #tpu.memory_space<vmem>>)
            tpu.yield
          }) : () -> ()
          %dma_start3A_221 = arith.constant 0 : i32
          %dma_start3A_222 = arith.constant 0 : i32
          %dma_start3A_223 = tpu.memref_slice %arg8[%dma_start3A_221, %dma_start3A_222] : memref<2x80xi32, #tpu.memory_space<vmem>> -> memref<1x80xi32, #tpu.memory_space<vmem>>
          %dma_start3A_224 = tpu.memref_squeeze %dma_start3A_223 : memref<1x80xi32, #tpu.memory_space<vmem>> -> memref<80xi32, #tpu.memory_space<vmem>>
          %dma_start3A_225 = arith.constant 0 : i32
          %dma_start3A_226 = arith.constant 0 : i32
          %dma_start3A_227 = tpu.memref_slice %arg4[%dma_start3A_225, %dma_start3A_226] : memref<10000x128xf32, #tpu.memory_space<hbm>> -> memref<10000x128xf32, #tpu.memory_space<hbm>>
          tpu.enqueue_indirect_dma source(%dma_start3A_227 : memref<10000x128xf32, #tpu.memory_space<hbm>>) target(%arg12 : memref<80x128xf32, #tpu.memory_space<vmem>>) offsets(%dma_start3A_224 : memref<80xi32, #tpu.memory_space<vmem>>) semaphore(%arg17 : memref<!tpu.dma_semaphore, #tpu.memory_space<semaphore_mem>>)
        } else {
        }
        %dma_wait3A_176 = arith.constant 0 : i32
        %dma_wait3A_177 = arith.constant 0 : i32
        %dma_wait3A_178 = tpu.memref_slice %arg10[%dma_wait3A_176, %dma_wait3A_177] : memref<2x80xi32, #tpu.memory_space<vmem>> -> memref<1x80xi32, #tpu.memory_space<vmem>>
        %dma_wait3A_179 = tpu.memref_squeeze %dma_wait3A_178 : memref<1x80xi32, #tpu.memory_space<vmem>> -> memref<80xi32, #tpu.memory_space<vmem>>
        %dma_wait3A_180 = arith.constant 0 : i32
        %dma_wait3A_181 = arith.constant 0 : i32
        %dma_wait3A_182 = tpu.memref_slice %arg4[%dma_wait3A_180, %dma_wait3A_181] : memref<10000x128xf32, #tpu.memory_space<hbm>> -> memref<10000x128xf32, #tpu.memory_space<hbm>>
        tpu.wait_indirect_dma semaphore(%arg19 : memref<!tpu.dma_semaphore, #tpu.memory_space<semaphore_mem>>) src(%dma_wait3A_182 : memref<10000x128xf32, #tpu.memory_space<hbm>>) dst(%arg14 : memref<80x128xf32, #tpu.memory_space<vmem>>)
        %dma_start3A_183 = arith.constant 1 : i32
        %dma_start3A_184 = arith.constant 0 : i32
        %dma_start3A_185 = tpu.memref_slice %arg10[%dma_start3A_183, %dma_start3A_184] : memref<2x80xi32, #tpu.memory_space<vmem>> -> memref<1x80xi32, #tpu.memory_space<vmem>>
        %dma_start3A_186 = tpu.memref_squeeze %dma_start3A_185 : memref<1x80xi32, #tpu.memory_space<vmem>> -> memref<80xi32, #tpu.memory_space<vmem>>
        %dma_start3A_187 = arith.constant 0 : i32
        %dma_start3A_188 = arith.constant 0 : i32
        %dma_start3A_189 = tpu.memref_slice %arg16[%dma_start3A_187, %dma_start3A_188] : memref<10016x128xf32, #tpu.memory_space<vmem_shared>> -> memref<10016x128xf32, #tpu.memory_space<vmem_shared>>
        tpu.enqueue_indirect_dma source(%arg14 : memref<80x128xf32, #tpu.memory_space<vmem>>) target(%dma_start3A_189 : memref<10016x128xf32, #tpu.memory_space<vmem_shared>>) offsets(%dma_start3A_186 : memref<80xi32, #tpu.memory_space<vmem>>) semaphore(%arg23 : memref<!tpu.dma_semaphore, #tpu.memory_space<semaphore_mem>>) {add = true}
        %add3A_190 = arith.constant 3 : i32
        %add3A_191 = arith.addi %mul3A_107, %add3A_190 : i32
        %ge3A_192 = arith.constant 2 : i32
        %ge3A_193 = arith.cmpi sge, %add3A_191, %ge3A_192 : i32
        %convert_element_type3A_194 = arith.extui %ge3A_193 : i1 to i32
        %cond3A_195 = arith.constant 0 : i32
        %cond3A_196 = arith.cmpi ne, %convert_element_type3A_194, %cond3A_195 : i32
        scf.if %cond3A_196 {
          %dma_wait3A_218 = arith.constant 1 : i32
          %dma_wait3A_219 = arith.constant 0 : i32
          %dma_wait3A_220 = tpu.memref_slice %arg9[%dma_wait3A_218, %dma_wait3A_219] : memref<2x80xi32, #tpu.memory_space<vmem>> -> memref<1x80xi32, #tpu.memory_space<vmem>>
          %dma_wait3A_221 = tpu.memref_squeeze %dma_wait3A_220 : memref<1x80xi32, #tpu.memory_space<vmem>> -> memref<80xi32, #tpu.memory_space<vmem>>
          %dma_wait3A_222 = arith.constant 0 : i32
          %dma_wait3A_223 = arith.constant 0 : i32
          %dma_wait3A_224 = tpu.memref_slice %arg16[%dma_wait3A_222, %dma_wait3A_223] : memref<10016x128xf32, #tpu.memory_space<vmem_shared>> -> memref<10016x128xf32, #tpu.memory_space<vmem_shared>>
          tpu.wait_indirect_dma semaphore(%arg22 : memref<!tpu.dma_semaphore, #tpu.memory_space<semaphore_mem>>) src(%arg13 : memref<80x128xf32, #tpu.memory_space<vmem>>) dst(%dma_wait3A_224 : memref<10016x128xf32, #tpu.memory_space<vmem_shared>>)
        } else {
        }
        %add3A_197 = arith.constant 2 : i32
        %add3A_198 = arith.addi %add3A_191, %add3A_197 : i32
        %lt3A_199 = arith.constant 250 : i32
        %lt3A_200 = arith.cmpi slt, %add3A_198, %lt3A_199 : i32
        %convert_element_type3A_201 = arith.extui %lt3A_200 : i1 to i32
        %cond3A_202 = arith.constant 0 : i32
        %cond3A_203 = arith.cmpi ne, %convert_element_type3A_201, %cond3A_202 : i32
        scf.if %cond3A_203 {
          %add3A_218 = arith.constant 2 : i32
          %add3A_219 = arith.addi %add3A_191, %add3A_218 : i32
          %add3A_220 = arith.addi %mul3A_24, %add3A_219 : i32
          "tpu.region"() ({
            %run_scoped3A = tpu.sem_alloc : memref<!tpu.dma_semaphore, #tpu.memory_space<semaphore_mem>>
            %dma_start3A_228 = arith.constant 0 : i32
            %dma_start3A_229 = arith.constant 0 : i32
            %dma_start3A_230 = tpu.memref_slice %arg2[%add3A_220, %dma_start3A_228, %dma_start3A_229] : memref<4000x2x80xi32, #tpu.memory_space<hbm>> -> memref<1x2x80xi32, #tpu.memory_space<hbm>>
            %dma_start3A_231 = tpu.memref_squeeze %dma_start3A_230 : memref<1x2x80xi32, #tpu.memory_space<hbm>> -> memref<2x80xi32, #tpu.memory_space<hbm>>
            %dma_start3A_232 = arith.constant 0 : i32
            %dma_start3A_233 = arith.constant 0 : i32
            %dma_start3A_234 = tpu.memref_slice %arg2[%add3A_220, %dma_start3A_232, %dma_start3A_233] : memref<4000x2x80xi32, #tpu.memory_space<hbm>> -> memref<1x2x80xi32, #tpu.memory_space<hbm>>
            %dma_start3A_235 = tpu.memref_squeeze %dma_start3A_234 : memref<1x2x80xi32, #tpu.memory_space<hbm>> -> memref<2x80xi32, #tpu.memory_space<hbm>>
            tpu.enqueue_dma source(%dma_start3A_235 : memref<2x80xi32, #tpu.memory_space<hbm>>) target(%arg9 : memref<2x80xi32, #tpu.memory_space<vmem>>) target_semaphore(%run_scoped3A : memref<!tpu.dma_semaphore, #tpu.memory_space<semaphore_mem>>)
            %dma_wait3A_236 = arith.constant 0 : i32
            %dma_wait3A_237 = arith.constant 0 : i32
            %dma_wait3A_238 = tpu.memref_slice %arg2[%add3A_220, %dma_wait3A_236, %dma_wait3A_237] : memref<4000x2x80xi32, #tpu.memory_space<hbm>> -> memref<1x2x80xi32, #tpu.memory_space<hbm>>
            %dma_wait3A_239 = tpu.memref_squeeze %dma_wait3A_238 : memref<1x2x80xi32, #tpu.memory_space<hbm>> -> memref<2x80xi32, #tpu.memory_space<hbm>>
            %dma_wait3A_240 = arith.constant 0 : i32
            %dma_wait3A_241 = arith.constant 0 : i32
            %dma_wait3A_242 = tpu.memref_slice %arg2[%add3A_220, %dma_wait3A_240, %dma_wait3A_241] : memref<4000x2x80xi32, #tpu.memory_space<hbm>> -> memref<1x2x80xi32, #tpu.memory_space<hbm>>
            %dma_wait3A_243 = tpu.memref_squeeze %dma_wait3A_242 : memref<1x2x80xi32, #tpu.memory_space<hbm>> -> memref<2x80xi32, #tpu.memory_space<hbm>>
            tpu.wait_dma2 semaphore(%run_scoped3A : memref<!tpu.dma_semaphore, #tpu.memory_space<semaphore_mem>>) src(%dma_wait3A_243 : memref<2x80xi32, #tpu.memory_space<hbm>>) dst(%arg9 : memref<2x80xi32, #tpu.memory_space<vmem>>)
            tpu.yield
          }) : () -> ()
          %dma_start3A_221 = arith.constant 0 : i32
          %dma_start3A_222 = arith.constant 0 : i32
          %dma_start3A_223 = tpu.memref_slice %arg9[%dma_start3A_221, %dma_start3A_222] : memref<2x80xi32, #tpu.memory_space<vmem>> -> memref<1x80xi32, #tpu.memory_space<vmem>>
          %dma_start3A_224 = tpu.memref_squeeze %dma_start3A_223 : memref<1x80xi32, #tpu.memory_space<vmem>> -> memref<80xi32, #tpu.memory_space<vmem>>
          %dma_start3A_225 = arith.constant 0 : i32
          %dma_start3A_226 = arith.constant 0 : i32
          %dma_start3A_227 = tpu.memref_slice %arg4[%dma_start3A_225, %dma_start3A_226] : memref<10000x128xf32, #tpu.memory_space<hbm>> -> memref<10000x128xf32, #tpu.memory_space<hbm>>
          tpu.enqueue_indirect_dma source(%dma_start3A_227 : memref<10000x128xf32, #tpu.memory_space<hbm>>) target(%arg13 : memref<80x128xf32, #tpu.memory_space<vmem>>) offsets(%dma_start3A_224 : memref<80xi32, #tpu.memory_space<vmem>>) semaphore(%arg18 : memref<!tpu.dma_semaphore, #tpu.memory_space<semaphore_mem>>)
        } else {
        }
        %dma_wait3A_204 = arith.constant 0 : i32
        %dma_wait3A_205 = arith.constant 0 : i32
        %dma_wait3A_206 = tpu.memref_slice %arg11[%dma_wait3A_204, %dma_wait3A_205] : memref<2x80xi32, #tpu.memory_space<vmem>> -> memref<1x80xi32, #tpu.memory_space<vmem>>
        %dma_wait3A_207 = tpu.memref_squeeze %dma_wait3A_206 : memref<1x80xi32, #tpu.memory_space<vmem>> -> memref<80xi32, #tpu.memory_space<vmem>>
        %dma_wait3A_208 = arith.constant 0 : i32
        %dma_wait3A_209 = arith.constant 0 : i32
        %dma_wait3A_210 = tpu.memref_slice %arg4[%dma_wait3A_208, %dma_wait3A_209] : memref<10000x128xf32, #tpu.memory_space<hbm>> -> memref<10000x128xf32, #tpu.memory_space<hbm>>
        tpu.wait_indirect_dma semaphore(%arg20 : memref<!tpu.dma_semaphore, #tpu.memory_space<semaphore_mem>>) src(%dma_wait3A_210 : memref<10000x128xf32, #tpu.memory_space<hbm>>) dst(%arg15 : memref<80x128xf32, #tpu.memory_space<vmem>>)
        %dma_start3A_211 = arith.constant 1 : i32
        %dma_start3A_212 = arith.constant 0 : i32
        %dma_start3A_213 = tpu.memref_slice %arg11[%dma_start3A_211, %dma_start3A_212] : memref<2x80xi32, #tpu.memory_space<vmem>> -> memref<1x80xi32, #tpu.memory_space<vmem>>
        %dma_start3A_214 = tpu.memref_squeeze %dma_start3A_213 : memref<1x80xi32, #tpu.memory_space<vmem>> -> memref<80xi32, #tpu.memory_space<vmem>>
        %dma_start3A_215 = arith.constant 0 : i32
        %dma_start3A_216 = arith.constant 0 : i32
        %dma_start3A_217 = tpu.memref_slice %arg16[%dma_start3A_215, %dma_start3A_216] : memref<10016x128xf32, #tpu.memory_space<vmem_shared>> -> memref<10016x128xf32, #tpu.memory_space<vmem_shared>>
        tpu.enqueue_indirect_dma source(%arg15 : memref<80x128xf32, #tpu.memory_space<vmem>>) target(%dma_start3A_217 : memref<10016x128xf32, #tpu.memory_space<vmem_shared>>) offsets(%dma_start3A_214 : memref<80xi32, #tpu.memory_space<vmem>>) semaphore(%arg24 : memref<!tpu.dma_semaphore, #tpu.memory_space<semaphore_mem>>) {add = true}
      }
      %scan3A_45 = arith.constant 62 : i32
      %dma_wait3A = arith.constant 1 : i32
      %dma_wait3A_46 = arith.constant 0 : i32
      %dma_wait3A_47 = tpu.memref_slice %arg10[%dma_wait3A, %dma_wait3A_46] : memref<2x80xi32, #tpu.memory_space<vmem>> -> memref<1x80xi32, #tpu.memory_space<vmem>>
      %dma_wait3A_48 = tpu.memref_squeeze %dma_wait3A_47 : memref<1x80xi32, #tpu.memory_space<vmem>> -> memref<80xi32, #tpu.memory_space<vmem>>
      %dma_wait3A_49 = arith.constant 0 : i32
      %dma_wait3A_50 = arith.constant 0 : i32
      %dma_wait3A_51 = tpu.memref_slice %arg16[%dma_wait3A_49, %dma_wait3A_50] : memref<10016x128xf32, #tpu.memory_space<vmem_shared>> -> memref<10016x128xf32, #tpu.memory_space<vmem_shared>>
      tpu.wait_indirect_dma semaphore(%arg23 : memref<!tpu.dma_semaphore, #tpu.memory_space<semaphore_mem>>) src(%arg14 : memref<80x128xf32, #tpu.memory_space<vmem>>) dst(%dma_wait3A_51 : memref<10016x128xf32, #tpu.memory_space<vmem_shared>>)
      %dma_wait3A_52 = arith.constant 0 : i32
      %dma_wait3A_53 = arith.constant 0 : i32
      %dma_wait3A_54 = tpu.memref_slice %arg8[%dma_wait3A_52, %dma_wait3A_53] : memref<2x80xi32, #tpu.memory_space<vmem>> -> memref<1x80xi32, #tpu.memory_space<vmem>>
      %dma_wait3A_55 = tpu.memref_squeeze %dma_wait3A_54 : memref<1x80xi32, #tpu.memory_space<vmem>> -> memref<80xi32, #tpu.memory_space<vmem>>
      %dma_wait3A_56 = arith.constant 0 : i32
      %dma_wait3A_57 = arith.constant 0 : i32
      %dma_wait3A_58 = tpu.memref_slice %arg4[%dma_wait3A_56, %dma_wait3A_57] : memref<10000x128xf32, #tpu.memory_space<hbm>> -> memref<10000x128xf32, #tpu.memory_space<hbm>>
      tpu.wait_indirect_dma semaphore(%arg17 : memref<!tpu.dma_semaphore, #tpu.memory_space<semaphore_mem>>) src(%dma_wait3A_58 : memref<10000x128xf32, #tpu.memory_space<hbm>>) dst(%arg12 : memref<80x128xf32, #tpu.memory_space<vmem>>)
      %dma_start3A_59 = arith.constant 1 : i32
      %dma_start3A_60 = arith.constant 0 : i32
      %dma_start3A_61 = tpu.memref_slice %arg8[%dma_start3A_59, %dma_start3A_60] : memref<2x80xi32, #tpu.memory_space<vmem>> -> memref<1x80xi32, #tpu.memory_space<vmem>>
      %dma_start3A_62 = tpu.memref_squeeze %dma_start3A_61 : memref<1x80xi32, #tpu.memory_space<vmem>> -> memref<80xi32, #tpu.memory_space<vmem>>
      %dma_start3A_63 = arith.constant 0 : i32
      %dma_start3A_64 = arith.constant 0 : i32
      %dma_start3A_65 = tpu.memref_slice %arg16[%dma_start3A_63, %dma_start3A_64] : memref<10016x128xf32, #tpu.memory_space<vmem_shared>> -> memref<10016x128xf32, #tpu.memory_space<vmem_shared>>
      tpu.enqueue_indirect_dma source(%arg12 : memref<80x128xf32, #tpu.memory_space<vmem>>) target(%dma_start3A_65 : memref<10016x128xf32, #tpu.memory_space<vmem_shared>>) offsets(%dma_start3A_62 : memref<80xi32, #tpu.memory_space<vmem>>) semaphore(%arg21 : memref<!tpu.dma_semaphore, #tpu.memory_space<semaphore_mem>>) {add = true}
      %dma_wait3A_66 = arith.constant 1 : i32
      %dma_wait3A_67 = arith.constant 0 : i32
      %dma_wait3A_68 = tpu.memref_slice %arg11[%dma_wait3A_66, %dma_wait3A_67] : memref<2x80xi32, #tpu.memory_space<vmem>> -> memref<1x80xi32, #tpu.memory_space<vmem>>
      %dma_wait3A_69 = tpu.memref_squeeze %dma_wait3A_68 : memref<1x80xi32, #tpu.memory_space<vmem>> -> memref<80xi32, #tpu.memory_space<vmem>>
      %dma_wait3A_70 = arith.constant 0 : i32
      %dma_wait3A_71 = arith.constant 0 : i32
      %dma_wait3A_72 = tpu.memref_slice %arg16[%dma_wait3A_70, %dma_wait3A_71] : memref<10016x128xf32, #tpu.memory_space<vmem_shared>> -> memref<10016x128xf32, #tpu.memory_space<vmem_shared>>
      tpu.wait_indirect_dma semaphore(%arg24 : memref<!tpu.dma_semaphore, #tpu.memory_space<semaphore_mem>>) src(%arg15 : memref<80x128xf32, #tpu.memory_space<vmem>>) dst(%dma_wait3A_72 : memref<10016x128xf32, #tpu.memory_space<vmem_shared>>)
      %dma_wait3A_73 = arith.constant 0 : i32
      %dma_wait3A_74 = arith.constant 0 : i32
      %dma_wait3A_75 = tpu.memref_slice %arg9[%dma_wait3A_73, %dma_wait3A_74] : memref<2x80xi32, #tpu.memory_space<vmem>> -> memref<1x80xi32, #tpu.memory_space<vmem>>
      %dma_wait3A_76 = tpu.memref_squeeze %dma_wait3A_75 : memref<1x80xi32, #tpu.memory_space<vmem>> -> memref<80xi32, #tpu.memory_space<vmem>>
      %dma_wait3A_77 = arith.constant 0 : i32
      %dma_wait3A_78 = arith.constant 0 : i32
      %dma_wait3A_79 = tpu.memref_slice %arg4[%dma_wait3A_77, %dma_wait3A_78] : memref<10000x128xf32, #tpu.memory_space<hbm>> -> memref<10000x128xf32, #tpu.memory_space<hbm>>
      tpu.wait_indirect_dma semaphore(%arg18 : memref<!tpu.dma_semaphore, #tpu.memory_space<semaphore_mem>>) src(%dma_wait3A_79 : memref<10000x128xf32, #tpu.memory_space<hbm>>) dst(%arg13 : memref<80x128xf32, #tpu.memory_space<vmem>>)
      %dma_start3A_80 = arith.constant 1 : i32
      %dma_start3A_81 = arith.constant 0 : i32
      %dma_start3A_82 = tpu.memref_slice %arg9[%dma_start3A_80, %dma_start3A_81] : memref<2x80xi32, #tpu.memory_space<vmem>> -> memref<1x80xi32, #tpu.memory_space<vmem>>
      %dma_start3A_83 = tpu.memref_squeeze %dma_start3A_82 : memref<1x80xi32, #tpu.memory_space<vmem>> -> memref<80xi32, #tpu.memory_space<vmem>>
      %dma_start3A_84 = arith.constant 0 : i32
      %dma_start3A_85 = arith.constant 0 : i32
      %dma_start3A_86 = tpu.memref_slice %arg16[%dma_start3A_84, %dma_start3A_85] : memref<10016x128xf32, #tpu.memory_space<vmem_shared>> -> memref<10016x128xf32, #tpu.memory_space<vmem_shared>>
      tpu.enqueue_indirect_dma source(%arg13 : memref<80x128xf32, #tpu.memory_space<vmem>>) target(%dma_start3A_86 : memref<10016x128xf32, #tpu.memory_space<vmem_shared>>) offsets(%dma_start3A_83 : memref<80xi32, #tpu.memory_space<vmem>>) semaphore(%arg22 : memref<!tpu.dma_semaphore, #tpu.memory_space<semaphore_mem>>) {add = true}
      %dma_wait3A_87 = arith.constant 1 : i32
      %dma_wait3A_88 = arith.constant 0 : i32
      %dma_wait3A_89 = tpu.memref_slice %arg8[%dma_wait3A_87, %dma_wait3A_88] : memref<2x80xi32, #tpu.memory_space<vmem>> -> memref<1x80xi32, #tpu.memory_space<vmem>>
      %dma_wait3A_90 = tpu.memref_squeeze %dma_wait3A_89 : memref<1x80xi32, #tpu.memory_space<vmem>> -> memref<80xi32, #tpu.memory_space<vmem>>
      %dma_wait3A_91 = arith.constant 0 : i32
      %dma_wait3A_92 = arith.constant 0 : i32
      %dma_wait3A_93 = tpu.memref_slice %arg16[%dma_wait3A_91, %dma_wait3A_92] : memref<10016x128xf32, #tpu.memory_space<vmem_shared>> -> memref<10016x128xf32, #tpu.memory_space<vmem_shared>>
      tpu.wait_indirect_dma semaphore(%arg21 : memref<!tpu.dma_semaphore, #tpu.memory_space<semaphore_mem>>) src(%arg12 : memref<80x128xf32, #tpu.memory_space<vmem>>) dst(%dma_wait3A_93 : memref<10016x128xf32, #tpu.memory_space<vmem_shared>>)
      %dma_wait3A_94 = arith.constant 1 : i32
      %dma_wait3A_95 = arith.constant 0 : i32
      %dma_wait3A_96 = tpu.memref_slice %arg9[%dma_wait3A_94, %dma_wait3A_95] : memref<2x80xi32, #tpu.memory_space<vmem>> -> memref<1x80xi32, #tpu.memory_space<vmem>>
      %dma_wait3A_97 = tpu.memref_squeeze %dma_wait3A_96 : memref<1x80xi32, #tpu.memory_space<vmem>> -> memref<80xi32, #tpu.memory_space<vmem>>
      %dma_wait3A_98 = arith.constant 0 : i32
      %dma_wait3A_99 = arith.constant 0 : i32
      %dma_wait3A_100 = tpu.memref_slice %arg16[%dma_wait3A_98, %dma_wait3A_99] : memref<10016x128xf32, #tpu.memory_space<vmem_shared>> -> memref<10016x128xf32, #tpu.memory_space<vmem_shared>>
      tpu.wait_indirect_dma semaphore(%arg22 : memref<!tpu.dma_semaphore, #tpu.memory_space<semaphore_mem>>) src(%arg13 : memref<80x128xf32, #tpu.memory_space<vmem>>) dst(%dma_wait3A_100 : memref<10016x128xf32, #tpu.memory_space<vmem_shared>>)
    } else {
    }
    %barrier3A = arith.constant 0 : index
    tpu.barrier barrier_id(%barrier3A)
    %eq3A_13 = arith.constant 0 : i32
    %eq3A_14 = arith.cmpi eq, %arg0, %eq3A_13 : i32
    %convert_element_type3A_15 = arith.extui %eq3A_14 : i1 to i32
    %cond3A_16 = arith.constant 0 : i32
    %cond3A_17 = arith.cmpi ne, %convert_element_type3A_15, %cond3A_16 : i32
    scf.if %cond3A_17 {
      "tpu.region"() ({
        %run_scoped3A = tpu.sem_alloc : memref<!tpu.dma_semaphore, #tpu.memory_space<semaphore_mem>>
        %dma_start3A = arith.constant 0 : i32
        %dma_start3A_28 = tpu.memref_slice %arg6[%multiple_of3A, %dma_start3A] : memref<10000x128xf32, #tpu.memory_space<hbm>> -> memref<624x128xf32, #tpu.memory_space<hbm>>
        %dma_start3A_29 = arith.constant 0 : i32
        %dma_start3A_30 = tpu.memref_slice %arg16[%multiple_of3A, %dma_start3A_29] : memref<10016x128xf32, #tpu.memory_space<vmem_shared>> -> memref<624x128xf32, #tpu.memory_space<vmem_shared>>
        tpu.enqueue_dma source(%dma_start3A_30 : memref<624x128xf32, #tpu.memory_space<vmem_shared>>) target(%dma_start3A_28 : memref<624x128xf32, #tpu.memory_space<hbm>>) target_semaphore(%run_scoped3A : memref<!tpu.dma_semaphore, #tpu.memory_space<semaphore_mem>>)
        %dma_wait3A = arith.constant 0 : i32
        %dma_wait3A_31 = tpu.memref_slice %arg6[%multiple_of3A, %dma_wait3A] : memref<10000x128xf32, #tpu.memory_space<hbm>> -> memref<624x128xf32, #tpu.memory_space<hbm>>
        %dma_wait3A_32 = arith.constant 0 : i32
        %dma_wait3A_33 = tpu.memref_slice %arg16[%multiple_of3A, %dma_wait3A_32] : memref<10016x128xf32, #tpu.memory_space<vmem_shared>> -> memref<624x128xf32, #tpu.memory_space<vmem_shared>>
        tpu.wait_dma2 semaphore(%run_scoped3A : memref<!tpu.dma_semaphore, #tpu.memory_space<semaphore_mem>>) src(%dma_wait3A_33 : memref<624x128xf32, #tpu.memory_space<vmem_shared>>) dst(%dma_wait3A_31 : memref<624x128xf32, #tpu.memory_space<hbm>>)
        tpu.yield
      }) : () -> ()
      %eq3A_23 = arith.constant 15 : i32
      %eq3A_24 = arith.cmpi eq, %arg1, %eq3A_23 : i32
      %convert_element_type3A_25 = arith.extui %eq3A_24 : i1 to i32
      %cond3A_26 = arith.constant 0 : i32
      %cond3A_27 = arith.cmpi ne, %convert_element_type3A_25, %cond3A_26 : i32
      scf.if %cond3A_27 {
        "tpu.region"() ({
          %run_scoped3A = tpu.sem_alloc : memref<!tpu.dma_semaphore, #tpu.memory_space<semaphore_mem>>
          %dma_start3A = arith.constant 9984 : i32
          %dma_start3A_28 = arith.constant 0 : i32
          %dma_start3A_29 = tpu.memref_slice %arg6[%dma_start3A, %dma_start3A_28] : memref<10000x128xf32, #tpu.memory_space<hbm>> -> memref<16x128xf32, #tpu.memory_space<hbm>>
          %dma_start3A_30 = arith.constant 9984 : i32
          %dma_start3A_31 = arith.constant 0 : i32
          %dma_start3A_32 = tpu.memref_slice %arg16[%dma_start3A_30, %dma_start3A_31] : memref<10016x128xf32, #tpu.memory_space<vmem_shared>> -> memref<16x128xf32, #tpu.memory_space<vmem_shared>>
          tpu.enqueue_dma source(%dma_start3A_32 : memref<16x128xf32, #tpu.memory_space<vmem_shared>>) target(%dma_start3A_29 : memref<16x128xf32, #tpu.memory_space<hbm>>) target_semaphore(%run_scoped3A : memref<!tpu.dma_semaphore, #tpu.memory_space<semaphore_mem>>)
          %dma_wait3A = arith.constant 9984 : i32
          %dma_wait3A_33 = arith.constant 0 : i32
          %dma_wait3A_34 = tpu.memref_slice %arg6[%dma_wait3A, %dma_wait3A_33] : memref<10000x128xf32, #tpu.memory_space<hbm>> -> memref<16x128xf32, #tpu.memory_space<hbm>>
          %dma_wait3A_35 = arith.constant 9984 : i32
          %dma_wait3A_36 = arith.constant 0 : i32
          %dma_wait3A_37 = tpu.memref_slice %arg16[%dma_wait3A_35, %dma_wait3A_36] : memref<10016x128xf32, #tpu.memory_space<vmem_shared>> -> memref<16x128xf32, #tpu.memory_space<vmem_shared>>
          tpu.wait_dma2 semaphore(%run_scoped3A : memref<!tpu.dma_semaphore, #tpu.memory_space<semaphore_mem>>) src(%dma_wait3A_37 : memref<16x128xf32, #tpu.memory_space<vmem_shared>>) dst(%dma_wait3A_34 : memref<16x128xf32, #tpu.memory_space<hbm>>)
          tpu.yield
        }) : () -> ()
      } else {
      }
    } else {
    }
    %eq3A_18 = arith.constant 1 : i32
    %eq3A_19 = arith.cmpi eq, %arg0, %eq3A_18 : i32
    %convert_element_type3A_20 = arith.extui %eq3A_19 : i1 to i32
    %cond3A_21 = arith.constant 0 : i32
    %cond3A_22 = arith.cmpi ne, %convert_element_type3A_20, %cond3A_21 : i32
    scf.if %cond3A_22 {
      "tpu.region"() ({
        %run_scoped3A = tpu.sem_alloc : memref<!tpu.dma_semaphore, #tpu.memory_space<semaphore_mem>>
        %dma_start3A = arith.constant 0 : i32
        %dma_start3A_28 = tpu.memref_slice %arg7[%multiple_of3A, %dma_start3A] : memref<10000x128xf32, #tpu.memory_space<hbm>> -> memref<624x128xf32, #tpu.memory_space<hbm>>
        %dma_start3A_29 = arith.constant 0 : i32
        %dma_start3A_30 = tpu.memref_slice %arg16[%multiple_of3A, %dma_start3A_29] : memref<10016x128xf32, #tpu.memory_space<vmem_shared>> -> memref<624x128xf32, #tpu.memory_space<vmem_shared>>
        tpu.enqueue_dma source(%dma_start3A_30 : memref<624x128xf32, #tpu.memory_space<vmem_shared>>) target(%dma_start3A_28 : memref<624x128xf32, #tpu.memory_space<hbm>>) target_semaphore(%run_scoped3A : memref<!tpu.dma_semaphore, #tpu.memory_space<semaphore_mem>>)
        %dma_wait3A = arith.constant 0 : i32
        %dma_wait3A_31 = tpu.memref_slice %arg7[%multiple_of3A, %dma_wait3A] : memref<10000x128xf32, #tpu.memory_space<hbm>> -> memref<624x128xf32, #tpu.memory_space<hbm>>
        %dma_wait3A_32 = arith.constant 0 : i32
        %dma_wait3A_33 = tpu.memref_slice %arg16[%multiple_of3A, %dma_wait3A_32] : memref<10016x128xf32, #tpu.memory_space<vmem_shared>> -> memref<624x128xf32, #tpu.memory_space<vmem_shared>>
        tpu.wait_dma2 semaphore(%run_scoped3A : memref<!tpu.dma_semaphore, #tpu.memory_space<semaphore_mem>>) src(%dma_wait3A_33 : memref<624x128xf32, #tpu.memory_space<vmem_shared>>) dst(%dma_wait3A_31 : memref<624x128xf32, #tpu.memory_space<hbm>>)
        tpu.yield
      }) : () -> ()
      %eq3A_23 = arith.constant 15 : i32
      %eq3A_24 = arith.cmpi eq, %arg1, %eq3A_23 : i32
      %convert_element_type3A_25 = arith.extui %eq3A_24 : i1 to i32
      %cond3A_26 = arith.constant 0 : i32
      %cond3A_27 = arith.cmpi ne, %convert_element_type3A_25, %cond3A_26 : i32
      scf.if %cond3A_27 {
        "tpu.region"() ({
          %run_scoped3A = tpu.sem_alloc : memref<!tpu.dma_semaphore, #tpu.memory_space<semaphore_mem>>
          %dma_start3A = arith.constant 9984 : i32
          %dma_start3A_28 = arith.constant 0 : i32
          %dma_start3A_29 = tpu.memref_slice %arg7[%dma_start3A, %dma_start3A_28] : memref<10000x128xf32, #tpu.memory_space<hbm>> -> memref<16x128xf32, #tpu.memory_space<hbm>>
          %dma_start3A_30 = arith.constant 9984 : i32
          %dma_start3A_31 = arith.constant 0 : i32
          %dma_start3A_32 = tpu.memref_slice %arg16[%dma_start3A_30, %dma_start3A_31] : memref<10016x128xf32, #tpu.memory_space<vmem_shared>> -> memref<16x128xf32, #tpu.memory_space<vmem_shared>>
          tpu.enqueue_dma source(%dma_start3A_32 : memref<16x128xf32, #tpu.memory_space<vmem_shared>>) target(%dma_start3A_29 : memref<16x128xf32, #tpu.memory_space<hbm>>) target_semaphore(%run_scoped3A : memref<!tpu.dma_semaphore, #tpu.memory_space<semaphore_mem>>)
          %dma_wait3A = arith.constant 9984 : i32
          %dma_wait3A_33 = arith.constant 0 : i32
          %dma_wait3A_34 = tpu.memref_slice %arg7[%dma_wait3A, %dma_wait3A_33] : memref<10000x128xf32, #tpu.memory_space<hbm>> -> memref<16x128xf32, #tpu.memory_space<hbm>>
          %dma_wait3A_35 = arith.constant 9984 : i32
          %dma_wait3A_36 = arith.constant 0 : i32
          %dma_wait3A_37 = tpu.memref_slice %arg16[%dma_wait3A_35, %dma_wait3A_36] : memref<10016x128xf32, #tpu.memory_space<vmem_shared>> -> memref<16x128xf32, #tpu.memory_space<vmem_shared>>
          tpu.wait_dma2 semaphore(%run_scoped3A : memref<!tpu.dma_semaphore, #tpu.memory_space<semaphore_mem>>) src(%dma_wait3A_37 : memref<16x128xf32, #tpu.memory_space<vmem_shared>>) dst(%dma_wait3A_34 : memref<16x128xf32, #tpu.memory_space<hbm>>)
          tpu.yield
        }) : () -> ()
      } else {
      }
    } else {
    }
    return
  }
}

#map = affine_map<(d0, d1) -> (0, 0, 0)>
#map1 = affine_map<(d0, d1) -> (0, 0)>
module attributes {stable_mosaic.version = 14 : i64} {
  func.func @agg(%arg0: i32, %arg1: i32, %arg2: memref<4000x2x80xi32, #tpu.memory_space<hbm>>, %arg3: memref<10000x128xf32, #tpu.memory_space<hbm>>, %arg4: memref<10000x128xf32, #tpu.memory_space<hbm>>, %arg5: memref<10000x128xf32, #tpu.memory_space<hbm>>, %arg6: memref<10000x128xf32, #tpu.memory_space<hbm>>, %arg7: memref<2x80xi32, #tpu.memory_space<vmem>>, %arg8: memref<2x80xi32, #tpu.memory_space<vmem>>, %arg9: memref<2x80xi32, #tpu.memory_space<vmem>>, %arg10: memref<2x80xi32, #tpu.memory_space<vmem>>, %arg11: memref<80x128xf32, #tpu.memory_space<vmem>>, %arg12: memref<80x128xf32, #tpu.memory_space<vmem>>, %arg13: memref<80x128xf32, #tpu.memory_space<vmem>>, %arg14: memref<80x128xf32, #tpu.memory_space<vmem>>, %arg15: memref<10016x128xf32, #tpu.memory_space<vmem_shared>>, %arg16: memref<!tpu.dma_semaphore, #tpu.memory_space<semaphore_mem>>, %arg17: memref<!tpu.dma_semaphore, #tpu.memory_space<semaphore_mem>>, %arg18: memref<!tpu.dma_semaphore, #tpu.memory_space<semaphore_mem>>, %arg19: memref<!tpu.dma_semaphore, #tpu.memory_space<semaphore_mem>>, %arg20: memref<!tpu.dma_semaphore, #tpu.memory_space<semaphore_mem>>, %arg21: memref<!tpu.dma_semaphore, #tpu.memory_space<semaphore_mem>>, %arg22: memref<!tpu.dma_semaphore, #tpu.memory_space<semaphore_mem>>, %arg23: memref<!tpu.dma_semaphore, #tpu.memory_space<semaphore_mem>>) attributes {dimension_semantics = [#tpu.dimension_semantics<core_parallel>, #tpu.dimension_semantics<subcore_parallel>], iteration_bounds = array<i64: 2, 16>, scalar_prefetch = 0 : i64, scratch_operands = 17 : i64, tpu.core_type = #tpu.core_type<sc_vector_subcore>, window_params = [{transform_indices = #map}, {transform_indices = #map1}, {transform_indices = #map1}, {transform_indices = #map1}, {transform_indices = #map1}]} {
    %mul3A = arith.constant 16 : i32
    %mul3A_0 = arith.muli %arg0, %mul3A : i32
    %add3A = arith.addi %mul3A_0, %arg1 : i32
    %mul3A_1 = arith.constant 624 : i32
    %mul3A_2 = arith.muli %arg1, %mul3A_1 : i32
    %multiple_of3A = tpu.assume_multiple %mul3A_2, 8 : i32
    "tpu.region"() ({
      %run_scoped3A = tpu.sem_alloc : memref<!tpu.dma_semaphore, #tpu.memory_space<semaphore_mem>>
      %dma_start3A_73 = arith.constant 0 : i32
      %dma_start3A_74 = tpu.memref_slice %arg15[%multiple_of3A, %dma_start3A_73] : memref<10016x128xf32, #tpu.memory_space<vmem_shared>> -> memref<624x128xf32, #tpu.memory_space<vmem_shared>>
      %dma_start3A_75 = arith.constant 0 : i32
      %dma_start3A_76 = tpu.memref_slice %arg4[%multiple_of3A, %dma_start3A_75] : memref<10000x128xf32, #tpu.memory_space<hbm>> -> memref<624x128xf32, #tpu.memory_space<hbm>>
      tpu.enqueue_dma source(%dma_start3A_76 : memref<624x128xf32, #tpu.memory_space<hbm>>) target(%dma_start3A_74 : memref<624x128xf32, #tpu.memory_space<vmem_shared>>) target_semaphore(%run_scoped3A : memref<!tpu.dma_semaphore, #tpu.memory_space<semaphore_mem>>)
      %dma_wait3A_77 = arith.constant 0 : i32
      %dma_wait3A_78 = tpu.memref_slice %arg15[%multiple_of3A, %dma_wait3A_77] : memref<10016x128xf32, #tpu.memory_space<vmem_shared>> -> memref<624x128xf32, #tpu.memory_space<vmem_shared>>
      %dma_wait3A_79 = arith.constant 0 : i32
      %dma_wait3A_80 = tpu.memref_slice %arg4[%multiple_of3A, %dma_wait3A_79] : memref<10000x128xf32, #tpu.memory_space<hbm>> -> memref<624x128xf32, #tpu.memory_space<hbm>>
      tpu.wait_dma2 semaphore(%run_scoped3A : memref<!tpu.dma_semaphore, #tpu.memory_space<semaphore_mem>>) src(%dma_wait3A_80 : memref<624x128xf32, #tpu.memory_space<hbm>>) dst(%dma_wait3A_78 : memref<624x128xf32, #tpu.memory_space<vmem_shared>>)
      tpu.yield
    }) : () -> ()
    %eq3A = arith.constant 15 : i32
    %eq3A_3 = arith.cmpi eq, %arg1, %eq3A : i32
    %convert_element_type3A = arith.extui %eq3A_3 : i1 to i32
    %cond3A = arith.constant 0 : i32
    %cond3A_4 = arith.cmpi ne, %convert_element_type3A, %cond3A : i32
    scf.if %cond3A_4 {
      "tpu.region"() ({
        %run_scoped3A = tpu.sem_alloc : memref<!tpu.dma_semaphore, #tpu.memory_space<semaphore_mem>>
        %dma_start3A_73 = arith.constant 9984 : i32
        %dma_start3A_74 = arith.constant 0 : i32
        %dma_start3A_75 = tpu.memref_slice %arg15[%dma_start3A_73, %dma_start3A_74] : memref<10016x128xf32, #tpu.memory_space<vmem_shared>> -> memref<16x128xf32, #tpu.memory_space<vmem_shared>>
        %dma_start3A_76 = arith.constant 9984 : i32
        %dma_start3A_77 = arith.constant 0 : i32
        %dma_start3A_78 = tpu.memref_slice %arg4[%dma_start3A_76, %dma_start3A_77] : memref<10000x128xf32, #tpu.memory_space<hbm>> -> memref<16x128xf32, #tpu.memory_space<hbm>>
        tpu.enqueue_dma source(%dma_start3A_78 : memref<16x128xf32, #tpu.memory_space<hbm>>) target(%dma_start3A_75 : memref<16x128xf32, #tpu.memory_space<vmem_shared>>) target_semaphore(%run_scoped3A : memref<!tpu.dma_semaphore, #tpu.memory_space<semaphore_mem>>)
        %dma_wait3A_79 = arith.constant 9984 : i32
        %dma_wait3A_80 = arith.constant 0 : i32
        %dma_wait3A_81 = tpu.memref_slice %arg15[%dma_wait3A_79, %dma_wait3A_80] : memref<10016x128xf32, #tpu.memory_space<vmem_shared>> -> memref<16x128xf32, #tpu.memory_space<vmem_shared>>
        %dma_wait3A_82 = arith.constant 9984 : i32
        %dma_wait3A_83 = arith.constant 0 : i32
        %dma_wait3A_84 = tpu.memref_slice %arg4[%dma_wait3A_82, %dma_wait3A_83] : memref<10000x128xf32, #tpu.memory_space<hbm>> -> memref<16x128xf32, #tpu.memory_space<hbm>>
        tpu.wait_dma2 semaphore(%run_scoped3A : memref<!tpu.dma_semaphore, #tpu.memory_space<semaphore_mem>>) src(%dma_wait3A_84 : memref<16x128xf32, #tpu.memory_space<hbm>>) dst(%dma_wait3A_81 : memref<16x128xf32, #tpu.memory_space<vmem_shared>>)
        tpu.yield
      }) : () -> ()
    } else {
    }
    %mul3A_5 = arith.constant 125 : i32
    %mul3A_6 = arith.muli %add3A, %mul3A_5 : i32
    %add3A_7 = arith.constant 0 : i32
    %add3A_8 = arith.addi %mul3A_6, %add3A_7 : i32
    "tpu.region"() ({
      %run_scoped3A = tpu.sem_alloc : memref<!tpu.dma_semaphore, #tpu.memory_space<semaphore_mem>>
      %dma_start3A_73 = arith.constant 0 : i32
      %dma_start3A_74 = arith.constant 0 : i32
      %dma_start3A_75 = tpu.memref_slice %arg2[%add3A_8, %dma_start3A_73, %dma_start3A_74] : memref<4000x2x80xi32, #tpu.memory_space<hbm>> -> memref<1x2x80xi32, #tpu.memory_space<hbm>>
      %dma_start3A_76 = tpu.memref_squeeze %dma_start3A_75 : memref<1x2x80xi32, #tpu.memory_space<hbm>> -> memref<2x80xi32, #tpu.memory_space<hbm>>
      %dma_start3A_77 = arith.constant 0 : i32
      %dma_start3A_78 = arith.constant 0 : i32
      %dma_start3A_79 = tpu.memref_slice %arg2[%add3A_8, %dma_start3A_77, %dma_start3A_78] : memref<4000x2x80xi32, #tpu.memory_space<hbm>> -> memref<1x2x80xi32, #tpu.memory_space<hbm>>
      %dma_start3A_80 = tpu.memref_squeeze %dma_start3A_79 : memref<1x2x80xi32, #tpu.memory_space<hbm>> -> memref<2x80xi32, #tpu.memory_space<hbm>>
      tpu.enqueue_dma source(%dma_start3A_80 : memref<2x80xi32, #tpu.memory_space<hbm>>) target(%arg7 : memref<2x80xi32, #tpu.memory_space<vmem>>) target_semaphore(%run_scoped3A : memref<!tpu.dma_semaphore, #tpu.memory_space<semaphore_mem>>)
      %dma_wait3A_81 = arith.constant 0 : i32
      %dma_wait3A_82 = arith.constant 0 : i32
      %dma_wait3A_83 = tpu.memref_slice %arg2[%add3A_8, %dma_wait3A_81, %dma_wait3A_82] : memref<4000x2x80xi32, #tpu.memory_space<hbm>> -> memref<1x2x80xi32, #tpu.memory_space<hbm>>
      %dma_wait3A_84 = tpu.memref_squeeze %dma_wait3A_83 : memref<1x2x80xi32, #tpu.memory_space<hbm>> -> memref<2x80xi32, #tpu.memory_space<hbm>>
      %dma_wait3A_85 = arith.constant 0 : i32
      %dma_wait3A_86 = arith.constant 0 : i32
      %dma_wait3A_87 = tpu.memref_slice %arg2[%add3A_8, %dma_wait3A_85, %dma_wait3A_86] : memref<4000x2x80xi32, #tpu.memory_space<hbm>> -> memref<1x2x80xi32, #tpu.memory_space<hbm>>
      %dma_wait3A_88 = tpu.memref_squeeze %dma_wait3A_87 : memref<1x2x80xi32, #tpu.memory_space<hbm>> -> memref<2x80xi32, #tpu.memory_space<hbm>>
      tpu.wait_dma2 semaphore(%run_scoped3A : memref<!tpu.dma_semaphore, #tpu.memory_space<semaphore_mem>>) src(%dma_wait3A_88 : memref<2x80xi32, #tpu.memory_space<hbm>>) dst(%arg7 : memref<2x80xi32, #tpu.memory_space<vmem>>)
      tpu.yield
    }) : () -> ()
    %dma_start3A = arith.constant 0 : i32
    %dma_start3A_9 = arith.constant 0 : i32
    %dma_start3A_10 = tpu.memref_slice %arg7[%dma_start3A, %dma_start3A_9] : memref<2x80xi32, #tpu.memory_space<vmem>> -> memref<1x80xi32, #tpu.memory_space<vmem>>
    %dma_start3A_11 = tpu.memref_squeeze %dma_start3A_10 : memref<1x80xi32, #tpu.memory_space<vmem>> -> memref<80xi32, #tpu.memory_space<vmem>>
    %dma_start3A_12 = arith.constant 0 : i32
    %dma_start3A_13 = arith.constant 0 : i32
    %dma_start3A_14 = tpu.memref_slice %arg3[%dma_start3A_12, %dma_start3A_13] : memref<10000x128xf32, #tpu.memory_space<hbm>> -> memref<10000x128xf32, #tpu.memory_space<hbm>>
    tpu.enqueue_indirect_dma source(%dma_start3A_14 : memref<10000x128xf32, #tpu.memory_space<hbm>>) target(%arg11 : memref<80x128xf32, #tpu.memory_space<vmem>>) offsets(%dma_start3A_11 : memref<80xi32, #tpu.memory_space<vmem>>) semaphore(%arg16 : memref<!tpu.dma_semaphore, #tpu.memory_space<semaphore_mem>>)
    %add3A_15 = arith.constant 1 : i32
    %add3A_16 = arith.addi %mul3A_6, %add3A_15 : i32
    "tpu.region"() ({
      %run_scoped3A = tpu.sem_alloc : memref<!tpu.dma_semaphore, #tpu.memory_space<semaphore_mem>>
      %dma_start3A_73 = arith.constant 0 : i32
      %dma_start3A_74 = arith.constant 0 : i32
      %dma_start3A_75 = tpu.memref_slice %arg2[%add3A_16, %dma_start3A_73, %dma_start3A_74] : memref<4000x2x80xi32, #tpu.memory_space<hbm>> -> memref<1x2x80xi32, #tpu.memory_space<hbm>>
      %dma_start3A_76 = tpu.memref_squeeze %dma_start3A_75 : memref<1x2x80xi32, #tpu.memory_space<hbm>> -> memref<2x80xi32, #tpu.memory_space<hbm>>
      %dma_start3A_77 = arith.constant 0 : i32
      %dma_start3A_78 = arith.constant 0 : i32
      %dma_start3A_79 = tpu.memref_slice %arg2[%add3A_16, %dma_start3A_77, %dma_start3A_78] : memref<4000x2x80xi32, #tpu.memory_space<hbm>> -> memref<1x2x80xi32, #tpu.memory_space<hbm>>
      %dma_start3A_80 = tpu.memref_squeeze %dma_start3A_79 : memref<1x2x80xi32, #tpu.memory_space<hbm>> -> memref<2x80xi32, #tpu.memory_space<hbm>>
      tpu.enqueue_dma source(%dma_start3A_80 : memref<2x80xi32, #tpu.memory_space<hbm>>) target(%arg8 : memref<2x80xi32, #tpu.memory_space<vmem>>) target_semaphore(%run_scoped3A : memref<!tpu.dma_semaphore, #tpu.memory_space<semaphore_mem>>)
      %dma_wait3A_81 = arith.constant 0 : i32
      %dma_wait3A_82 = arith.constant 0 : i32
      %dma_wait3A_83 = tpu.memref_slice %arg2[%add3A_16, %dma_wait3A_81, %dma_wait3A_82] : memref<4000x2x80xi32, #tpu.memory_space<hbm>> -> memref<1x2x80xi32, #tpu.memory_space<hbm>>
      %dma_wait3A_84 = tpu.memref_squeeze %dma_wait3A_83 : memref<1x2x80xi32, #tpu.memory_space<hbm>> -> memref<2x80xi32, #tpu.memory_space<hbm>>
      %dma_wait3A_85 = arith.constant 0 : i32
      %dma_wait3A_86 = arith.constant 0 : i32
      %dma_wait3A_87 = tpu.memref_slice %arg2[%add3A_16, %dma_wait3A_85, %dma_wait3A_86] : memref<4000x2x80xi32, #tpu.memory_space<hbm>> -> memref<1x2x80xi32, #tpu.memory_space<hbm>>
      %dma_wait3A_88 = tpu.memref_squeeze %dma_wait3A_87 : memref<1x2x80xi32, #tpu.memory_space<hbm>> -> memref<2x80xi32, #tpu.memory_space<hbm>>
      tpu.wait_dma2 semaphore(%run_scoped3A : memref<!tpu.dma_semaphore, #tpu.memory_space<semaphore_mem>>) src(%dma_wait3A_88 : memref<2x80xi32, #tpu.memory_space<hbm>>) dst(%arg8 : memref<2x80xi32, #tpu.memory_space<vmem>>)
      tpu.yield
    }) : () -> ()
    %dma_start3A_17 = arith.constant 0 : i32
    %dma_start3A_18 = arith.constant 0 : i32
    %dma_start3A_19 = tpu.memref_slice %arg8[%dma_start3A_17, %dma_start3A_18] : memref<2x80xi32, #tpu.memory_space<vmem>> -> memref<1x80xi32, #tpu.memory_space<vmem>>
    %dma_start3A_20 = tpu.memref_squeeze %dma_start3A_19 : memref<1x80xi32, #tpu.memory_space<vmem>> -> memref<80xi32, #tpu.memory_space<vmem>>
    %dma_start3A_21 = arith.constant 0 : i32
    %dma_start3A_22 = arith.constant 0 : i32
    %dma_start3A_23 = tpu.memref_slice %arg3[%dma_start3A_21, %dma_start3A_22] : memref<10000x128xf32, #tpu.memory_space<hbm>> -> memref<10000x128xf32, #tpu.memory_space<hbm>>
    tpu.enqueue_indirect_dma source(%dma_start3A_23 : memref<10000x128xf32, #tpu.memory_space<hbm>>) target(%arg12 : memref<80x128xf32, #tpu.memory_space<vmem>>) offsets(%dma_start3A_20 : memref<80xi32, #tpu.memory_space<vmem>>) semaphore(%arg17 : memref<!tpu.dma_semaphore, #tpu.memory_space<semaphore_mem>>)
    %barrier3A = arith.constant 0 : index
    tpu.barrier barrier_id(%barrier3A)
    %scan3A = arith.constant 0 : i32
    %scan3A_24 = arith.constant 31 : i32
    %scan3A_25 = arith.addi %scan3A, %scan3A_24 : i32
    %scan3A_26 = arith.constant 1 : i32
    scf.for %scan3A_73 = %scan3A to %scan3A_25 step %scan3A_26  : i32 {
      %mul3A_74 = arith.constant 1 : i32
      %mul3A_75 = arith.muli %scan3A_73, %mul3A_74 : i32
      %add3A_76 = arith.constant 0 : i32
      %add3A_77 = arith.addi %add3A_76, %mul3A_75 : i32
      %mul3A_78 = arith.constant 4 : i32
      %mul3A_79 = arith.muli %add3A_77, %mul3A_78 : i32
      %add3A_80 = arith.constant 0 : i32
      %add3A_81 = arith.addi %mul3A_79, %add3A_80 : i32
      %ge3A = arith.constant 2 : i32
      %ge3A_82 = arith.cmpi sge, %add3A_81, %ge3A : i32
      %convert_element_type3A_83 = arith.extui %ge3A_82 : i1 to i32
      %cond3A_84 = arith.constant 0 : i32
      %cond3A_85 = arith.cmpi ne, %convert_element_type3A_83, %cond3A_84 : i32
      scf.if %cond3A_85 {
        %dma_wait3A_190 = arith.constant 1 : i32
        %dma_wait3A_191 = arith.constant 0 : i32
        %dma_wait3A_192 = tpu.memref_slice %arg9[%dma_wait3A_190, %dma_wait3A_191] : memref<2x80xi32, #tpu.memory_space<vmem>> -> memref<1x80xi32, #tpu.memory_space<vmem>>
        %dma_wait3A_193 = tpu.memref_squeeze %dma_wait3A_192 : memref<1x80xi32, #tpu.memory_space<vmem>> -> memref<80xi32, #tpu.memory_space<vmem>>
        %dma_wait3A_194 = arith.constant 0 : i32
        %dma_wait3A_195 = arith.constant 0 : i32
        %dma_wait3A_196 = tpu.memref_slice %arg15[%dma_wait3A_194, %dma_wait3A_195] : memref<10016x128xf32, #tpu.memory_space<vmem_shared>> -> memref<10016x128xf32, #tpu.memory_space<vmem_shared>>
        tpu.wait_indirect_dma semaphore(%arg22 : memref<!tpu.dma_semaphore, #tpu.memory_space<semaphore_mem>>) src(%arg13 : memref<80x128xf32, #tpu.memory_space<vmem>>) dst(%dma_wait3A_196 : memref<10016x128xf32, #tpu.memory_space<vmem_shared>>)
      } else {
      }
      %add3A_86 = arith.constant 2 : i32
      %add3A_87 = arith.addi %add3A_81, %add3A_86 : i32
      %lt3A = arith.constant 125 : i32
      %lt3A_88 = arith.cmpi slt, %add3A_87, %lt3A : i32
      %convert_element_type3A_89 = arith.extui %lt3A_88 : i1 to i32
      %cond3A_90 = arith.constant 0 : i32
      %cond3A_91 = arith.cmpi ne, %convert_element_type3A_89, %cond3A_90 : i32
      scf.if %cond3A_91 {
        %add3A_190 = arith.constant 2 : i32
        %add3A_191 = arith.addi %add3A_81, %add3A_190 : i32
        %add3A_192 = arith.addi %mul3A_6, %add3A_191 : i32
        "tpu.region"() ({
          %run_scoped3A = tpu.sem_alloc : memref<!tpu.dma_semaphore, #tpu.memory_space<semaphore_mem>>
          %dma_start3A_200 = arith.constant 0 : i32
          %dma_start3A_201 = arith.constant 0 : i32
          %dma_start3A_202 = tpu.memref_slice %arg2[%add3A_192, %dma_start3A_200, %dma_start3A_201] : memref<4000x2x80xi32, #tpu.memory_space<hbm>> -> memref<1x2x80xi32, #tpu.memory_space<hbm>>
          %dma_start3A_203 = tpu.memref_squeeze %dma_start3A_202 : memref<1x2x80xi32, #tpu.memory_space<hbm>> -> memref<2x80xi32, #tpu.memory_space<hbm>>
          %dma_start3A_204 = arith.constant 0 : i32
          %dma_start3A_205 = arith.constant 0 : i32
          %dma_start3A_206 = tpu.memref_slice %arg2[%add3A_192, %dma_start3A_204, %dma_start3A_205] : memref<4000x2x80xi32, #tpu.memory_space<hbm>> -> memref<1x2x80xi32, #tpu.memory_space<hbm>>
          %dma_start3A_207 = tpu.memref_squeeze %dma_start3A_206 : memref<1x2x80xi32, #tpu.memory_space<hbm>> -> memref<2x80xi32, #tpu.memory_space<hbm>>
          tpu.enqueue_dma source(%dma_start3A_207 : memref<2x80xi32, #tpu.memory_space<hbm>>) target(%arg9 : memref<2x80xi32, #tpu.memory_space<vmem>>) target_semaphore(%run_scoped3A : memref<!tpu.dma_semaphore, #tpu.memory_space<semaphore_mem>>)
          %dma_wait3A_208 = arith.constant 0 : i32
          %dma_wait3A_209 = arith.constant 0 : i32
          %dma_wait3A_210 = tpu.memref_slice %arg2[%add3A_192, %dma_wait3A_208, %dma_wait3A_209] : memref<4000x2x80xi32, #tpu.memory_space<hbm>> -> memref<1x2x80xi32, #tpu.memory_space<hbm>>
          %dma_wait3A_211 = tpu.memref_squeeze %dma_wait3A_210 : memref<1x2x80xi32, #tpu.memory_space<hbm>> -> memref<2x80xi32, #tpu.memory_space<hbm>>
          %dma_wait3A_212 = arith.constant 0 : i32
          %dma_wait3A_213 = arith.constant 0 : i32
          %dma_wait3A_214 = tpu.memref_slice %arg2[%add3A_192, %dma_wait3A_212, %dma_wait3A_213] : memref<4000x2x80xi32, #tpu.memory_space<hbm>> -> memref<1x2x80xi32, #tpu.memory_space<hbm>>
          %dma_wait3A_215 = tpu.memref_squeeze %dma_wait3A_214 : memref<1x2x80xi32, #tpu.memory_space<hbm>> -> memref<2x80xi32, #tpu.memory_space<hbm>>
          tpu.wait_dma2 semaphore(%run_scoped3A : memref<!tpu.dma_semaphore, #tpu.memory_space<semaphore_mem>>) src(%dma_wait3A_215 : memref<2x80xi32, #tpu.memory_space<hbm>>) dst(%arg9 : memref<2x80xi32, #tpu.memory_space<vmem>>)
          tpu.yield
        }) : () -> ()
        %dma_start3A_193 = arith.constant 0 : i32
        %dma_start3A_194 = arith.constant 0 : i32
        %dma_start3A_195 = tpu.memref_slice %arg9[%dma_start3A_193, %dma_start3A_194] : memref<2x80xi32, #tpu.memory_space<vmem>> -> memref<1x80xi32, #tpu.memory_space<vmem>>
        %dma_start3A_196 = tpu.memref_squeeze %dma_start3A_195 : memref<1x80xi32, #tpu.memory_space<vmem>> -> memref<80xi32, #tpu.memory_space<vmem>>
        %dma_start3A_197 = arith.constant 0 : i32
        %dma_start3A_198 = arith.constant 0 : i32
        %dma_start3A_199 = tpu.memref_slice %arg3[%dma_start3A_197, %dma_start3A_198] : memref<10000x128xf32, #tpu.memory_space<hbm>> -> memref<10000x128xf32, #tpu.memory_space<hbm>>
        tpu.enqueue_indirect_dma source(%dma_start3A_199 : memref<10000x128xf32, #tpu.memory_space<hbm>>) target(%arg13 : memref<80x128xf32, #tpu.memory_space<vmem>>) offsets(%dma_start3A_196 : memref<80xi32, #tpu.memory_space<vmem>>) semaphore(%arg18 : memref<!tpu.dma_semaphore, #tpu.memory_space<semaphore_mem>>)
      } else {
      }
      %dma_wait3A_92 = arith.constant 0 : i32
      %dma_wait3A_93 = arith.constant 0 : i32
      %dma_wait3A_94 = tpu.memref_slice %arg7[%dma_wait3A_92, %dma_wait3A_93] : memref<2x80xi32, #tpu.memory_space<vmem>> -> memref<1x80xi32, #tpu.memory_space<vmem>>
      %dma_wait3A_95 = tpu.memref_squeeze %dma_wait3A_94 : memref<1x80xi32, #tpu.memory_space<vmem>> -> memref<80xi32, #tpu.memory_space<vmem>>
      %dma_wait3A_96 = arith.constant 0 : i32
      %dma_wait3A_97 = arith.constant 0 : i32
      %dma_wait3A_98 = tpu.memref_slice %arg3[%dma_wait3A_96, %dma_wait3A_97] : memref<10000x128xf32, #tpu.memory_space<hbm>> -> memref<10000x128xf32, #tpu.memory_space<hbm>>
      tpu.wait_indirect_dma semaphore(%arg16 : memref<!tpu.dma_semaphore, #tpu.memory_space<semaphore_mem>>) src(%dma_wait3A_98 : memref<10000x128xf32, #tpu.memory_space<hbm>>) dst(%arg11 : memref<80x128xf32, #tpu.memory_space<vmem>>)
      %dma_start3A_99 = arith.constant 1 : i32
      %dma_start3A_100 = arith.constant 0 : i32
      %dma_start3A_101 = tpu.memref_slice %arg7[%dma_start3A_99, %dma_start3A_100] : memref<2x80xi32, #tpu.memory_space<vmem>> -> memref<1x80xi32, #tpu.memory_space<vmem>>
      %dma_start3A_102 = tpu.memref_squeeze %dma_start3A_101 : memref<1x80xi32, #tpu.memory_space<vmem>> -> memref<80xi32, #tpu.memory_space<vmem>>
      %dma_start3A_103 = arith.constant 0 : i32
      %dma_start3A_104 = arith.constant 0 : i32
      %dma_start3A_105 = tpu.memref_slice %arg15[%dma_start3A_103, %dma_start3A_104] : memref<10016x128xf32, #tpu.memory_space<vmem_shared>> -> memref<10016x128xf32, #tpu.memory_space<vmem_shared>>
      tpu.enqueue_indirect_dma source(%arg11 : memref<80x128xf32, #tpu.memory_space<vmem>>) target(%dma_start3A_105 : memref<10016x128xf32, #tpu.memory_space<vmem_shared>>) offsets(%dma_start3A_102 : memref<80xi32, #tpu.memory_space<vmem>>) semaphore(%arg20 : memref<!tpu.dma_semaphore, #tpu.memory_space<semaphore_mem>>) {add = true}
      %add3A_106 = arith.constant 1 : i32
      %add3A_107 = arith.addi %mul3A_79, %add3A_106 : i32
      %ge3A_108 = arith.constant 2 : i32
      %ge3A_109 = arith.cmpi sge, %add3A_107, %ge3A_108 : i32
      %convert_element_type3A_110 = arith.extui %ge3A_109 : i1 to i32
      %cond3A_111 = arith.constant 0 : i32
      %cond3A_112 = arith.cmpi ne, %convert_element_type3A_110, %cond3A_111 : i32
      scf.if %cond3A_112 {
        %dma_wait3A_190 = arith.constant 1 : i32
        %dma_wait3A_191 = arith.constant 0 : i32
        %dma_wait3A_192 = tpu.memref_slice %arg10[%dma_wait3A_190, %dma_wait3A_191] : memref<2x80xi32, #tpu.memory_space<vmem>> -> memref<1x80xi32, #tpu.memory_space<vmem>>
        %dma_wait3A_193 = tpu.memref_squeeze %dma_wait3A_192 : memref<1x80xi32, #tpu.memory_space<vmem>> -> memref<80xi32, #tpu.memory_space<vmem>>
        %dma_wait3A_194 = arith.constant 0 : i32
        %dma_wait3A_195 = arith.constant 0 : i32
        %dma_wait3A_196 = tpu.memref_slice %arg15[%dma_wait3A_194, %dma_wait3A_195] : memref<10016x128xf32, #tpu.memory_space<vmem_shared>> -> memref<10016x128xf32, #tpu.memory_space<vmem_shared>>
        tpu.wait_indirect_dma semaphore(%arg23 : memref<!tpu.dma_semaphore, #tpu.memory_space<semaphore_mem>>) src(%arg14 : memref<80x128xf32, #tpu.memory_space<vmem>>) dst(%dma_wait3A_196 : memref<10016x128xf32, #tpu.memory_space<vmem_shared>>)
      } else {
      }
      %add3A_113 = arith.constant 2 : i32
      %add3A_114 = arith.addi %add3A_107, %add3A_113 : i32
      %lt3A_115 = arith.constant 125 : i32
      %lt3A_116 = arith.cmpi slt, %add3A_114, %lt3A_115 : i32
      %convert_element_type3A_117 = arith.extui %lt3A_116 : i1 to i32
      %cond3A_118 = arith.constant 0 : i32
      %cond3A_119 = arith.cmpi ne, %convert_element_type3A_117, %cond3A_118 : i32
      scf.if %cond3A_119 {
        %add3A_190 = arith.constant 2 : i32
        %add3A_191 = arith.addi %add3A_107, %add3A_190 : i32
        %add3A_192 = arith.addi %mul3A_6, %add3A_191 : i32
        "tpu.region"() ({
          %run_scoped3A = tpu.sem_alloc : memref<!tpu.dma_semaphore, #tpu.memory_space<semaphore_mem>>
          %dma_start3A_200 = arith.constant 0 : i32
          %dma_start3A_201 = arith.constant 0 : i32
          %dma_start3A_202 = tpu.memref_slice %arg2[%add3A_192, %dma_start3A_200, %dma_start3A_201] : memref<4000x2x80xi32, #tpu.memory_space<hbm>> -> memref<1x2x80xi32, #tpu.memory_space<hbm>>
          %dma_start3A_203 = tpu.memref_squeeze %dma_start3A_202 : memref<1x2x80xi32, #tpu.memory_space<hbm>> -> memref<2x80xi32, #tpu.memory_space<hbm>>
          %dma_start3A_204 = arith.constant 0 : i32
          %dma_start3A_205 = arith.constant 0 : i32
          %dma_start3A_206 = tpu.memref_slice %arg2[%add3A_192, %dma_start3A_204, %dma_start3A_205] : memref<4000x2x80xi32, #tpu.memory_space<hbm>> -> memref<1x2x80xi32, #tpu.memory_space<hbm>>
          %dma_start3A_207 = tpu.memref_squeeze %dma_start3A_206 : memref<1x2x80xi32, #tpu.memory_space<hbm>> -> memref<2x80xi32, #tpu.memory_space<hbm>>
          tpu.enqueue_dma source(%dma_start3A_207 : memref<2x80xi32, #tpu.memory_space<hbm>>) target(%arg10 : memref<2x80xi32, #tpu.memory_space<vmem>>) target_semaphore(%run_scoped3A : memref<!tpu.dma_semaphore, #tpu.memory_space<semaphore_mem>>)
          %dma_wait3A_208 = arith.constant 0 : i32
          %dma_wait3A_209 = arith.constant 0 : i32
          %dma_wait3A_210 = tpu.memref_slice %arg2[%add3A_192, %dma_wait3A_208, %dma_wait3A_209] : memref<4000x2x80xi32, #tpu.memory_space<hbm>> -> memref<1x2x80xi32, #tpu.memory_space<hbm>>
          %dma_wait3A_211 = tpu.memref_squeeze %dma_wait3A_210 : memref<1x2x80xi32, #tpu.memory_space<hbm>> -> memref<2x80xi32, #tpu.memory_space<hbm>>
          %dma_wait3A_212 = arith.constant 0 : i32
          %dma_wait3A_213 = arith.constant 0 : i32
          %dma_wait3A_214 = tpu.memref_slice %arg2[%add3A_192, %dma_wait3A_212, %dma_wait3A_213] : memref<4000x2x80xi32, #tpu.memory_space<hbm>> -> memref<1x2x80xi32, #tpu.memory_space<hbm>>
          %dma_wait3A_215 = tpu.memref_squeeze %dma_wait3A_214 : memref<1x2x80xi32, #tpu.memory_space<hbm>> -> memref<2x80xi32, #tpu.memory_space<hbm>>
          tpu.wait_dma2 semaphore(%run_scoped3A : memref<!tpu.dma_semaphore, #tpu.memory_space<semaphore_mem>>) src(%dma_wait3A_215 : memref<2x80xi32, #tpu.memory_space<hbm>>) dst(%arg10 : memref<2x80xi32, #tpu.memory_space<vmem>>)
          tpu.yield
        }) : () -> ()
        %dma_start3A_193 = arith.constant 0 : i32
        %dma_start3A_194 = arith.constant 0 : i32
        %dma_start3A_195 = tpu.memref_slice %arg10[%dma_start3A_193, %dma_start3A_194] : memref<2x80xi32, #tpu.memory_space<vmem>> -> memref<1x80xi32, #tpu.memory_space<vmem>>
        %dma_start3A_196 = tpu.memref_squeeze %dma_start3A_195 : memref<1x80xi32, #tpu.memory_space<vmem>> -> memref<80xi32, #tpu.memory_space<vmem>>
        %dma_start3A_197 = arith.constant 0 : i32
        %dma_start3A_198 = arith.constant 0 : i32
        %dma_start3A_199 = tpu.memref_slice %arg3[%dma_start3A_197, %dma_start3A_198] : memref<10000x128xf32, #tpu.memory_space<hbm>> -> memref<10000x128xf32, #tpu.memory_space<hbm>>
        tpu.enqueue_indirect_dma source(%dma_start3A_199 : memref<10000x128xf32, #tpu.memory_space<hbm>>) target(%arg14 : memref<80x128xf32, #tpu.memory_space<vmem>>) offsets(%dma_start3A_196 : memref<80xi32, #tpu.memory_space<vmem>>) semaphore(%arg19 : memref<!tpu.dma_semaphore, #tpu.memory_space<semaphore_mem>>)
      } else {
      }
      %dma_wait3A_120 = arith.constant 0 : i32
      %dma_wait3A_121 = arith.constant 0 : i32
      %dma_wait3A_122 = tpu.memref_slice %arg8[%dma_wait3A_120, %dma_wait3A_121] : memref<2x80xi32, #tpu.memory_space<vmem>> -> memref<1x80xi32, #tpu.memory_space<vmem>>
      %dma_wait3A_123 = tpu.memref_squeeze %dma_wait3A_122 : memref<1x80xi32, #tpu.memory_space<vmem>> -> memref<80xi32, #tpu.memory_space<vmem>>
      %dma_wait3A_124 = arith.constant 0 : i32
      %dma_wait3A_125 = arith.constant 0 : i32
      %dma_wait3A_126 = tpu.memref_slice %arg3[%dma_wait3A_124, %dma_wait3A_125] : memref<10000x128xf32, #tpu.memory_space<hbm>> -> memref<10000x128xf32, #tpu.memory_space<hbm>>
      tpu.wait_indirect_dma semaphore(%arg17 : memref<!tpu.dma_semaphore, #tpu.memory_space<semaphore_mem>>) src(%dma_wait3A_126 : memref<10000x128xf32, #tpu.memory_space<hbm>>) dst(%arg12 : memref<80x128xf32, #tpu.memory_space<vmem>>)
      %dma_start3A_127 = arith.constant 1 : i32
      %dma_start3A_128 = arith.constant 0 : i32
      %dma_start3A_129 = tpu.memref_slice %arg8[%dma_start3A_127, %dma_start3A_128] : memref<2x80xi32, #tpu.memory_space<vmem>> -> memref<1x80xi32, #tpu.memory_space<vmem>>
      %dma_start3A_130 = tpu.memref_squeeze %dma_start3A_129 : memref<1x80xi32, #tpu.memory_space<vmem>> -> memref<80xi32, #tpu.memory_space<vmem>>
      %dma_start3A_131 = arith.constant 0 : i32
      %dma_start3A_132 = arith.constant 0 : i32
      %dma_start3A_133 = tpu.memref_slice %arg15[%dma_start3A_131, %dma_start3A_132] : memref<10016x128xf32, #tpu.memory_space<vmem_shared>> -> memref<10016x128xf32, #tpu.memory_space<vmem_shared>>
      tpu.enqueue_indirect_dma source(%arg12 : memref<80x128xf32, #tpu.memory_space<vmem>>) target(%dma_start3A_133 : memref<10016x128xf32, #tpu.memory_space<vmem_shared>>) offsets(%dma_start3A_130 : memref<80xi32, #tpu.memory_space<vmem>>) semaphore(%arg21 : memref<!tpu.dma_semaphore, #tpu.memory_space<semaphore_mem>>) {add = true}
      %add3A_134 = arith.constant 2 : i32
      %add3A_135 = arith.addi %mul3A_79, %add3A_134 : i32
      %ge3A_136 = arith.constant 2 : i32
      %ge3A_137 = arith.cmpi sge, %add3A_135, %ge3A_136 : i32
      %convert_element_type3A_138 = arith.extui %ge3A_137 : i1 to i32
      %cond3A_139 = arith.constant 0 : i32
      %cond3A_140 = arith.cmpi ne, %convert_element_type3A_138, %cond3A_139 : i32
      scf.if %cond3A_140 {
        %dma_wait3A_190 = arith.constant 1 : i32
        %dma_wait3A_191 = arith.constant 0 : i32
        %dma_wait3A_192 = tpu.memref_slice %arg7[%dma_wait3A_190, %dma_wait3A_191] : memref<2x80xi32, #tpu.memory_space<vmem>> -> memref<1x80xi32, #tpu.memory_space<vmem>>
        %dma_wait3A_193 = tpu.memref_squeeze %dma_wait3A_192 : memref<1x80xi32, #tpu.memory_space<vmem>> -> memref<80xi32, #tpu.memory_space<vmem>>
        %dma_wait3A_194 = arith.constant 0 : i32
        %dma_wait3A_195 = arith.constant 0 : i32
        %dma_wait3A_196 = tpu.memref_slice %arg15[%dma_wait3A_194, %dma_wait3A_195] : memref<10016x128xf32, #tpu.memory_space<vmem_shared>> -> memref<10016x128xf32, #tpu.memory_space<vmem_shared>>
        tpu.wait_indirect_dma semaphore(%arg20 : memref<!tpu.dma_semaphore, #tpu.memory_space<semaphore_mem>>) src(%arg11 : memref<80x128xf32, #tpu.memory_space<vmem>>) dst(%dma_wait3A_196 : memref<10016x128xf32, #tpu.memory_space<vmem_shared>>)
      } else {
      }
      %add3A_141 = arith.constant 2 : i32
      %add3A_142 = arith.addi %add3A_135, %add3A_141 : i32
      %lt3A_143 = arith.constant 125 : i32
      %lt3A_144 = arith.cmpi slt, %add3A_142, %lt3A_143 : i32
      %convert_element_type3A_145 = arith.extui %lt3A_144 : i1 to i32
      %cond3A_146 = arith.constant 0 : i32
      %cond3A_147 = arith.cmpi ne, %convert_element_type3A_145, %cond3A_146 : i32
      scf.if %cond3A_147 {
        %add3A_190 = arith.constant 2 : i32
        %add3A_191 = arith.addi %add3A_135, %add3A_190 : i32
        %add3A_192 = arith.addi %mul3A_6, %add3A_191 : i32
        "tpu.region"() ({
          %run_scoped3A = tpu.sem_alloc : memref<!tpu.dma_semaphore, #tpu.memory_space<semaphore_mem>>
          %dma_start3A_200 = arith.constant 0 : i32
          %dma_start3A_201 = arith.constant 0 : i32
          %dma_start3A_202 = tpu.memref_slice %arg2[%add3A_192, %dma_start3A_200, %dma_start3A_201] : memref<4000x2x80xi32, #tpu.memory_space<hbm>> -> memref<1x2x80xi32, #tpu.memory_space<hbm>>
          %dma_start3A_203 = tpu.memref_squeeze %dma_start3A_202 : memref<1x2x80xi32, #tpu.memory_space<hbm>> -> memref<2x80xi32, #tpu.memory_space<hbm>>
          %dma_start3A_204 = arith.constant 0 : i32
          %dma_start3A_205 = arith.constant 0 : i32
          %dma_start3A_206 = tpu.memref_slice %arg2[%add3A_192, %dma_start3A_204, %dma_start3A_205] : memref<4000x2x80xi32, #tpu.memory_space<hbm>> -> memref<1x2x80xi32, #tpu.memory_space<hbm>>
          %dma_start3A_207 = tpu.memref_squeeze %dma_start3A_206 : memref<1x2x80xi32, #tpu.memory_space<hbm>> -> memref<2x80xi32, #tpu.memory_space<hbm>>
          tpu.enqueue_dma source(%dma_start3A_207 : memref<2x80xi32, #tpu.memory_space<hbm>>) target(%arg7 : memref<2x80xi32, #tpu.memory_space<vmem>>) target_semaphore(%run_scoped3A : memref<!tpu.dma_semaphore, #tpu.memory_space<semaphore_mem>>)
          %dma_wait3A_208 = arith.constant 0 : i32
          %dma_wait3A_209 = arith.constant 0 : i32
          %dma_wait3A_210 = tpu.memref_slice %arg2[%add3A_192, %dma_wait3A_208, %dma_wait3A_209] : memref<4000x2x80xi32, #tpu.memory_space<hbm>> -> memref<1x2x80xi32, #tpu.memory_space<hbm>>
          %dma_wait3A_211 = tpu.memref_squeeze %dma_wait3A_210 : memref<1x2x80xi32, #tpu.memory_space<hbm>> -> memref<2x80xi32, #tpu.memory_space<hbm>>
          %dma_wait3A_212 = arith.constant 0 : i32
          %dma_wait3A_213 = arith.constant 0 : i32
          %dma_wait3A_214 = tpu.memref_slice %arg2[%add3A_192, %dma_wait3A_212, %dma_wait3A_213] : memref<4000x2x80xi32, #tpu.memory_space<hbm>> -> memref<1x2x80xi32, #tpu.memory_space<hbm>>
          %dma_wait3A_215 = tpu.memref_squeeze %dma_wait3A_214 : memref<1x2x80xi32, #tpu.memory_space<hbm>> -> memref<2x80xi32, #tpu.memory_space<hbm>>
          tpu.wait_dma2 semaphore(%run_scoped3A : memref<!tpu.dma_semaphore, #tpu.memory_space<semaphore_mem>>) src(%dma_wait3A_215 : memref<2x80xi32, #tpu.memory_space<hbm>>) dst(%arg7 : memref<2x80xi32, #tpu.memory_space<vmem>>)
          tpu.yield
        }) : () -> ()
        %dma_start3A_193 = arith.constant 0 : i32
        %dma_start3A_194 = arith.constant 0 : i32
        %dma_start3A_195 = tpu.memref_slice %arg7[%dma_start3A_193, %dma_start3A_194] : memref<2x80xi32, #tpu.memory_space<vmem>> -> memref<1x80xi32, #tpu.memory_space<vmem>>
        %dma_start3A_196 = tpu.memref_squeeze %dma_start3A_195 : memref<1x80xi32, #tpu.memory_space<vmem>> -> memref<80xi32, #tpu.memory_space<vmem>>
        %dma_start3A_197 = arith.constant 0 : i32
        %dma_start3A_198 = arith.constant 0 : i32
        %dma_start3A_199 = tpu.memref_slice %arg3[%dma_start3A_197, %dma_start3A_198] : memref<10000x128xf32, #tpu.memory_space<hbm>> -> memref<10000x128xf32, #tpu.memory_space<hbm>>
        tpu.enqueue_indirect_dma source(%dma_start3A_199 : memref<10000x128xf32, #tpu.memory_space<hbm>>) target(%arg11 : memref<80x128xf32, #tpu.memory_space<vmem>>) offsets(%dma_start3A_196 : memref<80xi32, #tpu.memory_space<vmem>>) semaphore(%arg16 : memref<!tpu.dma_semaphore, #tpu.memory_space<semaphore_mem>>)
      } else {
      }
      %dma_wait3A_148 = arith.constant 0 : i32
      %dma_wait3A_149 = arith.constant 0 : i32
      %dma_wait3A_150 = tpu.memref_slice %arg9[%dma_wait3A_148, %dma_wait3A_149] : memref<2x80xi32, #tpu.memory_space<vmem>> -> memref<1x80xi32, #tpu.memory_space<vmem>>
      %dma_wait3A_151 = tpu.memref_squeeze %dma_wait3A_150 : memref<1x80xi32, #tpu.memory_space<vmem>> -> memref<80xi32, #tpu.memory_space<vmem>>
      %dma_wait3A_152 = arith.constant 0 : i32
      %dma_wait3A_153 = arith.constant 0 : i32
      %dma_wait3A_154 = tpu.memref_slice %arg3[%dma_wait3A_152, %dma_wait3A_153] : memref<10000x128xf32, #tpu.memory_space<hbm>> -> memref<10000x128xf32, #tpu.memory_space<hbm>>
      tpu.wait_indirect_dma semaphore(%arg18 : memref<!tpu.dma_semaphore, #tpu.memory_space<semaphore_mem>>) src(%dma_wait3A_154 : memref<10000x128xf32, #tpu.memory_space<hbm>>) dst(%arg13 : memref<80x128xf32, #tpu.memory_space<vmem>>)
      %dma_start3A_155 = arith.constant 1 : i32
      %dma_start3A_156 = arith.constant 0 : i32
      %dma_start3A_157 = tpu.memref_slice %arg9[%dma_start3A_155, %dma_start3A_156] : memref<2x80xi32, #tpu.memory_space<vmem>> -> memref<1x80xi32, #tpu.memory_space<vmem>>
      %dma_start3A_158 = tpu.memref_squeeze %dma_start3A_157 : memref<1x80xi32, #tpu.memory_space<vmem>> -> memref<80xi32, #tpu.memory_space<vmem>>
      %dma_start3A_159 = arith.constant 0 : i32
      %dma_start3A_160 = arith.constant 0 : i32
      %dma_start3A_161 = tpu.memref_slice %arg15[%dma_start3A_159, %dma_start3A_160] : memref<10016x128xf32, #tpu.memory_space<vmem_shared>> -> memref<10016x128xf32, #tpu.memory_space<vmem_shared>>
      tpu.enqueue_indirect_dma source(%arg13 : memref<80x128xf32, #tpu.memory_space<vmem>>) target(%dma_start3A_161 : memref<10016x128xf32, #tpu.memory_space<vmem_shared>>) offsets(%dma_start3A_158 : memref<80xi32, #tpu.memory_space<vmem>>) semaphore(%arg22 : memref<!tpu.dma_semaphore, #tpu.memory_space<semaphore_mem>>) {add = true}
      %add3A_162 = arith.constant 3 : i32
      %add3A_163 = arith.addi %mul3A_79, %add3A_162 : i32
      %ge3A_164 = arith.constant 2 : i32
      %ge3A_165 = arith.cmpi sge, %add3A_163, %ge3A_164 : i32
      %convert_element_type3A_166 = arith.extui %ge3A_165 : i1 to i32
      %cond3A_167 = arith.constant 0 : i32
      %cond3A_168 = arith.cmpi ne, %convert_element_type3A_166, %cond3A_167 : i32
      scf.if %cond3A_168 {
        %dma_wait3A_190 = arith.constant 1 : i32
        %dma_wait3A_191 = arith.constant 0 : i32
        %dma_wait3A_192 = tpu.memref_slice %arg8[%dma_wait3A_190, %dma_wait3A_191] : memref<2x80xi32, #tpu.memory_space<vmem>> -> memref<1x80xi32, #tpu.memory_space<vmem>>
        %dma_wait3A_193 = tpu.memref_squeeze %dma_wait3A_192 : memref<1x80xi32, #tpu.memory_space<vmem>> -> memref<80xi32, #tpu.memory_space<vmem>>
        %dma_wait3A_194 = arith.constant 0 : i32
        %dma_wait3A_195 = arith.constant 0 : i32
        %dma_wait3A_196 = tpu.memref_slice %arg15[%dma_wait3A_194, %dma_wait3A_195] : memref<10016x128xf32, #tpu.memory_space<vmem_shared>> -> memref<10016x128xf32, #tpu.memory_space<vmem_shared>>
        tpu.wait_indirect_dma semaphore(%arg21 : memref<!tpu.dma_semaphore, #tpu.memory_space<semaphore_mem>>) src(%arg12 : memref<80x128xf32, #tpu.memory_space<vmem>>) dst(%dma_wait3A_196 : memref<10016x128xf32, #tpu.memory_space<vmem_shared>>)
      } else {
      }
      %add3A_169 = arith.constant 2 : i32
      %add3A_170 = arith.addi %add3A_163, %add3A_169 : i32
      %lt3A_171 = arith.constant 125 : i32
      %lt3A_172 = arith.cmpi slt, %add3A_170, %lt3A_171 : i32
      %convert_element_type3A_173 = arith.extui %lt3A_172 : i1 to i32
      %cond3A_174 = arith.constant 0 : i32
      %cond3A_175 = arith.cmpi ne, %convert_element_type3A_173, %cond3A_174 : i32
      scf.if %cond3A_175 {
        %add3A_190 = arith.constant 2 : i32
        %add3A_191 = arith.addi %add3A_163, %add3A_190 : i32
        %add3A_192 = arith.addi %mul3A_6, %add3A_191 : i32
        "tpu.region"() ({
          %run_scoped3A = tpu.sem_alloc : memref<!tpu.dma_semaphore, #tpu.memory_space<semaphore_mem>>
          %dma_start3A_200 = arith.constant 0 : i32
          %dma_start3A_201 = arith.constant 0 : i32
          %dma_start3A_202 = tpu.memref_slice %arg2[%add3A_192, %dma_start3A_200, %dma_start3A_201] : memref<4000x2x80xi32, #tpu.memory_space<hbm>> -> memref<1x2x80xi32, #tpu.memory_space<hbm>>
          %dma_start3A_203 = tpu.memref_squeeze %dma_start3A_202 : memref<1x2x80xi32, #tpu.memory_space<hbm>> -> memref<2x80xi32, #tpu.memory_space<hbm>>
          %dma_start3A_204 = arith.constant 0 : i32
          %dma_start3A_205 = arith.constant 0 : i32
          %dma_start3A_206 = tpu.memref_slice %arg2[%add3A_192, %dma_start3A_204, %dma_start3A_205] : memref<4000x2x80xi32, #tpu.memory_space<hbm>> -> memref<1x2x80xi32, #tpu.memory_space<hbm>>
          %dma_start3A_207 = tpu.memref_squeeze %dma_start3A_206 : memref<1x2x80xi32, #tpu.memory_space<hbm>> -> memref<2x80xi32, #tpu.memory_space<hbm>>
          tpu.enqueue_dma source(%dma_start3A_207 : memref<2x80xi32, #tpu.memory_space<hbm>>) target(%arg8 : memref<2x80xi32, #tpu.memory_space<vmem>>) target_semaphore(%run_scoped3A : memref<!tpu.dma_semaphore, #tpu.memory_space<semaphore_mem>>)
          %dma_wait3A_208 = arith.constant 0 : i32
          %dma_wait3A_209 = arith.constant 0 : i32
          %dma_wait3A_210 = tpu.memref_slice %arg2[%add3A_192, %dma_wait3A_208, %dma_wait3A_209] : memref<4000x2x80xi32, #tpu.memory_space<hbm>> -> memref<1x2x80xi32, #tpu.memory_space<hbm>>
          %dma_wait3A_211 = tpu.memref_squeeze %dma_wait3A_210 : memref<1x2x80xi32, #tpu.memory_space<hbm>> -> memref<2x80xi32, #tpu.memory_space<hbm>>
          %dma_wait3A_212 = arith.constant 0 : i32
          %dma_wait3A_213 = arith.constant 0 : i32
          %dma_wait3A_214 = tpu.memref_slice %arg2[%add3A_192, %dma_wait3A_212, %dma_wait3A_213] : memref<4000x2x80xi32, #tpu.memory_space<hbm>> -> memref<1x2x80xi32, #tpu.memory_space<hbm>>
          %dma_wait3A_215 = tpu.memref_squeeze %dma_wait3A_214 : memref<1x2x80xi32, #tpu.memory_space<hbm>> -> memref<2x80xi32, #tpu.memory_space<hbm>>
          tpu.wait_dma2 semaphore(%run_scoped3A : memref<!tpu.dma_semaphore, #tpu.memory_space<semaphore_mem>>) src(%dma_wait3A_215 : memref<2x80xi32, #tpu.memory_space<hbm>>) dst(%arg8 : memref<2x80xi32, #tpu.memory_space<vmem>>)
          tpu.yield
        }) : () -> ()
        %dma_start3A_193 = arith.constant 0 : i32
        %dma_start3A_194 = arith.constant 0 : i32
        %dma_start3A_195 = tpu.memref_slice %arg8[%dma_start3A_193, %dma_start3A_194] : memref<2x80xi32, #tpu.memory_space<vmem>> -> memref<1x80xi32, #tpu.memory_space<vmem>>
        %dma_start3A_196 = tpu.memref_squeeze %dma_start3A_195 : memref<1x80xi32, #tpu.memory_space<vmem>> -> memref<80xi32, #tpu.memory_space<vmem>>
        %dma_start3A_197 = arith.constant 0 : i32
        %dma_start3A_198 = arith.constant 0 : i32
        %dma_start3A_199 = tpu.memref_slice %arg3[%dma_start3A_197, %dma_start3A_198] : memref<10000x128xf32, #tpu.memory_space<hbm>> -> memref<10000x128xf32, #tpu.memory_space<hbm>>
        tpu.enqueue_indirect_dma source(%dma_start3A_199 : memref<10000x128xf32, #tpu.memory_space<hbm>>) target(%arg12 : memref<80x128xf32, #tpu.memory_space<vmem>>) offsets(%dma_start3A_196 : memref<80xi32, #tpu.memory_space<vmem>>) semaphore(%arg17 : memref<!tpu.dma_semaphore, #tpu.memory_space<semaphore_mem>>)
      } else {
      }
      %dma_wait3A_176 = arith.constant 0 : i32
      %dma_wait3A_177 = arith.constant 0 : i32
      %dma_wait3A_178 = tpu.memref_slice %arg10[%dma_wait3A_176, %dma_wait3A_177] : memref<2x80xi32, #tpu.memory_space<vmem>> -> memref<1x80xi32, #tpu.memory_space<vmem>>
      %dma_wait3A_179 = tpu.memref_squeeze %dma_wait3A_178 : memref<1x80xi32, #tpu.memory_space<vmem>> -> memref<80xi32, #tpu.memory_space<vmem>>
      %dma_wait3A_180 = arith.constant 0 : i32
      %dma_wait3A_181 = arith.constant 0 : i32
      %dma_wait3A_182 = tpu.memref_slice %arg3[%dma_wait3A_180, %dma_wait3A_181] : memref<10000x128xf32, #tpu.memory_space<hbm>> -> memref<10000x128xf32, #tpu.memory_space<hbm>>
      tpu.wait_indirect_dma semaphore(%arg19 : memref<!tpu.dma_semaphore, #tpu.memory_space<semaphore_mem>>) src(%dma_wait3A_182 : memref<10000x128xf32, #tpu.memory_space<hbm>>) dst(%arg14 : memref<80x128xf32, #tpu.memory_space<vmem>>)
      %dma_start3A_183 = arith.constant 1 : i32
      %dma_start3A_184 = arith.constant 0 : i32
      %dma_start3A_185 = tpu.memref_slice %arg10[%dma_start3A_183, %dma_start3A_184] : memref<2x80xi32, #tpu.memory_space<vmem>> -> memref<1x80xi32, #tpu.memory_space<vmem>>
      %dma_start3A_186 = tpu.memref_squeeze %dma_start3A_185 : memref<1x80xi32, #tpu.memory_space<vmem>> -> memref<80xi32, #tpu.memory_space<vmem>>
      %dma_start3A_187 = arith.constant 0 : i32
      %dma_start3A_188 = arith.constant 0 : i32
      %dma_start3A_189 = tpu.memref_slice %arg15[%dma_start3A_187, %dma_start3A_188] : memref<10016x128xf32, #tpu.memory_space<vmem_shared>> -> memref<10016x128xf32, #tpu.memory_space<vmem_shared>>
      tpu.enqueue_indirect_dma source(%arg14 : memref<80x128xf32, #tpu.memory_space<vmem>>) target(%dma_start3A_189 : memref<10016x128xf32, #tpu.memory_space<vmem_shared>>) offsets(%dma_start3A_186 : memref<80xi32, #tpu.memory_space<vmem>>) semaphore(%arg23 : memref<!tpu.dma_semaphore, #tpu.memory_space<semaphore_mem>>) {add = true}
    }
    %scan3A_27 = arith.constant 31 : i32
    %dma_wait3A = arith.constant 1 : i32
    %dma_wait3A_28 = arith.constant 0 : i32
    %dma_wait3A_29 = tpu.memref_slice %arg9[%dma_wait3A, %dma_wait3A_28] : memref<2x80xi32, #tpu.memory_space<vmem>> -> memref<1x80xi32, #tpu.memory_space<vmem>>
    %dma_wait3A_30 = tpu.memref_squeeze %dma_wait3A_29 : memref<1x80xi32, #tpu.memory_space<vmem>> -> memref<80xi32, #tpu.memory_space<vmem>>
    %dma_wait3A_31 = arith.constant 0 : i32
    %dma_wait3A_32 = arith.constant 0 : i32
    %dma_wait3A_33 = tpu.memref_slice %arg15[%dma_wait3A_31, %dma_wait3A_32] : memref<10016x128xf32, #tpu.memory_space<vmem_shared>> -> memref<10016x128xf32, #tpu.memory_space<vmem_shared>>
    tpu.wait_indirect_dma semaphore(%arg22 : memref<!tpu.dma_semaphore, #tpu.memory_space<semaphore_mem>>) src(%arg13 : memref<80x128xf32, #tpu.memory_space<vmem>>) dst(%dma_wait3A_33 : memref<10016x128xf32, #tpu.memory_space<vmem_shared>>)
    %dma_wait3A_34 = arith.constant 0 : i32
    %dma_wait3A_35 = arith.constant 0 : i32
    %dma_wait3A_36 = tpu.memref_slice %arg7[%dma_wait3A_34, %dma_wait3A_35] : memref<2x80xi32, #tpu.memory_space<vmem>> -> memref<1x80xi32, #tpu.memory_space<vmem>>
    %dma_wait3A_37 = tpu.memref_squeeze %dma_wait3A_36 : memref<1x80xi32, #tpu.memory_space<vmem>> -> memref<80xi32, #tpu.memory_space<vmem>>
    %dma_wait3A_38 = arith.constant 0 : i32
    %dma_wait3A_39 = arith.constant 0 : i32
    %dma_wait3A_40 = tpu.memref_slice %arg3[%dma_wait3A_38, %dma_wait3A_39] : memref<10000x128xf32, #tpu.memory_space<hbm>> -> memref<10000x128xf32, #tpu.memory_space<hbm>>
    tpu.wait_indirect_dma semaphore(%arg16 : memref<!tpu.dma_semaphore, #tpu.memory_space<semaphore_mem>>) src(%dma_wait3A_40 : memref<10000x128xf32, #tpu.memory_space<hbm>>) dst(%arg11 : memref<80x128xf32, #tpu.memory_space<vmem>>)
    %dma_start3A_41 = arith.constant 1 : i32
    %dma_start3A_42 = arith.constant 0 : i32
    %dma_start3A_43 = tpu.memref_slice %arg7[%dma_start3A_41, %dma_start3A_42] : memref<2x80xi32, #tpu.memory_space<vmem>> -> memref<1x80xi32, #tpu.memory_space<vmem>>
    %dma_start3A_44 = tpu.memref_squeeze %dma_start3A_43 : memref<1x80xi32, #tpu.memory_space<vmem>> -> memref<80xi32, #tpu.memory_space<vmem>>
    %dma_start3A_45 = arith.constant 0 : i32
    %dma_start3A_46 = arith.constant 0 : i32
    %dma_start3A_47 = tpu.memref_slice %arg15[%dma_start3A_45, %dma_start3A_46] : memref<10016x128xf32, #tpu.memory_space<vmem_shared>> -> memref<10016x128xf32, #tpu.memory_space<vmem_shared>>
    tpu.enqueue_indirect_dma source(%arg11 : memref<80x128xf32, #tpu.memory_space<vmem>>) target(%dma_start3A_47 : memref<10016x128xf32, #tpu.memory_space<vmem_shared>>) offsets(%dma_start3A_44 : memref<80xi32, #tpu.memory_space<vmem>>) semaphore(%arg20 : memref<!tpu.dma_semaphore, #tpu.memory_space<semaphore_mem>>) {add = true}
    %dma_wait3A_48 = arith.constant 1 : i32
    %dma_wait3A_49 = arith.constant 0 : i32
    %dma_wait3A_50 = tpu.memref_slice %arg10[%dma_wait3A_48, %dma_wait3A_49] : memref<2x80xi32, #tpu.memory_space<vmem>> -> memref<1x80xi32, #tpu.memory_space<vmem>>
    %dma_wait3A_51 = tpu.memref_squeeze %dma_wait3A_50 : memref<1x80xi32, #tpu.memory_space<vmem>> -> memref<80xi32, #tpu.memory_space<vmem>>
    %dma_wait3A_52 = arith.constant 0 : i32
    %dma_wait3A_53 = arith.constant 0 : i32
    %dma_wait3A_54 = tpu.memref_slice %arg15[%dma_wait3A_52, %dma_wait3A_53] : memref<10016x128xf32, #tpu.memory_space<vmem_shared>> -> memref<10016x128xf32, #tpu.memory_space<vmem_shared>>
    tpu.wait_indirect_dma semaphore(%arg23 : memref<!tpu.dma_semaphore, #tpu.memory_space<semaphore_mem>>) src(%arg14 : memref<80x128xf32, #tpu.memory_space<vmem>>) dst(%dma_wait3A_54 : memref<10016x128xf32, #tpu.memory_space<vmem_shared>>)
    %dma_wait3A_55 = arith.constant 1 : i32
    %dma_wait3A_56 = arith.constant 0 : i32
    %dma_wait3A_57 = tpu.memref_slice %arg7[%dma_wait3A_55, %dma_wait3A_56] : memref<2x80xi32, #tpu.memory_space<vmem>> -> memref<1x80xi32, #tpu.memory_space<vmem>>
    %dma_wait3A_58 = tpu.memref_squeeze %dma_wait3A_57 : memref<1x80xi32, #tpu.memory_space<vmem>> -> memref<80xi32, #tpu.memory_space<vmem>>
    %dma_wait3A_59 = arith.constant 0 : i32
    %dma_wait3A_60 = arith.constant 0 : i32
    %dma_wait3A_61 = tpu.memref_slice %arg15[%dma_wait3A_59, %dma_wait3A_60] : memref<10016x128xf32, #tpu.memory_space<vmem_shared>> -> memref<10016x128xf32, #tpu.memory_space<vmem_shared>>
    tpu.wait_indirect_dma semaphore(%arg20 : memref<!tpu.dma_semaphore, #tpu.memory_space<semaphore_mem>>) src(%arg11 : memref<80x128xf32, #tpu.memory_space<vmem>>) dst(%dma_wait3A_61 : memref<10016x128xf32, #tpu.memory_space<vmem_shared>>)
    %barrier3A_62 = arith.constant 0 : index
    tpu.barrier barrier_id(%barrier3A_62)
    %eq3A_63 = arith.constant 0 : i32
    %eq3A_64 = arith.cmpi eq, %arg0, %eq3A_63 : i32
    %convert_element_type3A_65 = arith.extui %eq3A_64 : i1 to i32
    %cond3A_66 = arith.constant 0 : i32
    %cond3A_67 = arith.cmpi ne, %convert_element_type3A_65, %cond3A_66 : i32
    scf.if %cond3A_67 {
      "tpu.region"() ({
        %run_scoped3A = tpu.sem_alloc : memref<!tpu.dma_semaphore, #tpu.memory_space<semaphore_mem>>
        %dma_start3A_78 = arith.constant 0 : i32
        %dma_start3A_79 = tpu.memref_slice %arg5[%multiple_of3A, %dma_start3A_78] : memref<10000x128xf32, #tpu.memory_space<hbm>> -> memref<624x128xf32, #tpu.memory_space<hbm>>
        %dma_start3A_80 = arith.constant 0 : i32
        %dma_start3A_81 = tpu.memref_slice %arg15[%multiple_of3A, %dma_start3A_80] : memref<10016x128xf32, #tpu.memory_space<vmem_shared>> -> memref<624x128xf32, #tpu.memory_space<vmem_shared>>
        tpu.enqueue_dma source(%dma_start3A_81 : memref<624x128xf32, #tpu.memory_space<vmem_shared>>) target(%dma_start3A_79 : memref<624x128xf32, #tpu.memory_space<hbm>>) target_semaphore(%run_scoped3A : memref<!tpu.dma_semaphore, #tpu.memory_space<semaphore_mem>>)
        %dma_wait3A_82 = arith.constant 0 : i32
        %dma_wait3A_83 = tpu.memref_slice %arg5[%multiple_of3A, %dma_wait3A_82] : memref<10000x128xf32, #tpu.memory_space<hbm>> -> memref<624x128xf32, #tpu.memory_space<hbm>>
        %dma_wait3A_84 = arith.constant 0 : i32
        %dma_wait3A_85 = tpu.memref_slice %arg15[%multiple_of3A, %dma_wait3A_84] : memref<10016x128xf32, #tpu.memory_space<vmem_shared>> -> memref<624x128xf32, #tpu.memory_space<vmem_shared>>
        tpu.wait_dma2 semaphore(%run_scoped3A : memref<!tpu.dma_semaphore, #tpu.memory_space<semaphore_mem>>) src(%dma_wait3A_85 : memref<624x128xf32, #tpu.memory_space<vmem_shared>>) dst(%dma_wait3A_83 : memref<624x128xf32, #tpu.memory_space<hbm>>)
        tpu.yield
      }) : () -> ()
      %eq3A_73 = arith.constant 15 : i32
      %eq3A_74 = arith.cmpi eq, %arg1, %eq3A_73 : i32
      %convert_element_type3A_75 = arith.extui %eq3A_74 : i1 to i32
      %cond3A_76 = arith.constant 0 : i32
      %cond3A_77 = arith.cmpi ne, %convert_element_type3A_75, %cond3A_76 : i32
      scf.if %cond3A_77 {
        "tpu.region"() ({
          %run_scoped3A = tpu.sem_alloc : memref<!tpu.dma_semaphore, #tpu.memory_space<semaphore_mem>>
          %dma_start3A_78 = arith.constant 9984 : i32
          %dma_start3A_79 = arith.constant 0 : i32
          %dma_start3A_80 = tpu.memref_slice %arg5[%dma_start3A_78, %dma_start3A_79] : memref<10000x128xf32, #tpu.memory_space<hbm>> -> memref<16x128xf32, #tpu.memory_space<hbm>>
          %dma_start3A_81 = arith.constant 9984 : i32
          %dma_start3A_82 = arith.constant 0 : i32
          %dma_start3A_83 = tpu.memref_slice %arg15[%dma_start3A_81, %dma_start3A_82] : memref<10016x128xf32, #tpu.memory_space<vmem_shared>> -> memref<16x128xf32, #tpu.memory_space<vmem_shared>>
          tpu.enqueue_dma source(%dma_start3A_83 : memref<16x128xf32, #tpu.memory_space<vmem_shared>>) target(%dma_start3A_80 : memref<16x128xf32, #tpu.memory_space<hbm>>) target_semaphore(%run_scoped3A : memref<!tpu.dma_semaphore, #tpu.memory_space<semaphore_mem>>)
          %dma_wait3A_84 = arith.constant 9984 : i32
          %dma_wait3A_85 = arith.constant 0 : i32
          %dma_wait3A_86 = tpu.memref_slice %arg5[%dma_wait3A_84, %dma_wait3A_85] : memref<10000x128xf32, #tpu.memory_space<hbm>> -> memref<16x128xf32, #tpu.memory_space<hbm>>
          %dma_wait3A_87 = arith.constant 9984 : i32
          %dma_wait3A_88 = arith.constant 0 : i32
          %dma_wait3A_89 = tpu.memref_slice %arg15[%dma_wait3A_87, %dma_wait3A_88] : memref<10016x128xf32, #tpu.memory_space<vmem_shared>> -> memref<16x128xf32, #tpu.memory_space<vmem_shared>>
          tpu.wait_dma2 semaphore(%run_scoped3A : memref<!tpu.dma_semaphore, #tpu.memory_space<semaphore_mem>>) src(%dma_wait3A_89 : memref<16x128xf32, #tpu.memory_space<vmem_shared>>) dst(%dma_wait3A_86 : memref<16x128xf32, #tpu.memory_space<hbm>>)
          tpu.yield
        }) : () -> ()
      } else {
      }
    } else {
    }
    %eq3A_68 = arith.constant 1 : i32
    %eq3A_69 = arith.cmpi eq, %arg0, %eq3A_68 : i32
    %convert_element_type3A_70 = arith.extui %eq3A_69 : i1 to i32
    %cond3A_71 = arith.constant 0 : i32
    %cond3A_72 = arith.cmpi ne, %convert_element_type3A_70, %cond3A_71 : i32
    scf.if %cond3A_72 {
      "tpu.region"() ({
        %run_scoped3A = tpu.sem_alloc : memref<!tpu.dma_semaphore, #tpu.memory_space<semaphore_mem>>
        %dma_start3A_78 = arith.constant 0 : i32
        %dma_start3A_79 = tpu.memref_slice %arg6[%multiple_of3A, %dma_start3A_78] : memref<10000x128xf32, #tpu.memory_space<hbm>> -> memref<624x128xf32, #tpu.memory_space<hbm>>
        %dma_start3A_80 = arith.constant 0 : i32
        %dma_start3A_81 = tpu.memref_slice %arg15[%multiple_of3A, %dma_start3A_80] : memref<10016x128xf32, #tpu.memory_space<vmem_shared>> -> memref<624x128xf32, #tpu.memory_space<vmem_shared>>
        tpu.enqueue_dma source(%dma_start3A_81 : memref<624x128xf32, #tpu.memory_space<vmem_shared>>) target(%dma_start3A_79 : memref<624x128xf32, #tpu.memory_space<hbm>>) target_semaphore(%run_scoped3A : memref<!tpu.dma_semaphore, #tpu.memory_space<semaphore_mem>>)
        %dma_wait3A_82 = arith.constant 0 : i32
        %dma_wait3A_83 = tpu.memref_slice %arg6[%multiple_of3A, %dma_wait3A_82] : memref<10000x128xf32, #tpu.memory_space<hbm>> -> memref<624x128xf32, #tpu.memory_space<hbm>>
        %dma_wait3A_84 = arith.constant 0 : i32
        %dma_wait3A_85 = tpu.memref_slice %arg15[%multiple_of3A, %dma_wait3A_84] : memref<10016x128xf32, #tpu.memory_space<vmem_shared>> -> memref<624x128xf32, #tpu.memory_space<vmem_shared>>
        tpu.wait_dma2 semaphore(%run_scoped3A : memref<!tpu.dma_semaphore, #tpu.memory_space<semaphore_mem>>) src(%dma_wait3A_85 : memref<624x128xf32, #tpu.memory_space<vmem_shared>>) dst(%dma_wait3A_83 : memref<624x128xf32, #tpu.memory_space<hbm>>)
        tpu.yield
      }) : () -> ()
      %eq3A_73 = arith.constant 15 : i32
      %eq3A_74 = arith.cmpi eq, %arg1, %eq3A_73 : i32
      %convert_element_type3A_75 = arith.extui %eq3A_74 : i1 to i32
      %cond3A_76 = arith.constant 0 : i32
      %cond3A_77 = arith.cmpi ne, %convert_element_type3A_75, %cond3A_76 : i32
      scf.if %cond3A_77 {
        "tpu.region"() ({
          %run_scoped3A = tpu.sem_alloc : memref<!tpu.dma_semaphore, #tpu.memory_space<semaphore_mem>>
          %dma_start3A_78 = arith.constant 9984 : i32
          %dma_start3A_79 = arith.constant 0 : i32
          %dma_start3A_80 = tpu.memref_slice %arg6[%dma_start3A_78, %dma_start3A_79] : memref<10000x128xf32, #tpu.memory_space<hbm>> -> memref<16x128xf32, #tpu.memory_space<hbm>>
          %dma_start3A_81 = arith.constant 9984 : i32
          %dma_start3A_82 = arith.constant 0 : i32
          %dma_start3A_83 = tpu.memref_slice %arg15[%dma_start3A_81, %dma_start3A_82] : memref<10016x128xf32, #tpu.memory_space<vmem_shared>> -> memref<16x128xf32, #tpu.memory_space<vmem_shared>>
          tpu.enqueue_dma source(%dma_start3A_83 : memref<16x128xf32, #tpu.memory_space<vmem_shared>>) target(%dma_start3A_80 : memref<16x128xf32, #tpu.memory_space<hbm>>) target_semaphore(%run_scoped3A : memref<!tpu.dma_semaphore, #tpu.memory_space<semaphore_mem>>)
          %dma_wait3A_84 = arith.constant 9984 : i32
          %dma_wait3A_85 = arith.constant 0 : i32
          %dma_wait3A_86 = tpu.memref_slice %arg6[%dma_wait3A_84, %dma_wait3A_85] : memref<10000x128xf32, #tpu.memory_space<hbm>> -> memref<16x128xf32, #tpu.memory_space<hbm>>
          %dma_wait3A_87 = arith.constant 9984 : i32
          %dma_wait3A_88 = arith.constant 0 : i32
          %dma_wait3A_89 = tpu.memref_slice %arg15[%dma_wait3A_87, %dma_wait3A_88] : memref<10016x128xf32, #tpu.memory_space<vmem_shared>> -> memref<16x128xf32, #tpu.memory_space<vmem_shared>>
          tpu.wait_dma2 semaphore(%run_scoped3A : memref<!tpu.dma_semaphore, #tpu.memory_space<semaphore_mem>>) src(%dma_wait3A_89 : memref<16x128xf32, #tpu.memory_space<vmem_shared>>) dst(%dma_wait3A_86 : memref<16x128xf32, #tpu.memory_space<hbm>>)
          tpu.yield
        }) : () -> ()
      } else {
      }
    } else {
    }
    return
  }
}

#map = affine_map<(d0, d1) -> (0, 0, 0)>
#map1 = affine_map<(d0, d1) -> (0, 0)>
module attributes {stable_mosaic.version = 14 : i64} {
  func.func @agg(%arg0: i32, %arg1: i32, %arg2: memref<4000x2x80xi32, #tpu.memory_space<hbm>>, %arg3: memref<10000x128xf32, #tpu.memory_space<hbm>>, %arg4: memref<10000x128xf32, #tpu.memory_space<hbm>>, %arg5: memref<10000x128xf32, #tpu.memory_space<hbm>>, %arg6: memref<10000x128xf32, #tpu.memory_space<hbm>>, %arg7: memref<10000x128xf32, #tpu.memory_space<hbm>>, %arg8: memref<2x80xi32, #tpu.memory_space<vmem>>, %arg9: memref<2x80xi32, #tpu.memory_space<vmem>>, %arg10: memref<2x80xi32, #tpu.memory_space<vmem>>, %arg11: memref<2x80xi32, #tpu.memory_space<vmem>>, %arg12: memref<80x128xf32, #tpu.memory_space<vmem>>, %arg13: memref<80x128xf32, #tpu.memory_space<vmem>>, %arg14: memref<80x128xf32, #tpu.memory_space<vmem>>, %arg15: memref<80x128xf32, #tpu.memory_space<vmem>>, %arg16: memref<10016x128xf32, #tpu.memory_space<vmem_shared>>, %arg17: memref<!tpu.dma_semaphore, #tpu.memory_space<semaphore_mem>>, %arg18: memref<!tpu.dma_semaphore, #tpu.memory_space<semaphore_mem>>, %arg19: memref<!tpu.dma_semaphore, #tpu.memory_space<semaphore_mem>>, %arg20: memref<!tpu.dma_semaphore, #tpu.memory_space<semaphore_mem>>, %arg21: memref<!tpu.dma_semaphore, #tpu.memory_space<semaphore_mem>>, %arg22: memref<!tpu.dma_semaphore, #tpu.memory_space<semaphore_mem>>, %arg23: memref<!tpu.dma_semaphore, #tpu.memory_space<semaphore_mem>>, %arg24: memref<!tpu.dma_semaphore, #tpu.memory_space<semaphore_mem>>) attributes {dimension_semantics = [#tpu.dimension_semantics<core_parallel>, #tpu.dimension_semantics<subcore_parallel>], iteration_bounds = array<i64: 2, 16>, scalar_prefetch = 0 : i64, scratch_operands = 17 : i64, tpu.core_type = #tpu.core_type<sc_vector_subcore>, window_params = [{transform_indices = #map}, {transform_indices = #map1}, {transform_indices = #map1}, {transform_indices = #map1}, {transform_indices = #map1}, {transform_indices = #map1}]} {
    %mul3A = arith.constant 624 : i32
    %mul3A_0 = arith.muli %arg1, %mul3A : i32
    %multiple_of3A = tpu.assume_multiple %mul3A_0, 8 : i32
    "tpu.region"() ({
      %run_scoped3A = tpu.sem_alloc : memref<!tpu.dma_semaphore, #tpu.memory_space<semaphore_mem>>
      %dma_start3A = arith.constant 0 : i32
      %dma_start3A_23 = tpu.memref_slice %arg16[%multiple_of3A, %dma_start3A] : memref<10016x128xf32, #tpu.memory_space<vmem_shared>> -> memref<624x128xf32, #tpu.memory_space<vmem_shared>>
      %dma_start3A_24 = arith.constant 0 : i32
      %dma_start3A_25 = tpu.memref_slice %arg5[%multiple_of3A, %dma_start3A_24] : memref<10000x128xf32, #tpu.memory_space<hbm>> -> memref<624x128xf32, #tpu.memory_space<hbm>>
      tpu.enqueue_dma source(%dma_start3A_25 : memref<624x128xf32, #tpu.memory_space<hbm>>) target(%dma_start3A_23 : memref<624x128xf32, #tpu.memory_space<vmem_shared>>) target_semaphore(%run_scoped3A : memref<!tpu.dma_semaphore, #tpu.memory_space<semaphore_mem>>)
      %dma_wait3A = arith.constant 0 : i32
      %dma_wait3A_26 = tpu.memref_slice %arg16[%multiple_of3A, %dma_wait3A] : memref<10016x128xf32, #tpu.memory_space<vmem_shared>> -> memref<624x128xf32, #tpu.memory_space<vmem_shared>>
      %dma_wait3A_27 = arith.constant 0 : i32
      %dma_wait3A_28 = tpu.memref_slice %arg5[%multiple_of3A, %dma_wait3A_27] : memref<10000x128xf32, #tpu.memory_space<hbm>> -> memref<624x128xf32, #tpu.memory_space<hbm>>
      tpu.wait_dma2 semaphore(%run_scoped3A : memref<!tpu.dma_semaphore, #tpu.memory_space<semaphore_mem>>) src(%dma_wait3A_28 : memref<624x128xf32, #tpu.memory_space<hbm>>) dst(%dma_wait3A_26 : memref<624x128xf32, #tpu.memory_space<vmem_shared>>)
      tpu.yield
    }) : () -> ()
    %eq3A = arith.constant 15 : i32
    %eq3A_1 = arith.cmpi eq, %arg1, %eq3A : i32
    %convert_element_type3A = arith.extui %eq3A_1 : i1 to i32
    %cond3A = arith.constant 0 : i32
    %cond3A_2 = arith.cmpi ne, %convert_element_type3A, %cond3A : i32
    scf.if %cond3A_2 {
      "tpu.region"() ({
        %run_scoped3A = tpu.sem_alloc : memref<!tpu.dma_semaphore, #tpu.memory_space<semaphore_mem>>
        %dma_start3A = arith.constant 9984 : i32
        %dma_start3A_23 = arith.constant 0 : i32
        %dma_start3A_24 = tpu.memref_slice %arg16[%dma_start3A, %dma_start3A_23] : memref<10016x128xf32, #tpu.memory_space<vmem_shared>> -> memref<16x128xf32, #tpu.memory_space<vmem_shared>>
        %dma_start3A_25 = arith.constant 9984 : i32
        %dma_start3A_26 = arith.constant 0 : i32
        %dma_start3A_27 = tpu.memref_slice %arg5[%dma_start3A_25, %dma_start3A_26] : memref<10000x128xf32, #tpu.memory_space<hbm>> -> memref<16x128xf32, #tpu.memory_space<hbm>>
        tpu.enqueue_dma source(%dma_start3A_27 : memref<16x128xf32, #tpu.memory_space<hbm>>) target(%dma_start3A_24 : memref<16x128xf32, #tpu.memory_space<vmem_shared>>) target_semaphore(%run_scoped3A : memref<!tpu.dma_semaphore, #tpu.memory_space<semaphore_mem>>)
        %dma_wait3A = arith.constant 9984 : i32
        %dma_wait3A_28 = arith.constant 0 : i32
        %dma_wait3A_29 = tpu.memref_slice %arg16[%dma_wait3A, %dma_wait3A_28] : memref<10016x128xf32, #tpu.memory_space<vmem_shared>> -> memref<16x128xf32, #tpu.memory_space<vmem_shared>>
        %dma_wait3A_30 = arith.constant 9984 : i32
        %dma_wait3A_31 = arith.constant 0 : i32
        %dma_wait3A_32 = tpu.memref_slice %arg5[%dma_wait3A_30, %dma_wait3A_31] : memref<10000x128xf32, #tpu.memory_space<hbm>> -> memref<16x128xf32, #tpu.memory_space<hbm>>
        tpu.wait_dma2 semaphore(%run_scoped3A : memref<!tpu.dma_semaphore, #tpu.memory_space<semaphore_mem>>) src(%dma_wait3A_32 : memref<16x128xf32, #tpu.memory_space<hbm>>) dst(%dma_wait3A_29 : memref<16x128xf32, #tpu.memory_space<vmem_shared>>)
        tpu.yield
      }) : () -> ()
    } else {
    }
    %eq3A_3 = arith.constant 0 : i32
    %eq3A_4 = arith.cmpi eq, %arg0, %eq3A_3 : i32
    %convert_element_type3A_5 = arith.extui %eq3A_4 : i1 to i32
    %cond3A_6 = arith.constant 0 : i32
    %cond3A_7 = arith.cmpi ne, %convert_element_type3A_5, %cond3A_6 : i32
    scf.if %cond3A_7 {
      %mul3A_23 = arith.constant 250 : i32
      %mul3A_24 = arith.muli %arg1, %mul3A_23 : i32
      %add3A = arith.constant 0 : i32
      %add3A_25 = arith.addi %mul3A_24, %add3A : i32
      "tpu.region"() ({
        %run_scoped3A = tpu.sem_alloc : memref<!tpu.dma_semaphore, #tpu.memory_space<semaphore_mem>>
        %dma_start3A_101 = arith.constant 0 : i32
        %dma_start3A_102 = arith.constant 0 : i32
        %dma_start3A_103 = tpu.memref_slice %arg2[%add3A_25, %dma_start3A_101, %dma_start3A_102] : memref<4000x2x80xi32, #tpu.memory_space<hbm>> -> memref<1x2x80xi32, #tpu.memory_space<hbm>>
        %dma_start3A_104 = tpu.memref_squeeze %dma_start3A_103 : memref<1x2x80xi32, #tpu.memory_space<hbm>> -> memref<2x80xi32, #tpu.memory_space<hbm>>
        %dma_start3A_105 = arith.constant 0 : i32
        %dma_start3A_106 = arith.constant 0 : i32
        %dma_start3A_107 = tpu.memref_slice %arg2[%add3A_25, %dma_start3A_105, %dma_start3A_106] : memref<4000x2x80xi32, #tpu.memory_space<hbm>> -> memref<1x2x80xi32, #tpu.memory_space<hbm>>
        %dma_start3A_108 = tpu.memref_squeeze %dma_start3A_107 : memref<1x2x80xi32, #tpu.memory_space<hbm>> -> memref<2x80xi32, #tpu.memory_space<hbm>>
        tpu.enqueue_dma source(%dma_start3A_108 : memref<2x80xi32, #tpu.memory_space<hbm>>) target(%arg8 : memref<2x80xi32, #tpu.memory_space<vmem>>) target_semaphore(%run_scoped3A : memref<!tpu.dma_semaphore, #tpu.memory_space<semaphore_mem>>)
        %dma_wait3A_109 = arith.constant 0 : i32
        %dma_wait3A_110 = arith.constant 0 : i32
        %dma_wait3A_111 = tpu.memref_slice %arg2[%add3A_25, %dma_wait3A_109, %dma_wait3A_110] : memref<4000x2x80xi32, #tpu.memory_space<hbm>> -> memref<1x2x80xi32, #tpu.memory_space<hbm>>
        %dma_wait3A_112 = tpu.memref_squeeze %dma_wait3A_111 : memref<1x2x80xi32, #tpu.memory_space<hbm>> -> memref<2x80xi32, #tpu.memory_space<hbm>>
        %dma_wait3A_113 = arith.constant 0 : i32
        %dma_wait3A_114 = arith.constant 0 : i32
        %dma_wait3A_115 = tpu.memref_slice %arg2[%add3A_25, %dma_wait3A_113, %dma_wait3A_114] : memref<4000x2x80xi32, #tpu.memory_space<hbm>> -> memref<1x2x80xi32, #tpu.memory_space<hbm>>
        %dma_wait3A_116 = tpu.memref_squeeze %dma_wait3A_115 : memref<1x2x80xi32, #tpu.memory_space<hbm>> -> memref<2x80xi32, #tpu.memory_space<hbm>>
        tpu.wait_dma2 semaphore(%run_scoped3A : memref<!tpu.dma_semaphore, #tpu.memory_space<semaphore_mem>>) src(%dma_wait3A_116 : memref<2x80xi32, #tpu.memory_space<hbm>>) dst(%arg8 : memref<2x80xi32, #tpu.memory_space<vmem>>)
        tpu.yield
      }) : () -> ()
      %dma_start3A = arith.constant 0 : i32
      %dma_start3A_26 = arith.constant 0 : i32
      %dma_start3A_27 = tpu.memref_slice %arg8[%dma_start3A, %dma_start3A_26] : memref<2x80xi32, #tpu.memory_space<vmem>> -> memref<1x80xi32, #tpu.memory_space<vmem>>
      %dma_start3A_28 = tpu.memref_squeeze %dma_start3A_27 : memref<1x80xi32, #tpu.memory_space<vmem>> -> memref<80xi32, #tpu.memory_space<vmem>>
      %dma_start3A_29 = arith.constant 0 : i32
      %dma_start3A_30 = arith.constant 0 : i32
      %dma_start3A_31 = tpu.memref_slice %arg3[%dma_start3A_29, %dma_start3A_30] : memref<10000x128xf32, #tpu.memory_space<hbm>> -> memref<10000x128xf32, #tpu.memory_space<hbm>>
      tpu.enqueue_indirect_dma source(%dma_start3A_31 : memref<10000x128xf32, #tpu.memory_space<hbm>>) target(%arg12 : memref<80x128xf32, #tpu.memory_space<vmem>>) offsets(%dma_start3A_28 : memref<80xi32, #tpu.memory_space<vmem>>) semaphore(%arg17 : memref<!tpu.dma_semaphore, #tpu.memory_space<semaphore_mem>>)
      %add3A_32 = arith.constant 1 : i32
      %add3A_33 = arith.addi %mul3A_24, %add3A_32 : i32
      "tpu.region"() ({
        %run_scoped3A = tpu.sem_alloc : memref<!tpu.dma_semaphore, #tpu.memory_space<semaphore_mem>>
        %dma_start3A_101 = arith.constant 0 : i32
        %dma_start3A_102 = arith.constant 0 : i32
        %dma_start3A_103 = tpu.memref_slice %arg2[%add3A_33, %dma_start3A_101, %dma_start3A_102] : memref<4000x2x80xi32, #tpu.memory_space<hbm>> -> memref<1x2x80xi32, #tpu.memory_space<hbm>>
        %dma_start3A_104 = tpu.memref_squeeze %dma_start3A_103 : memref<1x2x80xi32, #tpu.memory_space<hbm>> -> memref<2x80xi32, #tpu.memory_space<hbm>>
        %dma_start3A_105 = arith.constant 0 : i32
        %dma_start3A_106 = arith.constant 0 : i32
        %dma_start3A_107 = tpu.memref_slice %arg2[%add3A_33, %dma_start3A_105, %dma_start3A_106] : memref<4000x2x80xi32, #tpu.memory_space<hbm>> -> memref<1x2x80xi32, #tpu.memory_space<hbm>>
        %dma_start3A_108 = tpu.memref_squeeze %dma_start3A_107 : memref<1x2x80xi32, #tpu.memory_space<hbm>> -> memref<2x80xi32, #tpu.memory_space<hbm>>
        tpu.enqueue_dma source(%dma_start3A_108 : memref<2x80xi32, #tpu.memory_space<hbm>>) target(%arg9 : memref<2x80xi32, #tpu.memory_space<vmem>>) target_semaphore(%run_scoped3A : memref<!tpu.dma_semaphore, #tpu.memory_space<semaphore_mem>>)
        %dma_wait3A_109 = arith.constant 0 : i32
        %dma_wait3A_110 = arith.constant 0 : i32
        %dma_wait3A_111 = tpu.memref_slice %arg2[%add3A_33, %dma_wait3A_109, %dma_wait3A_110] : memref<4000x2x80xi32, #tpu.memory_space<hbm>> -> memref<1x2x80xi32, #tpu.memory_space<hbm>>
        %dma_wait3A_112 = tpu.memref_squeeze %dma_wait3A_111 : memref<1x2x80xi32, #tpu.memory_space<hbm>> -> memref<2x80xi32, #tpu.memory_space<hbm>>
        %dma_wait3A_113 = arith.constant 0 : i32
        %dma_wait3A_114 = arith.constant 0 : i32
        %dma_wait3A_115 = tpu.memref_slice %arg2[%add3A_33, %dma_wait3A_113, %dma_wait3A_114] : memref<4000x2x80xi32, #tpu.memory_space<hbm>> -> memref<1x2x80xi32, #tpu.memory_space<hbm>>
        %dma_wait3A_116 = tpu.memref_squeeze %dma_wait3A_115 : memref<1x2x80xi32, #tpu.memory_space<hbm>> -> memref<2x80xi32, #tpu.memory_space<hbm>>
        tpu.wait_dma2 semaphore(%run_scoped3A : memref<!tpu.dma_semaphore, #tpu.memory_space<semaphore_mem>>) src(%dma_wait3A_116 : memref<2x80xi32, #tpu.memory_space<hbm>>) dst(%arg9 : memref<2x80xi32, #tpu.memory_space<vmem>>)
        tpu.yield
      }) : () -> ()
      %dma_start3A_34 = arith.constant 0 : i32
      %dma_start3A_35 = arith.constant 0 : i32
      %dma_start3A_36 = tpu.memref_slice %arg9[%dma_start3A_34, %dma_start3A_35] : memref<2x80xi32, #tpu.memory_space<vmem>> -> memref<1x80xi32, #tpu.memory_space<vmem>>
      %dma_start3A_37 = tpu.memref_squeeze %dma_start3A_36 : memref<1x80xi32, #tpu.memory_space<vmem>> -> memref<80xi32, #tpu.memory_space<vmem>>
      %dma_start3A_38 = arith.constant 0 : i32
      %dma_start3A_39 = arith.constant 0 : i32
      %dma_start3A_40 = tpu.memref_slice %arg3[%dma_start3A_38, %dma_start3A_39] : memref<10000x128xf32, #tpu.memory_space<hbm>> -> memref<10000x128xf32, #tpu.memory_space<hbm>>
      tpu.enqueue_indirect_dma source(%dma_start3A_40 : memref<10000x128xf32, #tpu.memory_space<hbm>>) target(%arg13 : memref<80x128xf32, #tpu.memory_space<vmem>>) offsets(%dma_start3A_37 : memref<80xi32, #tpu.memory_space<vmem>>) semaphore(%arg18 : memref<!tpu.dma_semaphore, #tpu.memory_space<semaphore_mem>>)
      %barrier3A_41 = arith.constant 0 : index
      tpu.barrier barrier_id(%barrier3A_41)
      %scan3A = arith.constant 0 : i32
      %scan3A_42 = arith.constant 62 : i32
      %scan3A_43 = arith.addi %scan3A, %scan3A_42 : i32
      %scan3A_44 = arith.constant 1 : i32
      scf.for %scan3A_101 = %scan3A to %scan3A_43 step %scan3A_44  : i32 {
        %mul3A_102 = arith.constant 1 : i32
        %mul3A_103 = arith.muli %scan3A_101, %mul3A_102 : i32
        %add3A_104 = arith.constant 0 : i32
        %add3A_105 = arith.addi %add3A_104, %mul3A_103 : i32
        %mul3A_106 = arith.constant 4 : i32
        %mul3A_107 = arith.muli %add3A_105, %mul3A_106 : i32
        %add3A_108 = arith.constant 0 : i32
        %add3A_109 = arith.addi %mul3A_107, %add3A_108 : i32
        %ge3A = arith.constant 2 : i32
        %ge3A_110 = arith.cmpi sge, %add3A_109, %ge3A : i32
        %convert_element_type3A_111 = arith.extui %ge3A_110 : i1 to i32
        %cond3A_112 = arith.constant 0 : i32
        %cond3A_113 = arith.cmpi ne, %convert_element_type3A_111, %cond3A_112 : i32
        scf.if %cond3A_113 {
          %dma_wait3A_218 = arith.constant 1 : i32
          %dma_wait3A_219 = arith.constant 0 : i32
          %dma_wait3A_220 = tpu.memref_slice %arg10[%dma_wait3A_218, %dma_wait3A_219] : memref<2x80xi32, #tpu.memory_space<vmem>> -> memref<1x80xi32, #tpu.memory_space<vmem>>
          %dma_wait3A_221 = tpu.memref_squeeze %dma_wait3A_220 : memref<1x80xi32, #tpu.memory_space<vmem>> -> memref<80xi32, #tpu.memory_space<vmem>>
          %dma_wait3A_222 = arith.constant 0 : i32
          %dma_wait3A_223 = arith.constant 0 : i32
          %dma_wait3A_224 = tpu.memref_slice %arg16[%dma_wait3A_222, %dma_wait3A_223] : memref<10016x128xf32, #tpu.memory_space<vmem_shared>> -> memref<10016x128xf32, #tpu.memory_space<vmem_shared>>
          tpu.wait_indirect_dma semaphore(%arg23 : memref<!tpu.dma_semaphore, #tpu.memory_space<semaphore_mem>>) src(%arg14 : memref<80x128xf32, #tpu.memory_space<vmem>>) dst(%dma_wait3A_224 : memref<10016x128xf32, #tpu.memory_space<vmem_shared>>)
        } else {
        }
        %add3A_114 = arith.constant 2 : i32
        %add3A_115 = arith.addi %add3A_109, %add3A_114 : i32
        %lt3A = arith.constant 250 : i32
        %lt3A_116 = arith.cmpi slt, %add3A_115, %lt3A : i32
        %convert_element_type3A_117 = arith.extui %lt3A_116 : i1 to i32
        %cond3A_118 = arith.constant 0 : i32
        %cond3A_119 = arith.cmpi ne, %convert_element_type3A_117, %cond3A_118 : i32
        scf.if %cond3A_119 {
          %add3A_218 = arith.constant 2 : i32
          %add3A_219 = arith.addi %add3A_109, %add3A_218 : i32
          %add3A_220 = arith.addi %mul3A_24, %add3A_219 : i32
          "tpu.region"() ({
            %run_scoped3A = tpu.sem_alloc : memref<!tpu.dma_semaphore, #tpu.memory_space<semaphore_mem>>
            %dma_start3A_228 = arith.constant 0 : i32
            %dma_start3A_229 = arith.constant 0 : i32
            %dma_start3A_230 = tpu.memref_slice %arg2[%add3A_220, %dma_start3A_228, %dma_start3A_229] : memref<4000x2x80xi32, #tpu.memory_space<hbm>> -> memref<1x2x80xi32, #tpu.memory_space<hbm>>
            %dma_start3A_231 = tpu.memref_squeeze %dma_start3A_230 : memref<1x2x80xi32, #tpu.memory_space<hbm>> -> memref<2x80xi32, #tpu.memory_space<hbm>>
            %dma_start3A_232 = arith.constant 0 : i32
            %dma_start3A_233 = arith.constant 0 : i32
            %dma_start3A_234 = tpu.memref_slice %arg2[%add3A_220, %dma_start3A_232, %dma_start3A_233] : memref<4000x2x80xi32, #tpu.memory_space<hbm>> -> memref<1x2x80xi32, #tpu.memory_space<hbm>>
            %dma_start3A_235 = tpu.memref_squeeze %dma_start3A_234 : memref<1x2x80xi32, #tpu.memory_space<hbm>> -> memref<2x80xi32, #tpu.memory_space<hbm>>
            tpu.enqueue_dma source(%dma_start3A_235 : memref<2x80xi32, #tpu.memory_space<hbm>>) target(%arg10 : memref<2x80xi32, #tpu.memory_space<vmem>>) target_semaphore(%run_scoped3A : memref<!tpu.dma_semaphore, #tpu.memory_space<semaphore_mem>>)
            %dma_wait3A_236 = arith.constant 0 : i32
            %dma_wait3A_237 = arith.constant 0 : i32
            %dma_wait3A_238 = tpu.memref_slice %arg2[%add3A_220, %dma_wait3A_236, %dma_wait3A_237] : memref<4000x2x80xi32, #tpu.memory_space<hbm>> -> memref<1x2x80xi32, #tpu.memory_space<hbm>>
            %dma_wait3A_239 = tpu.memref_squeeze %dma_wait3A_238 : memref<1x2x80xi32, #tpu.memory_space<hbm>> -> memref<2x80xi32, #tpu.memory_space<hbm>>
            %dma_wait3A_240 = arith.constant 0 : i32
            %dma_wait3A_241 = arith.constant 0 : i32
            %dma_wait3A_242 = tpu.memref_slice %arg2[%add3A_220, %dma_wait3A_240, %dma_wait3A_241] : memref<4000x2x80xi32, #tpu.memory_space<hbm>> -> memref<1x2x80xi32, #tpu.memory_space<hbm>>
            %dma_wait3A_243 = tpu.memref_squeeze %dma_wait3A_242 : memref<1x2x80xi32, #tpu.memory_space<hbm>> -> memref<2x80xi32, #tpu.memory_space<hbm>>
            tpu.wait_dma2 semaphore(%run_scoped3A : memref<!tpu.dma_semaphore, #tpu.memory_space<semaphore_mem>>) src(%dma_wait3A_243 : memref<2x80xi32, #tpu.memory_space<hbm>>) dst(%arg10 : memref<2x80xi32, #tpu.memory_space<vmem>>)
            tpu.yield
          }) : () -> ()
          %dma_start3A_221 = arith.constant 0 : i32
          %dma_start3A_222 = arith.constant 0 : i32
          %dma_start3A_223 = tpu.memref_slice %arg10[%dma_start3A_221, %dma_start3A_222] : memref<2x80xi32, #tpu.memory_space<vmem>> -> memref<1x80xi32, #tpu.memory_space<vmem>>
          %dma_start3A_224 = tpu.memref_squeeze %dma_start3A_223 : memref<1x80xi32, #tpu.memory_space<vmem>> -> memref<80xi32, #tpu.memory_space<vmem>>
          %dma_start3A_225 = arith.constant 0 : i32
          %dma_start3A_226 = arith.constant 0 : i32
          %dma_start3A_227 = tpu.memref_slice %arg3[%dma_start3A_225, %dma_start3A_226] : memref<10000x128xf32, #tpu.memory_space<hbm>> -> memref<10000x128xf32, #tpu.memory_space<hbm>>
          tpu.enqueue_indirect_dma source(%dma_start3A_227 : memref<10000x128xf32, #tpu.memory_space<hbm>>) target(%arg14 : memref<80x128xf32, #tpu.memory_space<vmem>>) offsets(%dma_start3A_224 : memref<80xi32, #tpu.memory_space<vmem>>) semaphore(%arg19 : memref<!tpu.dma_semaphore, #tpu.memory_space<semaphore_mem>>)
        } else {
        }
        %dma_wait3A_120 = arith.constant 0 : i32
        %dma_wait3A_121 = arith.constant 0 : i32
        %dma_wait3A_122 = tpu.memref_slice %arg8[%dma_wait3A_120, %dma_wait3A_121] : memref<2x80xi32, #tpu.memory_space<vmem>> -> memref<1x80xi32, #tpu.memory_space<vmem>>
        %dma_wait3A_123 = tpu.memref_squeeze %dma_wait3A_122 : memref<1x80xi32, #tpu.memory_space<vmem>> -> memref<80xi32, #tpu.memory_space<vmem>>
        %dma_wait3A_124 = arith.constant 0 : i32
        %dma_wait3A_125 = arith.constant 0 : i32
        %dma_wait3A_126 = tpu.memref_slice %arg3[%dma_wait3A_124, %dma_wait3A_125] : memref<10000x128xf32, #tpu.memory_space<hbm>> -> memref<10000x128xf32, #tpu.memory_space<hbm>>
        tpu.wait_indirect_dma semaphore(%arg17 : memref<!tpu.dma_semaphore, #tpu.memory_space<semaphore_mem>>) src(%dma_wait3A_126 : memref<10000x128xf32, #tpu.memory_space<hbm>>) dst(%arg12 : memref<80x128xf32, #tpu.memory_space<vmem>>)
        %dma_start3A_127 = arith.constant 1 : i32
        %dma_start3A_128 = arith.constant 0 : i32
        %dma_start3A_129 = tpu.memref_slice %arg8[%dma_start3A_127, %dma_start3A_128] : memref<2x80xi32, #tpu.memory_space<vmem>> -> memref<1x80xi32, #tpu.memory_space<vmem>>
        %dma_start3A_130 = tpu.memref_squeeze %dma_start3A_129 : memref<1x80xi32, #tpu.memory_space<vmem>> -> memref<80xi32, #tpu.memory_space<vmem>>
        %dma_start3A_131 = arith.constant 0 : i32
        %dma_start3A_132 = arith.constant 0 : i32
        %dma_start3A_133 = tpu.memref_slice %arg16[%dma_start3A_131, %dma_start3A_132] : memref<10016x128xf32, #tpu.memory_space<vmem_shared>> -> memref<10016x128xf32, #tpu.memory_space<vmem_shared>>
        tpu.enqueue_indirect_dma source(%arg12 : memref<80x128xf32, #tpu.memory_space<vmem>>) target(%dma_start3A_133 : memref<10016x128xf32, #tpu.memory_space<vmem_shared>>) offsets(%dma_start3A_130 : memref<80xi32, #tpu.memory_space<vmem>>) semaphore(%arg21 : memref<!tpu.dma_semaphore, #tpu.memory_space<semaphore_mem>>) {add = true}
        %add3A_134 = arith.constant 1 : i32
        %add3A_135 = arith.addi %mul3A_107, %add3A_134 : i32
        %ge3A_136 = arith.constant 2 : i32
        %ge3A_137 = arith.cmpi sge, %add3A_135, %ge3A_136 : i32
        %convert_element_type3A_138 = arith.extui %ge3A_137 : i1 to i32
        %cond3A_139 = arith.constant 0 : i32
        %cond3A_140 = arith.cmpi ne, %convert_element_type3A_138, %cond3A_139 : i32
        scf.if %cond3A_140 {
          %dma_wait3A_218 = arith.constant 1 : i32
          %dma_wait3A_219 = arith.constant 0 : i32
          %dma_wait3A_220 = tpu.memref_slice %arg11[%dma_wait3A_218, %dma_wait3A_219] : memref<2x80xi32, #tpu.memory_space<vmem>> -> memref<1x80xi32, #tpu.memory_space<vmem>>
          %dma_wait3A_221 = tpu.memref_squeeze %dma_wait3A_220 : memref<1x80xi32, #tpu.memory_space<vmem>> -> memref<80xi32, #tpu.memory_space<vmem>>
          %dma_wait3A_222 = arith.constant 0 : i32
          %dma_wait3A_223 = arith.constant 0 : i32
          %dma_wait3A_224 = tpu.memref_slice %arg16[%dma_wait3A_222, %dma_wait3A_223] : memref<10016x128xf32, #tpu.memory_space<vmem_shared>> -> memref<10016x128xf32, #tpu.memory_space<vmem_shared>>
          tpu.wait_indirect_dma semaphore(%arg24 : memref<!tpu.dma_semaphore, #tpu.memory_space<semaphore_mem>>) src(%arg15 : memref<80x128xf32, #tpu.memory_space<vmem>>) dst(%dma_wait3A_224 : memref<10016x128xf32, #tpu.memory_space<vmem_shared>>)
        } else {
        }
        %add3A_141 = arith.constant 2 : i32
        %add3A_142 = arith.addi %add3A_135, %add3A_141 : i32
        %lt3A_143 = arith.constant 250 : i32
        %lt3A_144 = arith.cmpi slt, %add3A_142, %lt3A_143 : i32
        %convert_element_type3A_145 = arith.extui %lt3A_144 : i1 to i32
        %cond3A_146 = arith.constant 0 : i32
        %cond3A_147 = arith.cmpi ne, %convert_element_type3A_145, %cond3A_146 : i32
        scf.if %cond3A_147 {
          %add3A_218 = arith.constant 2 : i32
          %add3A_219 = arith.addi %add3A_135, %add3A_218 : i32
          %add3A_220 = arith.addi %mul3A_24, %add3A_219 : i32
          "tpu.region"() ({
            %run_scoped3A = tpu.sem_alloc : memref<!tpu.dma_semaphore, #tpu.memory_space<semaphore_mem>>
            %dma_start3A_228 = arith.constant 0 : i32
            %dma_start3A_229 = arith.constant 0 : i32
            %dma_start3A_230 = tpu.memref_slice %arg2[%add3A_220, %dma_start3A_228, %dma_start3A_229] : memref<4000x2x80xi32, #tpu.memory_space<hbm>> -> memref<1x2x80xi32, #tpu.memory_space<hbm>>
            %dma_start3A_231 = tpu.memref_squeeze %dma_start3A_230 : memref<1x2x80xi32, #tpu.memory_space<hbm>> -> memref<2x80xi32, #tpu.memory_space<hbm>>
            %dma_start3A_232 = arith.constant 0 : i32
            %dma_start3A_233 = arith.constant 0 : i32
            %dma_start3A_234 = tpu.memref_slice %arg2[%add3A_220, %dma_start3A_232, %dma_start3A_233] : memref<4000x2x80xi32, #tpu.memory_space<hbm>> -> memref<1x2x80xi32, #tpu.memory_space<hbm>>
            %dma_start3A_235 = tpu.memref_squeeze %dma_start3A_234 : memref<1x2x80xi32, #tpu.memory_space<hbm>> -> memref<2x80xi32, #tpu.memory_space<hbm>>
            tpu.enqueue_dma source(%dma_start3A_235 : memref<2x80xi32, #tpu.memory_space<hbm>>) target(%arg11 : memref<2x80xi32, #tpu.memory_space<vmem>>) target_semaphore(%run_scoped3A : memref<!tpu.dma_semaphore, #tpu.memory_space<semaphore_mem>>)
            %dma_wait3A_236 = arith.constant 0 : i32
            %dma_wait3A_237 = arith.constant 0 : i32
            %dma_wait3A_238 = tpu.memref_slice %arg2[%add3A_220, %dma_wait3A_236, %dma_wait3A_237] : memref<4000x2x80xi32, #tpu.memory_space<hbm>> -> memref<1x2x80xi32, #tpu.memory_space<hbm>>
            %dma_wait3A_239 = tpu.memref_squeeze %dma_wait3A_238 : memref<1x2x80xi32, #tpu.memory_space<hbm>> -> memref<2x80xi32, #tpu.memory_space<hbm>>
            %dma_wait3A_240 = arith.constant 0 : i32
            %dma_wait3A_241 = arith.constant 0 : i32
            %dma_wait3A_242 = tpu.memref_slice %arg2[%add3A_220, %dma_wait3A_240, %dma_wait3A_241] : memref<4000x2x80xi32, #tpu.memory_space<hbm>> -> memref<1x2x80xi32, #tpu.memory_space<hbm>>
            %dma_wait3A_243 = tpu.memref_squeeze %dma_wait3A_242 : memref<1x2x80xi32, #tpu.memory_space<hbm>> -> memref<2x80xi32, #tpu.memory_space<hbm>>
            tpu.wait_dma2 semaphore(%run_scoped3A : memref<!tpu.dma_semaphore, #tpu.memory_space<semaphore_mem>>) src(%dma_wait3A_243 : memref<2x80xi32, #tpu.memory_space<hbm>>) dst(%arg11 : memref<2x80xi32, #tpu.memory_space<vmem>>)
            tpu.yield
          }) : () -> ()
          %dma_start3A_221 = arith.constant 0 : i32
          %dma_start3A_222 = arith.constant 0 : i32
          %dma_start3A_223 = tpu.memref_slice %arg11[%dma_start3A_221, %dma_start3A_222] : memref<2x80xi32, #tpu.memory_space<vmem>> -> memref<1x80xi32, #tpu.memory_space<vmem>>
          %dma_start3A_224 = tpu.memref_squeeze %dma_start3A_223 : memref<1x80xi32, #tpu.memory_space<vmem>> -> memref<80xi32, #tpu.memory_space<vmem>>
          %dma_start3A_225 = arith.constant 0 : i32
          %dma_start3A_226 = arith.constant 0 : i32
          %dma_start3A_227 = tpu.memref_slice %arg3[%dma_start3A_225, %dma_start3A_226] : memref<10000x128xf32, #tpu.memory_space<hbm>> -> memref<10000x128xf32, #tpu.memory_space<hbm>>
          tpu.enqueue_indirect_dma source(%dma_start3A_227 : memref<10000x128xf32, #tpu.memory_space<hbm>>) target(%arg15 : memref<80x128xf32, #tpu.memory_space<vmem>>) offsets(%dma_start3A_224 : memref<80xi32, #tpu.memory_space<vmem>>) semaphore(%arg20 : memref<!tpu.dma_semaphore, #tpu.memory_space<semaphore_mem>>)
        } else {
        }
        %dma_wait3A_148 = arith.constant 0 : i32
        %dma_wait3A_149 = arith.constant 0 : i32
        %dma_wait3A_150 = tpu.memref_slice %arg9[%dma_wait3A_148, %dma_wait3A_149] : memref<2x80xi32, #tpu.memory_space<vmem>> -> memref<1x80xi32, #tpu.memory_space<vmem>>
        %dma_wait3A_151 = tpu.memref_squeeze %dma_wait3A_150 : memref<1x80xi32, #tpu.memory_space<vmem>> -> memref<80xi32, #tpu.memory_space<vmem>>
        %dma_wait3A_152 = arith.constant 0 : i32
        %dma_wait3A_153 = arith.constant 0 : i32
        %dma_wait3A_154 = tpu.memref_slice %arg3[%dma_wait3A_152, %dma_wait3A_153] : memref<10000x128xf32, #tpu.memory_space<hbm>> -> memref<10000x128xf32, #tpu.memory_space<hbm>>
        tpu.wait_indirect_dma semaphore(%arg18 : memref<!tpu.dma_semaphore, #tpu.memory_space<semaphore_mem>>) src(%dma_wait3A_154 : memref<10000x128xf32, #tpu.memory_space<hbm>>) dst(%arg13 : memref<80x128xf32, #tpu.memory_space<vmem>>)
        %dma_start3A_155 = arith.constant 1 : i32
        %dma_start3A_156 = arith.constant 0 : i32
        %dma_start3A_157 = tpu.memref_slice %arg9[%dma_start3A_155, %dma_start3A_156] : memref<2x80xi32, #tpu.memory_space<vmem>> -> memref<1x80xi32, #tpu.memory_space<vmem>>
        %dma_start3A_158 = tpu.memref_squeeze %dma_start3A_157 : memref<1x80xi32, #tpu.memory_space<vmem>> -> memref<80xi32, #tpu.memory_space<vmem>>
        %dma_start3A_159 = arith.constant 0 : i32
        %dma_start3A_160 = arith.constant 0 : i32
        %dma_start3A_161 = tpu.memref_slice %arg16[%dma_start3A_159, %dma_start3A_160] : memref<10016x128xf32, #tpu.memory_space<vmem_shared>> -> memref<10016x128xf32, #tpu.memory_space<vmem_shared>>
        tpu.enqueue_indirect_dma source(%arg13 : memref<80x128xf32, #tpu.memory_space<vmem>>) target(%dma_start3A_161 : memref<10016x128xf32, #tpu.memory_space<vmem_shared>>) offsets(%dma_start3A_158 : memref<80xi32, #tpu.memory_space<vmem>>) semaphore(%arg22 : memref<!tpu.dma_semaphore, #tpu.memory_space<semaphore_mem>>) {add = true}
        %add3A_162 = arith.constant 2 : i32
        %add3A_163 = arith.addi %mul3A_107, %add3A_162 : i32
        %ge3A_164 = arith.constant 2 : i32
        %ge3A_165 = arith.cmpi sge, %add3A_163, %ge3A_164 : i32
        %convert_element_type3A_166 = arith.extui %ge3A_165 : i1 to i32
        %cond3A_167 = arith.constant 0 : i32
        %cond3A_168 = arith.cmpi ne, %convert_element_type3A_166, %cond3A_167 : i32
        scf.if %cond3A_168 {
          %dma_wait3A_218 = arith.constant 1 : i32
          %dma_wait3A_219 = arith.constant 0 : i32
          %dma_wait3A_220 = tpu.memref_slice %arg8[%dma_wait3A_218, %dma_wait3A_219] : memref<2x80xi32, #tpu.memory_space<vmem>> -> memref<1x80xi32, #tpu.memory_space<vmem>>
          %dma_wait3A_221 = tpu.memref_squeeze %dma_wait3A_220 : memref<1x80xi32, #tpu.memory_space<vmem>> -> memref<80xi32, #tpu.memory_space<vmem>>
          %dma_wait3A_222 = arith.constant 0 : i32
          %dma_wait3A_223 = arith.constant 0 : i32
          %dma_wait3A_224 = tpu.memref_slice %arg16[%dma_wait3A_222, %dma_wait3A_223] : memref<10016x128xf32, #tpu.memory_space<vmem_shared>> -> memref<10016x128xf32, #tpu.memory_space<vmem_shared>>
          tpu.wait_indirect_dma semaphore(%arg21 : memref<!tpu.dma_semaphore, #tpu.memory_space<semaphore_mem>>) src(%arg12 : memref<80x128xf32, #tpu.memory_space<vmem>>) dst(%dma_wait3A_224 : memref<10016x128xf32, #tpu.memory_space<vmem_shared>>)
        } else {
        }
        %add3A_169 = arith.constant 2 : i32
        %add3A_170 = arith.addi %add3A_163, %add3A_169 : i32
        %lt3A_171 = arith.constant 250 : i32
        %lt3A_172 = arith.cmpi slt, %add3A_170, %lt3A_171 : i32
        %convert_element_type3A_173 = arith.extui %lt3A_172 : i1 to i32
        %cond3A_174 = arith.constant 0 : i32
        %cond3A_175 = arith.cmpi ne, %convert_element_type3A_173, %cond3A_174 : i32
        scf.if %cond3A_175 {
          %add3A_218 = arith.constant 2 : i32
          %add3A_219 = arith.addi %add3A_163, %add3A_218 : i32
          %add3A_220 = arith.addi %mul3A_24, %add3A_219 : i32
          "tpu.region"() ({
            %run_scoped3A = tpu.sem_alloc : memref<!tpu.dma_semaphore, #tpu.memory_space<semaphore_mem>>
            %dma_start3A_228 = arith.constant 0 : i32
            %dma_start3A_229 = arith.constant 0 : i32
            %dma_start3A_230 = tpu.memref_slice %arg2[%add3A_220, %dma_start3A_228, %dma_start3A_229] : memref<4000x2x80xi32, #tpu.memory_space<hbm>> -> memref<1x2x80xi32, #tpu.memory_space<hbm>>
            %dma_start3A_231 = tpu.memref_squeeze %dma_start3A_230 : memref<1x2x80xi32, #tpu.memory_space<hbm>> -> memref<2x80xi32, #tpu.memory_space<hbm>>
            %dma_start3A_232 = arith.constant 0 : i32
            %dma_start3A_233 = arith.constant 0 : i32
            %dma_start3A_234 = tpu.memref_slice %arg2[%add3A_220, %dma_start3A_232, %dma_start3A_233] : memref<4000x2x80xi32, #tpu.memory_space<hbm>> -> memref<1x2x80xi32, #tpu.memory_space<hbm>>
            %dma_start3A_235 = tpu.memref_squeeze %dma_start3A_234 : memref<1x2x80xi32, #tpu.memory_space<hbm>> -> memref<2x80xi32, #tpu.memory_space<hbm>>
            tpu.enqueue_dma source(%dma_start3A_235 : memref<2x80xi32, #tpu.memory_space<hbm>>) target(%arg8 : memref<2x80xi32, #tpu.memory_space<vmem>>) target_semaphore(%run_scoped3A : memref<!tpu.dma_semaphore, #tpu.memory_space<semaphore_mem>>)
            %dma_wait3A_236 = arith.constant 0 : i32
            %dma_wait3A_237 = arith.constant 0 : i32
            %dma_wait3A_238 = tpu.memref_slice %arg2[%add3A_220, %dma_wait3A_236, %dma_wait3A_237] : memref<4000x2x80xi32, #tpu.memory_space<hbm>> -> memref<1x2x80xi32, #tpu.memory_space<hbm>>
            %dma_wait3A_239 = tpu.memref_squeeze %dma_wait3A_238 : memref<1x2x80xi32, #tpu.memory_space<hbm>> -> memref<2x80xi32, #tpu.memory_space<hbm>>
            %dma_wait3A_240 = arith.constant 0 : i32
            %dma_wait3A_241 = arith.constant 0 : i32
            %dma_wait3A_242 = tpu.memref_slice %arg2[%add3A_220, %dma_wait3A_240, %dma_wait3A_241] : memref<4000x2x80xi32, #tpu.memory_space<hbm>> -> memref<1x2x80xi32, #tpu.memory_space<hbm>>
            %dma_wait3A_243 = tpu.memref_squeeze %dma_wait3A_242 : memref<1x2x80xi32, #tpu.memory_space<hbm>> -> memref<2x80xi32, #tpu.memory_space<hbm>>
            tpu.wait_dma2 semaphore(%run_scoped3A : memref<!tpu.dma_semaphore, #tpu.memory_space<semaphore_mem>>) src(%dma_wait3A_243 : memref<2x80xi32, #tpu.memory_space<hbm>>) dst(%arg8 : memref<2x80xi32, #tpu.memory_space<vmem>>)
            tpu.yield
          }) : () -> ()
          %dma_start3A_221 = arith.constant 0 : i32
          %dma_start3A_222 = arith.constant 0 : i32
          %dma_start3A_223 = tpu.memref_slice %arg8[%dma_start3A_221, %dma_start3A_222] : memref<2x80xi32, #tpu.memory_space<vmem>> -> memref<1x80xi32, #tpu.memory_space<vmem>>
          %dma_start3A_224 = tpu.memref_squeeze %dma_start3A_223 : memref<1x80xi32, #tpu.memory_space<vmem>> -> memref<80xi32, #tpu.memory_space<vmem>>
          %dma_start3A_225 = arith.constant 0 : i32
          %dma_start3A_226 = arith.constant 0 : i32
          %dma_start3A_227 = tpu.memref_slice %arg3[%dma_start3A_225, %dma_start3A_226] : memref<10000x128xf32, #tpu.memory_space<hbm>> -> memref<10000x128xf32, #tpu.memory_space<hbm>>
          tpu.enqueue_indirect_dma source(%dma_start3A_227 : memref<10000x128xf32, #tpu.memory_space<hbm>>) target(%arg12 : memref<80x128xf32, #tpu.memory_space<vmem>>) offsets(%dma_start3A_224 : memref<80xi32, #tpu.memory_space<vmem>>) semaphore(%arg17 : memref<!tpu.dma_semaphore, #tpu.memory_space<semaphore_mem>>)
        } else {
        }
        %dma_wait3A_176 = arith.constant 0 : i32
        %dma_wait3A_177 = arith.constant 0 : i32
        %dma_wait3A_178 = tpu.memref_slice %arg10[%dma_wait3A_176, %dma_wait3A_177] : memref<2x80xi32, #tpu.memory_space<vmem>> -> memref<1x80xi32, #tpu.memory_space<vmem>>
        %dma_wait3A_179 = tpu.memref_squeeze %dma_wait3A_178 : memref<1x80xi32, #tpu.memory_space<vmem>> -> memref<80xi32, #tpu.memory_space<vmem>>
        %dma_wait3A_180 = arith.constant 0 : i32
        %dma_wait3A_181 = arith.constant 0 : i32
        %dma_wait3A_182 = tpu.memref_slice %arg3[%dma_wait3A_180, %dma_wait3A_181] : memref<10000x128xf32, #tpu.memory_space<hbm>> -> memref<10000x128xf32, #tpu.memory_space<hbm>>
        tpu.wait_indirect_dma semaphore(%arg19 : memref<!tpu.dma_semaphore, #tpu.memory_space<semaphore_mem>>) src(%dma_wait3A_182 : memref<10000x128xf32, #tpu.memory_space<hbm>>) dst(%arg14 : memref<80x128xf32, #tpu.memory_space<vmem>>)
        %dma_start3A_183 = arith.constant 1 : i32
        %dma_start3A_184 = arith.constant 0 : i32
        %dma_start3A_185 = tpu.memref_slice %arg10[%dma_start3A_183, %dma_start3A_184] : memref<2x80xi32, #tpu.memory_space<vmem>> -> memref<1x80xi32, #tpu.memory_space<vmem>>
        %dma_start3A_186 = tpu.memref_squeeze %dma_start3A_185 : memref<1x80xi32, #tpu.memory_space<vmem>> -> memref<80xi32, #tpu.memory_space<vmem>>
        %dma_start3A_187 = arith.constant 0 : i32
        %dma_start3A_188 = arith.constant 0 : i32
        %dma_start3A_189 = tpu.memref_slice %arg16[%dma_start3A_187, %dma_start3A_188] : memref<10016x128xf32, #tpu.memory_space<vmem_shared>> -> memref<10016x128xf32, #tpu.memory_space<vmem_shared>>
        tpu.enqueue_indirect_dma source(%arg14 : memref<80x128xf32, #tpu.memory_space<vmem>>) target(%dma_start3A_189 : memref<10016x128xf32, #tpu.memory_space<vmem_shared>>) offsets(%dma_start3A_186 : memref<80xi32, #tpu.memory_space<vmem>>) semaphore(%arg23 : memref<!tpu.dma_semaphore, #tpu.memory_space<semaphore_mem>>) {add = true}
        %add3A_190 = arith.constant 3 : i32
        %add3A_191 = arith.addi %mul3A_107, %add3A_190 : i32
        %ge3A_192 = arith.constant 2 : i32
        %ge3A_193 = arith.cmpi sge, %add3A_191, %ge3A_192 : i32
        %convert_element_type3A_194 = arith.extui %ge3A_193 : i1 to i32
        %cond3A_195 = arith.constant 0 : i32
        %cond3A_196 = arith.cmpi ne, %convert_element_type3A_194, %cond3A_195 : i32
        scf.if %cond3A_196 {
          %dma_wait3A_218 = arith.constant 1 : i32
          %dma_wait3A_219 = arith.constant 0 : i32
          %dma_wait3A_220 = tpu.memref_slice %arg9[%dma_wait3A_218, %dma_wait3A_219] : memref<2x80xi32, #tpu.memory_space<vmem>> -> memref<1x80xi32, #tpu.memory_space<vmem>>
          %dma_wait3A_221 = tpu.memref_squeeze %dma_wait3A_220 : memref<1x80xi32, #tpu.memory_space<vmem>> -> memref<80xi32, #tpu.memory_space<vmem>>
          %dma_wait3A_222 = arith.constant 0 : i32
          %dma_wait3A_223 = arith.constant 0 : i32
          %dma_wait3A_224 = tpu.memref_slice %arg16[%dma_wait3A_222, %dma_wait3A_223] : memref<10016x128xf32, #tpu.memory_space<vmem_shared>> -> memref<10016x128xf32, #tpu.memory_space<vmem_shared>>
          tpu.wait_indirect_dma semaphore(%arg22 : memref<!tpu.dma_semaphore, #tpu.memory_space<semaphore_mem>>) src(%arg13 : memref<80x128xf32, #tpu.memory_space<vmem>>) dst(%dma_wait3A_224 : memref<10016x128xf32, #tpu.memory_space<vmem_shared>>)
        } else {
        }
        %add3A_197 = arith.constant 2 : i32
        %add3A_198 = arith.addi %add3A_191, %add3A_197 : i32
        %lt3A_199 = arith.constant 250 : i32
        %lt3A_200 = arith.cmpi slt, %add3A_198, %lt3A_199 : i32
        %convert_element_type3A_201 = arith.extui %lt3A_200 : i1 to i32
        %cond3A_202 = arith.constant 0 : i32
        %cond3A_203 = arith.cmpi ne, %convert_element_type3A_201, %cond3A_202 : i32
        scf.if %cond3A_203 {
          %add3A_218 = arith.constant 2 : i32
          %add3A_219 = arith.addi %add3A_191, %add3A_218 : i32
          %add3A_220 = arith.addi %mul3A_24, %add3A_219 : i32
          "tpu.region"() ({
            %run_scoped3A = tpu.sem_alloc : memref<!tpu.dma_semaphore, #tpu.memory_space<semaphore_mem>>
            %dma_start3A_228 = arith.constant 0 : i32
            %dma_start3A_229 = arith.constant 0 : i32
            %dma_start3A_230 = tpu.memref_slice %arg2[%add3A_220, %dma_start3A_228, %dma_start3A_229] : memref<4000x2x80xi32, #tpu.memory_space<hbm>> -> memref<1x2x80xi32, #tpu.memory_space<hbm>>
            %dma_start3A_231 = tpu.memref_squeeze %dma_start3A_230 : memref<1x2x80xi32, #tpu.memory_space<hbm>> -> memref<2x80xi32, #tpu.memory_space<hbm>>
            %dma_start3A_232 = arith.constant 0 : i32
            %dma_start3A_233 = arith.constant 0 : i32
            %dma_start3A_234 = tpu.memref_slice %arg2[%add3A_220, %dma_start3A_232, %dma_start3A_233] : memref<4000x2x80xi32, #tpu.memory_space<hbm>> -> memref<1x2x80xi32, #tpu.memory_space<hbm>>
            %dma_start3A_235 = tpu.memref_squeeze %dma_start3A_234 : memref<1x2x80xi32, #tpu.memory_space<hbm>> -> memref<2x80xi32, #tpu.memory_space<hbm>>
            tpu.enqueue_dma source(%dma_start3A_235 : memref<2x80xi32, #tpu.memory_space<hbm>>) target(%arg9 : memref<2x80xi32, #tpu.memory_space<vmem>>) target_semaphore(%run_scoped3A : memref<!tpu.dma_semaphore, #tpu.memory_space<semaphore_mem>>)
            %dma_wait3A_236 = arith.constant 0 : i32
            %dma_wait3A_237 = arith.constant 0 : i32
            %dma_wait3A_238 = tpu.memref_slice %arg2[%add3A_220, %dma_wait3A_236, %dma_wait3A_237] : memref<4000x2x80xi32, #tpu.memory_space<hbm>> -> memref<1x2x80xi32, #tpu.memory_space<hbm>>
            %dma_wait3A_239 = tpu.memref_squeeze %dma_wait3A_238 : memref<1x2x80xi32, #tpu.memory_space<hbm>> -> memref<2x80xi32, #tpu.memory_space<hbm>>
            %dma_wait3A_240 = arith.constant 0 : i32
            %dma_wait3A_241 = arith.constant 0 : i32
            %dma_wait3A_242 = tpu.memref_slice %arg2[%add3A_220, %dma_wait3A_240, %dma_wait3A_241] : memref<4000x2x80xi32, #tpu.memory_space<hbm>> -> memref<1x2x80xi32, #tpu.memory_space<hbm>>
            %dma_wait3A_243 = tpu.memref_squeeze %dma_wait3A_242 : memref<1x2x80xi32, #tpu.memory_space<hbm>> -> memref<2x80xi32, #tpu.memory_space<hbm>>
            tpu.wait_dma2 semaphore(%run_scoped3A : memref<!tpu.dma_semaphore, #tpu.memory_space<semaphore_mem>>) src(%dma_wait3A_243 : memref<2x80xi32, #tpu.memory_space<hbm>>) dst(%arg9 : memref<2x80xi32, #tpu.memory_space<vmem>>)
            tpu.yield
          }) : () -> ()
          %dma_start3A_221 = arith.constant 0 : i32
          %dma_start3A_222 = arith.constant 0 : i32
          %dma_start3A_223 = tpu.memref_slice %arg9[%dma_start3A_221, %dma_start3A_222] : memref<2x80xi32, #tpu.memory_space<vmem>> -> memref<1x80xi32, #tpu.memory_space<vmem>>
          %dma_start3A_224 = tpu.memref_squeeze %dma_start3A_223 : memref<1x80xi32, #tpu.memory_space<vmem>> -> memref<80xi32, #tpu.memory_space<vmem>>
          %dma_start3A_225 = arith.constant 0 : i32
          %dma_start3A_226 = arith.constant 0 : i32
          %dma_start3A_227 = tpu.memref_slice %arg3[%dma_start3A_225, %dma_start3A_226] : memref<10000x128xf32, #tpu.memory_space<hbm>> -> memref<10000x128xf32, #tpu.memory_space<hbm>>
          tpu.enqueue_indirect_dma source(%dma_start3A_227 : memref<10000x128xf32, #tpu.memory_space<hbm>>) target(%arg13 : memref<80x128xf32, #tpu.memory_space<vmem>>) offsets(%dma_start3A_224 : memref<80xi32, #tpu.memory_space<vmem>>) semaphore(%arg18 : memref<!tpu.dma_semaphore, #tpu.memory_space<semaphore_mem>>)
        } else {
        }
        %dma_wait3A_204 = arith.constant 0 : i32
        %dma_wait3A_205 = arith.constant 0 : i32
        %dma_wait3A_206 = tpu.memref_slice %arg11[%dma_wait3A_204, %dma_wait3A_205] : memref<2x80xi32, #tpu.memory_space<vmem>> -> memref<1x80xi32, #tpu.memory_space<vmem>>
        %dma_wait3A_207 = tpu.memref_squeeze %dma_wait3A_206 : memref<1x80xi32, #tpu.memory_space<vmem>> -> memref<80xi32, #tpu.memory_space<vmem>>
        %dma_wait3A_208 = arith.constant 0 : i32
        %dma_wait3A_209 = arith.constant 0 : i32
        %dma_wait3A_210 = tpu.memref_slice %arg3[%dma_wait3A_208, %dma_wait3A_209] : memref<10000x128xf32, #tpu.memory_space<hbm>> -> memref<10000x128xf32, #tpu.memory_space<hbm>>
        tpu.wait_indirect_dma semaphore(%arg20 : memref<!tpu.dma_semaphore, #tpu.memory_space<semaphore_mem>>) src(%dma_wait3A_210 : memref<10000x128xf32, #tpu.memory_space<hbm>>) dst(%arg15 : memref<80x128xf32, #tpu.memory_space<vmem>>)
        %dma_start3A_211 = arith.constant 1 : i32
        %dma_start3A_212 = arith.constant 0 : i32
        %dma_start3A_213 = tpu.memref_slice %arg11[%dma_start3A_211, %dma_start3A_212] : memref<2x80xi32, #tpu.memory_space<vmem>> -> memref<1x80xi32, #tpu.memory_space<vmem>>
        %dma_start3A_214 = tpu.memref_squeeze %dma_start3A_213 : memref<1x80xi32, #tpu.memory_space<vmem>> -> memref<80xi32, #tpu.memory_space<vmem>>
        %dma_start3A_215 = arith.constant 0 : i32
        %dma_start3A_216 = arith.constant 0 : i32
        %dma_start3A_217 = tpu.memref_slice %arg16[%dma_start3A_215, %dma_start3A_216] : memref<10016x128xf32, #tpu.memory_space<vmem_shared>> -> memref<10016x128xf32, #tpu.memory_space<vmem_shared>>
        tpu.enqueue_indirect_dma source(%arg15 : memref<80x128xf32, #tpu.memory_space<vmem>>) target(%dma_start3A_217 : memref<10016x128xf32, #tpu.memory_space<vmem_shared>>) offsets(%dma_start3A_214 : memref<80xi32, #tpu.memory_space<vmem>>) semaphore(%arg24 : memref<!tpu.dma_semaphore, #tpu.memory_space<semaphore_mem>>) {add = true}
      }
      %scan3A_45 = arith.constant 62 : i32
      %dma_wait3A = arith.constant 1 : i32
      %dma_wait3A_46 = arith.constant 0 : i32
      %dma_wait3A_47 = tpu.memref_slice %arg10[%dma_wait3A, %dma_wait3A_46] : memref<2x80xi32, #tpu.memory_space<vmem>> -> memref<1x80xi32, #tpu.memory_space<vmem>>
      %dma_wait3A_48 = tpu.memref_squeeze %dma_wait3A_47 : memref<1x80xi32, #tpu.memory_space<vmem>> -> memref<80xi32, #tpu.memory_space<vmem>>
      %dma_wait3A_49 = arith.constant 0 : i32
      %dma_wait3A_50 = arith.constant 0 : i32
      %dma_wait3A_51 = tpu.memref_slice %arg16[%dma_wait3A_49, %dma_wait3A_50] : memref<10016x128xf32, #tpu.memory_space<vmem_shared>> -> memref<10016x128xf32, #tpu.memory_space<vmem_shared>>
      tpu.wait_indirect_dma semaphore(%arg23 : memref<!tpu.dma_semaphore, #tpu.memory_space<semaphore_mem>>) src(%arg14 : memref<80x128xf32, #tpu.memory_space<vmem>>) dst(%dma_wait3A_51 : memref<10016x128xf32, #tpu.memory_space<vmem_shared>>)
      %dma_wait3A_52 = arith.constant 0 : i32
      %dma_wait3A_53 = arith.constant 0 : i32
      %dma_wait3A_54 = tpu.memref_slice %arg8[%dma_wait3A_52, %dma_wait3A_53] : memref<2x80xi32, #tpu.memory_space<vmem>> -> memref<1x80xi32, #tpu.memory_space<vmem>>
      %dma_wait3A_55 = tpu.memref_squeeze %dma_wait3A_54 : memref<1x80xi32, #tpu.memory_space<vmem>> -> memref<80xi32, #tpu.memory_space<vmem>>
      %dma_wait3A_56 = arith.constant 0 : i32
      %dma_wait3A_57 = arith.constant 0 : i32
      %dma_wait3A_58 = tpu.memref_slice %arg3[%dma_wait3A_56, %dma_wait3A_57] : memref<10000x128xf32, #tpu.memory_space<hbm>> -> memref<10000x128xf32, #tpu.memory_space<hbm>>
      tpu.wait_indirect_dma semaphore(%arg17 : memref<!tpu.dma_semaphore, #tpu.memory_space<semaphore_mem>>) src(%dma_wait3A_58 : memref<10000x128xf32, #tpu.memory_space<hbm>>) dst(%arg12 : memref<80x128xf32, #tpu.memory_space<vmem>>)
      %dma_start3A_59 = arith.constant 1 : i32
      %dma_start3A_60 = arith.constant 0 : i32
      %dma_start3A_61 = tpu.memref_slice %arg8[%dma_start3A_59, %dma_start3A_60] : memref<2x80xi32, #tpu.memory_space<vmem>> -> memref<1x80xi32, #tpu.memory_space<vmem>>
      %dma_start3A_62 = tpu.memref_squeeze %dma_start3A_61 : memref<1x80xi32, #tpu.memory_space<vmem>> -> memref<80xi32, #tpu.memory_space<vmem>>
      %dma_start3A_63 = arith.constant 0 : i32
      %dma_start3A_64 = arith.constant 0 : i32
      %dma_start3A_65 = tpu.memref_slice %arg16[%dma_start3A_63, %dma_start3A_64] : memref<10016x128xf32, #tpu.memory_space<vmem_shared>> -> memref<10016x128xf32, #tpu.memory_space<vmem_shared>>
      tpu.enqueue_indirect_dma source(%arg12 : memref<80x128xf32, #tpu.memory_space<vmem>>) target(%dma_start3A_65 : memref<10016x128xf32, #tpu.memory_space<vmem_shared>>) offsets(%dma_start3A_62 : memref<80xi32, #tpu.memory_space<vmem>>) semaphore(%arg21 : memref<!tpu.dma_semaphore, #tpu.memory_space<semaphore_mem>>) {add = true}
      %dma_wait3A_66 = arith.constant 1 : i32
      %dma_wait3A_67 = arith.constant 0 : i32
      %dma_wait3A_68 = tpu.memref_slice %arg11[%dma_wait3A_66, %dma_wait3A_67] : memref<2x80xi32, #tpu.memory_space<vmem>> -> memref<1x80xi32, #tpu.memory_space<vmem>>
      %dma_wait3A_69 = tpu.memref_squeeze %dma_wait3A_68 : memref<1x80xi32, #tpu.memory_space<vmem>> -> memref<80xi32, #tpu.memory_space<vmem>>
      %dma_wait3A_70 = arith.constant 0 : i32
      %dma_wait3A_71 = arith.constant 0 : i32
      %dma_wait3A_72 = tpu.memref_slice %arg16[%dma_wait3A_70, %dma_wait3A_71] : memref<10016x128xf32, #tpu.memory_space<vmem_shared>> -> memref<10016x128xf32, #tpu.memory_space<vmem_shared>>
      tpu.wait_indirect_dma semaphore(%arg24 : memref<!tpu.dma_semaphore, #tpu.memory_space<semaphore_mem>>) src(%arg15 : memref<80x128xf32, #tpu.memory_space<vmem>>) dst(%dma_wait3A_72 : memref<10016x128xf32, #tpu.memory_space<vmem_shared>>)
      %dma_wait3A_73 = arith.constant 0 : i32
      %dma_wait3A_74 = arith.constant 0 : i32
      %dma_wait3A_75 = tpu.memref_slice %arg9[%dma_wait3A_73, %dma_wait3A_74] : memref<2x80xi32, #tpu.memory_space<vmem>> -> memref<1x80xi32, #tpu.memory_space<vmem>>
      %dma_wait3A_76 = tpu.memref_squeeze %dma_wait3A_75 : memref<1x80xi32, #tpu.memory_space<vmem>> -> memref<80xi32, #tpu.memory_space<vmem>>
      %dma_wait3A_77 = arith.constant 0 : i32
      %dma_wait3A_78 = arith.constant 0 : i32
      %dma_wait3A_79 = tpu.memref_slice %arg3[%dma_wait3A_77, %dma_wait3A_78] : memref<10000x128xf32, #tpu.memory_space<hbm>> -> memref<10000x128xf32, #tpu.memory_space<hbm>>
      tpu.wait_indirect_dma semaphore(%arg18 : memref<!tpu.dma_semaphore, #tpu.memory_space<semaphore_mem>>) src(%dma_wait3A_79 : memref<10000x128xf32, #tpu.memory_space<hbm>>) dst(%arg13 : memref<80x128xf32, #tpu.memory_space<vmem>>)
      %dma_start3A_80 = arith.constant 1 : i32
      %dma_start3A_81 = arith.constant 0 : i32
      %dma_start3A_82 = tpu.memref_slice %arg9[%dma_start3A_80, %dma_start3A_81] : memref<2x80xi32, #tpu.memory_space<vmem>> -> memref<1x80xi32, #tpu.memory_space<vmem>>
      %dma_start3A_83 = tpu.memref_squeeze %dma_start3A_82 : memref<1x80xi32, #tpu.memory_space<vmem>> -> memref<80xi32, #tpu.memory_space<vmem>>
      %dma_start3A_84 = arith.constant 0 : i32
      %dma_start3A_85 = arith.constant 0 : i32
      %dma_start3A_86 = tpu.memref_slice %arg16[%dma_start3A_84, %dma_start3A_85] : memref<10016x128xf32, #tpu.memory_space<vmem_shared>> -> memref<10016x128xf32, #tpu.memory_space<vmem_shared>>
      tpu.enqueue_indirect_dma source(%arg13 : memref<80x128xf32, #tpu.memory_space<vmem>>) target(%dma_start3A_86 : memref<10016x128xf32, #tpu.memory_space<vmem_shared>>) offsets(%dma_start3A_83 : memref<80xi32, #tpu.memory_space<vmem>>) semaphore(%arg22 : memref<!tpu.dma_semaphore, #tpu.memory_space<semaphore_mem>>) {add = true}
      %dma_wait3A_87 = arith.constant 1 : i32
      %dma_wait3A_88 = arith.constant 0 : i32
      %dma_wait3A_89 = tpu.memref_slice %arg8[%dma_wait3A_87, %dma_wait3A_88] : memref<2x80xi32, #tpu.memory_space<vmem>> -> memref<1x80xi32, #tpu.memory_space<vmem>>
      %dma_wait3A_90 = tpu.memref_squeeze %dma_wait3A_89 : memref<1x80xi32, #tpu.memory_space<vmem>> -> memref<80xi32, #tpu.memory_space<vmem>>
      %dma_wait3A_91 = arith.constant 0 : i32
      %dma_wait3A_92 = arith.constant 0 : i32
      %dma_wait3A_93 = tpu.memref_slice %arg16[%dma_wait3A_91, %dma_wait3A_92] : memref<10016x128xf32, #tpu.memory_space<vmem_shared>> -> memref<10016x128xf32, #tpu.memory_space<vmem_shared>>
      tpu.wait_indirect_dma semaphore(%arg21 : memref<!tpu.dma_semaphore, #tpu.memory_space<semaphore_mem>>) src(%arg12 : memref<80x128xf32, #tpu.memory_space<vmem>>) dst(%dma_wait3A_93 : memref<10016x128xf32, #tpu.memory_space<vmem_shared>>)
      %dma_wait3A_94 = arith.constant 1 : i32
      %dma_wait3A_95 = arith.constant 0 : i32
      %dma_wait3A_96 = tpu.memref_slice %arg9[%dma_wait3A_94, %dma_wait3A_95] : memref<2x80xi32, #tpu.memory_space<vmem>> -> memref<1x80xi32, #tpu.memory_space<vmem>>
      %dma_wait3A_97 = tpu.memref_squeeze %dma_wait3A_96 : memref<1x80xi32, #tpu.memory_space<vmem>> -> memref<80xi32, #tpu.memory_space<vmem>>
      %dma_wait3A_98 = arith.constant 0 : i32
      %dma_wait3A_99 = arith.constant 0 : i32
      %dma_wait3A_100 = tpu.memref_slice %arg16[%dma_wait3A_98, %dma_wait3A_99] : memref<10016x128xf32, #tpu.memory_space<vmem_shared>> -> memref<10016x128xf32, #tpu.memory_space<vmem_shared>>
      tpu.wait_indirect_dma semaphore(%arg22 : memref<!tpu.dma_semaphore, #tpu.memory_space<semaphore_mem>>) src(%arg13 : memref<80x128xf32, #tpu.memory_space<vmem>>) dst(%dma_wait3A_100 : memref<10016x128xf32, #tpu.memory_space<vmem_shared>>)
    } else {
    }
    %eq3A_8 = arith.constant 1 : i32
    %eq3A_9 = arith.cmpi eq, %arg0, %eq3A_8 : i32
    %convert_element_type3A_10 = arith.extui %eq3A_9 : i1 to i32
    %cond3A_11 = arith.constant 0 : i32
    %cond3A_12 = arith.cmpi ne, %convert_element_type3A_10, %cond3A_11 : i32
    scf.if %cond3A_12 {
      %mul3A_23 = arith.constant 250 : i32
      %mul3A_24 = arith.muli %arg1, %mul3A_23 : i32
      %add3A = arith.constant 0 : i32
      %add3A_25 = arith.addi %mul3A_24, %add3A : i32
      "tpu.region"() ({
        %run_scoped3A = tpu.sem_alloc : memref<!tpu.dma_semaphore, #tpu.memory_space<semaphore_mem>>
        %dma_start3A_101 = arith.constant 0 : i32
        %dma_start3A_102 = arith.constant 0 : i32
        %dma_start3A_103 = tpu.memref_slice %arg2[%add3A_25, %dma_start3A_101, %dma_start3A_102] : memref<4000x2x80xi32, #tpu.memory_space<hbm>> -> memref<1x2x80xi32, #tpu.memory_space<hbm>>
        %dma_start3A_104 = tpu.memref_squeeze %dma_start3A_103 : memref<1x2x80xi32, #tpu.memory_space<hbm>> -> memref<2x80xi32, #tpu.memory_space<hbm>>
        %dma_start3A_105 = arith.constant 0 : i32
        %dma_start3A_106 = arith.constant 0 : i32
        %dma_start3A_107 = tpu.memref_slice %arg2[%add3A_25, %dma_start3A_105, %dma_start3A_106] : memref<4000x2x80xi32, #tpu.memory_space<hbm>> -> memref<1x2x80xi32, #tpu.memory_space<hbm>>
        %dma_start3A_108 = tpu.memref_squeeze %dma_start3A_107 : memref<1x2x80xi32, #tpu.memory_space<hbm>> -> memref<2x80xi32, #tpu.memory_space<hbm>>
        tpu.enqueue_dma source(%dma_start3A_108 : memref<2x80xi32, #tpu.memory_space<hbm>>) target(%arg8 : memref<2x80xi32, #tpu.memory_space<vmem>>) target_semaphore(%run_scoped3A : memref<!tpu.dma_semaphore, #tpu.memory_space<semaphore_mem>>)
        %dma_wait3A_109 = arith.constant 0 : i32
        %dma_wait3A_110 = arith.constant 0 : i32
        %dma_wait3A_111 = tpu.memref_slice %arg2[%add3A_25, %dma_wait3A_109, %dma_wait3A_110] : memref<4000x2x80xi32, #tpu.memory_space<hbm>> -> memref<1x2x80xi32, #tpu.memory_space<hbm>>
        %dma_wait3A_112 = tpu.memref_squeeze %dma_wait3A_111 : memref<1x2x80xi32, #tpu.memory_space<hbm>> -> memref<2x80xi32, #tpu.memory_space<hbm>>
        %dma_wait3A_113 = arith.constant 0 : i32
        %dma_wait3A_114 = arith.constant 0 : i32
        %dma_wait3A_115 = tpu.memref_slice %arg2[%add3A_25, %dma_wait3A_113, %dma_wait3A_114] : memref<4000x2x80xi32, #tpu.memory_space<hbm>> -> memref<1x2x80xi32, #tpu.memory_space<hbm>>
        %dma_wait3A_116 = tpu.memref_squeeze %dma_wait3A_115 : memref<1x2x80xi32, #tpu.memory_space<hbm>> -> memref<2x80xi32, #tpu.memory_space<hbm>>
        tpu.wait_dma2 semaphore(%run_scoped3A : memref<!tpu.dma_semaphore, #tpu.memory_space<semaphore_mem>>) src(%dma_wait3A_116 : memref<2x80xi32, #tpu.memory_space<hbm>>) dst(%arg8 : memref<2x80xi32, #tpu.memory_space<vmem>>)
        tpu.yield
      }) : () -> ()
      %dma_start3A = arith.constant 0 : i32
      %dma_start3A_26 = arith.constant 0 : i32
      %dma_start3A_27 = tpu.memref_slice %arg8[%dma_start3A, %dma_start3A_26] : memref<2x80xi32, #tpu.memory_space<vmem>> -> memref<1x80xi32, #tpu.memory_space<vmem>>
      %dma_start3A_28 = tpu.memref_squeeze %dma_start3A_27 : memref<1x80xi32, #tpu.memory_space<vmem>> -> memref<80xi32, #tpu.memory_space<vmem>>
      %dma_start3A_29 = arith.constant 0 : i32
      %dma_start3A_30 = arith.constant 0 : i32
      %dma_start3A_31 = tpu.memref_slice %arg4[%dma_start3A_29, %dma_start3A_30] : memref<10000x128xf32, #tpu.memory_space<hbm>> -> memref<10000x128xf32, #tpu.memory_space<hbm>>
      tpu.enqueue_indirect_dma source(%dma_start3A_31 : memref<10000x128xf32, #tpu.memory_space<hbm>>) target(%arg12 : memref<80x128xf32, #tpu.memory_space<vmem>>) offsets(%dma_start3A_28 : memref<80xi32, #tpu.memory_space<vmem>>) semaphore(%arg17 : memref<!tpu.dma_semaphore, #tpu.memory_space<semaphore_mem>>)
      %add3A_32 = arith.constant 1 : i32
      %add3A_33 = arith.addi %mul3A_24, %add3A_32 : i32
      "tpu.region"() ({
        %run_scoped3A = tpu.sem_alloc : memref<!tpu.dma_semaphore, #tpu.memory_space<semaphore_mem>>
        %dma_start3A_101 = arith.constant 0 : i32
        %dma_start3A_102 = arith.constant 0 : i32
        %dma_start3A_103 = tpu.memref_slice %arg2[%add3A_33, %dma_start3A_101, %dma_start3A_102] : memref<4000x2x80xi32, #tpu.memory_space<hbm>> -> memref<1x2x80xi32, #tpu.memory_space<hbm>>
        %dma_start3A_104 = tpu.memref_squeeze %dma_start3A_103 : memref<1x2x80xi32, #tpu.memory_space<hbm>> -> memref<2x80xi32, #tpu.memory_space<hbm>>
        %dma_start3A_105 = arith.constant 0 : i32
        %dma_start3A_106 = arith.constant 0 : i32
        %dma_start3A_107 = tpu.memref_slice %arg2[%add3A_33, %dma_start3A_105, %dma_start3A_106] : memref<4000x2x80xi32, #tpu.memory_space<hbm>> -> memref<1x2x80xi32, #tpu.memory_space<hbm>>
        %dma_start3A_108 = tpu.memref_squeeze %dma_start3A_107 : memref<1x2x80xi32, #tpu.memory_space<hbm>> -> memref<2x80xi32, #tpu.memory_space<hbm>>
        tpu.enqueue_dma source(%dma_start3A_108 : memref<2x80xi32, #tpu.memory_space<hbm>>) target(%arg9 : memref<2x80xi32, #tpu.memory_space<vmem>>) target_semaphore(%run_scoped3A : memref<!tpu.dma_semaphore, #tpu.memory_space<semaphore_mem>>)
        %dma_wait3A_109 = arith.constant 0 : i32
        %dma_wait3A_110 = arith.constant 0 : i32
        %dma_wait3A_111 = tpu.memref_slice %arg2[%add3A_33, %dma_wait3A_109, %dma_wait3A_110] : memref<4000x2x80xi32, #tpu.memory_space<hbm>> -> memref<1x2x80xi32, #tpu.memory_space<hbm>>
        %dma_wait3A_112 = tpu.memref_squeeze %dma_wait3A_111 : memref<1x2x80xi32, #tpu.memory_space<hbm>> -> memref<2x80xi32, #tpu.memory_space<hbm>>
        %dma_wait3A_113 = arith.constant 0 : i32
        %dma_wait3A_114 = arith.constant 0 : i32
        %dma_wait3A_115 = tpu.memref_slice %arg2[%add3A_33, %dma_wait3A_113, %dma_wait3A_114] : memref<4000x2x80xi32, #tpu.memory_space<hbm>> -> memref<1x2x80xi32, #tpu.memory_space<hbm>>
        %dma_wait3A_116 = tpu.memref_squeeze %dma_wait3A_115 : memref<1x2x80xi32, #tpu.memory_space<hbm>> -> memref<2x80xi32, #tpu.memory_space<hbm>>
        tpu.wait_dma2 semaphore(%run_scoped3A : memref<!tpu.dma_semaphore, #tpu.memory_space<semaphore_mem>>) src(%dma_wait3A_116 : memref<2x80xi32, #tpu.memory_space<hbm>>) dst(%arg9 : memref<2x80xi32, #tpu.memory_space<vmem>>)
        tpu.yield
      }) : () -> ()
      %dma_start3A_34 = arith.constant 0 : i32
      %dma_start3A_35 = arith.constant 0 : i32
      %dma_start3A_36 = tpu.memref_slice %arg9[%dma_start3A_34, %dma_start3A_35] : memref<2x80xi32, #tpu.memory_space<vmem>> -> memref<1x80xi32, #tpu.memory_space<vmem>>
      %dma_start3A_37 = tpu.memref_squeeze %dma_start3A_36 : memref<1x80xi32, #tpu.memory_space<vmem>> -> memref<80xi32, #tpu.memory_space<vmem>>
      %dma_start3A_38 = arith.constant 0 : i32
      %dma_start3A_39 = arith.constant 0 : i32
      %dma_start3A_40 = tpu.memref_slice %arg4[%dma_start3A_38, %dma_start3A_39] : memref<10000x128xf32, #tpu.memory_space<hbm>> -> memref<10000x128xf32, #tpu.memory_space<hbm>>
      tpu.enqueue_indirect_dma source(%dma_start3A_40 : memref<10000x128xf32, #tpu.memory_space<hbm>>) target(%arg13 : memref<80x128xf32, #tpu.memory_space<vmem>>) offsets(%dma_start3A_37 : memref<80xi32, #tpu.memory_space<vmem>>) semaphore(%arg18 : memref<!tpu.dma_semaphore, #tpu.memory_space<semaphore_mem>>)
      %barrier3A_41 = arith.constant 0 : index
      tpu.barrier barrier_id(%barrier3A_41)
      %scan3A = arith.constant 0 : i32
      %scan3A_42 = arith.constant 62 : i32
      %scan3A_43 = arith.addi %scan3A, %scan3A_42 : i32
      %scan3A_44 = arith.constant 1 : i32
      scf.for %scan3A_101 = %scan3A to %scan3A_43 step %scan3A_44  : i32 {
        %mul3A_102 = arith.constant 1 : i32
        %mul3A_103 = arith.muli %scan3A_101, %mul3A_102 : i32
        %add3A_104 = arith.constant 0 : i32
        %add3A_105 = arith.addi %add3A_104, %mul3A_103 : i32
        %mul3A_106 = arith.constant 4 : i32
        %mul3A_107 = arith.muli %add3A_105, %mul3A_106 : i32
        %add3A_108 = arith.constant 0 : i32
        %add3A_109 = arith.addi %mul3A_107, %add3A_108 : i32
        %ge3A = arith.constant 2 : i32
        %ge3A_110 = arith.cmpi sge, %add3A_109, %ge3A : i32
        %convert_element_type3A_111 = arith.extui %ge3A_110 : i1 to i32
        %cond3A_112 = arith.constant 0 : i32
        %cond3A_113 = arith.cmpi ne, %convert_element_type3A_111, %cond3A_112 : i32
        scf.if %cond3A_113 {
          %dma_wait3A_218 = arith.constant 1 : i32
          %dma_wait3A_219 = arith.constant 0 : i32
          %dma_wait3A_220 = tpu.memref_slice %arg10[%dma_wait3A_218, %dma_wait3A_219] : memref<2x80xi32, #tpu.memory_space<vmem>> -> memref<1x80xi32, #tpu.memory_space<vmem>>
          %dma_wait3A_221 = tpu.memref_squeeze %dma_wait3A_220 : memref<1x80xi32, #tpu.memory_space<vmem>> -> memref<80xi32, #tpu.memory_space<vmem>>
          %dma_wait3A_222 = arith.constant 0 : i32
          %dma_wait3A_223 = arith.constant 0 : i32
          %dma_wait3A_224 = tpu.memref_slice %arg16[%dma_wait3A_222, %dma_wait3A_223] : memref<10016x128xf32, #tpu.memory_space<vmem_shared>> -> memref<10016x128xf32, #tpu.memory_space<vmem_shared>>
          tpu.wait_indirect_dma semaphore(%arg23 : memref<!tpu.dma_semaphore, #tpu.memory_space<semaphore_mem>>) src(%arg14 : memref<80x128xf32, #tpu.memory_space<vmem>>) dst(%dma_wait3A_224 : memref<10016x128xf32, #tpu.memory_space<vmem_shared>>)
        } else {
        }
        %add3A_114 = arith.constant 2 : i32
        %add3A_115 = arith.addi %add3A_109, %add3A_114 : i32
        %lt3A = arith.constant 250 : i32
        %lt3A_116 = arith.cmpi slt, %add3A_115, %lt3A : i32
        %convert_element_type3A_117 = arith.extui %lt3A_116 : i1 to i32
        %cond3A_118 = arith.constant 0 : i32
        %cond3A_119 = arith.cmpi ne, %convert_element_type3A_117, %cond3A_118 : i32
        scf.if %cond3A_119 {
          %add3A_218 = arith.constant 2 : i32
          %add3A_219 = arith.addi %add3A_109, %add3A_218 : i32
          %add3A_220 = arith.addi %mul3A_24, %add3A_219 : i32
          "tpu.region"() ({
            %run_scoped3A = tpu.sem_alloc : memref<!tpu.dma_semaphore, #tpu.memory_space<semaphore_mem>>
            %dma_start3A_228 = arith.constant 0 : i32
            %dma_start3A_229 = arith.constant 0 : i32
            %dma_start3A_230 = tpu.memref_slice %arg2[%add3A_220, %dma_start3A_228, %dma_start3A_229] : memref<4000x2x80xi32, #tpu.memory_space<hbm>> -> memref<1x2x80xi32, #tpu.memory_space<hbm>>
            %dma_start3A_231 = tpu.memref_squeeze %dma_start3A_230 : memref<1x2x80xi32, #tpu.memory_space<hbm>> -> memref<2x80xi32, #tpu.memory_space<hbm>>
            %dma_start3A_232 = arith.constant 0 : i32
            %dma_start3A_233 = arith.constant 0 : i32
            %dma_start3A_234 = tpu.memref_slice %arg2[%add3A_220, %dma_start3A_232, %dma_start3A_233] : memref<4000x2x80xi32, #tpu.memory_space<hbm>> -> memref<1x2x80xi32, #tpu.memory_space<hbm>>
            %dma_start3A_235 = tpu.memref_squeeze %dma_start3A_234 : memref<1x2x80xi32, #tpu.memory_space<hbm>> -> memref<2x80xi32, #tpu.memory_space<hbm>>
            tpu.enqueue_dma source(%dma_start3A_235 : memref<2x80xi32, #tpu.memory_space<hbm>>) target(%arg10 : memref<2x80xi32, #tpu.memory_space<vmem>>) target_semaphore(%run_scoped3A : memref<!tpu.dma_semaphore, #tpu.memory_space<semaphore_mem>>)
            %dma_wait3A_236 = arith.constant 0 : i32
            %dma_wait3A_237 = arith.constant 0 : i32
            %dma_wait3A_238 = tpu.memref_slice %arg2[%add3A_220, %dma_wait3A_236, %dma_wait3A_237] : memref<4000x2x80xi32, #tpu.memory_space<hbm>> -> memref<1x2x80xi32, #tpu.memory_space<hbm>>
            %dma_wait3A_239 = tpu.memref_squeeze %dma_wait3A_238 : memref<1x2x80xi32, #tpu.memory_space<hbm>> -> memref<2x80xi32, #tpu.memory_space<hbm>>
            %dma_wait3A_240 = arith.constant 0 : i32
            %dma_wait3A_241 = arith.constant 0 : i32
            %dma_wait3A_242 = tpu.memref_slice %arg2[%add3A_220, %dma_wait3A_240, %dma_wait3A_241] : memref<4000x2x80xi32, #tpu.memory_space<hbm>> -> memref<1x2x80xi32, #tpu.memory_space<hbm>>
            %dma_wait3A_243 = tpu.memref_squeeze %dma_wait3A_242 : memref<1x2x80xi32, #tpu.memory_space<hbm>> -> memref<2x80xi32, #tpu.memory_space<hbm>>
            tpu.wait_dma2 semaphore(%run_scoped3A : memref<!tpu.dma_semaphore, #tpu.memory_space<semaphore_mem>>) src(%dma_wait3A_243 : memref<2x80xi32, #tpu.memory_space<hbm>>) dst(%arg10 : memref<2x80xi32, #tpu.memory_space<vmem>>)
            tpu.yield
          }) : () -> ()
          %dma_start3A_221 = arith.constant 0 : i32
          %dma_start3A_222 = arith.constant 0 : i32
          %dma_start3A_223 = tpu.memref_slice %arg10[%dma_start3A_221, %dma_start3A_222] : memref<2x80xi32, #tpu.memory_space<vmem>> -> memref<1x80xi32, #tpu.memory_space<vmem>>
          %dma_start3A_224 = tpu.memref_squeeze %dma_start3A_223 : memref<1x80xi32, #tpu.memory_space<vmem>> -> memref<80xi32, #tpu.memory_space<vmem>>
          %dma_start3A_225 = arith.constant 0 : i32
          %dma_start3A_226 = arith.constant 0 : i32
          %dma_start3A_227 = tpu.memref_slice %arg4[%dma_start3A_225, %dma_start3A_226] : memref<10000x128xf32, #tpu.memory_space<hbm>> -> memref<10000x128xf32, #tpu.memory_space<hbm>>
          tpu.enqueue_indirect_dma source(%dma_start3A_227 : memref<10000x128xf32, #tpu.memory_space<hbm>>) target(%arg14 : memref<80x128xf32, #tpu.memory_space<vmem>>) offsets(%dma_start3A_224 : memref<80xi32, #tpu.memory_space<vmem>>) semaphore(%arg19 : memref<!tpu.dma_semaphore, #tpu.memory_space<semaphore_mem>>)
        } else {
        }
        %dma_wait3A_120 = arith.constant 0 : i32
        %dma_wait3A_121 = arith.constant 0 : i32
        %dma_wait3A_122 = tpu.memref_slice %arg8[%dma_wait3A_120, %dma_wait3A_121] : memref<2x80xi32, #tpu.memory_space<vmem>> -> memref<1x80xi32, #tpu.memory_space<vmem>>
        %dma_wait3A_123 = tpu.memref_squeeze %dma_wait3A_122 : memref<1x80xi32, #tpu.memory_space<vmem>> -> memref<80xi32, #tpu.memory_space<vmem>>
        %dma_wait3A_124 = arith.constant 0 : i32
        %dma_wait3A_125 = arith.constant 0 : i32
        %dma_wait3A_126 = tpu.memref_slice %arg4[%dma_wait3A_124, %dma_wait3A_125] : memref<10000x128xf32, #tpu.memory_space<hbm>> -> memref<10000x128xf32, #tpu.memory_space<hbm>>
        tpu.wait_indirect_dma semaphore(%arg17 : memref<!tpu.dma_semaphore, #tpu.memory_space<semaphore_mem>>) src(%dma_wait3A_126 : memref<10000x128xf32, #tpu.memory_space<hbm>>) dst(%arg12 : memref<80x128xf32, #tpu.memory_space<vmem>>)
        %dma_start3A_127 = arith.constant 1 : i32
        %dma_start3A_128 = arith.constant 0 : i32
        %dma_start3A_129 = tpu.memref_slice %arg8[%dma_start3A_127, %dma_start3A_128] : memref<2x80xi32, #tpu.memory_space<vmem>> -> memref<1x80xi32, #tpu.memory_space<vmem>>
        %dma_start3A_130 = tpu.memref_squeeze %dma_start3A_129 : memref<1x80xi32, #tpu.memory_space<vmem>> -> memref<80xi32, #tpu.memory_space<vmem>>
        %dma_start3A_131 = arith.constant 0 : i32
        %dma_start3A_132 = arith.constant 0 : i32
        %dma_start3A_133 = tpu.memref_slice %arg16[%dma_start3A_131, %dma_start3A_132] : memref<10016x128xf32, #tpu.memory_space<vmem_shared>> -> memref<10016x128xf32, #tpu.memory_space<vmem_shared>>
        tpu.enqueue_indirect_dma source(%arg12 : memref<80x128xf32, #tpu.memory_space<vmem>>) target(%dma_start3A_133 : memref<10016x128xf32, #tpu.memory_space<vmem_shared>>) offsets(%dma_start3A_130 : memref<80xi32, #tpu.memory_space<vmem>>) semaphore(%arg21 : memref<!tpu.dma_semaphore, #tpu.memory_space<semaphore_mem>>) {add = true}
        %add3A_134 = arith.constant 1 : i32
        %add3A_135 = arith.addi %mul3A_107, %add3A_134 : i32
        %ge3A_136 = arith.constant 2 : i32
        %ge3A_137 = arith.cmpi sge, %add3A_135, %ge3A_136 : i32
        %convert_element_type3A_138 = arith.extui %ge3A_137 : i1 to i32
        %cond3A_139 = arith.constant 0 : i32
        %cond3A_140 = arith.cmpi ne, %convert_element_type3A_138, %cond3A_139 : i32
        scf.if %cond3A_140 {
          %dma_wait3A_218 = arith.constant 1 : i32
          %dma_wait3A_219 = arith.constant 0 : i32
          %dma_wait3A_220 = tpu.memref_slice %arg11[%dma_wait3A_218, %dma_wait3A_219] : memref<2x80xi32, #tpu.memory_space<vmem>> -> memref<1x80xi32, #tpu.memory_space<vmem>>
          %dma_wait3A_221 = tpu.memref_squeeze %dma_wait3A_220 : memref<1x80xi32, #tpu.memory_space<vmem>> -> memref<80xi32, #tpu.memory_space<vmem>>
          %dma_wait3A_222 = arith.constant 0 : i32
          %dma_wait3A_223 = arith.constant 0 : i32
          %dma_wait3A_224 = tpu.memref_slice %arg16[%dma_wait3A_222, %dma_wait3A_223] : memref<10016x128xf32, #tpu.memory_space<vmem_shared>> -> memref<10016x128xf32, #tpu.memory_space<vmem_shared>>
          tpu.wait_indirect_dma semaphore(%arg24 : memref<!tpu.dma_semaphore, #tpu.memory_space<semaphore_mem>>) src(%arg15 : memref<80x128xf32, #tpu.memory_space<vmem>>) dst(%dma_wait3A_224 : memref<10016x128xf32, #tpu.memory_space<vmem_shared>>)
        } else {
        }
        %add3A_141 = arith.constant 2 : i32
        %add3A_142 = arith.addi %add3A_135, %add3A_141 : i32
        %lt3A_143 = arith.constant 250 : i32
        %lt3A_144 = arith.cmpi slt, %add3A_142, %lt3A_143 : i32
        %convert_element_type3A_145 = arith.extui %lt3A_144 : i1 to i32
        %cond3A_146 = arith.constant 0 : i32
        %cond3A_147 = arith.cmpi ne, %convert_element_type3A_145, %cond3A_146 : i32
        scf.if %cond3A_147 {
          %add3A_218 = arith.constant 2 : i32
          %add3A_219 = arith.addi %add3A_135, %add3A_218 : i32
          %add3A_220 = arith.addi %mul3A_24, %add3A_219 : i32
          "tpu.region"() ({
            %run_scoped3A = tpu.sem_alloc : memref<!tpu.dma_semaphore, #tpu.memory_space<semaphore_mem>>
            %dma_start3A_228 = arith.constant 0 : i32
            %dma_start3A_229 = arith.constant 0 : i32
            %dma_start3A_230 = tpu.memref_slice %arg2[%add3A_220, %dma_start3A_228, %dma_start3A_229] : memref<4000x2x80xi32, #tpu.memory_space<hbm>> -> memref<1x2x80xi32, #tpu.memory_space<hbm>>
            %dma_start3A_231 = tpu.memref_squeeze %dma_start3A_230 : memref<1x2x80xi32, #tpu.memory_space<hbm>> -> memref<2x80xi32, #tpu.memory_space<hbm>>
            %dma_start3A_232 = arith.constant 0 : i32
            %dma_start3A_233 = arith.constant 0 : i32
            %dma_start3A_234 = tpu.memref_slice %arg2[%add3A_220, %dma_start3A_232, %dma_start3A_233] : memref<4000x2x80xi32, #tpu.memory_space<hbm>> -> memref<1x2x80xi32, #tpu.memory_space<hbm>>
            %dma_start3A_235 = tpu.memref_squeeze %dma_start3A_234 : memref<1x2x80xi32, #tpu.memory_space<hbm>> -> memref<2x80xi32, #tpu.memory_space<hbm>>
            tpu.enqueue_dma source(%dma_start3A_235 : memref<2x80xi32, #tpu.memory_space<hbm>>) target(%arg11 : memref<2x80xi32, #tpu.memory_space<vmem>>) target_semaphore(%run_scoped3A : memref<!tpu.dma_semaphore, #tpu.memory_space<semaphore_mem>>)
            %dma_wait3A_236 = arith.constant 0 : i32
            %dma_wait3A_237 = arith.constant 0 : i32
            %dma_wait3A_238 = tpu.memref_slice %arg2[%add3A_220, %dma_wait3A_236, %dma_wait3A_237] : memref<4000x2x80xi32, #tpu.memory_space<hbm>> -> memref<1x2x80xi32, #tpu.memory_space<hbm>>
            %dma_wait3A_239 = tpu.memref_squeeze %dma_wait3A_238 : memref<1x2x80xi32, #tpu.memory_space<hbm>> -> memref<2x80xi32, #tpu.memory_space<hbm>>
            %dma_wait3A_240 = arith.constant 0 : i32
            %dma_wait3A_241 = arith.constant 0 : i32
            %dma_wait3A_242 = tpu.memref_slice %arg2[%add3A_220, %dma_wait3A_240, %dma_wait3A_241] : memref<4000x2x80xi32, #tpu.memory_space<hbm>> -> memref<1x2x80xi32, #tpu.memory_space<hbm>>
            %dma_wait3A_243 = tpu.memref_squeeze %dma_wait3A_242 : memref<1x2x80xi32, #tpu.memory_space<hbm>> -> memref<2x80xi32, #tpu.memory_space<hbm>>
            tpu.wait_dma2 semaphore(%run_scoped3A : memref<!tpu.dma_semaphore, #tpu.memory_space<semaphore_mem>>) src(%dma_wait3A_243 : memref<2x80xi32, #tpu.memory_space<hbm>>) dst(%arg11 : memref<2x80xi32, #tpu.memory_space<vmem>>)
            tpu.yield
          }) : () -> ()
          %dma_start3A_221 = arith.constant 0 : i32
          %dma_start3A_222 = arith.constant 0 : i32
          %dma_start3A_223 = tpu.memref_slice %arg11[%dma_start3A_221, %dma_start3A_222] : memref<2x80xi32, #tpu.memory_space<vmem>> -> memref<1x80xi32, #tpu.memory_space<vmem>>
          %dma_start3A_224 = tpu.memref_squeeze %dma_start3A_223 : memref<1x80xi32, #tpu.memory_space<vmem>> -> memref<80xi32, #tpu.memory_space<vmem>>
          %dma_start3A_225 = arith.constant 0 : i32
          %dma_start3A_226 = arith.constant 0 : i32
          %dma_start3A_227 = tpu.memref_slice %arg4[%dma_start3A_225, %dma_start3A_226] : memref<10000x128xf32, #tpu.memory_space<hbm>> -> memref<10000x128xf32, #tpu.memory_space<hbm>>
          tpu.enqueue_indirect_dma source(%dma_start3A_227 : memref<10000x128xf32, #tpu.memory_space<hbm>>) target(%arg15 : memref<80x128xf32, #tpu.memory_space<vmem>>) offsets(%dma_start3A_224 : memref<80xi32, #tpu.memory_space<vmem>>) semaphore(%arg20 : memref<!tpu.dma_semaphore, #tpu.memory_space<semaphore_mem>>)
        } else {
        }
        %dma_wait3A_148 = arith.constant 0 : i32
        %dma_wait3A_149 = arith.constant 0 : i32
        %dma_wait3A_150 = tpu.memref_slice %arg9[%dma_wait3A_148, %dma_wait3A_149] : memref<2x80xi32, #tpu.memory_space<vmem>> -> memref<1x80xi32, #tpu.memory_space<vmem>>
        %dma_wait3A_151 = tpu.memref_squeeze %dma_wait3A_150 : memref<1x80xi32, #tpu.memory_space<vmem>> -> memref<80xi32, #tpu.memory_space<vmem>>
        %dma_wait3A_152 = arith.constant 0 : i32
        %dma_wait3A_153 = arith.constant 0 : i32
        %dma_wait3A_154 = tpu.memref_slice %arg4[%dma_wait3A_152, %dma_wait3A_153] : memref<10000x128xf32, #tpu.memory_space<hbm>> -> memref<10000x128xf32, #tpu.memory_space<hbm>>
        tpu.wait_indirect_dma semaphore(%arg18 : memref<!tpu.dma_semaphore, #tpu.memory_space<semaphore_mem>>) src(%dma_wait3A_154 : memref<10000x128xf32, #tpu.memory_space<hbm>>) dst(%arg13 : memref<80x128xf32, #tpu.memory_space<vmem>>)
        %dma_start3A_155 = arith.constant 1 : i32
        %dma_start3A_156 = arith.constant 0 : i32
        %dma_start3A_157 = tpu.memref_slice %arg9[%dma_start3A_155, %dma_start3A_156] : memref<2x80xi32, #tpu.memory_space<vmem>> -> memref<1x80xi32, #tpu.memory_space<vmem>>
        %dma_start3A_158 = tpu.memref_squeeze %dma_start3A_157 : memref<1x80xi32, #tpu.memory_space<vmem>> -> memref<80xi32, #tpu.memory_space<vmem>>
        %dma_start3A_159 = arith.constant 0 : i32
        %dma_start3A_160 = arith.constant 0 : i32
        %dma_start3A_161 = tpu.memref_slice %arg16[%dma_start3A_159, %dma_start3A_160] : memref<10016x128xf32, #tpu.memory_space<vmem_shared>> -> memref<10016x128xf32, #tpu.memory_space<vmem_shared>>
        tpu.enqueue_indirect_dma source(%arg13 : memref<80x128xf32, #tpu.memory_space<vmem>>) target(%dma_start3A_161 : memref<10016x128xf32, #tpu.memory_space<vmem_shared>>) offsets(%dma_start3A_158 : memref<80xi32, #tpu.memory_space<vmem>>) semaphore(%arg22 : memref<!tpu.dma_semaphore, #tpu.memory_space<semaphore_mem>>) {add = true}
        %add3A_162 = arith.constant 2 : i32
        %add3A_163 = arith.addi %mul3A_107, %add3A_162 : i32
        %ge3A_164 = arith.constant 2 : i32
        %ge3A_165 = arith.cmpi sge, %add3A_163, %ge3A_164 : i32
        %convert_element_type3A_166 = arith.extui %ge3A_165 : i1 to i32
        %cond3A_167 = arith.constant 0 : i32
        %cond3A_168 = arith.cmpi ne, %convert_element_type3A_166, %cond3A_167 : i32
        scf.if %cond3A_168 {
          %dma_wait3A_218 = arith.constant 1 : i32
          %dma_wait3A_219 = arith.constant 0 : i32
          %dma_wait3A_220 = tpu.memref_slice %arg8[%dma_wait3A_218, %dma_wait3A_219] : memref<2x80xi32, #tpu.memory_space<vmem>> -> memref<1x80xi32, #tpu.memory_space<vmem>>
          %dma_wait3A_221 = tpu.memref_squeeze %dma_wait3A_220 : memref<1x80xi32, #tpu.memory_space<vmem>> -> memref<80xi32, #tpu.memory_space<vmem>>
          %dma_wait3A_222 = arith.constant 0 : i32
          %dma_wait3A_223 = arith.constant 0 : i32
          %dma_wait3A_224 = tpu.memref_slice %arg16[%dma_wait3A_222, %dma_wait3A_223] : memref<10016x128xf32, #tpu.memory_space<vmem_shared>> -> memref<10016x128xf32, #tpu.memory_space<vmem_shared>>
          tpu.wait_indirect_dma semaphore(%arg21 : memref<!tpu.dma_semaphore, #tpu.memory_space<semaphore_mem>>) src(%arg12 : memref<80x128xf32, #tpu.memory_space<vmem>>) dst(%dma_wait3A_224 : memref<10016x128xf32, #tpu.memory_space<vmem_shared>>)
        } else {
        }
        %add3A_169 = arith.constant 2 : i32
        %add3A_170 = arith.addi %add3A_163, %add3A_169 : i32
        %lt3A_171 = arith.constant 250 : i32
        %lt3A_172 = arith.cmpi slt, %add3A_170, %lt3A_171 : i32
        %convert_element_type3A_173 = arith.extui %lt3A_172 : i1 to i32
        %cond3A_174 = arith.constant 0 : i32
        %cond3A_175 = arith.cmpi ne, %convert_element_type3A_173, %cond3A_174 : i32
        scf.if %cond3A_175 {
          %add3A_218 = arith.constant 2 : i32
          %add3A_219 = arith.addi %add3A_163, %add3A_218 : i32
          %add3A_220 = arith.addi %mul3A_24, %add3A_219 : i32
          "tpu.region"() ({
            %run_scoped3A = tpu.sem_alloc : memref<!tpu.dma_semaphore, #tpu.memory_space<semaphore_mem>>
            %dma_start3A_228 = arith.constant 0 : i32
            %dma_start3A_229 = arith.constant 0 : i32
            %dma_start3A_230 = tpu.memref_slice %arg2[%add3A_220, %dma_start3A_228, %dma_start3A_229] : memref<4000x2x80xi32, #tpu.memory_space<hbm>> -> memref<1x2x80xi32, #tpu.memory_space<hbm>>
            %dma_start3A_231 = tpu.memref_squeeze %dma_start3A_230 : memref<1x2x80xi32, #tpu.memory_space<hbm>> -> memref<2x80xi32, #tpu.memory_space<hbm>>
            %dma_start3A_232 = arith.constant 0 : i32
            %dma_start3A_233 = arith.constant 0 : i32
            %dma_start3A_234 = tpu.memref_slice %arg2[%add3A_220, %dma_start3A_232, %dma_start3A_233] : memref<4000x2x80xi32, #tpu.memory_space<hbm>> -> memref<1x2x80xi32, #tpu.memory_space<hbm>>
            %dma_start3A_235 = tpu.memref_squeeze %dma_start3A_234 : memref<1x2x80xi32, #tpu.memory_space<hbm>> -> memref<2x80xi32, #tpu.memory_space<hbm>>
            tpu.enqueue_dma source(%dma_start3A_235 : memref<2x80xi32, #tpu.memory_space<hbm>>) target(%arg8 : memref<2x80xi32, #tpu.memory_space<vmem>>) target_semaphore(%run_scoped3A : memref<!tpu.dma_semaphore, #tpu.memory_space<semaphore_mem>>)
            %dma_wait3A_236 = arith.constant 0 : i32
            %dma_wait3A_237 = arith.constant 0 : i32
            %dma_wait3A_238 = tpu.memref_slice %arg2[%add3A_220, %dma_wait3A_236, %dma_wait3A_237] : memref<4000x2x80xi32, #tpu.memory_space<hbm>> -> memref<1x2x80xi32, #tpu.memory_space<hbm>>
            %dma_wait3A_239 = tpu.memref_squeeze %dma_wait3A_238 : memref<1x2x80xi32, #tpu.memory_space<hbm>> -> memref<2x80xi32, #tpu.memory_space<hbm>>
            %dma_wait3A_240 = arith.constant 0 : i32
            %dma_wait3A_241 = arith.constant 0 : i32
            %dma_wait3A_242 = tpu.memref_slice %arg2[%add3A_220, %dma_wait3A_240, %dma_wait3A_241] : memref<4000x2x80xi32, #tpu.memory_space<hbm>> -> memref<1x2x80xi32, #tpu.memory_space<hbm>>
            %dma_wait3A_243 = tpu.memref_squeeze %dma_wait3A_242 : memref<1x2x80xi32, #tpu.memory_space<hbm>> -> memref<2x80xi32, #tpu.memory_space<hbm>>
            tpu.wait_dma2 semaphore(%run_scoped3A : memref<!tpu.dma_semaphore, #tpu.memory_space<semaphore_mem>>) src(%dma_wait3A_243 : memref<2x80xi32, #tpu.memory_space<hbm>>) dst(%arg8 : memref<2x80xi32, #tpu.memory_space<vmem>>)
            tpu.yield
          }) : () -> ()
          %dma_start3A_221 = arith.constant 0 : i32
          %dma_start3A_222 = arith.constant 0 : i32
          %dma_start3A_223 = tpu.memref_slice %arg8[%dma_start3A_221, %dma_start3A_222] : memref<2x80xi32, #tpu.memory_space<vmem>> -> memref<1x80xi32, #tpu.memory_space<vmem>>
          %dma_start3A_224 = tpu.memref_squeeze %dma_start3A_223 : memref<1x80xi32, #tpu.memory_space<vmem>> -> memref<80xi32, #tpu.memory_space<vmem>>
          %dma_start3A_225 = arith.constant 0 : i32
          %dma_start3A_226 = arith.constant 0 : i32
          %dma_start3A_227 = tpu.memref_slice %arg4[%dma_start3A_225, %dma_start3A_226] : memref<10000x128xf32, #tpu.memory_space<hbm>> -> memref<10000x128xf32, #tpu.memory_space<hbm>>
          tpu.enqueue_indirect_dma source(%dma_start3A_227 : memref<10000x128xf32, #tpu.memory_space<hbm>>) target(%arg12 : memref<80x128xf32, #tpu.memory_space<vmem>>) offsets(%dma_start3A_224 : memref<80xi32, #tpu.memory_space<vmem>>) semaphore(%arg17 : memref<!tpu.dma_semaphore, #tpu.memory_space<semaphore_mem>>)
        } else {
        }
        %dma_wait3A_176 = arith.constant 0 : i32
        %dma_wait3A_177 = arith.constant 0 : i32
        %dma_wait3A_178 = tpu.memref_slice %arg10[%dma_wait3A_176, %dma_wait3A_177] : memref<2x80xi32, #tpu.memory_space<vmem>> -> memref<1x80xi32, #tpu.memory_space<vmem>>
        %dma_wait3A_179 = tpu.memref_squeeze %dma_wait3A_178 : memref<1x80xi32, #tpu.memory_space<vmem>> -> memref<80xi32, #tpu.memory_space<vmem>>
        %dma_wait3A_180 = arith.constant 0 : i32
        %dma_wait3A_181 = arith.constant 0 : i32
        %dma_wait3A_182 = tpu.memref_slice %arg4[%dma_wait3A_180, %dma_wait3A_181] : memref<10000x128xf32, #tpu.memory_space<hbm>> -> memref<10000x128xf32, #tpu.memory_space<hbm>>
        tpu.wait_indirect_dma semaphore(%arg19 : memref<!tpu.dma_semaphore, #tpu.memory_space<semaphore_mem>>) src(%dma_wait3A_182 : memref<10000x128xf32, #tpu.memory_space<hbm>>) dst(%arg14 : memref<80x128xf32, #tpu.memory_space<vmem>>)
        %dma_start3A_183 = arith.constant 1 : i32
        %dma_start3A_184 = arith.constant 0 : i32
        %dma_start3A_185 = tpu.memref_slice %arg10[%dma_start3A_183, %dma_start3A_184] : memref<2x80xi32, #tpu.memory_space<vmem>> -> memref<1x80xi32, #tpu.memory_space<vmem>>
        %dma_start3A_186 = tpu.memref_squeeze %dma_start3A_185 : memref<1x80xi32, #tpu.memory_space<vmem>> -> memref<80xi32, #tpu.memory_space<vmem>>
        %dma_start3A_187 = arith.constant 0 : i32
        %dma_start3A_188 = arith.constant 0 : i32
        %dma_start3A_189 = tpu.memref_slice %arg16[%dma_start3A_187, %dma_start3A_188] : memref<10016x128xf32, #tpu.memory_space<vmem_shared>> -> memref<10016x128xf32, #tpu.memory_space<vmem_shared>>
        tpu.enqueue_indirect_dma source(%arg14 : memref<80x128xf32, #tpu.memory_space<vmem>>) target(%dma_start3A_189 : memref<10016x128xf32, #tpu.memory_space<vmem_shared>>) offsets(%dma_start3A_186 : memref<80xi32, #tpu.memory_space<vmem>>) semaphore(%arg23 : memref<!tpu.dma_semaphore, #tpu.memory_space<semaphore_mem>>) {add = true}
        %add3A_190 = arith.constant 3 : i32
        %add3A_191 = arith.addi %mul3A_107, %add3A_190 : i32
        %ge3A_192 = arith.constant 2 : i32
        %ge3A_193 = arith.cmpi sge, %add3A_191, %ge3A_192 : i32
        %convert_element_type3A_194 = arith.extui %ge3A_193 : i1 to i32
        %cond3A_195 = arith.constant 0 : i32
        %cond3A_196 = arith.cmpi ne, %convert_element_type3A_194, %cond3A_195 : i32
        scf.if %cond3A_196 {
          %dma_wait3A_218 = arith.constant 1 : i32
          %dma_wait3A_219 = arith.constant 0 : i32
          %dma_wait3A_220 = tpu.memref_slice %arg9[%dma_wait3A_218, %dma_wait3A_219] : memref<2x80xi32, #tpu.memory_space<vmem>> -> memref<1x80xi32, #tpu.memory_space<vmem>>
          %dma_wait3A_221 = tpu.memref_squeeze %dma_wait3A_220 : memref<1x80xi32, #tpu.memory_space<vmem>> -> memref<80xi32, #tpu.memory_space<vmem>>
          %dma_wait3A_222 = arith.constant 0 : i32
          %dma_wait3A_223 = arith.constant 0 : i32
          %dma_wait3A_224 = tpu.memref_slice %arg16[%dma_wait3A_222, %dma_wait3A_223] : memref<10016x128xf32, #tpu.memory_space<vmem_shared>> -> memref<10016x128xf32, #tpu.memory_space<vmem_shared>>
          tpu.wait_indirect_dma semaphore(%arg22 : memref<!tpu.dma_semaphore, #tpu.memory_space<semaphore_mem>>) src(%arg13 : memref<80x128xf32, #tpu.memory_space<vmem>>) dst(%dma_wait3A_224 : memref<10016x128xf32, #tpu.memory_space<vmem_shared>>)
        } else {
        }
        %add3A_197 = arith.constant 2 : i32
        %add3A_198 = arith.addi %add3A_191, %add3A_197 : i32
        %lt3A_199 = arith.constant 250 : i32
        %lt3A_200 = arith.cmpi slt, %add3A_198, %lt3A_199 : i32
        %convert_element_type3A_201 = arith.extui %lt3A_200 : i1 to i32
        %cond3A_202 = arith.constant 0 : i32
        %cond3A_203 = arith.cmpi ne, %convert_element_type3A_201, %cond3A_202 : i32
        scf.if %cond3A_203 {
          %add3A_218 = arith.constant 2 : i32
          %add3A_219 = arith.addi %add3A_191, %add3A_218 : i32
          %add3A_220 = arith.addi %mul3A_24, %add3A_219 : i32
          "tpu.region"() ({
            %run_scoped3A = tpu.sem_alloc : memref<!tpu.dma_semaphore, #tpu.memory_space<semaphore_mem>>
            %dma_start3A_228 = arith.constant 0 : i32
            %dma_start3A_229 = arith.constant 0 : i32
            %dma_start3A_230 = tpu.memref_slice %arg2[%add3A_220, %dma_start3A_228, %dma_start3A_229] : memref<4000x2x80xi32, #tpu.memory_space<hbm>> -> memref<1x2x80xi32, #tpu.memory_space<hbm>>
            %dma_start3A_231 = tpu.memref_squeeze %dma_start3A_230 : memref<1x2x80xi32, #tpu.memory_space<hbm>> -> memref<2x80xi32, #tpu.memory_space<hbm>>
            %dma_start3A_232 = arith.constant 0 : i32
            %dma_start3A_233 = arith.constant 0 : i32
            %dma_start3A_234 = tpu.memref_slice %arg2[%add3A_220, %dma_start3A_232, %dma_start3A_233] : memref<4000x2x80xi32, #tpu.memory_space<hbm>> -> memref<1x2x80xi32, #tpu.memory_space<hbm>>
            %dma_start3A_235 = tpu.memref_squeeze %dma_start3A_234 : memref<1x2x80xi32, #tpu.memory_space<hbm>> -> memref<2x80xi32, #tpu.memory_space<hbm>>
            tpu.enqueue_dma source(%dma_start3A_235 : memref<2x80xi32, #tpu.memory_space<hbm>>) target(%arg9 : memref<2x80xi32, #tpu.memory_space<vmem>>) target_semaphore(%run_scoped3A : memref<!tpu.dma_semaphore, #tpu.memory_space<semaphore_mem>>)
            %dma_wait3A_236 = arith.constant 0 : i32
            %dma_wait3A_237 = arith.constant 0 : i32
            %dma_wait3A_238 = tpu.memref_slice %arg2[%add3A_220, %dma_wait3A_236, %dma_wait3A_237] : memref<4000x2x80xi32, #tpu.memory_space<hbm>> -> memref<1x2x80xi32, #tpu.memory_space<hbm>>
            %dma_wait3A_239 = tpu.memref_squeeze %dma_wait3A_238 : memref<1x2x80xi32, #tpu.memory_space<hbm>> -> memref<2x80xi32, #tpu.memory_space<hbm>>
            %dma_wait3A_240 = arith.constant 0 : i32
            %dma_wait3A_241 = arith.constant 0 : i32
            %dma_wait3A_242 = tpu.memref_slice %arg2[%add3A_220, %dma_wait3A_240, %dma_wait3A_241] : memref<4000x2x80xi32, #tpu.memory_space<hbm>> -> memref<1x2x80xi32, #tpu.memory_space<hbm>>
            %dma_wait3A_243 = tpu.memref_squeeze %dma_wait3A_242 : memref<1x2x80xi32, #tpu.memory_space<hbm>> -> memref<2x80xi32, #tpu.memory_space<hbm>>
            tpu.wait_dma2 semaphore(%run_scoped3A : memref<!tpu.dma_semaphore, #tpu.memory_space<semaphore_mem>>) src(%dma_wait3A_243 : memref<2x80xi32, #tpu.memory_space<hbm>>) dst(%arg9 : memref<2x80xi32, #tpu.memory_space<vmem>>)
            tpu.yield
          }) : () -> ()
          %dma_start3A_221 = arith.constant 0 : i32
          %dma_start3A_222 = arith.constant 0 : i32
          %dma_start3A_223 = tpu.memref_slice %arg9[%dma_start3A_221, %dma_start3A_222] : memref<2x80xi32, #tpu.memory_space<vmem>> -> memref<1x80xi32, #tpu.memory_space<vmem>>
          %dma_start3A_224 = tpu.memref_squeeze %dma_start3A_223 : memref<1x80xi32, #tpu.memory_space<vmem>> -> memref<80xi32, #tpu.memory_space<vmem>>
          %dma_start3A_225 = arith.constant 0 : i32
          %dma_start3A_226 = arith.constant 0 : i32
          %dma_start3A_227 = tpu.memref_slice %arg4[%dma_start3A_225, %dma_start3A_226] : memref<10000x128xf32, #tpu.memory_space<hbm>> -> memref<10000x128xf32, #tpu.memory_space<hbm>>
          tpu.enqueue_indirect_dma source(%dma_start3A_227 : memref<10000x128xf32, #tpu.memory_space<hbm>>) target(%arg13 : memref<80x128xf32, #tpu.memory_space<vmem>>) offsets(%dma_start3A_224 : memref<80xi32, #tpu.memory_space<vmem>>) semaphore(%arg18 : memref<!tpu.dma_semaphore, #tpu.memory_space<semaphore_mem>>)
        } else {
        }
        %dma_wait3A_204 = arith.constant 0 : i32
        %dma_wait3A_205 = arith.constant 0 : i32
        %dma_wait3A_206 = tpu.memref_slice %arg11[%dma_wait3A_204, %dma_wait3A_205] : memref<2x80xi32, #tpu.memory_space<vmem>> -> memref<1x80xi32, #tpu.memory_space<vmem>>
        %dma_wait3A_207 = tpu.memref_squeeze %dma_wait3A_206 : memref<1x80xi32, #tpu.memory_space<vmem>> -> memref<80xi32, #tpu.memory_space<vmem>>
        %dma_wait3A_208 = arith.constant 0 : i32
        %dma_wait3A_209 = arith.constant 0 : i32
        %dma_wait3A_210 = tpu.memref_slice %arg4[%dma_wait3A_208, %dma_wait3A_209] : memref<10000x128xf32, #tpu.memory_space<hbm>> -> memref<10000x128xf32, #tpu.memory_space<hbm>>
        tpu.wait_indirect_dma semaphore(%arg20 : memref<!tpu.dma_semaphore, #tpu.memory_space<semaphore_mem>>) src(%dma_wait3A_210 : memref<10000x128xf32, #tpu.memory_space<hbm>>) dst(%arg15 : memref<80x128xf32, #tpu.memory_space<vmem>>)
        %dma_start3A_211 = arith.constant 1 : i32
        %dma_start3A_212 = arith.constant 0 : i32
        %dma_start3A_213 = tpu.memref_slice %arg11[%dma_start3A_211, %dma_start3A_212] : memref<2x80xi32, #tpu.memory_space<vmem>> -> memref<1x80xi32, #tpu.memory_space<vmem>>
        %dma_start3A_214 = tpu.memref_squeeze %dma_start3A_213 : memref<1x80xi32, #tpu.memory_space<vmem>> -> memref<80xi32, #tpu.memory_space<vmem>>
        %dma_start3A_215 = arith.constant 0 : i32
        %dma_start3A_216 = arith.constant 0 : i32
        %dma_start3A_217 = tpu.memref_slice %arg16[%dma_start3A_215, %dma_start3A_216] : memref<10016x128xf32, #tpu.memory_space<vmem_shared>> -> memref<10016x128xf32, #tpu.memory_space<vmem_shared>>
        tpu.enqueue_indirect_dma source(%arg15 : memref<80x128xf32, #tpu.memory_space<vmem>>) target(%dma_start3A_217 : memref<10016x128xf32, #tpu.memory_space<vmem_shared>>) offsets(%dma_start3A_214 : memref<80xi32, #tpu.memory_space<vmem>>) semaphore(%arg24 : memref<!tpu.dma_semaphore, #tpu.memory_space<semaphore_mem>>) {add = true}
      }
      %scan3A_45 = arith.constant 62 : i32
      %dma_wait3A = arith.constant 1 : i32
      %dma_wait3A_46 = arith.constant 0 : i32
      %dma_wait3A_47 = tpu.memref_slice %arg10[%dma_wait3A, %dma_wait3A_46] : memref<2x80xi32, #tpu.memory_space<vmem>> -> memref<1x80xi32, #tpu.memory_space<vmem>>
      %dma_wait3A_48 = tpu.memref_squeeze %dma_wait3A_47 : memref<1x80xi32, #tpu.memory_space<vmem>> -> memref<80xi32, #tpu.memory_space<vmem>>
      %dma_wait3A_49 = arith.constant 0 : i32
      %dma_wait3A_50 = arith.constant 0 : i32
      %dma_wait3A_51 = tpu.memref_slice %arg16[%dma_wait3A_49, %dma_wait3A_50] : memref<10016x128xf32, #tpu.memory_space<vmem_shared>> -> memref<10016x128xf32, #tpu.memory_space<vmem_shared>>
      tpu.wait_indirect_dma semaphore(%arg23 : memref<!tpu.dma_semaphore, #tpu.memory_space<semaphore_mem>>) src(%arg14 : memref<80x128xf32, #tpu.memory_space<vmem>>) dst(%dma_wait3A_51 : memref<10016x128xf32, #tpu.memory_space<vmem_shared>>)
      %dma_wait3A_52 = arith.constant 0 : i32
      %dma_wait3A_53 = arith.constant 0 : i32
      %dma_wait3A_54 = tpu.memref_slice %arg8[%dma_wait3A_52, %dma_wait3A_53] : memref<2x80xi32, #tpu.memory_space<vmem>> -> memref<1x80xi32, #tpu.memory_space<vmem>>
      %dma_wait3A_55 = tpu.memref_squeeze %dma_wait3A_54 : memref<1x80xi32, #tpu.memory_space<vmem>> -> memref<80xi32, #tpu.memory_space<vmem>>
      %dma_wait3A_56 = arith.constant 0 : i32
      %dma_wait3A_57 = arith.constant 0 : i32
      %dma_wait3A_58 = tpu.memref_slice %arg4[%dma_wait3A_56, %dma_wait3A_57] : memref<10000x128xf32, #tpu.memory_space<hbm>> -> memref<10000x128xf32, #tpu.memory_space<hbm>>
      tpu.wait_indirect_dma semaphore(%arg17 : memref<!tpu.dma_semaphore, #tpu.memory_space<semaphore_mem>>) src(%dma_wait3A_58 : memref<10000x128xf32, #tpu.memory_space<hbm>>) dst(%arg12 : memref<80x128xf32, #tpu.memory_space<vmem>>)
      %dma_start3A_59 = arith.constant 1 : i32
      %dma_start3A_60 = arith.constant 0 : i32
      %dma_start3A_61 = tpu.memref_slice %arg8[%dma_start3A_59, %dma_start3A_60] : memref<2x80xi32, #tpu.memory_space<vmem>> -> memref<1x80xi32, #tpu.memory_space<vmem>>
      %dma_start3A_62 = tpu.memref_squeeze %dma_start3A_61 : memref<1x80xi32, #tpu.memory_space<vmem>> -> memref<80xi32, #tpu.memory_space<vmem>>
      %dma_start3A_63 = arith.constant 0 : i32
      %dma_start3A_64 = arith.constant 0 : i32
      %dma_start3A_65 = tpu.memref_slice %arg16[%dma_start3A_63, %dma_start3A_64] : memref<10016x128xf32, #tpu.memory_space<vmem_shared>> -> memref<10016x128xf32, #tpu.memory_space<vmem_shared>>
      tpu.enqueue_indirect_dma source(%arg12 : memref<80x128xf32, #tpu.memory_space<vmem>>) target(%dma_start3A_65 : memref<10016x128xf32, #tpu.memory_space<vmem_shared>>) offsets(%dma_start3A_62 : memref<80xi32, #tpu.memory_space<vmem>>) semaphore(%arg21 : memref<!tpu.dma_semaphore, #tpu.memory_space<semaphore_mem>>) {add = true}
      %dma_wait3A_66 = arith.constant 1 : i32
      %dma_wait3A_67 = arith.constant 0 : i32
      %dma_wait3A_68 = tpu.memref_slice %arg11[%dma_wait3A_66, %dma_wait3A_67] : memref<2x80xi32, #tpu.memory_space<vmem>> -> memref<1x80xi32, #tpu.memory_space<vmem>>
      %dma_wait3A_69 = tpu.memref_squeeze %dma_wait3A_68 : memref<1x80xi32, #tpu.memory_space<vmem>> -> memref<80xi32, #tpu.memory_space<vmem>>
      %dma_wait3A_70 = arith.constant 0 : i32
      %dma_wait3A_71 = arith.constant 0 : i32
      %dma_wait3A_72 = tpu.memref_slice %arg16[%dma_wait3A_70, %dma_wait3A_71] : memref<10016x128xf32, #tpu.memory_space<vmem_shared>> -> memref<10016x128xf32, #tpu.memory_space<vmem_shared>>
      tpu.wait_indirect_dma semaphore(%arg24 : memref<!tpu.dma_semaphore, #tpu.memory_space<semaphore_mem>>) src(%arg15 : memref<80x128xf32, #tpu.memory_space<vmem>>) dst(%dma_wait3A_72 : memref<10016x128xf32, #tpu.memory_space<vmem_shared>>)
      %dma_wait3A_73 = arith.constant 0 : i32
      %dma_wait3A_74 = arith.constant 0 : i32
      %dma_wait3A_75 = tpu.memref_slice %arg9[%dma_wait3A_73, %dma_wait3A_74] : memref<2x80xi32, #tpu.memory_space<vmem>> -> memref<1x80xi32, #tpu.memory_space<vmem>>
      %dma_wait3A_76 = tpu.memref_squeeze %dma_wait3A_75 : memref<1x80xi32, #tpu.memory_space<vmem>> -> memref<80xi32, #tpu.memory_space<vmem>>
      %dma_wait3A_77 = arith.constant 0 : i32
      %dma_wait3A_78 = arith.constant 0 : i32
      %dma_wait3A_79 = tpu.memref_slice %arg4[%dma_wait3A_77, %dma_wait3A_78] : memref<10000x128xf32, #tpu.memory_space<hbm>> -> memref<10000x128xf32, #tpu.memory_space<hbm>>
      tpu.wait_indirect_dma semaphore(%arg18 : memref<!tpu.dma_semaphore, #tpu.memory_space<semaphore_mem>>) src(%dma_wait3A_79 : memref<10000x128xf32, #tpu.memory_space<hbm>>) dst(%arg13 : memref<80x128xf32, #tpu.memory_space<vmem>>)
      %dma_start3A_80 = arith.constant 1 : i32
      %dma_start3A_81 = arith.constant 0 : i32
      %dma_start3A_82 = tpu.memref_slice %arg9[%dma_start3A_80, %dma_start3A_81] : memref<2x80xi32, #tpu.memory_space<vmem>> -> memref<1x80xi32, #tpu.memory_space<vmem>>
      %dma_start3A_83 = tpu.memref_squeeze %dma_start3A_82 : memref<1x80xi32, #tpu.memory_space<vmem>> -> memref<80xi32, #tpu.memory_space<vmem>>
      %dma_start3A_84 = arith.constant 0 : i32
      %dma_start3A_85 = arith.constant 0 : i32
      %dma_start3A_86 = tpu.memref_slice %arg16[%dma_start3A_84, %dma_start3A_85] : memref<10016x128xf32, #tpu.memory_space<vmem_shared>> -> memref<10016x128xf32, #tpu.memory_space<vmem_shared>>
      tpu.enqueue_indirect_dma source(%arg13 : memref<80x128xf32, #tpu.memory_space<vmem>>) target(%dma_start3A_86 : memref<10016x128xf32, #tpu.memory_space<vmem_shared>>) offsets(%dma_start3A_83 : memref<80xi32, #tpu.memory_space<vmem>>) semaphore(%arg22 : memref<!tpu.dma_semaphore, #tpu.memory_space<semaphore_mem>>) {add = true}
      %dma_wait3A_87 = arith.constant 1 : i32
      %dma_wait3A_88 = arith.constant 0 : i32
      %dma_wait3A_89 = tpu.memref_slice %arg8[%dma_wait3A_87, %dma_wait3A_88] : memref<2x80xi32, #tpu.memory_space<vmem>> -> memref<1x80xi32, #tpu.memory_space<vmem>>
      %dma_wait3A_90 = tpu.memref_squeeze %dma_wait3A_89 : memref<1x80xi32, #tpu.memory_space<vmem>> -> memref<80xi32, #tpu.memory_space<vmem>>
      %dma_wait3A_91 = arith.constant 0 : i32
      %dma_wait3A_92 = arith.constant 0 : i32
      %dma_wait3A_93 = tpu.memref_slice %arg16[%dma_wait3A_91, %dma_wait3A_92] : memref<10016x128xf32, #tpu.memory_space<vmem_shared>> -> memref<10016x128xf32, #tpu.memory_space<vmem_shared>>
      tpu.wait_indirect_dma semaphore(%arg21 : memref<!tpu.dma_semaphore, #tpu.memory_space<semaphore_mem>>) src(%arg12 : memref<80x128xf32, #tpu.memory_space<vmem>>) dst(%dma_wait3A_93 : memref<10016x128xf32, #tpu.memory_space<vmem_shared>>)
      %dma_wait3A_94 = arith.constant 1 : i32
      %dma_wait3A_95 = arith.constant 0 : i32
      %dma_wait3A_96 = tpu.memref_slice %arg9[%dma_wait3A_94, %dma_wait3A_95] : memref<2x80xi32, #tpu.memory_space<vmem>> -> memref<1x80xi32, #tpu.memory_space<vmem>>
      %dma_wait3A_97 = tpu.memref_squeeze %dma_wait3A_96 : memref<1x80xi32, #tpu.memory_space<vmem>> -> memref<80xi32, #tpu.memory_space<vmem>>
      %dma_wait3A_98 = arith.constant 0 : i32
      %dma_wait3A_99 = arith.constant 0 : i32
      %dma_wait3A_100 = tpu.memref_slice %arg16[%dma_wait3A_98, %dma_wait3A_99] : memref<10016x128xf32, #tpu.memory_space<vmem_shared>> -> memref<10016x128xf32, #tpu.memory_space<vmem_shared>>
      tpu.wait_indirect_dma semaphore(%arg22 : memref<!tpu.dma_semaphore, #tpu.memory_space<semaphore_mem>>) src(%arg13 : memref<80x128xf32, #tpu.memory_space<vmem>>) dst(%dma_wait3A_100 : memref<10016x128xf32, #tpu.memory_space<vmem_shared>>)
    } else {
    }
    %barrier3A = arith.constant 0 : index
    tpu.barrier barrier_id(%barrier3A)
    %eq3A_13 = arith.constant 0 : i32
    %eq3A_14 = arith.cmpi eq, %arg0, %eq3A_13 : i32
    %convert_element_type3A_15 = arith.extui %eq3A_14 : i1 to i32
    %cond3A_16 = arith.constant 0 : i32
    %cond3A_17 = arith.cmpi ne, %convert_element_type3A_15, %cond3A_16 : i32
    scf.if %cond3A_17 {
      "tpu.region"() ({
        %run_scoped3A = tpu.sem_alloc : memref<!tpu.dma_semaphore, #tpu.memory_space<semaphore_mem>>
        %dma_start3A = arith.constant 0 : i32
        %dma_start3A_28 = tpu.memref_slice %arg6[%multiple_of3A, %dma_start3A] : memref<10000x128xf32, #tpu.memory_space<hbm>> -> memref<624x128xf32, #tpu.memory_space<hbm>>
        %dma_start3A_29 = arith.constant 0 : i32
        %dma_start3A_30 = tpu.memref_slice %arg16[%multiple_of3A, %dma_start3A_29] : memref<10016x128xf32, #tpu.memory_space<vmem_shared>> -> memref<624x128xf32, #tpu.memory_space<vmem_shared>>
        tpu.enqueue_dma source(%dma_start3A_30 : memref<624x128xf32, #tpu.memory_space<vmem_shared>>) target(%dma_start3A_28 : memref<624x128xf32, #tpu.memory_space<hbm>>) target_semaphore(%run_scoped3A : memref<!tpu.dma_semaphore, #tpu.memory_space<semaphore_mem>>)
        %dma_wait3A = arith.constant 0 : i32
        %dma_wait3A_31 = tpu.memref_slice %arg6[%multiple_of3A, %dma_wait3A] : memref<10000x128xf32, #tpu.memory_space<hbm>> -> memref<624x128xf32, #tpu.memory_space<hbm>>
        %dma_wait3A_32 = arith.constant 0 : i32
        %dma_wait3A_33 = tpu.memref_slice %arg16[%multiple_of3A, %dma_wait3A_32] : memref<10016x128xf32, #tpu.memory_space<vmem_shared>> -> memref<624x128xf32, #tpu.memory_space<vmem_shared>>
        tpu.wait_dma2 semaphore(%run_scoped3A : memref<!tpu.dma_semaphore, #tpu.memory_space<semaphore_mem>>) src(%dma_wait3A_33 : memref<624x128xf32, #tpu.memory_space<vmem_shared>>) dst(%dma_wait3A_31 : memref<624x128xf32, #tpu.memory_space<hbm>>)
        tpu.yield
      }) : () -> ()
      %eq3A_23 = arith.constant 15 : i32
      %eq3A_24 = arith.cmpi eq, %arg1, %eq3A_23 : i32
      %convert_element_type3A_25 = arith.extui %eq3A_24 : i1 to i32
      %cond3A_26 = arith.constant 0 : i32
      %cond3A_27 = arith.cmpi ne, %convert_element_type3A_25, %cond3A_26 : i32
      scf.if %cond3A_27 {
        "tpu.region"() ({
          %run_scoped3A = tpu.sem_alloc : memref<!tpu.dma_semaphore, #tpu.memory_space<semaphore_mem>>
          %dma_start3A = arith.constant 9984 : i32
          %dma_start3A_28 = arith.constant 0 : i32
          %dma_start3A_29 = tpu.memref_slice %arg6[%dma_start3A, %dma_start3A_28] : memref<10000x128xf32, #tpu.memory_space<hbm>> -> memref<16x128xf32, #tpu.memory_space<hbm>>
          %dma_start3A_30 = arith.constant 9984 : i32
          %dma_start3A_31 = arith.constant 0 : i32
          %dma_start3A_32 = tpu.memref_slice %arg16[%dma_start3A_30, %dma_start3A_31] : memref<10016x128xf32, #tpu.memory_space<vmem_shared>> -> memref<16x128xf32, #tpu.memory_space<vmem_shared>>
          tpu.enqueue_dma source(%dma_start3A_32 : memref<16x128xf32, #tpu.memory_space<vmem_shared>>) target(%dma_start3A_29 : memref<16x128xf32, #tpu.memory_space<hbm>>) target_semaphore(%run_scoped3A : memref<!tpu.dma_semaphore, #tpu.memory_space<semaphore_mem>>)
          %dma_wait3A = arith.constant 9984 : i32
          %dma_wait3A_33 = arith.constant 0 : i32
          %dma_wait3A_34 = tpu.memref_slice %arg6[%dma_wait3A, %dma_wait3A_33] : memref<10000x128xf32, #tpu.memory_space<hbm>> -> memref<16x128xf32, #tpu.memory_space<hbm>>
          %dma_wait3A_35 = arith.constant 9984 : i32
          %dma_wait3A_36 = arith.constant 0 : i32
          %dma_wait3A_37 = tpu.memref_slice %arg16[%dma_wait3A_35, %dma_wait3A_36] : memref<10016x128xf32, #tpu.memory_space<vmem_shared>> -> memref<16x128xf32, #tpu.memory_space<vmem_shared>>
          tpu.wait_dma2 semaphore(%run_scoped3A : memref<!tpu.dma_semaphore, #tpu.memory_space<semaphore_mem>>) src(%dma_wait3A_37 : memref<16x128xf32, #tpu.memory_space<vmem_shared>>) dst(%dma_wait3A_34 : memref<16x128xf32, #tpu.memory_space<hbm>>)
          tpu.yield
        }) : () -> ()
      } else {
      }
    } else {
    }
    %eq3A_18 = arith.constant 1 : i32
    %eq3A_19 = arith.cmpi eq, %arg0, %eq3A_18 : i32
    %convert_element_type3A_20 = arith.extui %eq3A_19 : i1 to i32
    %cond3A_21 = arith.constant 0 : i32
    %cond3A_22 = arith.cmpi ne, %convert_element_type3A_20, %cond3A_21 : i32
    scf.if %cond3A_22 {
      "tpu.region"() ({
        %run_scoped3A = tpu.sem_alloc : memref<!tpu.dma_semaphore, #tpu.memory_space<semaphore_mem>>
        %dma_start3A = arith.constant 0 : i32
        %dma_start3A_28 = tpu.memref_slice %arg7[%multiple_of3A, %dma_start3A] : memref<10000x128xf32, #tpu.memory_space<hbm>> -> memref<624x128xf32, #tpu.memory_space<hbm>>
        %dma_start3A_29 = arith.constant 0 : i32
        %dma_start3A_30 = tpu.memref_slice %arg16[%multiple_of3A, %dma_start3A_29] : memref<10016x128xf32, #tpu.memory_space<vmem_shared>> -> memref<624x128xf32, #tpu.memory_space<vmem_shared>>
        tpu.enqueue_dma source(%dma_start3A_30 : memref<624x128xf32, #tpu.memory_space<vmem_shared>>) target(%dma_start3A_28 : memref<624x128xf32, #tpu.memory_space<hbm>>) target_semaphore(%run_scoped3A : memref<!tpu.dma_semaphore, #tpu.memory_space<semaphore_mem>>)
        %dma_wait3A = arith.constant 0 : i32
        %dma_wait3A_31 = tpu.memref_slice %arg7[%multiple_of3A, %dma_wait3A] : memref<10000x128xf32, #tpu.memory_space<hbm>> -> memref<624x128xf32, #tpu.memory_space<hbm>>
        %dma_wait3A_32 = arith.constant 0 : i32
        %dma_wait3A_33 = tpu.memref_slice %arg16[%multiple_of3A, %dma_wait3A_32] : memref<10016x128xf32, #tpu.memory_space<vmem_shared>> -> memref<624x128xf32, #tpu.memory_space<vmem_shared>>
        tpu.wait_dma2 semaphore(%run_scoped3A : memref<!tpu.dma_semaphore, #tpu.memory_space<semaphore_mem>>) src(%dma_wait3A_33 : memref<624x128xf32, #tpu.memory_space<vmem_shared>>) dst(%dma_wait3A_31 : memref<624x128xf32, #tpu.memory_space<hbm>>)
        tpu.yield
      }) : () -> ()
      %eq3A_23 = arith.constant 15 : i32
      %eq3A_24 = arith.cmpi eq, %arg1, %eq3A_23 : i32
      %convert_element_type3A_25 = arith.extui %eq3A_24 : i1 to i32
      %cond3A_26 = arith.constant 0 : i32
      %cond3A_27 = arith.cmpi ne, %convert_element_type3A_25, %cond3A_26 : i32
      scf.if %cond3A_27 {
        "tpu.region"() ({
          %run_scoped3A = tpu.sem_alloc : memref<!tpu.dma_semaphore, #tpu.memory_space<semaphore_mem>>
          %dma_start3A = arith.constant 9984 : i32
          %dma_start3A_28 = arith.constant 0 : i32
          %dma_start3A_29 = tpu.memref_slice %arg7[%dma_start3A, %dma_start3A_28] : memref<10000x128xf32, #tpu.memory_space<hbm>> -> memref<16x128xf32, #tpu.memory_space<hbm>>
          %dma_start3A_30 = arith.constant 9984 : i32
          %dma_start3A_31 = arith.constant 0 : i32
          %dma_start3A_32 = tpu.memref_slice %arg16[%dma_start3A_30, %dma_start3A_31] : memref<10016x128xf32, #tpu.memory_space<vmem_shared>> -> memref<16x128xf32, #tpu.memory_space<vmem_shared>>
          tpu.enqueue_dma source(%dma_start3A_32 : memref<16x128xf32, #tpu.memory_space<vmem_shared>>) target(%dma_start3A_29 : memref<16x128xf32, #tpu.memory_space<hbm>>) target_semaphore(%run_scoped3A : memref<!tpu.dma_semaphore, #tpu.memory_space<semaphore_mem>>)
          %dma_wait3A = arith.constant 9984 : i32
          %dma_wait3A_33 = arith.constant 0 : i32
          %dma_wait3A_34 = tpu.memref_slice %arg7[%dma_wait3A, %dma_wait3A_33] : memref<10000x128xf32, #tpu.memory_space<hbm>> -> memref<16x128xf32, #tpu.memory_space<hbm>>
          %dma_wait3A_35 = arith.constant 9984 : i32
          %dma_wait3A_36 = arith.constant 0 : i32
          %dma_wait3A_37 = tpu.memref_slice %arg16[%dma_wait3A_35, %dma_wait3A_36] : memref<10016x128xf32, #tpu.memory_space<vmem_shared>> -> memref<16x128xf32, #tpu.memory_space<vmem_shared>>
          tpu.wait_dma2 semaphore(%run_scoped3A : memref<!tpu.dma_semaphore, #tpu.memory_space<semaphore_mem>>) src(%dma_wait3A_37 : memref<16x128xf32, #tpu.memory_space<vmem_shared>>) dst(%dma_wait3A_34 : memref<16x128xf32, #tpu.memory_space<hbm>>)
          tpu.yield
        }) : () -> ()
      } else {
      }
    } else {
    }
    return
  }
}

module attributes {stable_mosaic.version = 14 : i64} {
  func.func @_norm_body(%arg0: i32, %arg1: memref<1000x128xf32, #tpu.memory_space<vmem>>, %arg2: memref<1000x128xf32, #tpu.memory_space<vmem>>) attributes {dimension_semantics = [#tpu.dimension_semantics<arbitrary>], iteration_bounds = array<i64: 10>, scalar_prefetch = 0 : i64, scratch_operands = 0 : i64, tpu.core_type = #tpu.core_type<tc>, window_params = [{transform_indices = @transform_0, window_bounds = array<i64: 1000, 128>}, {transform_indices = @transform_1, window_bounds = array<i64: 1000, 128>}]} {
    %get3A = arith.constant 0 : index
    %get3A_0 = arith.constant 0 : index
    %get3A_1 = vector.load %arg1[%get3A, %get3A_0] : memref<1000x128xf32, #tpu.memory_space<vmem>>, vector<1000x128xf32>
    %mul3A = arith.mulf %get3A_1, %get3A_1 : vector<1000x128xf32>
    %reduce_sum3A = arith.constant dense<0.000000e+00> : vector<1000xf32>
    %reduce_sum3A_2 = vector.multi_reduction <add>, %mul3A, %reduce_sum3A [1] : vector<1000x128xf32> to vector<1000xf32>
    %broadcast_in_dim3A = vector.shape_cast %reduce_sum3A_2 : vector<1000xf32> to vector<1000x1xf32>
    %sqrt3A = math.sqrt %broadcast_in_dim3A : vector<1000x1xf32>
    %max3A = arith.constant 9.99999996E-13 : f32
    %max3A_3 = vector.broadcast %max3A : f32 to vector<1000x1xf32>
    %max3A_4 = arith.maximumf %sqrt3A, %max3A_3 : vector<1000x1xf32>
    %div3A = vector.broadcast %max3A_4 : vector<1000x1xf32> to vector<1000x128xf32>
    %div3A_5 = arith.divf %get3A_1, %div3A : vector<1000x128xf32>
    %swap3A = arith.constant 0 : index
    %swap3A_6 = arith.constant 0 : index
    %swap3A_7 = vector.load %arg2[%swap3A, %swap3A_6] : memref<1000x128xf32, #tpu.memory_space<vmem>>, vector<1000x128xf32>
    tpu.vector_store %arg2[%swap3A, %swap3A_6], %div3A_5 {strides = array<i32>} : memref<1000x128xf32, #tpu.memory_space<vmem>>, vector<1000x128xf32>,
    return
  }
  func.func @transform_0(%arg0: i32) -> (i32, i32) {
    %c0_i32 = arith.constant 0 : i32
    %c0_i32_0 = arith.constant 0 : i32
    return %arg0, %c0_i32 : i32, i32
  }
  func.func @transform_1(%arg0: i32) -> (i32, i32) {
    %c0_i32 = arith.constant 0 : i32
    %c0_i32_0 = arith.constant 0 : i32
    return %arg0, %c0_i32 : i32, i32
  }
}

module attributes {stable_mosaic.version = 14 : i64} {
  func.func @_layer1_body(%arg0: i32, %arg1: memref<1000x128xf32, #tpu.memory_space<vmem>>, %arg2: memref<1000x128xf32, #tpu.memory_space<vmem>>, %arg3: memref<128x256xf32, #tpu.memory_space<vmem>>, %arg4: memref<1x256xf32, #tpu.memory_space<vmem>>, %arg5: memref<1000x128xf32, #tpu.memory_space<vmem>>, %arg6: memref<1000x128xf32, #tpu.memory_space<vmem>>) attributes {dimension_semantics = [#tpu.dimension_semantics<arbitrary>], iteration_bounds = array<i64: 10>, scalar_prefetch = 0 : i64, scratch_operands = 0 : i64, tpu.core_type = #tpu.core_type<tc>, window_params = [{transform_indices = @transform_0, window_bounds = array<i64: 1000, 128>}, {transform_indices = @transform_1, window_bounds = array<i64: 1000, 128>}, {pipeline_mode = #tpu.pipeline_mode<synchronous>, transform_indices = @transform_2, window_bounds = array<i64: 128, 256>}, {pipeline_mode = #tpu.pipeline_mode<synchronous>, transform_indices = @transform_3, window_bounds = array<i64: 1, 256>}, {transform_indices = @transform_4, window_bounds = array<i64: 1000, 128>}, {transform_indices = @transform_5, window_bounds = array<i64: 1000, 128>}]} {
    %get3A = arith.constant 0 : index
    %get3A_0 = arith.constant 0 : index
    %get3A_1 = vector.load %arg1[%get3A, %get3A_0] : memref<1000x128xf32, #tpu.memory_space<vmem>>, vector<1000x128xf32>
    %get3A_2 = arith.constant 0 : index
    %get3A_3 = arith.constant 0 : index
    %get3A_4 = vector.load %arg2[%get3A_2, %get3A_3] : memref<1000x128xf32, #tpu.memory_space<vmem>>, vector<1000x128xf32>
    %add3A = arith.addf %get3A_1, %get3A_4 : vector<1000x128xf32>
    %get3A_5 = arith.constant 0 : index
    %get3A_6 = arith.constant 0 : index
    %get3A_7 = vector.load %arg3[%get3A_5, %get3A_6] : memref<128x256xf32, #tpu.memory_space<vmem>>, vector<128x256xf32>
    %dot_general3A = arith.constant dense<0.000000e+00> : vector<1000x256xf32>
    %dot_general3A_8 = tpu.matmul %add3A, %get3A_7, %dot_general3A {dimension_numbers = #tpu.dot_dimension_numbers<[1], [0], [0], [1], [0, 0, 1, 1], [], []>, transpose_lhs_hint = false} : vector<1000x128xf32>, vector<128x256xf32>, vector<1000x256xf32> -> vector<1000x256xf32>
    %get3A_9 = arith.constant 0 : index
    %get3A_10 = arith.constant 0 : index
    %get3A_11 = vector.load %arg4[%get3A_9, %get3A_10] : memref<1x256xf32, #tpu.memory_space<vmem>>, vector<1x256xf32>
    %add3A_12 = vector.broadcast %get3A_11 : vector<1x256xf32> to vector<1000x256xf32>
    %add3A_13 = arith.addf %dot_general3A_8, %add3A_12 : vector<1000x256xf32>
    %max3A = arith.constant 0.000000e+00 : f32
    %max3A_14 = vector.broadcast %max3A : f32 to vector<1000x256xf32>
    %max3A_15 = arith.maximumf %add3A_13, %max3A_14 : vector<1000x256xf32>
    %mul3A = arith.mulf %max3A_15, %max3A_15 : vector<1000x256xf32>
    %reduce_sum3A = arith.constant dense<0.000000e+00> : vector<1000xf32>
    %reduce_sum3A_16 = vector.multi_reduction <add>, %mul3A, %reduce_sum3A [1] : vector<1000x256xf32> to vector<1000xf32>
    %broadcast_in_dim3A = vector.shape_cast %reduce_sum3A_16 : vector<1000xf32> to vector<1000x1xf32>
    %sqrt3A = math.sqrt %broadcast_in_dim3A : vector<1000x1xf32>
    %max3A_17 = arith.constant 9.99999996E-13 : f32
    %max3A_18 = vector.broadcast %max3A_17 : f32 to vector<1000x1xf32>
    %max3A_19 = arith.maximumf %sqrt3A, %max3A_18 : vector<1000x1xf32>
    %div3A = vector.broadcast %max3A_19 : vector<1000x1xf32> to vector<1000x256xf32>
    %div3A_20 = arith.divf %max3A_15, %div3A : vector<1000x256xf32>
    %slice3A = vector.extract_strided_slice %div3A_20 {offsets = [0, 0], sizes = [1000, 128], strides = [1, 1]} : vector<1000x256xf32> to vector<1000x128xf32>
    %swap3A = arith.constant 0 : index
    %swap3A_21 = arith.constant 0 : index
    %swap3A_22 = vector.load %arg5[%swap3A, %swap3A_21] : memref<1000x128xf32, #tpu.memory_space<vmem>>, vector<1000x128xf32>
    tpu.vector_store %arg5[%swap3A, %swap3A_21], %slice3A {strides = array<i32>} : memref<1000x128xf32, #tpu.memory_space<vmem>>, vector<1000x128xf32>,
    %slice3A_23 = vector.extract_strided_slice %div3A_20 {offsets = [0, 128], sizes = [1000, 128], strides = [1, 1]} : vector<1000x256xf32> to vector<1000x128xf32>
    %swap3A_24 = arith.constant 0 : index
    %swap3A_25 = arith.constant 0 : index
    %swap3A_26 = vector.load %arg6[%swap3A_24, %swap3A_25] : memref<1000x128xf32, #tpu.memory_space<vmem>>, vector<1000x128xf32>
    tpu.vector_store %arg6[%swap3A_24, %swap3A_25], %slice3A_23 {strides = array<i32>} : memref<1000x128xf32, #tpu.memory_space<vmem>>, vector<1000x128xf32>,
    return
  }
  func.func @transform_0(%arg0: i32) -> (i32, i32) {
    %c0_i32 = arith.constant 0 : i32
    %c0_i32_0 = arith.constant 0 : i32
    return %arg0, %c0_i32 : i32, i32
  }
  func.func @transform_1(%arg0: i32) -> (i32, i32) {
    %c0_i32 = arith.constant 0 : i32
    %c0_i32_0 = arith.constant 0 : i32
    return %arg0, %c0_i32 : i32, i32
  }
  func.func @transform_2(%arg0: i32) -> (i32, i32) {
    %c0_i32 = arith.constant 0 : i32
    %c0_i32_0 = arith.constant 0 : i32
    %c0_i32_1 = arith.constant 0 : i32
    return %c0_i32, %c0_i32_0 : i32, i32
  }
  func.func @transform_3(%arg0: i32) -> (i32, i32) {
    %c0_i32 = arith.constant 0 : i32
    %c0_i32_0 = arith.constant 0 : i32
    %c0_i32_1 = arith.constant 0 : i32
    return %c0_i32, %c0_i32_0 : i32, i32
  }
  func.func @transform_4(%arg0: i32) -> (i32, i32) {
    %c0_i32 = arith.constant 0 : i32
    %c0_i32_0 = arith.constant 0 : i32
    return %arg0, %c0_i32 : i32, i32
  }
  func.func @transform_5(%arg0: i32) -> (i32, i32) {
    %c0_i32 = arith.constant 0 : i32
    %c0_i32_0 = arith.constant 0 : i32
    return %arg0, %c0_i32 : i32, i32
  }
}

module attributes {stable_mosaic.version = 14 : i64} {
  func.func @_mid_body(%arg0: i32, %arg1: memref<1000x128xf32, #tpu.memory_space<vmem>>, %arg2: memref<1000x128xf32, #tpu.memory_space<vmem>>, %arg3: memref<256x256xf32, #tpu.memory_space<vmem>>, %arg4: memref<1x256xf32, #tpu.memory_space<vmem>>, %arg5: memref<1000x128xf32, #tpu.memory_space<vmem>>, %arg6: memref<1000x128xf32, #tpu.memory_space<vmem>>) attributes {dimension_semantics = [#tpu.dimension_semantics<arbitrary>], iteration_bounds = array<i64: 10>, scalar_prefetch = 0 : i64, scratch_operands = 0 : i64, tpu.core_type = #tpu.core_type<tc>, window_params = [{transform_indices = @transform_0, window_bounds = array<i64: 1000, 128>}, {transform_indices = @transform_1, window_bounds = array<i64: 1000, 128>}, {pipeline_mode = #tpu.pipeline_mode<synchronous>, transform_indices = @transform_2, window_bounds = array<i64: 256, 256>}, {pipeline_mode = #tpu.pipeline_mode<synchronous>, transform_indices = @transform_3, window_bounds = array<i64: 1, 256>}, {transform_indices = @transform_4, window_bounds = array<i64: 1000, 128>}, {transform_indices = @transform_5, window_bounds = array<i64: 1000, 128>}]} {
    %get3A = arith.constant 0 : index
    %get3A_0 = arith.constant 0 : index
    %get3A_1 = vector.load %arg1[%get3A, %get3A_0] : memref<1000x128xf32, #tpu.memory_space<vmem>>, vector<1000x128xf32>
    %get3A_2 = arith.constant 0 : index
    %get3A_3 = arith.constant 0 : index
    %get3A_4 = vector.load %arg2[%get3A_2, %get3A_3] : memref<1000x128xf32, #tpu.memory_space<vmem>>, vector<1000x128xf32>
    %concatenate3A = tpu.concatenate %get3A_1, %get3A_4 in 1 : vector<1000x128xf32>, vector<1000x128xf32> -> vector<1000x256xf32>
    %get3A_5 = arith.constant 0 : index
    %get3A_6 = arith.constant 0 : index
    %get3A_7 = vector.load %arg3[%get3A_5, %get3A_6] : memref<256x256xf32, #tpu.memory_space<vmem>>, vector<256x256xf32>
    %dot_general3A = arith.constant dense<0.000000e+00> : vector<1000x256xf32>
    %dot_general3A_8 = tpu.matmul %concatenate3A, %get3A_7, %dot_general3A {dimension_numbers = #tpu.dot_dimension_numbers<[1], [0], [0], [1], [0, 0, 1, 1], [], []>, transpose_lhs_hint = false} : vector<1000x256xf32>, vector<256x256xf32>, vector<1000x256xf32> -> vector<1000x256xf32>
    %get3A_9 = arith.constant 0 : index
    %get3A_10 = arith.constant 0 : index
    %get3A_11 = vector.load %arg4[%get3A_9, %get3A_10] : memref<1x256xf32, #tpu.memory_space<vmem>>, vector<1x256xf32>
    %add3A = vector.broadcast %get3A_11 : vector<1x256xf32> to vector<1000x256xf32>
    %add3A_12 = arith.addf %dot_general3A_8, %add3A : vector<1000x256xf32>
    %max3A = arith.constant 0.000000e+00 : f32
    %max3A_13 = vector.broadcast %max3A : f32 to vector<1000x256xf32>
    %max3A_14 = arith.maximumf %add3A_12, %max3A_13 : vector<1000x256xf32>
    %mul3A = arith.mulf %max3A_14, %max3A_14 : vector<1000x256xf32>
    %reduce_sum3A = arith.constant dense<0.000000e+00> : vector<1000xf32>
    %reduce_sum3A_15 = vector.multi_reduction <add>, %mul3A, %reduce_sum3A [1] : vector<1000x256xf32> to vector<1000xf32>
    %broadcast_in_dim3A = vector.shape_cast %reduce_sum3A_15 : vector<1000xf32> to vector<1000x1xf32>
    %sqrt3A = math.sqrt %broadcast_in_dim3A : vector<1000x1xf32>
    %max3A_16 = arith.constant 9.99999996E-13 : f32
    %max3A_17 = vector.broadcast %max3A_16 : f32 to vector<1000x1xf32>
    %max3A_18 = arith.maximumf %sqrt3A, %max3A_17 : vector<1000x1xf32>
    %div3A = vector.broadcast %max3A_18 : vector<1000x1xf32> to vector<1000x256xf32>
    %div3A_19 = arith.divf %max3A_14, %div3A : vector<1000x256xf32>
    %slice3A = vector.extract_strided_slice %div3A_19 {offsets = [0, 0], sizes = [1000, 128], strides = [1, 1]} : vector<1000x256xf32> to vector<1000x128xf32>
    %swap3A = arith.constant 0 : index
    %swap3A_20 = arith.constant 0 : index
    %swap3A_21 = vector.load %arg5[%swap3A, %swap3A_20] : memref<1000x128xf32, #tpu.memory_space<vmem>>, vector<1000x128xf32>
    tpu.vector_store %arg5[%swap3A, %swap3A_20], %slice3A {strides = array<i32>} : memref<1000x128xf32, #tpu.memory_space<vmem>>, vector<1000x128xf32>,
    %slice3A_22 = vector.extract_strided_slice %div3A_19 {offsets = [0, 128], sizes = [1000, 128], strides = [1, 1]} : vector<1000x256xf32> to vector<1000x128xf32>
    %swap3A_23 = arith.constant 0 : index
    %swap3A_24 = arith.constant 0 : index
    %swap3A_25 = vector.load %arg6[%swap3A_23, %swap3A_24] : memref<1000x128xf32, #tpu.memory_space<vmem>>, vector<1000x128xf32>
    tpu.vector_store %arg6[%swap3A_23, %swap3A_24], %slice3A_22 {strides = array<i32>} : memref<1000x128xf32, #tpu.memory_space<vmem>>, vector<1000x128xf32>,
    return
  }
  func.func @transform_0(%arg0: i32) -> (i32, i32) {
    %c0_i32 = arith.constant 0 : i32
    %c0_i32_0 = arith.constant 0 : i32
    return %arg0, %c0_i32 : i32, i32
  }
  func.func @transform_1(%arg0: i32) -> (i32, i32) {
    %c0_i32 = arith.constant 0 : i32
    %c0_i32_0 = arith.constant 0 : i32
    return %arg0, %c0_i32 : i32, i32
  }
  func.func @transform_2(%arg0: i32) -> (i32, i32) {
    %c0_i32 = arith.constant 0 : i32
    %c0_i32_0 = arith.constant 0 : i32
    %c0_i32_1 = arith.constant 0 : i32
    return %c0_i32, %c0_i32_0 : i32, i32
  }
  func.func @transform_3(%arg0: i32) -> (i32, i32) {
    %c0_i32 = arith.constant 0 : i32
    %c0_i32_0 = arith.constant 0 : i32
    %c0_i32_1 = arith.constant 0 : i32
    return %c0_i32, %c0_i32_0 : i32, i32
  }
  func.func @transform_4(%arg0: i32) -> (i32, i32) {
    %c0_i32 = arith.constant 0 : i32
    %c0_i32_0 = arith.constant 0 : i32
    return %arg0, %c0_i32 : i32, i32
  }
  func.func @transform_5(%arg0: i32) -> (i32, i32) {
    %c0_i32 = arith.constant 0 : i32
    %c0_i32_0 = arith.constant 0 : i32
    return %arg0, %c0_i32 : i32, i32
  }
}

module attributes {stable_mosaic.version = 14 : i64} {
  func.func @_final_body(%arg0: i32, %arg1: memref<1000x128xf32, #tpu.memory_space<vmem>>, %arg2: memref<1000x128xf32, #tpu.memory_space<vmem>>, %arg3: memref<256x256xf32, #tpu.memory_space<vmem>>, %arg4: memref<1x256xf32, #tpu.memory_space<vmem>>, %arg5: memref<256x256xf32, #tpu.memory_space<vmem>>, %arg6: memref<1x256xf32, #tpu.memory_space<vmem>>, %arg7: memref<256x40xf32, #tpu.memory_space<vmem>>, %arg8: memref<1x40xf32, #tpu.memory_space<vmem>>, %arg9: memref<1x40xf32, #tpu.memory_space<vmem>>, %arg10: memref<1x256xf32, #tpu.memory_space<vmem>>) attributes {dimension_semantics = [#tpu.dimension_semantics<arbitrary>], iteration_bounds = array<i64: 10>, scalar_prefetch = 0 : i64, scratch_operands = 1 : i64, tpu.core_type = #tpu.core_type<tc>, window_params = [{transform_indices = @transform_0, window_bounds = array<i64: 1000, 128>}, {transform_indices = @transform_1, window_bounds = array<i64: 1000, 128>}, {pipeline_mode = #tpu.pipeline_mode<synchronous>, transform_indices = @transform_2, window_bounds = array<i64: 256, 256>}, {pipeline_mode = #tpu.pipeline_mode<synchronous>, transform_indices = @transform_3, window_bounds = array<i64: 1, 256>}, {pipeline_mode = #tpu.pipeline_mode<synchronous>, transform_indices = @transform_4, window_bounds = array<i64: 256, 256>}, {pipeline_mode = #tpu.pipeline_mode<synchronous>, transform_indices = @transform_5, window_bounds = array<i64: 1, 256>}, {pipeline_mode = #tpu.pipeline_mode<synchronous>, transform_indices = @transform_6, window_bounds = array<i64: 256, 40>}, {pipeline_mode = #tpu.pipeline_mode<synchronous>, transform_indices = @transform_7, window_bounds = array<i64: 1, 40>}, {pipeline_mode = #tpu.pipeline_mode<synchronous>, transform_indices = @transform_8, window_bounds = array<i64: 1, 40>}]} {
    %eq3A = arith.constant 0 : i32
    %eq3A_0 = arith.cmpi eq, %arg0, %eq3A : i32
    %convert_element_type3A = arith.extui %eq3A_0 : i1 to i32
    %cond3A = arith.constant 0 : i32
    %cond3A_1 = arith.cmpi ne, %convert_element_type3A, %cond3A : i32
    scf.if %cond3A_1 {
      %broadcast_in_dim3A_29 = arith.constant 0.000000e+00 : f32
      %broadcast_in_dim3A_30 = vector.broadcast %broadcast_in_dim3A_29 : f32 to vector<1x256xf32>
      %swap3A_31 = arith.constant 0 : index
      %swap3A_32 = arith.constant 0 : index
      %swap3A_33 = vector.load %arg10[%swap3A_31, %swap3A_32] : memref<1x256xf32, #tpu.memory_space<vmem>>, vector<1x256xf32>
      tpu.vector_store %arg10[%swap3A_31, %swap3A_32], %broadcast_in_dim3A_30 {strides = array<i32>} : memref<1x256xf32, #tpu.memory_space<vmem>>, vector<1x256xf32>,
    } else {
    }
    %get3A = arith.constant 0 : index
    %get3A_2 = arith.constant 0 : index
    %get3A_3 = vector.load %arg1[%get3A, %get3A_2] : memref<1000x128xf32, #tpu.memory_space<vmem>>, vector<1000x128xf32>
    %get3A_4 = arith.constant 0 : index
    %get3A_5 = arith.constant 0 : index
    %get3A_6 = vector.load %arg2[%get3A_4, %get3A_5] : memref<1000x128xf32, #tpu.memory_space<vmem>>, vector<1000x128xf32>
    %concatenate3A = tpu.concatenate %get3A_3, %get3A_6 in 1 : vector<1000x128xf32>, vector<1000x128xf32> -> vector<1000x256xf32>
    %get3A_7 = arith.constant 0 : index
    %get3A_8 = arith.constant 0 : index
    %get3A_9 = vector.load %arg3[%get3A_7, %get3A_8] : memref<256x256xf32, #tpu.memory_space<vmem>>, vector<256x256xf32>
    %dot_general3A = arith.constant dense<0.000000e+00> : vector<1000x256xf32>
    %dot_general3A_10 = tpu.matmul %concatenate3A, %get3A_9, %dot_general3A {dimension_numbers = #tpu.dot_dimension_numbers<[1], [0], [0], [1], [0, 0, 1, 1], [], []>, transpose_lhs_hint = false} : vector<1000x256xf32>, vector<256x256xf32>, vector<1000x256xf32> -> vector<1000x256xf32>
    %get3A_11 = arith.constant 0 : index
    %get3A_12 = arith.constant 0 : index
    %get3A_13 = vector.load %arg4[%get3A_11, %get3A_12] : memref<1x256xf32, #tpu.memory_space<vmem>>, vector<1x256xf32>
    %add3A = vector.broadcast %get3A_13 : vector<1x256xf32> to vector<1000x256xf32>
    %add3A_14 = arith.addf %dot_general3A_10, %add3A : vector<1000x256xf32>
    %max3A = arith.constant 0.000000e+00 : f32
    %max3A_15 = vector.broadcast %max3A : f32 to vector<1000x256xf32>
    %max3A_16 = arith.maximumf %add3A_14, %max3A_15 : vector<1000x256xf32>
    %get3A_17 = arith.constant 0 : index
    %get3A_18 = arith.constant 0 : index
    %get3A_19 = vector.load %arg10[%get3A_17, %get3A_18] : memref<1x256xf32, #tpu.memory_space<vmem>>, vector<1x256xf32>
    %reduce_sum3A = arith.constant dense<0.000000e+00> : vector<256xf32>
    %reduce_sum3A_20 = vector.multi_reduction <add>, %max3A_16, %reduce_sum3A [0] : vector<1000x256xf32> to vector<256xf32>
    %broadcast_in_dim3A = vector.shape_cast %reduce_sum3A_20 : vector<256xf32> to vector<1x256xf32>
    %add3A_21 = arith.addf %get3A_19, %broadcast_in_dim3A : vector<1x256xf32>
    %swap3A = arith.constant 0 : index
    %swap3A_22 = arith.constant 0 : index
    %swap3A_23 = vector.load %arg10[%swap3A, %swap3A_22] : memref<1x256xf32, #tpu.memory_space<vmem>>, vector<1x256xf32>
    tpu.vector_store %arg10[%swap3A, %swap3A_22], %add3A_21 {strides = array<i32>} : memref<1x256xf32, #tpu.memory_space<vmem>>, vector<1x256xf32>,
    %eq3A_24 = arith.constant 9 : i32
    %eq3A_25 = arith.cmpi eq, %arg0, %eq3A_24 : i32
    %convert_element_type3A_26 = arith.extui %eq3A_25 : i1 to i32
    %cond3A_27 = arith.constant 0 : i32
    %cond3A_28 = arith.cmpi ne, %convert_element_type3A_26, %cond3A_27 : i32
    scf.if %cond3A_28 {
      %get3A_29 = arith.constant 0 : index
      %get3A_30 = arith.constant 0 : index
      %get3A_31 = vector.load %arg10[%get3A_29, %get3A_30] : memref<1x256xf32, #tpu.memory_space<vmem>>, vector<1x256xf32>
      %mul3A = arith.constant 9.99999974E-5 : f32
      %mul3A_32 = vector.broadcast %mul3A : f32 to vector<1x256xf32>
      %mul3A_33 = arith.mulf %get3A_31, %mul3A_32 : vector<1x256xf32>
      %get3A_34 = arith.constant 0 : index
      %get3A_35 = arith.constant 0 : index
      %get3A_36 = vector.load %arg5[%get3A_34, %get3A_35] : memref<256x256xf32, #tpu.memory_space<vmem>>, vector<256x256xf32>
      %dot_general3A_37 = arith.constant dense<0.000000e+00> : vector<1x256xf32>
      %dot_general3A_38 = tpu.matmul %mul3A_33, %get3A_36, %dot_general3A_37 {dimension_numbers = #tpu.dot_dimension_numbers<[1], [0], [0], [1], [0, 0, 1, 1], [], []>, transpose_lhs_hint = false} : vector<1x256xf32>, vector<256x256xf32>, vector<1x256xf32> -> vector<1x256xf32>
      %get3A_39 = arith.constant 0 : index
      %get3A_40 = arith.constant 0 : index
      %get3A_41 = vector.load %arg6[%get3A_39, %get3A_40] : memref<1x256xf32, #tpu.memory_space<vmem>>, vector<1x256xf32>
      %add3A_42 = arith.addf %dot_general3A_38, %get3A_41 : vector<1x256xf32>
      %max3A_43 = arith.constant 0.000000e+00 : f32
      %max3A_44 = vector.broadcast %max3A_43 : f32 to vector<1x256xf32>
      %max3A_45 = arith.maximumf %add3A_42, %max3A_44 : vector<1x256xf32>
      %get3A_46 = arith.constant 0 : index
      %get3A_47 = arith.constant 0 : index
      %get3A_48 = vector.load %arg7[%get3A_46, %get3A_47] : memref<256x40xf32, #tpu.memory_space<vmem>>, vector<256x40xf32>
      %dot_general3A_49 = arith.constant dense<0.000000e+00> : vector<1x40xf32>
      %dot_general3A_50 = tpu.matmul %max3A_45, %get3A_48, %dot_general3A_49 {dimension_numbers = #tpu.dot_dimension_numbers<[1], [0], [0], [1], [0, 0, 1, 1], [], []>, transpose_lhs_hint = false} : vector<1x256xf32>, vector<256x40xf32>, vector<1x40xf32> -> vector<1x40xf32>
      %get3A_51 = arith.constant 0 : index
      %get3A_52 = arith.constant 0 : index
      %get3A_53 = vector.load %arg8[%get3A_51, %get3A_52] : memref<1x40xf32, #tpu.memory_space<vmem>>, vector<1x40xf32>
      %add3A_54 = arith.addf %dot_general3A_50, %get3A_53 : vector<1x40xf32>
      %reduce_max3A = arith.constant dense<0xFF800000> : vector<1xf32>
      %reduce_max3A_55 = vector.multi_reduction <maximumf>, %add3A_54, %reduce_max3A [1] : vector<1x40xf32> to vector<1xf32>
      %broadcast_in_dim3A_56 = vector.shape_cast %reduce_max3A_55 : vector<1xf32> to vector<1x1xf32>
      %sub3A = vector.broadcast %broadcast_in_dim3A_56 : vector<1x1xf32> to vector<1x40xf32>
      %sub3A_57 = arith.subf %add3A_54, %sub3A : vector<1x40xf32>
      %exp3A = math.exp %sub3A_57 : vector<1x40xf32>
      %reduce_sum3A_58 = arith.constant dense<0.000000e+00> : vector<1xf32>
      %reduce_sum3A_59 = vector.multi_reduction <add>, %exp3A, %reduce_sum3A_58 [1] : vector<1x40xf32> to vector<1xf32>
      %broadcast_in_dim3A_60 = vector.shape_cast %reduce_sum3A_59 : vector<1xf32> to vector<1x1xf32>
      %log3A = math.log %broadcast_in_dim3A_60 : vector<1x1xf32>
      %add3A_61 = arith.addf %log3A, %broadcast_in_dim3A_56 : vector<1x1xf32>
      %sub3A_62 = vector.broadcast %add3A_61 : vector<1x1xf32> to vector<1x40xf32>
      %sub3A_63 = arith.subf %add3A_54, %sub3A_62 : vector<1x40xf32>
      %swap3A_64 = arith.constant 0 : index
      %swap3A_65 = arith.constant 0 : index
      %swap3A_66 = vector.load %arg9[%swap3A_64, %swap3A_65] : memref<1x40xf32, #tpu.memory_space<vmem>>, vector<1x40xf32>
      tpu.vector_store %arg9[%swap3A_64, %swap3A_65], %sub3A_63 {strides = array<i32>} : memref<1x40xf32, #tpu.memory_space<vmem>>, vector<1x40xf32>,
    } else {
    }
    return
  }
  func.func @transform_0(%arg0: i32) -> (i32, i32) {
    %c0_i32 = arith.constant 0 : i32
    %c0_i32_0 = arith.constant 0 : i32
    return %arg0, %c0_i32 : i32, i32
  }
  func.func @transform_1(%arg0: i32) -> (i32, i32) {
    %c0_i32 = arith.constant 0 : i32
    %c0_i32_0 = arith.constant 0 : i32
    return %arg0, %c0_i32 : i32, i32
  }
  func.func @transform_2(%arg0: i32) -> (i32, i32) {
    %c0_i32 = arith.constant 0 : i32
    %c0_i32_0 = arith.constant 0 : i32
    %c0_i32_1 = arith.constant 0 : i32
    return %c0_i32, %c0_i32_0 : i32, i32
  }
  func.func @transform_3(%arg0: i32) -> (i32, i32) {
    %c0_i32 = arith.constant 0 : i32
    %c0_i32_0 = arith.constant 0 : i32
    %c0_i32_1 = arith.constant 0 : i32
    return %c0_i32, %c0_i32_0 : i32, i32
  }
  func.func @transform_4(%arg0: i32) -> (i32, i32) {
    %c0_i32 = arith.constant 0 : i32
    %c0_i32_0 = arith.constant 0 : i32
    %c0_i32_1 = arith.constant 0 : i32
    return %c0_i32, %c0_i32_0 : i32, i32
  }
  func.func @transform_5(%arg0: i32) -> (i32, i32) {
    %c0_i32 = arith.constant 0 : i32
    %c0_i32_0 = arith.constant 0 : i32
    %c0_i32_1 = arith.constant 0 : i32
    return %c0_i32, %c0_i32_0 : i32, i32
  }
  func.func @transform_6(%arg0: i32) -> (i32, i32) {
    %c0_i32 = arith.constant 0 : i32
    %c0_i32_0 = arith.constant 0 : i32
    %c0_i32_1 = arith.constant 0 : i32
    return %c0_i32, %c0_i32_0 : i32, i32
  }
  func.func @transform_7(%arg0: i32) -> (i32, i32) {
    %c0_i32 = arith.constant 0 : i32
    %c0_i32_0 = arith.constant 0 : i32
    %c0_i32_1 = arith.constant 0 : i32
    return %c0_i32, %c0_i32_0 : i32, i32
  }
  func.func @transform_8(%arg0: i32) -> (i32, i32) {
    %c0_i32 = arith.constant 0 : i32
    %c0_i32_0 = arith.constant 0 : i32
    %c0_i32_1 = arith.constant 0 : i32
    return %c0_i32, %c0_i32_0 : i32, i32
  }
}

</mosaic_0001>

<sc_bundles>
// kernel: kernel.12.cloned.1.call-start
scs
__scs_entry_jumppad:
0x0: {  	(pc) =	sbr.rel $0x88, $3  }
0x1: {  	(tag) =	ssettag $0x0;
	lr =	simm.s32 $0x1  }
0x2: {  	[smem:$0x3F95] =	sst lr;
	_ =	strace $0xD0000000  }
0x3: {  	_ = 	snop  }
0x4: {  	_ = 	snop  }
0x5: {  	_ = 	snop  }
0x6: {  	_ = 	snop  }
0x7: {  	_ = 	snop  }
__scs_overlays_trampoline_lowered:
0x8: {  	[smem:$0x3FA4] =	sst s0  }
0x9: {  	[smem:$0x3FA5] =	sst s1  }
0xa: {  	[smem:$0x3FA6] =	sst s2  }
0xb: {  	[smem:$0x3FA7] =	sst s3  }
0xc: {  	[smem:$0x3FA8] =	sst s4  }
0xd: {  	[smem:$0x3FA9] =	sst s5  }
0xe: {  	[smem:$0x3FAA] =	sst s6  }
0xf: {  	[smem:$0x3FAB] =	sst s7  }
0x10: {  	[smem:$0x3FAC] =	sst s8  }
0x11: {  	[smem:$0x3FAD] =	sst s9;
	s0 =	simm.s32 @!p0 $0x0  }
0x12: {  	s1 =	sld [smem:$0x3F93];
	s0 =	simm.s32 @p0 $0x1  }
0x13: {  	[smem:$0x3FAE] =	sst s0;
	s0 =	simm.s32 @!p1 $0x0  }
0x14: {  	s2 =	sld [smem:$0x3F92];
	s0 =	simm.s32 @p1 $0x1  }
0x15: {  	[smem:$0x3FAF] =	sst s0;
	s0 =	simm.s32 @!p2 $0x0  }
0x16: {  	s3 =	sld [smem:$0x3FDB];
	s0 =	simm.s32 @p2 $0x1  }
0x17: {  	s4 =	simm.s32 $0x1BF5;
	[smem:$0x3FB1] =	sst s0  }
0x18: {  	s0 =	sld [smem:$0x3F94];
	_ =	swait.ge [sflag:s4], $0x0  }
0x19: {  	s7 =	sld [smem:$0x3F95]  }
0x1a: {  	s8 =	sadd.s32 $0xFFFFE003, lr  }
0x1b: {  	s9 =	sadd.s32 $0xFFFFFEF7, lr;
	s5 =	simm.s32 $0xFFFFFFFF;
	p2 =	slt.u32 s8, $0xFFFFF086  }
0x1c: {  	p1 =	slt.u32 s9, $0xF7A;
	s5 =	simm.s32 @!p2 $0x0  }
0x1d: {  	s5 =	simm.s32 @p1 $0x1;
	p0 =	seq.s32 s7, s2  }
0x1e: {  	s7 =	smul.u32 @!p0 $0xF7A, s2;
	p2 =	seq.s32 @!p0 s5, $0x0  }
0x1f: {  	s9 =	smul.u32 $0xF7A, s1;
	s8 =	simm.s32 @!p0 $0x1BF5;
	p2 =	por !p2, p0  }
0x20: {  	[sflag:s8] =	ssyncset.s32 @!p0 $0xFFFFF086;
	s6 =	sadd.s32 @!p0 s3, s7;
	s7 =	simm.s32 @!p0 $0x108  }
0x21: {  	s3 =	sadd.s32 s3, s9;
	s6 =	sadd.s32 @!p0 $0x88, s6;
	s7 =	simm.s32 @p2 $0x1082  }
0x22: {  	[simem:s7], [sflag:s8] =	dma.local @!p0 [hbm:s6], $0xF7A  }
0x23: {  	s9 =	sor.u32 $0xD0000000, s2;
	s6 =	simm.s32 $0x108;
	_ =	swait.ge @!p0 [sflag:s8], $0x0  }
0x24: {  	s3 =	sadd.s32 $0x88, s3;
	s6 =	simm.s32 @!p1 $0x1082;
	[sflag:s4] =	ssyncset.s32 $0xFFFFF086  }
0x25: {  	[simem:s6], [sflag:s4] =	dma.local [hbm:s3], $0xF7A  }
0x26: {  	[smem:$0x3F95] =	sst s1;
	(tag) =	ssettag s2;
	_ =	strace s9  }
0x27: {  	s1 =	sld [smem:$0x3FA5]  }
0x28: {  	s2 =	sld [smem:$0x3FA6]  }
0x29: {  	s4 =	sld [smem:$0x3FA8]  }
0x2a: {  	p0 =	seq.s32 s5, $0x0;
	s5 =	sld [smem:$0x3FA9]  }
0x2b: {  	s6 =	sld [smem:$0x3FAA]  }
0x2c: {  	s7 =	sld [smem:$0x3FAB]  }
0x2d: {  	s3 =	simm.s32 $0x108;
	s8 =	sld [smem:$0x3FAC]  }
0x2e: {  	s3 =	simm.s32 @!p0 $0x1082;
	s9 =	sld [smem:$0x3FAD]  }
0x2f: {  	lr =	sadd.s32 s0, s3;
	s0 =	sld [smem:$0x3FA4]  }
0x30: {  	s3 =	sld [smem:$0x3FA7]  }
0x31: {  	[smem:$0x3FB0] =	sst s10  }
0x32: {  	s10 =	sld [smem:$0x3FAE];
	_ =	sdelay $0x3  }
0x33: {  	p0 =	seq.s32 s10, $0x1;
	s10 =	sld [smem:$0x3FB0];
	_ =	sdelay $0x3  }
0x34: {  	[smem:$0x3FB0] =	sst s10  }
0x35: {  	s10 =	sld [smem:$0x3FAF];
	_ =	sdelay $0x3  }
0x36: {  	p1 =	seq.s32 s10, $0x1;
	s10 =	sld [smem:$0x3FB0];
	_ =	sdelay $0x3  }
0x37: {  	[smem:$0x3FB0] =	sst s10  }
0x38: {  	s10 =	sld [smem:$0x3FB1]  }
0x39: {  	_ = 	snop;
	(pc) =	sbr.ind lr, $3  }
0x3a: {  	_ = 	snop  }
0x3b: {  	_ = 	snop  }
0x3c: {  	p2 =	seq.s32 s10, $0x1;
	s10 =	sld [smem:$0x3FB0]  }
0x3d: {  	_ =	shalt  }
0x3e: {  	_ =	shalt  }
0x3f: {  	_ =	shalt  }
0x40: {  	_ =	shalt  }
0x41: {  	_ =	shalt  }
0x42: {  	_ =	shalt  }
0x43: {  	_ =	shalt  }
0x44: {  	_ =	shalt  }
0x45: {  	_ =	shalt  }
0x46: {  	_ =	shalt  }
0x47: {  	_ =	shalt  }
0x48: {  	_ =	shalt  }
0x49: {  	_ =	shalt  }
0x4a: {  	_ =	shalt  }
0x4b: {  	_ =	shalt  }
0x4c: {  	_ =	shalt  }
0x4d: {  	_ =	shalt  }
0x4e: {  	_ =	shalt  }
0x4f: {  	_ =	shalt  }
0x50: {  	_ =	shalt  }
0x51: {  	_ =	shalt  }
0x52: {  	_ =	shalt  }
0x53: {  	_ =	shalt  }
0x54: {  	_ =	shalt  }
0x55: {  	_ =	shalt  }
0x56: {  	_ =	shalt  }
0x57: {  	_ =	shalt  }
0x58: {  	_ =	shalt  }
0x59: {  	_ =	shalt  }
0x5a: {  	_ =	shalt  }
0x5b: {  	_ =	shalt  }
0x5c: {  	_ =	shalt  }
0x5d: {  	_ =	shalt  }
0x5e: {  	_ =	shalt  }
0x5f: {  	_ =	shalt  }
0x60: {  	_ =	shalt  }
0x61: {  	_ =	shalt  }
0x62: {  	_ =	shalt  }
0x63: {  	_ =	shalt  }
0x64: {  	_ =	shalt  }
0x65: {  	_ =	shalt  }
0x66: {  	_ =	shalt  }
0x67: {  	_ =	shalt  }
0x68: {  	_ =	shalt  }
0x69: {  	_ =	shalt  }
0x6a: {  	_ =	shalt  }
0x6b: {  	_ =	shalt  }
0x6c: {  	_ =	shalt  }
0x6d: {  	_ =	shalt  }
0x6e: {  	_ =	shalt  }
0x6f: {  	_ =	shalt  }
0x70: {  	_ =	shalt  }
0x71: {  	_ =	shalt  }
0x72: {  	_ =	shalt  }
0x73: {  	_ =	shalt  }
0x74: {  	_ =	shalt  }
0x75: {  	_ =	shalt  }
0x76: {  	_ =	shalt  }
0x77: {  	_ =	shalt  }
0x78: {  	_ =	shalt  }
0x79: {  	_ =	shalt  }
0x7a: {  	_ =	shalt  }
0x7b: {  	_ =	shalt  }
0x7c: {  	_ =	shalt  }
0x7d: {  	_ =	shalt  }
0x7e: {  	_ =	shalt  }
0x7f: {  	_ =	shalt  }
0x80: {  	_ =	shalt  }
0x81: {  	_ =	shalt  }
0x82: {  	_ =	shalt  }
0x83: {  	_ =	shalt  }
0x84: {  	_ =	shalt  }
0x85: {  	_ =	shalt  }
0x86: {  	_ =	shalt  }
0x87: {  	_ =	shalt  }
.Lfunc_end0:
.L_simem_size_0:
called_computation.1_lowered:
.L_overlay_start_0:
0x88: {  	s2 =	sld [smem:$0x3FD9]  }
0x89: {  	s3 =	sld [smem:$0x3FFE];
	_ =	sdelay $0x1  }
0x8a: {  	s1 =	srdreg.scid  }
0x8b: {  	s0 =	sand.u32 $0x1, s1  }
0x8c: {  	s16 =	sshll.u32 s0, $0xA;
	s2 =	sadd.s32 s3, s2  }
0x8d: {  	s2 =	sadd.s32 s2, s16  }
0x8e: {  	[smem:$0x3FBC] =	sst s2  }
0x8f: {  	_ = 	snop  }
0x90: {  	(tm) =	ssettm $0x1  }
0x91: {  	s17 =	sld [smem:$0x3FFB];
	_ =	sdelay $0x3  }
0x92: {  	_ =	strace s17  }
0x93: {  	s2 =	sld [smem:$0x3FFC];
	_ =	sdelay $0x3  }
0x94: {  	_ =	strace s2  }
0x95: {  	s2 =	sld [smem:$0x3FFD];
	_ =	sdelay $0x3  }
0x96: {  	_ =	strace s2  }
0x97: {  	_ =	strace $0x8FFFFFFF  }
0x98: {  	s18 =	sld [smem:$0x3FDB];
	_ =	sdelay $0x1  }
0x99: {  	s19 =	simm.s32 $_scs_section_size  }
0x9a: {  	s4 =	simm.s32 $_size__tile_overlayer_lowered;
	s5 =	simm.s32 $_tile_overlayer_lowered  }
0x9b: {  	s22 =	simm.s32 $0x1BFF;
	s21 =	sshll.u32 s5, $0x1;
	s2 =	sadd.s32 s19, s18  }
0x9c: {  	s6 =	simm.s32 $0x0;
	s20 =	sshll.u32 s4, $0x1;
	s4 =	sadd.s32 s21, s2  }
0x9d: {  	[timem:s6], [sflag:s22] =	dma.local [hbm:s4], s20  }
0x9e: {  	_ =	swait.ge [sflag:s22], s20  }
0x9f: {  	s3 =	ssub.s32 $0x0, s20;
	[sflag:s22] =	ssyncset.done $0x0  }
0xa0: {  	[sflag:s22] =	ssyncadd.s32 s3;
	_ =	sdelay $0x1  }
0xa1: {  	s23 =	simm.s32 $0x1B8B  }
0xa2: {  	_ =	swait.ge [sflag:s23], $0x1  }
0xa3: {  	[sflag:s23] =	ssyncset.done $0x0  }
0xa4: {  	s25 =	simm.s32 $0x1B8E;
	s24 =	sld [smem:$0x3FFE];
	[sflag:s23] =	ssyncadd.s32 $0xFFFFFFFF  }
0xa5: {  	s26 =	simm.s32 $execute0_lowered;
	[smem:$0x3FD2] =	sst s25  }
0xa6: {  	s4 =	sshll.u32 s26, $0x1;
	_ =	strace $0x80000049;
	[dreg:$0x1] =	wrdreg $0xFFFFFFFF  }
0xa7: {  	s28 =	simm.s32 $_size_execute0_lowered;
	s2 =	sadd.s32 s2, s4;
	[dreg:$0x0] =	wrdreg $0x0  }
0xa8: {  	s4 =	sshll.u32 s28, $0x1;
	[dreg:$0x2] =	wrdreg s2  }
0xa9: {  	[dreg:$0x3] =	wrdreg s4  }
0xaa: {  	[dreg:$0x4] =	wrdreg $0xC0  }
0xab: {  	_ =	task [dreg:s6], $0x5FFFF  }
0xac: {  	[dreg:$0x1] =	wrdreg $0xFFFFFFFF  }
0xad: {  	[dreg:$0x0] =	wrdreg $0x60  }
0xae: {  	[dreg:$0x2] =	wrdreg s24  }
0xaf: {  	[dreg:$0x3] =	wrdreg $0xA4000  }
0xb0: {  	[dreg:$0x4] =	wrdreg $0x9  }
0xb1: {  	_ =	task.clear_ibuf [dreg:s6], $0x5FFFF;
	_ =	strace $0x90000049  }
0xb2: {  	s29 =	simm.s32 $0x9;
	_ =	strace $0x8000004B  }
0xb3: {  	_ =	swait.ge [sflag:s29], $0x1  }
0xb4: {  	[sflag:s29] =	ssyncadd.s32 $0xFFFFFFFF  }
0xb5: {  	_ =	strace $0x9000004B  }
0xb6: {  	_ =	sfence  }
0xb7: {  	s30 =	sld [smem:$0x0];
	_ =	sdelay $0x2  }
0xb8: {  	s31 =	sshll.u32 s1, $0xD;
	s1 =	sshrl.u32 s1, $0x2  }
0xb9: {  	s3 =	sand.u32 $0x4000, s31;
	s1 =	sadd.s32 s1, s30  }
0xba: {  	s0 =	sor.u32 s3, s0;
	s1 =	sshll.u32 s1, $0x11  }
0xbb: {  	s0 =	sor.u32 s1, s0  }
0xbc: {  	s0 =	sadd.s32 $0x8F2B, s0  }
0xbd: {  	[sflag:s0] =	ssyncadd.remote.s32 $0x1  }
0xbe: {  	_ =	sfence.sel $0xFFFF  }
0xbf: {  	[dreg:$0x0] =	wrdreg $0xFFFFFFFF;
	(pc) =	sbr.abs _section_cstart, $3  }
0xc0: {  	[dreg:$0x1] =	wrdreg $0xFFFFFFFF  }
0xc1: {  	_ =	task.clear_ibuf [dreg:s6], $0x2FFFF;
	_ =	strace $0x9FFFFFFF  }
0xc2: {  	(tm) =	ssettm $0x7FFFFFFF  }
0xc3: {  	_ =	shalt  }
tec
execute0_lowered:
.L_overlay_start_1:
0x0: {  	(tag) =	ssettag $0x1  }
0x1: {  	s0 =	rddreg [dreg:$0x0]  }
0x2: {  	s1 =	rddreg [dreg:$0x1]  }
0x3: {  	s3 =	simm.s32 $0x0;
	s15 =	stileid.u32;
	s2 =	srdreg.scid  }
0x4: {  	s28 =	simm.s32 $0x2;
	s29 =	simm.s32 $0x200;
	s30 =	simm.s32 $0x5400  }
0x5: {  	s31 =	simm.s32 $0x1;
	[smem:$0x7FF] =	sst s3;
	s4 =	sadd.s32 $0x2B200, s0  }
0x6: {  	s7 =	smul.u32 $0x2700, s15;
	s2 =	sand.u32 $0x1, s2;
	s5 =	sadd.s32 $0x4000, s0  }
0x7: {  	s6 =	sadd.s32 $0x71800, s0;
	s11 =	smul.u32 $0x4E000, s15;
	s16 =	sadd.s32 $0x98A00, s0  }
0x8: {  	s17 =	sadd.s32 $0xBFC00, s0;
	s22 =	sshll.u32 s15, $0x6;
	s12 =	smul.u32 $0x1F40, s15  }
0x9: {  	s14 =	smul.u32 $0xFA, s15;
	p0 =	sne.s32 s15, $0xF;
	p2 =	seq.s32 s15, $0xF  }
0xa: {  	s15 =	simm.s32 $0x380;
	_ =	strace $0x8000004A;
	[dreg:$0x4] =	wrdreg s17  }
0xb: {  	s8 =	ssub.s32 $0x2, s2;
	s19 =	sor.u32 $0x1C09, s22;
	[dreg:$0x3] =	wrdreg s16  }
0xc: {  	p1 =	sne.s32 s2, $0x0;
	s2 =	simm.s32 $0x3;
	s22 =	simm.s32 $0x0  }
0xd: {  	s9 =	sadd.s32 s7, s0;
	s10 =	sshrl.u32 s8, $0x1;
	s21 =	sshrl.u32 s11, $0x2  }
0xe: {  	s0 =	sadd.s32 $0x71600, s0;
	s23 =	sadd.s32 s4, s12;
	s25 =	sadd.s32 s17, s7  }
0xf: {  	s7 =	sadd.s32 s16, s7;
	s16 =	simm.s32 $0x300;
	[dreg:$0x6] =	wrdreg s19  }
0x10: {  	s17 =	simm.s32 $0x7C00;
	s11 =	simm.s32 $0x280;
	[dreg:$0x8] =	wrdreg s0  }
0x11: {  	s12 =	simm.s32 $0x4;
	s8 =	ssub.s32 s8, s10;
	[dreg:$0xb] =	wrdreg s25  }
0x12: {  	s13 =	sadd.s32 s21, s1;
	s9 =	sadd.s32 $0x4A600, s9;
	[dreg:$0xc] =	wrdreg s7  }
0x13: {  	s24 =	sadd.s32 $0x20, s23;
	[dreg:$0x9] =	wrdreg s23;
	s0 =	sadd.s32 $0xA0, s23  }
0x14: {  	s21 =	simm.s32 $0x9;
	s23 =	simm.s32 $0x50;
	[dreg:$0x5] =	wrdreg s9  }
0x15: {  	s25 =	simm.s32 $0x100;
	s7 =	simm.s32 $0x180;
	[dreg:$0xa] =	wrdreg s24  }
.Ltmp0:
0x16: {  	s26 =	smax.u32 s8, $0x1;
	[dreg:$0xe] =	wrdreg s0;
	(pc) =	sbr.rel .LBB2_1-.Ltmp0, $4  }
0x17: {  	s9 =	sadd.s32 $0x138000, s1;
	s20 =	sshrl.u32 s13, $0x3;
	[dreg:$0xd] =	wrdreg s26  }
0x18: {  	s24 =	simm.s32 $0x400;
	s8 =	simm.s32 $0x5;
	[dreg:$0x7] =	wrdreg s9  }
0x19: {  	s0 =	sshrl.u32 @!p0 s9, $0x3;
	s26 =	simm.s32 $0x2C00;
	[dreg:$0xf] =	wrdreg s20  }
0x1a: {  	s9 =	simm.s32 $0x6;
	[dreg:$0x10] =	wrdreg s0;
	s0 =	simm.s32 $0x80  }
.LBB2_8:
0x1b: {  	s13 =	rddreg [dreg:$0x7]  }
0x1c: {  	s10 =	sadd.s32 $0x27000, s18;
	s13 =	sshrl.u32 s13, $0x3  }
0x1d: {  	[hbm:s10], [sflag:s19] =	dma.local [spmem:s13], $0x100  }
0x1e: {  	_ =	swait.ge [sflag:s21], $0x100  }
0x1f: {  	[sflag:s21] =	ssyncset.done $0x0  }
0x20: {  	[sflag:s21] =	ssyncadd.s32 $0xFFFFFF00  }
.LBB2_9:
0x21: {  	s22 =	sadd.s32 $0x1, s22;
	s10 =	rddreg [dreg:$0xd]  }
0x22: {  	p3 =	sne.s32 s22, s10  }
.Ltmp1:
0x23: {  	_ = 	snop;
	(pc) =	sbr.rel @!p3 .LBB2_10-.Ltmp1, $1  }
0x24: {  	_ =	sdelay $0x3  }
.LBB2_1:
0x25: {  	[dreg:$0x11] =	wrdreg s22  }
0x26: {  	s10 =	rddreg [dreg:$0x5]  }
0x27: {  	[spmem:s20], [sflag:s19] =	dma.local [hbm:s10], $0x2700  }
0x28: {  	_ =	swait.ge [sflag:s21], $0x2700  }
0x29: {  	[sflag:s21] =	ssyncset.done $0x0;
	s10 =	rddreg [dreg:$0x8]  }
0x2a: {  	s18 =	simm.s32 @!p0 $0x9;
	s13 =	rddreg [dreg:$0x10];
	[sflag:s21] =	ssyncadd.s32 $0xFFFFD900  }
0x2b: {  	[spmem:s13], [sflag:s19] =	dma.local @!p0 [hbm:s10], $0x100  }
0x2c: {  	_ =	swait.ge @!p0 [sflag:s18], $0x100  }
0x2d: {  	[sflag:s18] =	ssyncset.done @!p0 $0x0  }
.Ltmp2:
0x2e: {  	s22 =	rddreg [dreg:$0x9];
	[sflag:s18] =	ssyncadd.s32 @!p0 $0xFFFFFF00;
	(pc) =	sbr.rel @p1 .LBB2_5-.Ltmp2, $4  }
0x2f: {  	[tilespmem:s3], [sflag:$0x9] =	stream.linear.gather [hbm4b:s22+s3], $0x100, $0x38;
	[tilespmem:$0x1DD00] =	vst v63  }
0x30: {  	_ =	swait.ge [sflag:s21], $0x100  }
0x31: {  	[sflag:s21] =	ssyncset.done $0x0  }
0x32: {  	[sflag:s21] =	ssyncadd.s32 $0xFFFFFF00  }
0x33: {  	[tilespmem:s24], [sflag:$0x1] =	stream.indirect.gather [hbm4b:s5+s23], $0x80, s3, s23, $0xb8;
	[tilespmem:$0x1DD00] =	vst v63  }
0x34: {  	s10 =	rddreg [dreg:$0xa]  }
0x35: {  	[tilespmem:s25], [sflag:$0x9] =	stream.linear.gather [hbm4b:s10+s3], $0x100, $0x38;
	[tilespmem:$0x1DD00] =	vst v63  }
0x36: {  	_ =	swait.ge [sflag:s21], $0x100  }
0x37: {  	p3 =	por $0x1, $0x1;
	[sflag:s21] =	ssyncset.done $0x0  }
0x38: {  	s18 =	simm.s32 @!p3 $0x2;
	[sflag:s21] =	ssyncadd.s32 $0xFFFFFF00  }
0x39: {  	[tilespmem:s26], [sflag:$0x2] =	stream.indirect.gather [hbm4b:s5+s23], $0x80, s25, s23, $0xb8;
	[tilespmem:$0x1DD00] =	vst v63  }
0x3a: {  	s20 =	simm.s32 @!p3 $0x7;
	s18 =	simm.s32 @p3 $0x2;
	[bflag:$0x0] =	sbarrier.arrive $0xFFFF  }
0x3b: {  	s18 =	sadd.s32 s14, s18;
	_ =	swait.ge @!p3 [sflag:s20], $0x2800  }
0x3c: {  	s18 =	sshll.u32 s18, $0x5;
	[sflag:s20] =	ssyncset.done @!p3 $0x0  }
0x3d: {  	s18 =	sadd.s32 s4, s18;
	[sflag:s20] =	ssyncadd.s32 @!p3 $0xFFFFD800  }
0x3e: {  	[tilespmem:s29], [sflag:$0x9] =	stream.linear.gather [hbm4b:s18+s3], $0x100, $0x38;
	[tilespmem:$0x1DD00] =	vst v63  }
0x3f: {  	_ =	swait.ge [sflag:s21], $0x100  }
0x40: {  	[sflag:s21] =	ssyncset.done $0x0  }
0x41: {  	[sflag:s21] =	ssyncadd.s32 $0xFFFFFF00  }
0x42: {  	[tilespmem:s30], [sflag:$0x3] =	stream.indirect.gather [hbm4b:s5+s23], $0x80, s29, s23, $0xb8;
	[tilespmem:$0x1DD00] =	vst v63  }
0x43: {  	_ =	swait.ge [sflag:s31], $0x2800  }
0x44: {  	s18 =	simm.s32 $0x3;
	[sflag:s31] =	ssyncset.done $0x0  }
0x45: {  	s20 =	simm.s32 @!p3 $0x8;
	s18 =	simm.s32 @p3 $0x3;
	[sflag:s31] =	ssyncadd.s32 $0xFFFFD800  }
0x46: {  	[spmem:s1] =	stream.indirect.scatter.add.f32 [tilespmem:s24], [sflag:$0x5], $0x80, s0, s23, $0xb8;
	[tilespmem:$0x1DD00] =	vst v63  }
0x47: {  	s18 =	sadd.s32 s14, s18;
	_ =	swait.ge @!p3 [sflag:s20], $0x2800  }
0x48: {  	s18 =	sshll.u32 s18, $0x5;
	[sflag:s20] =	ssyncset.done @!p3 $0x0  }
0x49: {  	s18 =	sadd.s32 s4, s18;
	[sflag:s20] =	ssyncadd.s32 @!p3 $0xFFFFD800  }
0x4a: {  	[tilespmem:s16], [sflag:$0x9] =	stream.linear.gather [hbm4b:s18+s3], $0x100, $0x38;
	[tilespmem:$0x1DD00] =	vst v63  }
0x4b: {  	_ =	swait.ge [sflag:s21], $0x100  }
0x4c: {  	[sflag:s21] =	ssyncset.done $0x0  }
0x4d: {  	[sflag:s21] =	ssyncadd.s32 $0xFFFFFF00  }
0x4e: {  	[tilespmem:s17], [sflag:$0x4] =	stream.indirect.gather [hbm4b:s5+s23], $0x80, s16, s23, $0xb8;
	[tilespmem:$0x1DD00] =	vst v63  }
0x4f: {  	_ =	swait.ge [sflag:s28], $0x2800  }
0x50: {  	[sflag:s28] =	ssyncset.done $0x0  }
0x51: {  	[sflag:s28] =	ssyncadd.s32 $0xFFFFD800  }
0x52: {  	[spmem:s1] =	stream.indirect.scatter.add.f32 [tilespmem:s26], [sflag:$0x6], $0x80, s7, s23, $0xb8;
	[tilespmem:$0x1DD00] =	vst v63  }
0x53: {  	_ =	swait.ge [sflag:s8], $0x2800  }
0x54: {  	[sflag:s8] =	ssyncset.done $0x0;
	s19 =	rddreg [dreg:$0xe]  }
0x55: {  	[sflag:s8] =	ssyncadd.s32 $0xFFFFD800;
	s22 =	sadd.s32 $0xFFFFFFE0, s19  }
0x56: {  	[tilespmem:s3], [sflag:$0x9] =	stream.linear.gather [hbm4b:s22+s3], $0x100, $0x38;
	[tilespmem:$0x1DD00] =	vst v63  }
0x57: {  	_ =	swait.ge [sflag:s21], $0x100  }
0x58: {  	[sflag:s21] =	ssyncset.done $0x0  }
0x59: {  	[sflag:s21] =	ssyncadd.s32 $0xFFFFFF00  }
0x5a: {  	[tilespmem:s24], [sflag:$0x1] =	stream.indirect.gather [hbm4b:s5+s23], $0x80, s3, s23, $0xb8;
	[tilespmem:$0x1DD00] =	vst v63  }
0x5b: {  	_ =	swait.ge [sflag:s2], $0x2800  }
0x5c: {  	[sflag:s2] =	ssyncset.done $0x0  }
0x5d: {  	[sflag:s2] =	ssyncadd.s32 $0xFFFFD800  }
0x5e: {  	[spmem:s1] =	stream.indirect.scatter.add.f32 [tilespmem:s30], [sflag:$0x7], $0x80, s11, s23, $0xb8;
	[tilespmem:$0x1DD00] =	vst v63  }
0x5f: {  	_ =	swait.ge [sflag:s9], $0x2800  }
0x60: {  	[sflag:s9] =	ssyncset.done $0x0  }
0x61: {  	[sflag:s9] =	ssyncadd.s32 $0xFFFFD800  }
0x62: {  	[tilespmem:s25], [sflag:$0x9] =	stream.linear.gather [hbm4b:s19+s3], $0x100, $0x38;
	[tilespmem:$0x1DD00] =	vst v63  }
0x63: {  	_ =	swait.ge [sflag:s21], $0x100  }
0x64: {  	p4 =	por $0x0, $0x0;
	s20 =	simm.s32 $0xB;
	[sflag:s21] =	ssyncset.done $0x0  }
0x65: {  	s18 =	sadd.s32 $0x80, s19;
	s22 =	simm.s32 $0x7;
	[sflag:s21] =	ssyncadd.s32 $0xFFFFFF00  }
0x66: {  	[tilespmem:s26], [sflag:$0x2] =	stream.indirect.gather [hbm4b:s5+s23], $0x80, s25, s23, $0xb8;
	[tilespmem:$0x1DD00] =	vst v63  }
.LBB2_3:
0x67: {  	s19 =	simm.s32 @!p4 $0x7  }
0x68: {  	s10 =	sadd.s32 @!p4 $0xFFFFFFFF, s22;
	s13 =	smov.u32 s20;
	s20 =	sadd.s32 $0x4, s20  }
0x69: {  	p3 =	sne.s32 s20, $0xFB;
	s10 =	simm.s32 @p4 $0x2;
	_ =	swait.ge [sflag:s12], $0x2800  }
0x6a: {  	s10 =	sadd.s32 s14, s10;
	[sflag:s12] =	ssyncset.done $0x0  }
0x6b: {  	s10 =	sshll.u32 s10, $0x5;
	[sflag:s12] =	ssyncadd.s32 $0xFFFFD800  }
0x6c: {  	[spmem:s1] =	stream.indirect.scatter.add.f32 [tilespmem:s17], [sflag:$0x8], $0x80, s15, s23, $0xb8;
	[tilespmem:$0x1DD00] =	vst v63  }
0x6d: {  	_ =	swait.ge @!p4 [sflag:s19], $0x2800  }
0x6e: {  	[sflag:s19] =	ssyncset.done @!p4 $0x0  }
0x6f: {  	s10 =	sadd.s32 s4, s10;
	[sflag:s19] =	ssyncadd.s32 @!p4 $0xFFFFD800  }
0x70: {  	[tilespmem:s29], [sflag:$0x9] =	stream.linear.gather [hbm4b:s10+s3], $0x100, $0x38;
	[tilespmem:$0x1DD00] =	vst v63  }
0x71: {  	_ =	swait.ge [sflag:s21], $0x100  }
0x72: {  	[sflag:s21] =	ssyncset.done $0x0  }
0x73: {  	[sflag:s21] =	ssyncadd.s32 $0xFFFFFF00  }
0x74: {  	[tilespmem:s30], [sflag:$0x3] =	stream.indirect.gather [hbm4b:s5+s23], $0x80, s29, s23, $0xb8;
	[tilespmem:$0x1DD00] =	vst v63  }
0x75: {  	_ =	swait.ge [sflag:s31], $0x2800  }
0x76: {  	[sflag:s31] =	ssyncset.done $0x0  }
0x77: {  	s22 =	simm.s32 @p4 $0x3;
	s10 =	simm.s32 @!p4 $0x8;
	[sflag:s31] =	ssyncadd.s32 $0xFFFFD800  }
0x78: {  	[spmem:s1] =	stream.indirect.scatter.add.f32 [tilespmem:s24], [sflag:$0x5], $0x80, s0, s23, $0xb8;
	[tilespmem:$0x1DD00] =	vst v63  }
0x79: {  	s19 =	sadd.s32 s14, s22;
	s22 =	smov.u32 s13;
	_ =	swait.ge @!p4 [sflag:s10], $0x2800  }
0x7a: {  	s13 =	sshll.u32 s19, $0x5;
	[sflag:s10] =	ssyncset.done @!p4 $0x0  }
0x7b: {  	[sflag:s10] =	ssyncadd.s32 @!p4 $0xFFFFD800;
	s10 =	sadd.s32 s4, s13  }
0x7c: {  	[tilespmem:s16], [sflag:$0x9] =	stream.linear.gather [hbm4b:s10+s3], $0x100, $0x38;
	[tilespmem:$0x1DD00] =	vst v63  }
0x7d: {  	_ =	swait.ge [sflag:s21], $0x100  }
0x7e: {  	[sflag:s21] =	ssyncset.done $0x0  }
0x7f: {  	[sflag:s21] =	ssyncadd.s32 $0xFFFFFF00  }
0x80: {  	[tilespmem:s17], [sflag:$0x4] =	stream.indirect.gather [hbm4b:s5+s23], $0x80, s16, s23, $0xb8;
	[tilespmem:$0x1DD00] =	vst v63  }
0x81: {  	_ =	swait.ge [sflag:s28], $0x2800  }
0x82: {  	[sflag:s28] =	ssyncset.done $0x0  }
0x83: {  	[sflag:s28] =	ssyncadd.s32 $0xFFFFD800  }
0x84: {  	[spmem:s1] =	stream.indirect.scatter.add.f32 [tilespmem:s26], [sflag:$0x6], $0x80, s7, s23, $0xb8;
	[tilespmem:$0x1DD00] =	vst v63  }
0x85: {  	_ =	swait.ge [sflag:s8], $0x2800  }
0x86: {  	[sflag:s8] =	ssyncset.done $0x0  }
0x87: {  	s10 =	sadd.s32 $0xFFFFFFE0, s18;
	[sflag:s8] =	ssyncadd.s32 $0xFFFFD800  }
0x88: {  	[tilespmem:s3], [sflag:$0x9] =	stream.linear.gather [hbm4b:s10+s3], $0x100, $0x38;
	[tilespmem:$0x1DD00] =	vst v63  }
0x89: {  	_ =	swait.ge [sflag:s21], $0x100  }
0x8a: {  	[sflag:s21] =	ssyncset.done $0x0  }
0x8b: {  	[sflag:s21] =	ssyncadd.s32 $0xFFFFFF00  }
0x8c: {  	[tilespmem:s24], [sflag:$0x1] =	stream.indirect.gather [hbm4b:s5+s23], $0x80, s3, s23, $0xb8;
	[tilespmem:$0x1DD00] =	vst v63  }
0x8d: {  	_ =	swait.ge [sflag:s2], $0x2800  }
0x8e: {  	[sflag:s2] =	ssyncset.done $0x0  }
0x8f: {  	[sflag:s2] =	ssyncadd.s32 $0xFFFFD800  }
0x90: {  	[spmem:s1] =	stream.indirect.scatter.add.f32 [tilespmem:s30], [sflag:$0x7], $0x80, s11, s23, $0xb8;
	[tilespmem:$0x1DD00] =	vst v63  }
0x91: {  	_ =	swait.ge [sflag:s9], $0x2800  }
0x92: {  	[sflag:s9] =	ssyncset.done $0x0  }
0x93: {  	[sflag:s9] =	ssyncadd.s32 $0xFFFFD800  }
0x94: {  	[tilespmem:s25], [sflag:$0x9] =	stream.linear.gather [hbm4b:s18+s3], $0x100, $0x38;
	[tilespmem:$0x1DD00] =	vst v63  }
.Ltmp3:
0x95: {  	_ = 	snop;
	(pc) =	sbr.rel @p3 .LBB2_3-.Ltmp3, $4  }
0x96: {  	_ =	swait.ge [sflag:s21], $0x100  }
0x97: {  	[sflag:s21] =	ssyncset.done $0x0  }
0x98: {  	p4 =	seq.s32 s22, $0x3;
	s18 =	sadd.s32 $0x80, s18;
	[sflag:s21] =	ssyncadd.s32 $0xFFFFFF00  }
0x99: {  	[tilespmem:s26], [sflag:$0x2] =	stream.indirect.gather [hbm4b:s5+s23], $0x80, s25, s23, $0xb8;
	[tilespmem:$0x1DD00] =	vst v63  }
0x9a: {  	_ =	swait.ge [sflag:s12], $0x2800  }
0x9b: {  	s10 =	sadd.s32 @!p4 $0xFFFFFFFF, s22;
	[sflag:s12] =	ssyncset.done $0x0  }
0x9c: {  	s13 =	simm.s32 @!p4 $0x7;
	s10 =	simm.s32 @p4 $0x2;
	[sflag:s12] =	ssyncadd.s32 $0xFFFFD800  }
0x9d: {  	[spmem:s1] =	stream.indirect.scatter.add.f32 [tilespmem:s17], [sflag:$0x8], $0x80, s15, s23, $0xb8;
	[tilespmem:$0x1DD00] =	vst v63  }
0x9e: {  	s10 =	sadd.s32 s14, s10;
	_ =	swait.ge @!p4 [sflag:s13], $0x2800  }
0x9f: {  	s10 =	sshll.u32 s10, $0x5;
	[sflag:s13] =	ssyncset.done @!p4 $0x0  }
0xa0: {  	s10 =	sadd.s32 s4, s10;
	[sflag:s13] =	ssyncadd.s32 @!p4 $0xFFFFD800  }
0xa1: {  	[tilespmem:s29], [sflag:$0x9] =	stream.linear.gather [hbm4b:s10+s3], $0x100, $0x38;
	[tilespmem:$0x1DD00] =	vst v63  }
0xa2: {  	_ =	swait.ge [sflag:s21], $0x100  }
0xa3: {  	[sflag:s21] =	ssyncset.done $0x0  }
0xa4: {  	[sflag:s21] =	ssyncadd.s32 $0xFFFFFF00  }
0xa5: {  	[tilespmem:s30], [sflag:$0x3] =	stream.indirect.gather [hbm4b:s5+s23], $0x80, s29, s23, $0xb8;
	[tilespmem:$0x1DD00] =	vst v63  }
0xa6: {  	_ =	swait.ge [sflag:s31], $0x2800  }
0xa7: {  	[sflag:s31] =	ssyncset.done $0x0  }
0xa8: {  	s22 =	simm.s32 @p4 $0x3;
	s10 =	simm.s32 @!p4 $0x8;
	[sflag:s31] =	ssyncadd.s32 $0xFFFFD800  }
0xa9: {  	[spmem:s1] =	stream.indirect.scatter.add.f32 [tilespmem:s24], [sflag:$0x5], $0x80, s0, s23, $0xb8;
	[tilespmem:$0x1DD00] =	vst v63  }
0xaa: {  	s20 =	sadd.s32 s14, s22;
	_ =	swait.ge @!p4 [sflag:s10], $0x2800  }
0xab: {  	s13 =	sshll.u32 s20, $0x5;
	[sflag:s10] =	ssyncset.done @!p4 $0x0  }
0xac: {  	s22 =	sadd.s32 s4, s13;
	[sflag:s10] =	ssyncadd.s32 @!p4 $0xFFFFD800  }
0xad: {  	[tilespmem:s16], [sflag:$0x9] =	stream.linear.gather [hbm4b:s22+s3], $0x100, $0x38;
	[tilespmem:$0x1DD00] =	vst v63  }
0xae: {  	_ =	swait.ge [sflag:s21], $0x100  }
0xaf: {  	[sflag:s21] =	ssyncset.done $0x0  }
0xb0: {  	[sflag:s21] =	ssyncadd.s32 $0xFFFFFF00  }
0xb1: {  	[tilespmem:s17], [sflag:$0x4] =	stream.indirect.gather [hbm4b:s5+s23], $0x80, s16, s23, $0xb8;
	[tilespmem:$0x1DD00] =	vst v63  }
0xb2: {  	_ =	swait.ge [sflag:s28], $0x2800  }
0xb3: {  	[sflag:s28] =	ssyncset.done $0x0  }
0xb4: {  	[sflag:s28] =	ssyncadd.s32 $0xFFFFD800  }
0xb5: {  	[spmem:s1] =	stream.indirect.scatter.add.f32 [tilespmem:s26], [sflag:$0x6], $0x80, s7, s23, $0xb8;
	[tilespmem:$0x1DD00] =	vst v63  }
0xb6: {  	_ =	swait.ge [sflag:s8], $0x2800  }
0xb7: {  	[sflag:s8] =	ssyncset.done $0x0  }
0xb8: {  	s13 =	sadd.s32 $0xFFFFFFE0, s18;
	[sflag:s8] =	ssyncadd.s32 $0xFFFFD800  }
0xb9: {  	[tilespmem:s3], [sflag:$0x9] =	stream.linear.gather [hbm4b:s13+s3], $0x100, $0x38;
	[tilespmem:$0x1DD00] =	vst v63  }
0xba: {  	_ =	swait.ge [sflag:s21], $0x100  }
0xbb: {  	[sflag:s21] =	ssyncset.done $0x0  }
0xbc: {  	[sflag:s21] =	ssyncadd.s32 $0xFFFFFF00  }
0xbd: {  	[tilespmem:s24], [sflag:$0x1] =	stream.indirect.gather [hbm4b:s5+s23], $0x80, s3, s23, $0xb8;
	[tilespmem:$0x1DD00] =	vst v63  }
0xbe: {  	_ =	swait.ge [sflag:s2], $0x2800  }
0xbf: {  	[sflag:s2] =	ssyncset.done $0x0  }
0xc0: {  	[sflag:s2] =	ssyncadd.s32 $0xFFFFD800  }
0xc1: {  	[spmem:s1] =	stream.indirect.scatter.add.f32 [tilespmem:s30], [sflag:$0x7], $0x80, s11, s23, $0xb8;
	[tilespmem:$0x1DD00] =	vst v63  }
0xc2: {  	_ =	swait.ge [sflag:s9], $0x2800  }
0xc3: {  	[sflag:s9] =	ssyncset.done $0x0  }
0xc4: {  	[sflag:s9] =	ssyncadd.s32 $0xFFFFD800  }
0xc5: {  	[tilespmem:s25], [sflag:$0x9] =	stream.linear.gather [hbm4b:s18+s3], $0x100, $0x38;
	[tilespmem:$0x1DD00] =	vst v63  }
0xc6: {  	_ =	swait.ge [sflag:s21], $0x100  }
0xc7: {  	[sflag:s21] =	ssyncset.done $0x0  }
0xc8: {  	[sflag:s21] =	ssyncadd.s32 $0xFFFFFF00  }
0xc9: {  	[tilespmem:s26], [sflag:$0x2] =	stream.indirect.gather [hbm4b:s5+s23], $0x80, s25, s23, $0xb8;
	[tilespmem:$0x1DD00] =	vst v63  }
0xca: {  	_ =	swait.ge [sflag:s12], $0x2800  }
0xcb: {  	[sflag:s12] =	ssyncset.done $0x0  }
0xcc: {  	s19 =	simm.s32 $0x7;
	[sflag:s12] =	ssyncadd.s32 $0xFFFFD800  }
0xcd: {  	[spmem:s1] =	stream.indirect.scatter.add.f32 [tilespmem:s17], [sflag:$0x8], $0x80, s15, s23, $0xb8;
	[tilespmem:$0x1DD00] =	vst v63  }
0xce: {  	_ =	swait.ge [sflag:s19], $0x2800  }
0xcf: {  	[sflag:s19] =	ssyncset.done $0x0  }
0xd0: {  	[sflag:s19] =	ssyncadd.s32 $0xFFFFD800  }
0xd1: {  	_ =	swait.ge [sflag:s31], $0x2800  }
0xd2: {  	[sflag:s31] =	ssyncset.done $0x0  }
0xd3: {  	s20 =	simm.s32 $0x8;
	[sflag:s31] =	ssyncadd.s32 $0xFFFFD800  }
0xd4: {  	[spmem:s1] =	stream.indirect.scatter.add.f32 [tilespmem:s24], [sflag:$0x5], $0x80, s0, s23, $0xb8;
	[tilespmem:$0x1DD00] =	vst v63  }
0xd5: {  	_ =	swait.ge [sflag:s20], $0x2800  }
0xd6: {  	[sflag:s20] =	ssyncset.done $0x0  }
0xd7: {  	[sflag:s20] =	ssyncadd.s32 $0xFFFFD800  }
0xd8: {  	_ =	swait.ge [sflag:s28], $0x2800  }
0xd9: {  	[sflag:s28] =	ssyncset.done $0x0  }
0xda: {  	[sflag:s28] =	ssyncadd.s32 $0xFFFFD800  }
0xdb: {  	[spmem:s1] =	stream.indirect.scatter.add.f32 [tilespmem:s26], [sflag:$0x6], $0x80, s7, s23, $0xb8;
	[tilespmem:$0x1DD00] =	vst v63  }
0xdc: {  	_ =	swait.ge [sflag:s8], $0x2800  }
0xdd: {  	[sflag:s8] =	ssyncset.done $0x0  }
0xde: {  	[sflag:s8] =	ssyncadd.s32 $0xFFFFD800  }
0xdf: {  	_ =	swait.ge [sflag:s9], $0x2800  }
0xe0: {  	[sflag:s9] =	ssyncset.done $0x0  }
0xe1: {  	[sflag:s9] =	ssyncadd.s32 $0xFFFFD800  }
0xe2: {  	[bflag:$0x0] =	sbarrier.arrive $0xFFFF  }
0xe3: {  	s19 =	rddreg [dreg:$0x6]  }
0xe4: {  	s22 =	rddreg [dreg:$0xc]  }
0xe5: {  	s20 =	rddreg [dreg:$0xf]  }
0xe6: {  	[hbm:s22], [sflag:s19] =	dma.local [spmem:s20], $0x2700  }
.Ltmp4:
0xe7: {  	_ = 	snop;
	(pc) =	sbr.rel @p2 .LBB2_8-.Ltmp4, $4  }
.Ltmp5:
0xe8: {  	_ = 	snop;
	(pc) =	sbr.rel @!p2 .LBB2_9-.Ltmp5, $4  }
0xe9: {  	_ =	swait.ge [sflag:s21], $0x2700  }
0xea: {  	[sflag:s21] =	ssyncset.done $0x0;
	s18 =	rddreg [dreg:$0x3]  }
0xeb: {  	s22 =	rddreg [dreg:$0x11];
	[sflag:s21] =	ssyncadd.s32 $0xFFFFD900  }
0xec: {  	_ = 	snop  }
.LBB2_5:
0xed: {  	[tilespmem:s24], [sflag:$0x1] =	stream.indirect.gather [hbm4b:s6+s23], $0x80, s3, s23, $0xb8;
	[tilespmem:$0x1DD00] =	vst v63  }
0xee: {  	s10 =	rddreg [dreg:$0xa]  }
0xef: {  	[tilespmem:s25], [sflag:$0x9] =	stream.linear.gather [hbm4b:s10+s3], $0x100, $0x38;
	[tilespmem:$0x1DD00] =	vst v63  }
0xf0: {  	_ =	swait.ge [sflag:s21], $0x100  }
0xf1: {  	p3 =	por $0x1, $0x1;
	[sflag:s21] =	ssyncset.done $0x0  }
0xf2: {  	s10 =	simm.s32 @!p3 $0x2;
	[sflag:s21] =	ssyncadd.s32 $0xFFFFFF00  }
0xf3: {  	[tilespmem:s26], [sflag:$0x2] =	stream.indirect.gather [hbm4b:s6+s23], $0x80, s25, s23, $0xb8;
	[tilespmem:$0x1DD00] =	vst v63  }
0xf4: {  	s13 =	simm.s32 @!p3 $0x7;
	s10 =	simm.s32 @p3 $0x2;
	[bflag:$0x0] =	sbarrier.arrive $0xFFFF  }
0xf5: {  	s10 =	sadd.s32 s14, s10;
	_ =	swait.ge @!p3 [sflag:s13], $0x2800  }
0xf6: {  	s10 =	sshll.u32 s10, $0x5;
	[sflag:s13] =	ssyncset.done @!p3 $0x0  }
0xf7: {  	s10 =	sadd.s32 s4, s10;
	[sflag:s13] =	ssyncadd.s32 @!p3 $0xFFFFD800  }
0xf8: {  	[tilespmem:s29], [sflag:$0x9] =	stream.linear.gather [hbm4b:s10+s3], $0x100, $0x38;
	[tilespmem:$0x1DD00] =	vst v63  }
0xf9: {  	_ =	swait.ge [sflag:s21], $0x100  }
0xfa: {  	[sflag:s21] =	ssyncset.done $0x0  }
0xfb: {  	[sflag:s21] =	ssyncadd.s32 $0xFFFFFF00  }
0xfc: {  	[tilespmem:s30], [sflag:$0x3] =	stream.indirect.gather [hbm4b:s6+s23], $0x80, s29, s23, $0xb8;
	[tilespmem:$0x1DD00] =	vst v63  }
0xfd: {  	_ =	swait.ge [sflag:s31], $0x2800  }
0xfe: {  	s10 =	simm.s32 $0x3;
	[sflag:s31] =	ssyncset.done $0x0  }
0xff: {  	s13 =	simm.s32 @!p3 $0x8;
	s10 =	simm.s32 @p3 $0x3;
	[sflag:s31] =	ssyncadd.s32 $0xFFFFD800  }
0x100: {  	[spmem:s1] =	stream.indirect.scatter.add.f32 [tilespmem:s24], [sflag:$0x5], $0x80, s0, s23, $0xb8;
	[tilespmem:$0x1DD00] =	vst v63  }
0x101: {  	s10 =	sadd.s32 s14, s10;
	_ =	swait.ge @!p3 [sflag:s13], $0x2800  }
0x102: {  	s10 =	sshll.u32 s10, $0x5;
	[sflag:s13] =	ssyncset.done @!p3 $0x0  }
0x103: {  	s10 =	sadd.s32 s4, s10;
	[sflag:s13] =	ssyncadd.s32 @!p3 $0xFFFFD800  }
0x104: {  	[tilespmem:s16], [sflag:$0x9] =	stream.linear.gather [hbm4b:s10+s3], $0x100, $0x38;
	[tilespmem:$0x1DD00] =	vst v63  }
0x105: {  	_ =	swait.ge [sflag:s21], $0x100  }
0x106: {  	[sflag:s21] =	ssyncset.done $0x0  }
0x107: {  	[sflag:s21] =	ssyncadd.s32 $0xFFFFFF00  }
0x108: {  	[tilespmem:s17], [sflag:$0x4] =	stream.indirect.gather [hbm4b:s6+s23], $0x80, s16, s23, $0xb8;
	[tilespmem:$0x1DD00] =	vst v63  }
0x109: {  	_ =	swait.ge [sflag:s28], $0x2800  }
0x10a: {  	[sflag:s28] =	ssyncset.done $0x0  }
0x10b: {  	[sflag:s28] =	ssyncadd.s32 $0xFFFFD800  }
0x10c: {  	[spmem:s1] =	stream.indirect.scatter.add.f32 [tilespmem:s26], [sflag:$0x6], $0x80, s7, s23, $0xb8;
	[tilespmem:$0x1DD00] =	vst v63  }
0x10d: {  	_ =	swait.ge [sflag:s8], $0x2800  }
0x10e: {  	[sflag:s8] =	ssyncset.done $0x0;
	s19 =	rddreg [dreg:$0xe]  }
0x10f: {  	[sflag:s8] =	ssyncadd.s32 $0xFFFFD800;
	s22 =	sadd.s32 $0xFFFFFFE0, s19  }
0x110: {  	[tilespmem:s3], [sflag:$0x9] =	stream.linear.gather [hbm4b:s22+s3], $0x100, $0x38;
	[tilespmem:$0x1DD00] =	vst v63  }
0x111: {  	_ =	swait.ge [sflag:s21], $0x100  }
0x112: {  	[sflag:s21] =	ssyncset.done $0x0  }
0x113: {  	[sflag:s21] =	ssyncadd.s32 $0xFFFFFF00  }
0x114: {  	[tilespmem:s24], [sflag:$0x1] =	stream.indirect.gather [hbm4b:s6+s23], $0x80, s3, s23, $0xb8;
	[tilespmem:$0x1DD00] =	vst v63  }
0x115: {  	_ =	swait.ge [sflag:s2], $0x2800  }
0x116: {  	[sflag:s2] =	ssyncset.done $0x0  }
0x117: {  	[sflag:s2] =	ssyncadd.s32 $0xFFFFD800  }
0x118: {  	[spmem:s1] =	stream.indirect.scatter.add.f32 [tilespmem:s30], [sflag:$0x7], $0x80, s11, s23, $0xb8;
	[tilespmem:$0x1DD00] =	vst v63  }
0x119: {  	_ =	swait.ge [sflag:s9], $0x2800  }
0x11a: {  	[sflag:s9] =	ssyncset.done $0x0  }
0x11b: {  	[sflag:s9] =	ssyncadd.s32 $0xFFFFD800  }
0x11c: {  	[tilespmem:s25], [sflag:$0x9] =	stream.linear.gather [hbm4b:s19+s3], $0x100, $0x38;
	[tilespmem:$0x1DD00] =	vst v63  }
0x11d: {  	_ =	swait.ge [sflag:s21], $0x100  }
0x11e: {  	s20 =	simm.s32 $0xB;
	p4 =	por $0x0, $0x0;
	[sflag:s21] =	ssyncset.done $0x0  }
0x11f: {  	s18 =	sadd.s32 $0x80, s19;
	s22 =	simm.s32 $0x7;
	[sflag:s21] =	ssyncadd.s32 $0xFFFFFF00  }
0x120: {  	[tilespmem:s26], [sflag:$0x2] =	stream.indirect.gather [hbm4b:s6+s23], $0x80, s25, s23, $0xb8;
	[tilespmem:$0x1DD00] =	vst v63  }
.LBB2_6:
0x121: {  	s10 =	simm.s32 @!p4 $0x7  }
0x122: {  	s13 =	sadd.s32 @!p4 $0xFFFFFFFF, s22;
	s19 =	smov.u32 s20;
	s20 =	sadd.s32 $0x4, s20  }
0x123: {  	p3 =	sne.s32 s20, $0xFB;
	s13 =	simm.s32 @p4 $0x2;
	_ =	swait.ge [sflag:s12], $0x2800  }
0x124: {  	s13 =	sadd.s32 s14, s13;
	[sflag:s12] =	ssyncset.done $0x0  }
0x125: {  	s13 =	sshll.u32 s13, $0x5;
	[sflag:s12] =	ssyncadd.s32 $0xFFFFD800  }
0x126: {  	[spmem:s1] =	stream.indirect.scatter.add.f32 [tilespmem:s17], [sflag:$0x8], $0x80, s15, s23, $0xb8;
	[tilespmem:$0x1DD00] =	vst v63  }
0x127: {  	_ =	swait.ge @!p4 [sflag:s10], $0x2800  }
0x128: {  	[sflag:s10] =	ssyncset.done @!p4 $0x0  }
0x129: {  	[sflag:s10] =	ssyncadd.s32 @!p4 $0xFFFFD800;
	s10 =	sadd.s32 s4, s13  }
0x12a: {  	[tilespmem:s29], [sflag:$0x9] =	stream.linear.gather [hbm4b:s10+s3], $0x100, $0x38;
	[tilespmem:$0x1DD00] =	vst v63  }
0x12b: {  	_ =	swait.ge [sflag:s21], $0x100  }
0x12c: {  	[sflag:s21] =	ssyncset.done $0x0  }
0x12d: {  	[sflag:s21] =	ssyncadd.s32 $0xFFFFFF00  }
0x12e: {  	[tilespmem:s30], [sflag:$0x3] =	stream.indirect.gather [hbm4b:s6+s23], $0x80, s29, s23, $0xb8;
	[tilespmem:$0x1DD00] =	vst v63  }
0x12f: {  	_ =	swait.ge [sflag:s31], $0x2800  }
0x130: {  	[sflag:s31] =	ssyncset.done $0x0  }
0x131: {  	s22 =	simm.s32 @p4 $0x3;
	s10 =	simm.s32 @!p4 $0x8;
	[sflag:s31] =	ssyncadd.s32 $0xFFFFD800  }
0x132: {  	[spmem:s1] =	stream.indirect.scatter.add.f32 [tilespmem:s24], [sflag:$0x5], $0x80, s0, s23, $0xb8;
	[tilespmem:$0x1DD00] =	vst v63  }
0x133: {  	s13 =	sadd.s32 s14, s22;
	s22 =	smov.u32 s19;
	_ =	swait.ge @!p4 [sflag:s10], $0x2800  }
0x134: {  	s13 =	sshll.u32 s13, $0x5;
	[sflag:s10] =	ssyncset.done @!p4 $0x0  }
0x135: {  	[sflag:s10] =	ssyncadd.s32 @!p4 $0xFFFFD800;
	s10 =	sadd.s32 s4, s13  }
0x136: {  	[tilespmem:s16], [sflag:$0x9] =	stream.linear.gather [hbm4b:s10+s3], $0x100, $0x38;
	[tilespmem:$0x1DD00] =	vst v63  }
0x137: {  	_ =	swait.ge [sflag:s21], $0x100  }
0x138: {  	[sflag:s21] =	ssyncset.done $0x0  }
0x139: {  	[sflag:s21] =	ssyncadd.s32 $0xFFFFFF00  }
0x13a: {  	[tilespmem:s17], [sflag:$0x4] =	stream.indirect.gather [hbm4b:s6+s23], $0x80, s16, s23, $0xb8;
	[tilespmem:$0x1DD00] =	vst v63  }
0x13b: {  	_ =	swait.ge [sflag:s28], $0x2800  }
0x13c: {  	[sflag:s28] =	ssyncset.done $0x0  }
0x13d: {  	[sflag:s28] =	ssyncadd.s32 $0xFFFFD800  }
0x13e: {  	[spmem:s1] =	stream.indirect.scatter.add.f32 [tilespmem:s26], [sflag:$0x6], $0x80, s7, s23, $0xb8;
	[tilespmem:$0x1DD00] =	vst v63  }
0x13f: {  	_ =	swait.ge [sflag:s8], $0x2800  }
0x140: {  	[sflag:s8] =	ssyncset.done $0x0  }
0x141: {  	s10 =	sadd.s32 $0xFFFFFFE0, s18;
	[sflag:s8] =	ssyncadd.s32 $0xFFFFD800  }
0x142: {  	[tilespmem:s3], [sflag:$0x9] =	stream.linear.gather [hbm4b:s10+s3], $0x100, $0x38;
	[tilespmem:$0x1DD00] =	vst v63  }
0x143: {  	_ =	swait.ge [sflag:s21], $0x100  }
0x144: {  	[sflag:s21] =	ssyncset.done $0x0  }
0x145: {  	[sflag:s21] =	ssyncadd.s32 $0xFFFFFF00  }
0x146: {  	[tilespmem:s24], [sflag:$0x1] =	stream.indirect.gather [hbm4b:s6+s23], $0x80, s3, s23, $0xb8;
	[tilespmem:$0x1DD00] =	vst v63  }
0x147: {  	_ =	swait.ge [sflag:s2], $0x2800  }
0x148: {  	[sflag:s2] =	ssyncset.done $0x0  }
0x149: {  	[sflag:s2] =	ssyncadd.s32 $0xFFFFD800  }
0x14a: {  	[spmem:s1] =	stream.indirect.scatter.add.f32 [tilespmem:s30], [sflag:$0x7], $0x80, s11, s23, $0xb8;
	[tilespmem:$0x1DD00] =	vst v63  }
0x14b: {  	_ =	swait.ge [sflag:s9], $0x2800  }
0x14c: {  	[sflag:s9] =	ssyncset.done $0x0  }
0x14d: {  	[sflag:s9] =	ssyncadd.s32 $0xFFFFD800  }
0x14e: {  	[tilespmem:s25], [sflag:$0x9] =	stream.linear.gather [hbm4b:s18+s3], $0x100, $0x38;
	[tilespmem:$0x1DD00] =	vst v63  }
.Ltmp6:
0x14f: {  	_ = 	snop;
	(pc) =	sbr.rel @p3 .LBB2_6-.Ltmp6, $4  }
0x150: {  	_ =	swait.ge [sflag:s21], $0x100  }
0x151: {  	[sflag:s21] =	ssyncset.done $0x0  }
0x152: {  	p4 =	seq.s32 s22, $0x3;
	s18 =	sadd.s32 $0x80, s18;
	[sflag:s21] =	ssyncadd.s32 $0xFFFFFF00  }
0x153: {  	[tilespmem:s26], [sflag:$0x2] =	stream.indirect.gather [hbm4b:s6+s23], $0x80, s25, s23, $0xb8;
	[tilespmem:$0x1DD00] =	vst v63  }
0x154: {  	_ =	swait.ge [sflag:s12], $0x2800  }
0x155: {  	s10 =	sadd.s32 @!p4 $0xFFFFFFFF, s22;
	[sflag:s12] =	ssyncset.done $0x0  }
0x156: {  	s13 =	simm.s32 @!p4 $0x7;
	s10 =	simm.s32 @p4 $0x2;
	[sflag:s12] =	ssyncadd.s32 $0xFFFFD800  }
0x157: {  	[spmem:s1] =	stream.indirect.scatter.add.f32 [tilespmem:s17], [sflag:$0x8], $0x80, s15, s23, $0xb8;
	[tilespmem:$0x1DD00] =	vst v63  }
0x158: {  	s10 =	sadd.s32 s14, s10;
	_ =	swait.ge @!p4 [sflag:s13], $0x2800  }
0x159: {  	s10 =	sshll.u32 s10, $0x5;
	[sflag:s13] =	ssyncset.done @!p4 $0x0  }
0x15a: {  	s10 =	sadd.s32 s4, s10;
	[sflag:s13] =	ssyncadd.s32 @!p4 $0xFFFFD800  }
0x15b: {  	[tilespmem:s29], [sflag:$0x9] =	stream.linear.gather [hbm4b:s10+s3], $0x100, $0x38;
	[tilespmem:$0x1DD00] =	vst v63  }
0x15c: {  	_ =	swait.ge [sflag:s21], $0x100  }
0x15d: {  	[sflag:s21] =	ssyncset.done $0x0  }
0x15e: {  	[sflag:s21] =	ssyncadd.s32 $0xFFFFFF00  }
0x15f: {  	[tilespmem:s30], [sflag:$0x3] =	stream.indirect.gather [hbm4b:s6+s23], $0x80, s29, s23, $0xb8;
	[tilespmem:$0x1DD00] =	vst v63  }
0x160: {  	_ =	swait.ge [sflag:s31], $0x2800  }
0x161: {  	[sflag:s31] =	ssyncset.done $0x0  }
0x162: {  	s22 =	simm.s32 @p4 $0x3;
	s10 =	simm.s32 @!p4 $0x8;
	[sflag:s31] =	ssyncadd.s32 $0xFFFFD800  }
0x163: {  	[spmem:s1] =	stream.indirect.scatter.add.f32 [tilespmem:s24], [sflag:$0x5], $0x80, s0, s23, $0xb8;
	[tilespmem:$0x1DD00] =	vst v63  }
0x164: {  	s20 =	sadd.s32 s14, s22;
	_ =	swait.ge @!p4 [sflag:s10], $0x2800  }
0x165: {  	s13 =	sshll.u32 s20, $0x5;
	[sflag:s10] =	ssyncset.done @!p4 $0x0  }
0x166: {  	s22 =	sadd.s32 s4, s13;
	[sflag:s10] =	ssyncadd.s32 @!p4 $0xFFFFD800  }
0x167: {  	[tilespmem:s16], [sflag:$0x9] =	stream.linear.gather [hbm4b:s22+s3], $0x100, $0x38;
	[tilespmem:$0x1DD00] =	vst v63  }
0x168: {  	_ =	swait.ge [sflag:s21], $0x100  }
0x169: {  	[sflag:s21] =	ssyncset.done $0x0  }
0x16a: {  	[sflag:s21] =	ssyncadd.s32 $0xFFFFFF00  }
0x16b: {  	[tilespmem:s17], [sflag:$0x4] =	stream.indirect.gather [hbm4b:s6+s23], $0x80, s16, s23, $0xb8;
	[tilespmem:$0x1DD00] =	vst v63  }
0x16c: {  	_ =	swait.ge [sflag:s28], $0x2800  }
0x16d: {  	[sflag:s28] =	ssyncset.done $0x0  }
0x16e: {  	[sflag:s28] =	ssyncadd.s32 $0xFFFFD800  }
0x16f: {  	[spmem:s1] =	stream.indirect.scatter.add.f32 [tilespmem:s26], [sflag:$0x6], $0x80, s7, s23, $0xb8;
	[tilespmem:$0x1DD00] =	vst v63  }
0x170: {  	_ =	swait.ge [sflag:s8], $0x2800  }
0x171: {  	[sflag:s8] =	ssyncset.done $0x0  }
0x172: {  	s13 =	sadd.s32 $0xFFFFFFE0, s18;
	[sflag:s8] =	ssyncadd.s32 $0xFFFFD800  }
0x173: {  	[tilespmem:s3], [sflag:$0x9] =	stream.linear.gather [hbm4b:s13+s3], $0x100, $0x38;
	[tilespmem:$0x1DD00] =	vst v63  }
0x174: {  	_ =	swait.ge [sflag:s21], $0x100  }
0x175: {  	[sflag:s21] =	ssyncset.done $0x0  }
0x176: {  	[sflag:s21] =	ssyncadd.s32 $0xFFFFFF00  }
0x177: {  	[tilespmem:s24], [sflag:$0x1] =	stream.indirect.gather [hbm4b:s6+s23], $0x80, s3, s23, $0xb8;
	[tilespmem:$0x1DD00] =	vst v63  }
0x178: {  	_ =	swait.ge [sflag:s2], $0x2800  }
0x179: {  	[sflag:s2] =	ssyncset.done $0x0  }
0x17a: {  	[sflag:s2] =	ssyncadd.s32 $0xFFFFD800  }
0x17b: {  	[spmem:s1] =	stream.indirect.scatter.add.f32 [tilespmem:s30], [sflag:$0x7], $0x80, s11, s23, $0xb8;
	[tilespmem:$0x1DD00] =	vst v63  }
0x17c: {  	_ =	swait.ge [sflag:s9], $0x2800  }
0x17d: {  	[sflag:s9] =	ssyncset.done $0x0  }
0x17e: {  	[sflag:s9] =	ssyncadd.s32 $0xFFFFD800  }
0x17f: {  	[tilespmem:s25], [sflag:$0x9] =	stream.linear.gather [hbm4b:s18+s3], $0x100, $0x38;
	[tilespmem:$0x1DD00] =	vst v63  }
0x180: {  	_ =	swait.ge [sflag:s21], $0x100  }
0x181: {  	[sflag:s21] =	ssyncset.done $0x0  }
0x182: {  	[sflag:s21] =	ssyncadd.s32 $0xFFFFFF00  }
0x183: {  	[tilespmem:s26], [sflag:$0x2] =	stream.indirect.gather [hbm4b:s6+s23], $0x80, s25, s23, $0xb8;
	[tilespmem:$0x1DD00] =	vst v63  }
0x184: {  	_ =	swait.ge [sflag:s12], $0x2800  }
0x185: {  	[sflag:s12] =	ssyncset.done $0x0  }
0x186: {  	s19 =	simm.s32 $0x7;
	[sflag:s12] =	ssyncadd.s32 $0xFFFFD800  }
0x187: {  	[spmem:s1] =	stream.indirect.scatter.add.f32 [tilespmem:s17], [sflag:$0x8], $0x80, s15, s23, $0xb8;
	[tilespmem:$0x1DD00] =	vst v63  }
0x188: {  	_ =	swait.ge [sflag:s19], $0x2800  }
0x189: {  	[sflag:s19] =	ssyncset.done $0x0  }
0x18a: {  	[sflag:s19] =	ssyncadd.s32 $0xFFFFD800  }
0x18b: {  	_ =	swait.ge [sflag:s31], $0x2800  }
0x18c: {  	[sflag:s31] =	ssyncset.done $0x0  }
0x18d: {  	s20 =	simm.s32 $0x8;
	[sflag:s31] =	ssyncadd.s32 $0xFFFFD800  }
0x18e: {  	[spmem:s1] =	stream.indirect.scatter.add.f32 [tilespmem:s24], [sflag:$0x5], $0x80, s0, s23, $0xb8;
	[tilespmem:$0x1DD00] =	vst v63  }
0x18f: {  	_ =	swait.ge [sflag:s20], $0x2800  }
0x190: {  	[sflag:s20] =	ssyncset.done $0x0  }
0x191: {  	[sflag:s20] =	ssyncadd.s32 $0xFFFFD800  }
0x192: {  	_ =	swait.ge [sflag:s28], $0x2800  }
0x193: {  	[sflag:s28] =	ssyncset.done $0x0  }
0x194: {  	[sflag:s28] =	ssyncadd.s32 $0xFFFFD800  }
0x195: {  	[spmem:s1] =	stream.indirect.scatter.add.f32 [tilespmem:s26], [sflag:$0x6], $0x80, s7, s23, $0xb8;
	[tilespmem:$0x1DD00] =	vst v63  }
0x196: {  	_ =	swait.ge [sflag:s8], $0x2800  }
0x197: {  	[sflag:s8] =	ssyncset.done $0x0  }
0x198: {  	[sflag:s8] =	ssyncadd.s32 $0xFFFFD800  }
0x199: {  	_ =	swait.ge [sflag:s9], $0x2800  }
0x19a: {  	[sflag:s9] =	ssyncset.done $0x0  }
0x19b: {  	[sflag:s9] =	ssyncadd.s32 $0xFFFFD800  }
0x19c: {  	[bflag:$0x0] =	sbarrier.arrive $0xFFFF  }
0x19d: {  	s19 =	rddreg [dreg:$0x6]  }
0x19e: {  	s22 =	rddreg [dreg:$0xb]  }
0x19f: {  	s20 =	rddreg [dreg:$0xf]  }
0x1a0: {  	[hbm:s22], [sflag:s19] =	dma.local [spmem:s20], $0x2700  }
.Ltmp7:
0x1a1: {  	_ = 	snop;
	(pc) =	sbr.rel @p0 .LBB2_9-.Ltmp7, $4  }
.Ltmp8:
0x1a2: {  	_ = 	snop;
	(pc) =	sbr.rel @!p0 .LBB2_8-.Ltmp8, $4  }
0x1a3: {  	_ =	swait.ge [sflag:s21], $0x2700  }
0x1a4: {  	[sflag:s21] =	ssyncset.done $0x0;
	s18 =	rddreg [dreg:$0x4]  }
0x1a5: {  	s22 =	rddreg [dreg:$0x11];
	[sflag:s21] =	ssyncadd.s32 $0xFFFFD900  }
0x1a6: {  	_ = 	snop  }
.LBB2_10:
0x1a7: {  	_ =	sfence.sel $0x180000  }
0x1a8: {  	[bflag:$0x0] =	sbarrier.arrive $0xFFFF  }
0x1a9: {  	_ =	strace $0x9000004A  }
0x1aa: {  	s0 =	stileid.u32;
	[bflag:$0x2] =	sbarrier.arrive $0xFFFF  }
0x1ab: {  	p0 =	sne.s32 s0, $0x0;
	s0 =	rddreg [dreg:$0x2]  }
0x1ac: {  	s0 =	sadd.s32 @!p0 $0x100000, s0  }
0x1ad: {  	[sflag:s0] =	ssyncadd.tile.s32 @!p0 $0x1;
	_ =	shalt  }
.Lfunc_end2:
_tile_overlayer_lowered:
.L_overlay_start_2:
0x1ae: {  	(tag) =	ssettag $0x2  }
0x1af: {  	s0 =	rddreg [dreg:$0x0];
	s2 =	stileid.u32  }
0x1b0: {  	s1 =	rddreg [dreg:$0x1];
	p0 =	sne.s32 s2, $0x0  }
0x1b1: {  	s3 =	rddreg [dreg:$0x2];
	[bflag:$0x3] =	sbarrier.arrive $0xFFFF;
	s2 =	simm.s32 @!p0 $0x1C09  }
0x1b2: {  	[timem:s3], [sflag:s2] =	dma.local @!p0 [hbm:s0], s1  }
0x1b3: {  	s0 =	simm.s32 @!p0 $0x9  }
0x1b4: {  	_ =	swait.ge @!p0 [sflag:s0], s1  }
0x1b5: {  	s1 =	ssub.s32 @!p0 $0x0, s1;
	[sflag:s0] =	ssyncset.done @!p0 $0x0  }
0x1b6: {  	[sflag:s0] =	ssyncadd.s32 @!p0 s1  }
0x1b7: {  	[bflag:$0x3] =	sbarrier.arrive $0xFFFF  }
0x1b8: {  	_ =	shalt  }

// kernel: kernel.15.cloned.1.call-start
scs
__scs_entry_jumppad:
0x0: {  	(pc) =	sbr.rel $0x88, $3  }
0x1: {  	(tag) =	ssettag $0x0;
	lr =	simm.s32 $0x1  }
0x2: {  	[smem:$0x3F95] =	sst lr;
	_ =	strace $0xD0000000  }
0x3: {  	_ = 	snop  }
0x4: {  	_ = 	snop  }
0x5: {  	_ = 	snop  }
0x6: {  	_ = 	snop  }
0x7: {  	_ = 	snop  }
__scs_overlays_trampoline_lowered:
0x8: {  	[smem:$0x3FA4] =	sst s0  }
0x9: {  	[smem:$0x3FA5] =	sst s1  }
0xa: {  	[smem:$0x3FA6] =	sst s2  }
0xb: {  	[smem:$0x3FA7] =	sst s3  }
0xc: {  	[smem:$0x3FA8] =	sst s4  }
0xd: {  	[smem:$0x3FA9] =	sst s5  }
0xe: {  	[smem:$0x3FAA] =	sst s6  }
0xf: {  	[smem:$0x3FAB] =	sst s7  }
0x10: {  	[smem:$0x3FAC] =	sst s8  }
0x11: {  	[smem:$0x3FAD] =	sst s9;
	s0 =	simm.s32 @!p0 $0x0  }
0x12: {  	s1 =	sld [smem:$0x3F93];
	s0 =	simm.s32 @p0 $0x1  }
0x13: {  	[smem:$0x3FAE] =	sst s0;
	s0 =	simm.s32 @!p1 $0x0  }
0x14: {  	s2 =	sld [smem:$0x3F92];
	s0 =	simm.s32 @p1 $0x1  }
0x15: {  	[smem:$0x3FAF] =	sst s0;
	s0 =	simm.s32 @!p2 $0x0  }
0x16: {  	s3 =	sld [smem:$0x3FDB];
	s0 =	simm.s32 @p2 $0x1  }
0x17: {  	s4 =	simm.s32 $0x1BF5;
	[smem:$0x3FB1] =	sst s0  }
0x18: {  	s0 =	sld [smem:$0x3F94];
	_ =	swait.ge [sflag:s4], $0x0  }
0x19: {  	s7 =	sld [smem:$0x3F95]  }
0x1a: {  	s8 =	sadd.s32 $0xFFFFE003, lr  }
0x1b: {  	s9 =	sadd.s32 $0xFFFFFEF7, lr;
	s5 =	simm.s32 $0xFFFFFFFF;
	p2 =	slt.u32 s8, $0xFFFFF086  }
0x1c: {  	p1 =	slt.u32 s9, $0xF7A;
	s5 =	simm.s32 @!p2 $0x0  }
0x1d: {  	s5 =	simm.s32 @p1 $0x1;
	p0 =	seq.s32 s7, s2  }
0x1e: {  	s7 =	smul.u32 @!p0 $0xF7A, s2;
	p2 =	seq.s32 @!p0 s5, $0x0  }
0x1f: {  	s9 =	smul.u32 $0xF7A, s1;
	s8 =	simm.s32 @!p0 $0x1BF5;
	p2 =	por !p2, p0  }
0x20: {  	[sflag:s8] =	ssyncset.s32 @!p0 $0xFFFFF086;
	s6 =	sadd.s32 @!p0 s3, s7;
	s7 =	simm.s32 @!p0 $0x108  }
0x21: {  	s3 =	sadd.s32 s3, s9;
	s6 =	sadd.s32 @!p0 $0x88, s6;
	s7 =	simm.s32 @p2 $0x1082  }
0x22: {  	[simem:s7], [sflag:s8] =	dma.local @!p0 [hbm:s6], $0xF7A  }
0x23: {  	s9 =	sor.u32 $0xD0000000, s2;
	s6 =	simm.s32 $0x108;
	_ =	swait.ge @!p0 [sflag:s8], $0x0  }
0x24: {  	s3 =	sadd.s32 $0x88, s3;
	s6 =	simm.s32 @!p1 $0x1082;
	[sflag:s4] =	ssyncset.s32 $0xFFFFF086  }
0x25: {  	[simem:s6], [sflag:s4] =	dma.local [hbm:s3], $0xF7A  }
0x26: {  	[smem:$0x3F95] =	sst s1;
	(tag) =	ssettag s2;
	_ =	strace s9  }
0x27: {  	s1 =	sld [smem:$0x3FA5]  }
0x28: {  	s2 =	sld [smem:$0x3FA6]  }
0x29: {  	s4 =	sld [smem:$0x3FA8]  }
0x2a: {  	p0 =	seq.s32 s5, $0x0;
	s5 =	sld [smem:$0x3FA9]  }
0x2b: {  	s6 =	sld [smem:$0x3FAA]  }
0x2c: {  	s7 =	sld [smem:$0x3FAB]  }
0x2d: {  	s3 =	simm.s32 $0x108;
	s8 =	sld [smem:$0x3FAC]  }
0x2e: {  	s3 =	simm.s32 @!p0 $0x1082;
	s9 =	sld [smem:$0x3FAD]  }
0x2f: {  	lr =	sadd.s32 s0, s3;
	s0 =	sld [smem:$0x3FA4]  }
0x30: {  	s3 =	sld [smem:$0x3FA7]  }
0x31: {  	[smem:$0x3FB0] =	sst s10  }
0x32: {  	s10 =	sld [smem:$0x3FAE];
	_ =	sdelay $0x3  }
0x33: {  	p0 =	seq.s32 s10, $0x1;
	s10 =	sld [smem:$0x3FB0];
	_ =	sdelay $0x3  }
0x34: {  	[smem:$0x3FB0] =	sst s10  }
0x35: {  	s10 =	sld [smem:$0x3FAF];
	_ =	sdelay $0x3  }
0x36: {  	p1 =	seq.s32 s10, $0x1;
	s10 =	sld [smem:$0x3FB0];
	_ =	sdelay $0x3  }
0x37: {  	[smem:$0x3FB0] =	sst s10  }
0x38: {  	s10 =	sld [smem:$0x3FB1]  }
0x39: {  	_ = 	snop;
	(pc) =	sbr.ind lr, $3  }
0x3a: {  	_ = 	snop  }
0x3b: {  	_ = 	snop  }
0x3c: {  	p2 =	seq.s32 s10, $0x1;
	s10 =	sld [smem:$0x3FB0]  }
0x3d: {  	_ =	shalt  }
0x3e: {  	_ =	shalt  }
0x3f: {  	_ =	shalt  }
0x40: {  	_ =	shalt  }
0x41: {  	_ =	shalt  }
0x42: {  	_ =	shalt  }
0x43: {  	_ =	shalt  }
0x44: {  	_ =	shalt  }
0x45: {  	_ =	shalt  }
0x46: {  	_ =	shalt  }
0x47: {  	_ =	shalt  }
0x48: {  	_ =	shalt  }
0x49: {  	_ =	shalt  }
0x4a: {  	_ =	shalt  }
0x4b: {  	_ =	shalt  }
0x4c: {  	_ =	shalt  }
0x4d: {  	_ =	shalt  }
0x4e: {  	_ =	shalt  }
0x4f: {  	_ =	shalt  }
0x50: {  	_ =	shalt  }
0x51: {  	_ =	shalt  }
0x52: {  	_ =	shalt  }
0x53: {  	_ =	shalt  }
0x54: {  	_ =	shalt  }
0x55: {  	_ =	shalt  }
0x56: {  	_ =	shalt  }
0x57: {  	_ =	shalt  }
0x58: {  	_ =	shalt  }
0x59: {  	_ =	shalt  }
0x5a: {  	_ =	shalt  }
0x5b: {  	_ =	shalt  }
0x5c: {  	_ =	shalt  }
0x5d: {  	_ =	shalt  }
0x5e: {  	_ =	shalt  }
0x5f: {  	_ =	shalt  }
0x60: {  	_ =	shalt  }
0x61: {  	_ =	shalt  }
0x62: {  	_ =	shalt  }
0x63: {  	_ =	shalt  }
0x64: {  	_ =	shalt  }
0x65: {  	_ =	shalt  }
0x66: {  	_ =	shalt  }
0x67: {  	_ =	shalt  }
0x68: {  	_ =	shalt  }
0x69: {  	_ =	shalt  }
0x6a: {  	_ =	shalt  }
0x6b: {  	_ =	shalt  }
0x6c: {  	_ =	shalt  }
0x6d: {  	_ =	shalt  }
0x6e: {  	_ =	shalt  }
0x6f: {  	_ =	shalt  }
0x70: {  	_ =	shalt  }
0x71: {  	_ =	shalt  }
0x72: {  	_ =	shalt  }
0x73: {  	_ =	shalt  }
0x74: {  	_ =	shalt  }
0x75: {  	_ =	shalt  }
0x76: {  	_ =	shalt  }
0x77: {  	_ =	shalt  }
0x78: {  	_ =	shalt  }
0x79: {  	_ =	shalt  }
0x7a: {  	_ =	shalt  }
0x7b: {  	_ =	shalt  }
0x7c: {  	_ =	shalt  }
0x7d: {  	_ =	shalt  }
0x7e: {  	_ =	shalt  }
0x7f: {  	_ =	shalt  }
0x80: {  	_ =	shalt  }
0x81: {  	_ =	shalt  }
0x82: {  	_ =	shalt  }
0x83: {  	_ =	shalt  }
0x84: {  	_ =	shalt  }
0x85: {  	_ =	shalt  }
0x86: {  	_ =	shalt  }
0x87: {  	_ =	shalt  }
.Lfunc_end0:
.L_simem_size_0:
called_computation.2_lowered:
.L_overlay_start_0:
0x88: {  	s2 =	sld [smem:$0x3FD9]  }
0x89: {  	s3 =	sld [smem:$0x3FFE];
	_ =	sdelay $0x1  }
0x8a: {  	s1 =	srdreg.scid  }
0x8b: {  	s0 =	sand.u32 $0x1, s1  }
0x8c: {  	s16 =	sshll.u32 s0, $0xA;
	s2 =	sadd.s32 s3, s2  }
0x8d: {  	s2 =	sadd.s32 s2, s16  }
0x8e: {  	[smem:$0x3FBC] =	sst s2  }
0x8f: {  	_ = 	snop  }
0x90: {  	(tm) =	ssettm $0x1  }
0x91: {  	s17 =	sld [smem:$0x3FFB];
	_ =	sdelay $0x3  }
0x92: {  	_ =	strace s17  }
0x93: {  	s2 =	sld [smem:$0x3FFC];
	_ =	sdelay $0x3  }
0x94: {  	_ =	strace s2  }
0x95: {  	s2 =	sld [smem:$0x3FFD];
	_ =	sdelay $0x3  }
0x96: {  	_ =	strace s2  }
0x97: {  	_ =	strace $0x8FFFFFFF  }
0x98: {  	s18 =	sld [smem:$0x3FDB];
	_ =	sdelay $0x1  }
0x99: {  	s19 =	simm.s32 $_scs_section_size  }
0x9a: {  	s4 =	simm.s32 $_size__tile_overlayer_lowered;
	s5 =	simm.s32 $_tile_overlayer_lowered  }
0x9b: {  	s22 =	simm.s32 $0x1BFF;
	s21 =	sshll.u32 s5, $0x1;
	s2 =	sadd.s32 s19, s18  }
0x9c: {  	s6 =	simm.s32 $0x0;
	s20 =	sshll.u32 s4, $0x1;
	s4 =	sadd.s32 s21, s2  }
0x9d: {  	[timem:s6], [sflag:s22] =	dma.local [hbm:s4], s20  }
0x9e: {  	_ =	swait.ge [sflag:s22], s20  }
0x9f: {  	s3 =	ssub.s32 $0x0, s20;
	[sflag:s22] =	ssyncset.done $0x0  }
0xa0: {  	[sflag:s22] =	ssyncadd.s32 s3;
	_ =	sdelay $0x1  }
0xa1: {  	s23 =	simm.s32 $0x1B8B  }
0xa2: {  	_ =	swait.ge [sflag:s23], $0x1  }
0xa3: {  	[sflag:s23] =	ssyncset.done $0x0  }
0xa4: {  	s25 =	simm.s32 $0x1B8E;
	s24 =	sld [smem:$0x3FFE];
	[sflag:s23] =	ssyncadd.s32 $0xFFFFFFFF  }
0xa5: {  	s26 =	simm.s32 $execute0_lowered;
	[smem:$0x3FD2] =	sst s25  }
0xa6: {  	s4 =	sshll.u32 s26, $0x1;
	_ =	strace $0x8000004C;
	[dreg:$0x1] =	wrdreg $0xFFFFFFFF  }
0xa7: {  	s28 =	simm.s32 $_size_execute0_lowered;
	s2 =	sadd.s32 s2, s4;
	[dreg:$0x0] =	wrdreg $0x0  }
0xa8: {  	s4 =	sshll.u32 s28, $0x1;
	[dreg:$0x2] =	wrdreg s2  }
0xa9: {  	[dreg:$0x3] =	wrdreg s4  }
0xaa: {  	[dreg:$0x4] =	wrdreg $0xC0  }
0xab: {  	_ =	task [dreg:s6], $0x5FFFF  }
0xac: {  	[dreg:$0x1] =	wrdreg $0xFFFFFFFF  }
0xad: {  	[dreg:$0x0] =	wrdreg $0x60  }
0xae: {  	[dreg:$0x2] =	wrdreg s24  }
0xaf: {  	[dreg:$0x3] =	wrdreg $0xA4000  }
0xb0: {  	[dreg:$0x4] =	wrdreg $0x9  }
0xb1: {  	_ =	task.clear_ibuf [dreg:s6], $0x5FFFF;
	_ =	strace $0x9000004C  }
0xb2: {  	s29 =	simm.s32 $0x9;
	_ =	strace $0x8000004E  }
0xb3: {  	_ =	swait.ge [sflag:s29], $0x1  }
0xb4: {  	[sflag:s29] =	ssyncadd.s32 $0xFFFFFFFF  }
0xb5: {  	_ =	strace $0x9000004E  }
0xb6: {  	_ =	sfence  }
0xb7: {  	s30 =	sld [smem:$0x0];
	_ =	sdelay $0x2  }
0xb8: {  	s31 =	sshll.u32 s1, $0xD;
	s1 =	sshrl.u32 s1, $0x2  }
0xb9: {  	s3 =	sand.u32 $0x4000, s31;
	s1 =	sadd.s32 s1, s30  }
0xba: {  	s0 =	sor.u32 s3, s0;
	s1 =	sshll.u32 s1, $0x11  }
0xbb: {  	s0 =	sor.u32 s1, s0  }
0xbc: {  	s0 =	sadd.s32 $0x8F2B, s0  }
0xbd: {  	[sflag:s0] =	ssyncadd.remote.s32 $0x1  }
0xbe: {  	_ =	sfence.sel $0xFFFF  }
0xbf: {  	[dreg:$0x0] =	wrdreg $0xFFFFFFFF;
	(pc) =	sbr.abs _section_cstart, $3  }
0xc0: {  	[dreg:$0x1] =	wrdreg $0xFFFFFFFF  }
0xc1: {  	_ =	task.clear_ibuf [dreg:s6], $0x2FFFF;
	_ =	strace $0x9FFFFFFF  }
0xc2: {  	(tm) =	ssettm $0x7FFFFFFF  }
0xc3: {  	_ =	shalt  }
tec
execute0_lowered:
.L_overlay_start_1:
0x0: {  	(tag) =	ssettag $0x1  }
0x1: {  	s0 =	rddreg [dreg:$0x0]  }
0x2: {  	s1 =	rddreg [dreg:$0x1]  }
0x3: {  	s3 =	simm.s32 $0x0;
	s15 =	stileid.u32;
	s2 =	srdreg.scid  }
0x4: {  	s28 =	simm.s32 $0x2;
	s29 =	simm.s32 $0x200;
	s30 =	simm.s32 $0x5400  }
0x5: {  	s31 =	simm.s32 $0x1;
	[smem:$0x7FF] =	sst s3;
	s4 =	sadd.s32 $0x2B200, s0  }
0x6: {  	s7 =	smul.u32 $0x2700, s15;
	s2 =	sand.u32 $0x1, s2;
	s5 =	sadd.s32 $0x4000, s0  }
0x7: {  	s6 =	sadd.s32 $0x71800, s0;
	s11 =	smul.u32 $0x4E000, s15;
	s16 =	sadd.s32 $0x98A00, s0  }
0x8: {  	s17 =	sadd.s32 $0xBFC00, s0;
	s22 =	sshll.u32 s15, $0x6;
	s12 =	smul.u32 $0x1F40, s15  }
0x9: {  	s14 =	smul.u32 $0xFA, s15;
	p0 =	sne.s32 s15, $0xF;
	p2 =	seq.s32 s15, $0xF  }
0xa: {  	s15 =	simm.s32 $0x380;
	_ =	strace $0x8000004D;
	[dreg:$0x4] =	wrdreg s17  }
0xb: {  	s8 =	ssub.s32 $0x2, s2;
	s19 =	sor.u32 $0x1C09, s22;
	[dreg:$0x3] =	wrdreg s16  }
0xc: {  	p1 =	sne.s32 s2, $0x0;
	s2 =	simm.s32 $0x3;
	s22 =	simm.s32 $0x0  }
0xd: {  	s9 =	sadd.s32 s7, s0;
	s10 =	sshrl.u32 s8, $0x1;
	s21 =	sshrl.u32 s11, $0x2  }
0xe: {  	s0 =	sadd.s32 $0x71600, s0;
	s23 =	sadd.s32 s4, s12;
	s25 =	sadd.s32 s17, s7  }
0xf: {  	s7 =	sadd.s32 s16, s7;
	s16 =	simm.s32 $0x300;
	[dreg:$0x6] =	wrdreg s19  }
0x10: {  	s17 =	simm.s32 $0x7C00;
	s11 =	simm.s32 $0x280;
	[dreg:$0x8] =	wrdreg s0  }
0x11: {  	s12 =	simm.s32 $0x4;
	s8 =	ssub.s32 s8, s10;
	[dreg:$0xb] =	wrdreg s25  }
0x12: {  	s13 =	sadd.s32 s21, s1;
	s9 =	sadd.s32 $0x4A600, s9;
	[dreg:$0xc] =	wrdreg s7  }
0x13: {  	s24 =	sadd.s32 $0x20, s23;
	[dreg:$0x9] =	wrdreg s23;
	s0 =	sadd.s32 $0xA0, s23  }
0x14: {  	s21 =	simm.s32 $0x9;
	s23 =	simm.s32 $0x50;
	[dreg:$0x5] =	wrdreg s9  }
0x15: {  	s25 =	simm.s32 $0x100;
	s7 =	simm.s32 $0x180;
	[dreg:$0xa] =	wrdreg s24  }
.Ltmp0:
0x16: {  	s26 =	smax.u32 s8, $0x1;
	[dreg:$0xe] =	wrdreg s0;
	(pc) =	sbr.rel .LBB2_1-.Ltmp0, $4  }
0x17: {  	s9 =	sadd.s32 $0x138000, s1;
	s20 =	sshrl.u32 s13, $0x3;
	[dreg:$0xd] =	wrdreg s26  }
0x18: {  	s24 =	simm.s32 $0x400;
	s8 =	simm.s32 $0x5;
	[dreg:$0x7] =	wrdreg s9  }
0x19: {  	s0 =	sshrl.u32 @!p0 s9, $0x3;
	s26 =	simm.s32 $0x2C00;
	[dreg:$0xf] =	wrdreg s20  }
0x1a: {  	s9 =	simm.s32 $0x6;
	[dreg:$0x10] =	wrdreg s0;
	s0 =	simm.s32 $0x80  }
.LBB2_8:
0x1b: {  	s13 =	rddreg [dreg:$0x7]  }
0x1c: {  	s10 =	sadd.s32 $0x27000, s18;
	s13 =	sshrl.u32 s13, $0x3  }
0x1d: {  	[hbm:s10], [sflag:s19] =	dma.local [spmem:s13], $0x100  }
0x1e: {  	_ =	swait.ge [sflag:s21], $0x100  }
0x1f: {  	[sflag:s21] =	ssyncset.done $0x0  }
0x20: {  	[sflag:s21] =	ssyncadd.s32 $0xFFFFFF00  }
.LBB2_9:
0x21: {  	s22 =	sadd.s32 $0x1, s22;
	s10 =	rddreg [dreg:$0xd]  }
0x22: {  	p3 =	sne.s32 s22, s10  }
.Ltmp1:
0x23: {  	_ = 	snop;
	(pc) =	sbr.rel @!p3 .LBB2_10-.Ltmp1, $1  }
0x24: {  	_ =	sdelay $0x3  }
.LBB2_1:
0x25: {  	[dreg:$0x11] =	wrdreg s22  }
0x26: {  	s10 =	rddreg [dreg:$0x5]  }
0x27: {  	[spmem:s20], [sflag:s19] =	dma.local [hbm:s10], $0x2700  }
0x28: {  	_ =	swait.ge [sflag:s21], $0x2700  }
0x29: {  	[sflag:s21] =	ssyncset.done $0x0;
	s10 =	rddreg [dreg:$0x8]  }
0x2a: {  	s18 =	simm.s32 @!p0 $0x9;
	s13 =	rddreg [dreg:$0x10];
	[sflag:s21] =	ssyncadd.s32 $0xFFFFD900  }
0x2b: {  	[spmem:s13], [sflag:s19] =	dma.local @!p0 [hbm:s10], $0x100  }
0x2c: {  	_ =	swait.ge @!p0 [sflag:s18], $0x100  }
0x2d: {  	[sflag:s18] =	ssyncset.done @!p0 $0x0  }
.Ltmp2:
0x2e: {  	s22 =	rddreg [dreg:$0x9];
	[sflag:s18] =	ssyncadd.s32 @!p0 $0xFFFFFF00;
	(pc) =	sbr.rel @p1 .LBB2_5-.Ltmp2, $4  }
0x2f: {  	[tilespmem:s3], [sflag:$0x9] =	stream.linear.gather [hbm4b:s22+s3], $0x100, $0x38;
	[tilespmem:$0x1DD00] =	vst v63  }
0x30: {  	_ =	swait.ge [sflag:s21], $0x100  }
0x31: {  	[sflag:s21] =	ssyncset.done $0x0  }
0x32: {  	[sflag:s21] =	ssyncadd.s32 $0xFFFFFF00  }
0x33: {  	[tilespmem:s24], [sflag:$0x1] =	stream.indirect.gather [hbm4b:s5+s23], $0x80, s3, s23, $0xb8;
	[tilespmem:$0x1DD00] =	vst v63  }
0x34: {  	s10 =	rddreg [dreg:$0xa]  }
0x35: {  	[tilespmem:s25], [sflag:$0x9] =	stream.linear.gather [hbm4b:s10+s3], $0x100, $0x38;
	[tilespmem:$0x1DD00] =	vst v63  }
0x36: {  	_ =	swait.ge [sflag:s21], $0x100  }
0x37: {  	p3 =	por $0x1, $0x1;
	[sflag:s21] =	ssyncset.done $0x0  }
0x38: {  	s18 =	simm.s32 @!p3 $0x2;
	[sflag:s21] =	ssyncadd.s32 $0xFFFFFF00  }
0x39: {  	[tilespmem:s26], [sflag:$0x2] =	stream.indirect.gather [hbm4b:s5+s23], $0x80, s25, s23, $0xb8;
	[tilespmem:$0x1DD00] =	vst v63  }
0x3a: {  	s20 =	simm.s32 @!p3 $0x7;
	s18 =	simm.s32 @p3 $0x2;
	[bflag:$0x0] =	sbarrier.arrive $0xFFFF  }
0x3b: {  	s18 =	sadd.s32 s14, s18;
	_ =	swait.ge @!p3 [sflag:s20], $0x2800  }
0x3c: {  	s18 =	sshll.u32 s18, $0x5;
	[sflag:s20] =	ssyncset.done @!p3 $0x0  }
0x3d: {  	s18 =	sadd.s32 s4, s18;
	[sflag:s20] =	ssyncadd.s32 @!p3 $0xFFFFD800  }
0x3e: {  	[tilespmem:s29], [sflag:$0x9] =	stream.linear.gather [hbm4b:s18+s3], $0x100, $0x38;
	[tilespmem:$0x1DD00] =	vst v63  }
0x3f: {  	_ =	swait.ge [sflag:s21], $0x100  }
0x40: {  	[sflag:s21] =	ssyncset.done $0x0  }
0x41: {  	[sflag:s21] =	ssyncadd.s32 $0xFFFFFF00  }
0x42: {  	[tilespmem:s30], [sflag:$0x3] =	stream.indirect.gather [hbm4b:s5+s23], $0x80, s29, s23, $0xb8;
	[tilespmem:$0x1DD00] =	vst v63  }
0x43: {  	_ =	swait.ge [sflag:s31], $0x2800  }
0x44: {  	s18 =	simm.s32 $0x3;
	[sflag:s31] =	ssyncset.done $0x0  }
0x45: {  	s20 =	simm.s32 @!p3 $0x8;
	s18 =	simm.s32 @p3 $0x3;
	[sflag:s31] =	ssyncadd.s32 $0xFFFFD800  }
0x46: {  	[spmem:s1] =	stream.indirect.scatter.add.f32 [tilespmem:s24], [sflag:$0x5], $0x80, s0, s23, $0xb8;
	[tilespmem:$0x1DD00] =	vst v63  }
0x47: {  	s18 =	sadd.s32 s14, s18;
	_ =	swait.ge @!p3 [sflag:s20], $0x2800  }
0x48: {  	s18 =	sshll.u32 s18, $0x5;
	[sflag:s20] =	ssyncset.done @!p3 $0x0  }
0x49: {  	s18 =	sadd.s32 s4, s18;
	[sflag:s20] =	ssyncadd.s32 @!p3 $0xFFFFD800  }
0x4a: {  	[tilespmem:s16], [sflag:$0x9] =	stream.linear.gather [hbm4b:s18+s3], $0x100, $0x38;
	[tilespmem:$0x1DD00] =	vst v63  }
0x4b: {  	_ =	swait.ge [sflag:s21], $0x100  }
0x4c: {  	[sflag:s21] =	ssyncset.done $0x0  }
0x4d: {  	[sflag:s21] =	ssyncadd.s32 $0xFFFFFF00  }
0x4e: {  	[tilespmem:s17], [sflag:$0x4] =	stream.indirect.gather [hbm4b:s5+s23], $0x80, s16, s23, $0xb8;
	[tilespmem:$0x1DD00] =	vst v63  }
0x4f: {  	_ =	swait.ge [sflag:s28], $0x2800  }
0x50: {  	[sflag:s28] =	ssyncset.done $0x0  }
0x51: {  	[sflag:s28] =	ssyncadd.s32 $0xFFFFD800  }
0x52: {  	[spmem:s1] =	stream.indirect.scatter.add.f32 [tilespmem:s26], [sflag:$0x6], $0x80, s7, s23, $0xb8;
	[tilespmem:$0x1DD00] =	vst v63  }
0x53: {  	_ =	swait.ge [sflag:s8], $0x2800  }
0x54: {  	[sflag:s8] =	ssyncset.done $0x0;
	s19 =	rddreg [dreg:$0xe]  }
0x55: {  	[sflag:s8] =	ssyncadd.s32 $0xFFFFD800;
	s22 =	sadd.s32 $0xFFFFFFE0, s19  }
0x56: {  	[tilespmem:s3], [sflag:$0x9] =	stream.linear.gather [hbm4b:s22+s3], $0x100, $0x38;
	[tilespmem:$0x1DD00] =	vst v63  }
0x57: {  	_ =	swait.ge [sflag:s21], $0x100  }
0x58: {  	[sflag:s21] =	ssyncset.done $0x0  }
0x59: {  	[sflag:s21] =	ssyncadd.s32 $0xFFFFFF00  }
0x5a: {  	[tilespmem:s24], [sflag:$0x1] =	stream.indirect.gather [hbm4b:s5+s23], $0x80, s3, s23, $0xb8;
	[tilespmem:$0x1DD00] =	vst v63  }
0x5b: {  	_ =	swait.ge [sflag:s2], $0x2800  }
0x5c: {  	[sflag:s2] =	ssyncset.done $0x0  }
0x5d: {  	[sflag:s2] =	ssyncadd.s32 $0xFFFFD800  }
0x5e: {  	[spmem:s1] =	stream.indirect.scatter.add.f32 [tilespmem:s30], [sflag:$0x7], $0x80, s11, s23, $0xb8;
	[tilespmem:$0x1DD00] =	vst v63  }
0x5f: {  	_ =	swait.ge [sflag:s9], $0x2800  }
0x60: {  	[sflag:s9] =	ssyncset.done $0x0  }
0x61: {  	[sflag:s9] =	ssyncadd.s32 $0xFFFFD800  }
0x62: {  	[tilespmem:s25], [sflag:$0x9] =	stream.linear.gather [hbm4b:s19+s3], $0x100, $0x38;
	[tilespmem:$0x1DD00] =	vst v63  }
0x63: {  	_ =	swait.ge [sflag:s21], $0x100  }
0x64: {  	p4 =	por $0x0, $0x0;
	s20 =	simm.s32 $0xB;
	[sflag:s21] =	ssyncset.done $0x0  }
0x65: {  	s18 =	sadd.s32 $0x80, s19;
	s22 =	simm.s32 $0x7;
	[sflag:s21] =	ssyncadd.s32 $0xFFFFFF00  }
0x66: {  	[tilespmem:s26], [sflag:$0x2] =	stream.indirect.gather [hbm4b:s5+s23], $0x80, s25, s23, $0xb8;
	[tilespmem:$0x1DD00] =	vst v63  }
.LBB2_3:
0x67: {  	s19 =	simm.s32 @!p4 $0x7  }
0x68: {  	s10 =	sadd.s32 @!p4 $0xFFFFFFFF, s22;
	s13 =	smov.u32 s20;
	s20 =	sadd.s32 $0x4, s20  }
0x69: {  	p3 =	sne.s32 s20, $0xFB;
	s10 =	simm.s32 @p4 $0x2;
	_ =	swait.ge [sflag:s12], $0x2800  }
0x6a: {  	s10 =	sadd.s32 s14, s10;
	[sflag:s12] =	ssyncset.done $0x0  }
0x6b: {  	s10 =	sshll.u32 s10, $0x5;
	[sflag:s12] =	ssyncadd.s32 $0xFFFFD800  }
0x6c: {  	[spmem:s1] =	stream.indirect.scatter.add.f32 [tilespmem:s17], [sflag:$0x8], $0x80, s15, s23, $0xb8;
	[tilespmem:$0x1DD00] =	vst v63  }
0x6d: {  	_ =	swait.ge @!p4 [sflag:s19], $0x2800  }
0x6e: {  	[sflag:s19] =	ssyncset.done @!p4 $0x0  }
0x6f: {  	s10 =	sadd.s32 s4, s10;
	[sflag:s19] =	ssyncadd.s32 @!p4 $0xFFFFD800  }
0x70: {  	[tilespmem:s29], [sflag:$0x9] =	stream.linear.gather [hbm4b:s10+s3], $0x100, $0x38;
	[tilespmem:$0x1DD00] =	vst v63  }
0x71: {  	_ =	swait.ge [sflag:s21], $0x100  }
0x72: {  	[sflag:s21] =	ssyncset.done $0x0  }
0x73: {  	[sflag:s21] =	ssyncadd.s32 $0xFFFFFF00  }
0x74: {  	[tilespmem:s30], [sflag:$0x3] =	stream.indirect.gather [hbm4b:s5+s23], $0x80, s29, s23, $0xb8;
	[tilespmem:$0x1DD00] =	vst v63  }
0x75: {  	_ =	swait.ge [sflag:s31], $0x2800  }
0x76: {  	[sflag:s31] =	ssyncset.done $0x0  }
0x77: {  	s22 =	simm.s32 @p4 $0x3;
	s10 =	simm.s32 @!p4 $0x8;
	[sflag:s31] =	ssyncadd.s32 $0xFFFFD800  }
0x78: {  	[spmem:s1] =	stream.indirect.scatter.add.f32 [tilespmem:s24], [sflag:$0x5], $0x80, s0, s23, $0xb8;
	[tilespmem:$0x1DD00] =	vst v63  }
0x79: {  	s19 =	sadd.s32 s14, s22;
	s22 =	smov.u32 s13;
	_ =	swait.ge @!p4 [sflag:s10], $0x2800  }
0x7a: {  	s13 =	sshll.u32 s19, $0x5;
	[sflag:s10] =	ssyncset.done @!p4 $0x0  }
0x7b: {  	[sflag:s10] =	ssyncadd.s32 @!p4 $0xFFFFD800;
	s10 =	sadd.s32 s4, s13  }
0x7c: {  	[tilespmem:s16], [sflag:$0x9] =	stream.linear.gather [hbm4b:s10+s3], $0x100, $0x38;
	[tilespmem:$0x1DD00] =	vst v63  }
0x7d: {  	_ =	swait.ge [sflag:s21], $0x100  }
0x7e: {  	[sflag:s21] =	ssyncset.done $0x0  }
0x7f: {  	[sflag:s21] =	ssyncadd.s32 $0xFFFFFF00  }
0x80: {  	[tilespmem:s17], [sflag:$0x4] =	stream.indirect.gather [hbm4b:s5+s23], $0x80, s16, s23, $0xb8;
	[tilespmem:$0x1DD00] =	vst v63  }
0x81: {  	_ =	swait.ge [sflag:s28], $0x2800  }
0x82: {  	[sflag:s28] =	ssyncset.done $0x0  }
0x83: {  	[sflag:s28] =	ssyncadd.s32 $0xFFFFD800  }
0x84: {  	[spmem:s1] =	stream.indirect.scatter.add.f32 [tilespmem:s26], [sflag:$0x6], $0x80, s7, s23, $0xb8;
	[tilespmem:$0x1DD00] =	vst v63  }
0x85: {  	_ =	swait.ge [sflag:s8], $0x2800  }
0x86: {  	[sflag:s8] =	ssyncset.done $0x0  }
0x87: {  	s10 =	sadd.s32 $0xFFFFFFE0, s18;
	[sflag:s8] =	ssyncadd.s32 $0xFFFFD800  }
0x88: {  	[tilespmem:s3], [sflag:$0x9] =	stream.linear.gather [hbm4b:s10+s3], $0x100, $0x38;
	[tilespmem:$0x1DD00] =	vst v63  }
0x89: {  	_ =	swait.ge [sflag:s21], $0x100  }
0x8a: {  	[sflag:s21] =	ssyncset.done $0x0  }
0x8b: {  	[sflag:s21] =	ssyncadd.s32 $0xFFFFFF00  }
0x8c: {  	[tilespmem:s24], [sflag:$0x1] =	stream.indirect.gather [hbm4b:s5+s23], $0x80, s3, s23, $0xb8;
	[tilespmem:$0x1DD00] =	vst v63  }
0x8d: {  	_ =	swait.ge [sflag:s2], $0x2800  }
0x8e: {  	[sflag:s2] =	ssyncset.done $0x0  }
0x8f: {  	[sflag:s2] =	ssyncadd.s32 $0xFFFFD800  }
0x90: {  	[spmem:s1] =	stream.indirect.scatter.add.f32 [tilespmem:s30], [sflag:$0x7], $0x80, s11, s23, $0xb8;
	[tilespmem:$0x1DD00] =	vst v63  }
0x91: {  	_ =	swait.ge [sflag:s9], $0x2800  }
0x92: {  	[sflag:s9] =	ssyncset.done $0x0  }
0x93: {  	[sflag:s9] =	ssyncadd.s32 $0xFFFFD800  }
0x94: {  	[tilespmem:s25], [sflag:$0x9] =	stream.linear.gather [hbm4b:s18+s3], $0x100, $0x38;
	[tilespmem:$0x1DD00] =	vst v63  }
.Ltmp3:
0x95: {  	_ = 	snop;
	(pc) =	sbr.rel @p3 .LBB2_3-.Ltmp3, $4  }
0x96: {  	_ =	swait.ge [sflag:s21], $0x100  }
0x97: {  	[sflag:s21] =	ssyncset.done $0x0  }
0x98: {  	p4 =	seq.s32 s22, $0x3;
	s18 =	sadd.s32 $0x80, s18;
	[sflag:s21] =	ssyncadd.s32 $0xFFFFFF00  }
0x99: {  	[tilespmem:s26], [sflag:$0x2] =	stream.indirect.gather [hbm4b:s5+s23], $0x80, s25, s23, $0xb8;
	[tilespmem:$0x1DD00] =	vst v63  }
0x9a: {  	_ =	swait.ge [sflag:s12], $0x2800  }
0x9b: {  	s10 =	sadd.s32 @!p4 $0xFFFFFFFF, s22;
	[sflag:s12] =	ssyncset.done $0x0  }
0x9c: {  	s13 =	simm.s32 @!p4 $0x7;
	s10 =	simm.s32 @p4 $0x2;
	[sflag:s12] =	ssyncadd.s32 $0xFFFFD800  }
0x9d: {  	[spmem:s1] =	stream.indirect.scatter.add.f32 [tilespmem:s17], [sflag:$0x8], $0x80, s15, s23, $0xb8;
	[tilespmem:$0x1DD00] =	vst v63  }
0x9e: {  	s10 =	sadd.s32 s14, s10;
	_ =	swait.ge @!p4 [sflag:s13], $0x2800  }
0x9f: {  	s10 =	sshll.u32 s10, $0x5;
	[sflag:s13] =	ssyncset.done @!p4 $0x0  }
0xa0: {  	s10 =	sadd.s32 s4, s10;
	[sflag:s13] =	ssyncadd.s32 @!p4 $0xFFFFD800  }
0xa1: {  	[tilespmem:s29], [sflag:$0x9] =	stream.linear.gather [hbm4b:s10+s3], $0x100, $0x38;
	[tilespmem:$0x1DD00] =	vst v63  }
0xa2: {  	_ =	swait.ge [sflag:s21], $0x100  }
0xa3: {  	[sflag:s21] =	ssyncset.done $0x0  }
0xa4: {  	[sflag:s21] =	ssyncadd.s32 $0xFFFFFF00  }
0xa5: {  	[tilespmem:s30], [sflag:$0x3] =	stream.indirect.gather [hbm4b:s5+s23], $0x80, s29, s23, $0xb8;
	[tilespmem:$0x1DD00] =	vst v63  }
0xa6: {  	_ =	swait.ge [sflag:s31], $0x2800  }
0xa7: {  	[sflag:s31] =	ssyncset.done $0x0  }
0xa8: {  	s22 =	simm.s32 @p4 $0x3;
	s10 =	simm.s32 @!p4 $0x8;
	[sflag:s31] =	ssyncadd.s32 $0xFFFFD800  }
0xa9: {  	[spmem:s1] =	stream.indirect.scatter.add.f32 [tilespmem:s24], [sflag:$0x5], $0x80, s0, s23, $0xb8;
	[tilespmem:$0x1DD00] =	vst v63  }
0xaa: {  	s20 =	sadd.s32 s14, s22;
	_ =	swait.ge @!p4 [sflag:s10], $0x2800  }
0xab: {  	s13 =	sshll.u32 s20, $0x5;
	[sflag:s10] =	ssyncset.done @!p4 $0x0  }
0xac: {  	s22 =	sadd.s32 s4, s13;
	[sflag:s10] =	ssyncadd.s32 @!p4 $0xFFFFD800  }
0xad: {  	[tilespmem:s16], [sflag:$0x9] =	stream.linear.gather [hbm4b:s22+s3], $0x100, $0x38;
	[tilespmem:$0x1DD00] =	vst v63  }
0xae: {  	_ =	swait.ge [sflag:s21], $0x100  }
0xaf: {  	[sflag:s21] =	ssyncset.done $0x0  }
0xb0: {  	[sflag:s21] =	ssyncadd.s32 $0xFFFFFF00  }
0xb1: {  	[tilespmem:s17], [sflag:$0x4] =	stream.indirect.gather [hbm4b:s5+s23], $0x80, s16, s23, $0xb8;
	[tilespmem:$0x1DD00] =	vst v63  }
0xb2: {  	_ =	swait.ge [sflag:s28], $0x2800  }
0xb3: {  	[sflag:s28] =	ssyncset.done $0x0  }
0xb4: {  	[sflag:s28] =	ssyncadd.s32 $0xFFFFD800  }
0xb5: {  	[spmem:s1] =	stream.indirect.scatter.add.f32 [tilespmem:s26], [sflag:$0x6], $0x80, s7, s23, $0xb8;
	[tilespmem:$0x1DD00] =	vst v63  }
0xb6: {  	_ =	swait.ge [sflag:s8], $0x2800  }
0xb7: {  	[sflag:s8] =	ssyncset.done $0x0  }
0xb8: {  	s13 =	sadd.s32 $0xFFFFFFE0, s18;
	[sflag:s8] =	ssyncadd.s32 $0xFFFFD800  }
0xb9: {  	[tilespmem:s3], [sflag:$0x9] =	stream.linear.gather [hbm4b:s13+s3], $0x100, $0x38;
	[tilespmem:$0x1DD00] =	vst v63  }
0xba: {  	_ =	swait.ge [sflag:s21], $0x100  }
0xbb: {  	[sflag:s21] =	ssyncset.done $0x0  }
0xbc: {  	[sflag:s21] =	ssyncadd.s32 $0xFFFFFF00  }
0xbd: {  	[tilespmem:s24], [sflag:$0x1] =	stream.indirect.gather [hbm4b:s5+s23], $0x80, s3, s23, $0xb8;
	[tilespmem:$0x1DD00] =	vst v63  }
0xbe: {  	_ =	swait.ge [sflag:s2], $0x2800  }
0xbf: {  	[sflag:s2] =	ssyncset.done $0x0  }
0xc0: {  	[sflag:s2] =	ssyncadd.s32 $0xFFFFD800  }
0xc1: {  	[spmem:s1] =	stream.indirect.scatter.add.f32 [tilespmem:s30], [sflag:$0x7], $0x80, s11, s23, $0xb8;
	[tilespmem:$0x1DD00] =	vst v63  }
0xc2: {  	_ =	swait.ge [sflag:s9], $0x2800  }
0xc3: {  	[sflag:s9] =	ssyncset.done $0x0  }
0xc4: {  	[sflag:s9] =	ssyncadd.s32 $0xFFFFD800  }
0xc5: {  	[tilespmem:s25], [sflag:$0x9] =	stream.linear.gather [hbm4b:s18+s3], $0x100, $0x38;
	[tilespmem:$0x1DD00] =	vst v63  }
0xc6: {  	_ =	swait.ge [sflag:s21], $0x100  }
0xc7: {  	[sflag:s21] =	ssyncset.done $0x0  }
0xc8: {  	[sflag:s21] =	ssyncadd.s32 $0xFFFFFF00  }
0xc9: {  	[tilespmem:s26], [sflag:$0x2] =	stream.indirect.gather [hbm4b:s5+s23], $0x80, s25, s23, $0xb8;
	[tilespmem:$0x1DD00] =	vst v63  }
0xca: {  	_ =	swait.ge [sflag:s12], $0x2800  }
0xcb: {  	[sflag:s12] =	ssyncset.done $0x0  }
0xcc: {  	s19 =	simm.s32 $0x7;
	[sflag:s12] =	ssyncadd.s32 $0xFFFFD800  }
0xcd: {  	[spmem:s1] =	stream.indirect.scatter.add.f32 [tilespmem:s17], [sflag:$0x8], $0x80, s15, s23, $0xb8;
	[tilespmem:$0x1DD00] =	vst v63  }
0xce: {  	_ =	swait.ge [sflag:s19], $0x2800  }
0xcf: {  	[sflag:s19] =	ssyncset.done $0x0  }
0xd0: {  	[sflag:s19] =	ssyncadd.s32 $0xFFFFD800  }
0xd1: {  	_ =	swait.ge [sflag:s31], $0x2800  }
0xd2: {  	[sflag:s31] =	ssyncset.done $0x0  }
0xd3: {  	s20 =	simm.s32 $0x8;
	[sflag:s31] =	ssyncadd.s32 $0xFFFFD800  }
0xd4: {  	[spmem:s1] =	stream.indirect.scatter.add.f32 [tilespmem:s24], [sflag:$0x5], $0x80, s0, s23, $0xb8;
	[tilespmem:$0x1DD00] =	vst v63  }
0xd5: {  	_ =	swait.ge [sflag:s20], $0x2800  }
0xd6: {  	[sflag:s20] =	ssyncset.done $0x0  }
0xd7: {  	[sflag:s20] =	ssyncadd.s32 $0xFFFFD800  }
0xd8: {  	_ =	swait.ge [sflag:s28], $0x2800  }
0xd9: {  	[sflag:s28] =	ssyncset.done $0x0  }
0xda: {  	[sflag:s28] =	ssyncadd.s32 $0xFFFFD800  }
0xdb: {  	[spmem:s1] =	stream.indirect.scatter.add.f32 [tilespmem:s26], [sflag:$0x6], $0x80, s7, s23, $0xb8;
	[tilespmem:$0x1DD00] =	vst v63  }
0xdc: {  	_ =	swait.ge [sflag:s8], $0x2800  }
0xdd: {  	[sflag:s8] =	ssyncset.done $0x0  }
0xde: {  	[sflag:s8] =	ssyncadd.s32 $0xFFFFD800  }
0xdf: {  	_ =	swait.ge [sflag:s9], $0x2800  }
0xe0: {  	[sflag:s9] =	ssyncset.done $0x0  }
0xe1: {  	[sflag:s9] =	ssyncadd.s32 $0xFFFFD800  }
0xe2: {  	[bflag:$0x0] =	sbarrier.arrive $0xFFFF  }
0xe3: {  	s19 =	rddreg [dreg:$0x6]  }
0xe4: {  	s22 =	rddreg [dreg:$0xc]  }
0xe5: {  	s20 =	rddreg [dreg:$0xf]  }
0xe6: {  	[hbm:s22], [sflag:s19] =	dma.local [spmem:s20], $0x2700  }
.Ltmp4:
0xe7: {  	_ = 	snop;
	(pc) =	sbr.rel @p2 .LBB2_8-.Ltmp4, $4  }
.Ltmp5:
0xe8: {  	_ = 	snop;
	(pc) =	sbr.rel @!p2 .LBB2_9-.Ltmp5, $4  }
0xe9: {  	_ =	swait.ge [sflag:s21], $0x2700  }
0xea: {  	[sflag:s21] =	ssyncset.done $0x0;
	s18 =	rddreg [dreg:$0x3]  }
0xeb: {  	s22 =	rddreg [dreg:$0x11];
	[sflag:s21] =	ssyncadd.s32 $0xFFFFD900  }
0xec: {  	_ = 	snop  }
.LBB2_5:
0xed: {  	[tilespmem:s24], [sflag:$0x1] =	stream.indirect.gather [hbm4b:s6+s23], $0x80, s3, s23, $0xb8;
	[tilespmem:$0x1DD00] =	vst v63  }
0xee: {  	s10 =	rddreg [dreg:$0xa]  }
0xef: {  	[tilespmem:s25], [sflag:$0x9] =	stream.linear.gather [hbm4b:s10+s3], $0x100, $0x38;
	[tilespmem:$0x1DD00] =	vst v63  }
0xf0: {  	_ =	swait.ge [sflag:s21], $0x100  }
0xf1: {  	p3 =	por $0x1, $0x1;
	[sflag:s21] =	ssyncset.done $0x0  }
0xf2: {  	s10 =	simm.s32 @!p3 $0x2;
	[sflag:s21] =	ssyncadd.s32 $0xFFFFFF00  }
0xf3: {  	[tilespmem:s26], [sflag:$0x2] =	stream.indirect.gather [hbm4b:s6+s23], $0x80, s25, s23, $0xb8;
	[tilespmem:$0x1DD00] =	vst v63  }
0xf4: {  	s13 =	simm.s32 @!p3 $0x7;
	s10 =	simm.s32 @p3 $0x2;
	[bflag:$0x0] =	sbarrier.arrive $0xFFFF  }
0xf5: {  	s10 =	sadd.s32 s14, s10;
	_ =	swait.ge @!p3 [sflag:s13], $0x2800  }
0xf6: {  	s10 =	sshll.u32 s10, $0x5;
	[sflag:s13] =	ssyncset.done @!p3 $0x0  }
0xf7: {  	s10 =	sadd.s32 s4, s10;
	[sflag:s13] =	ssyncadd.s32 @!p3 $0xFFFFD800  }
0xf8: {  	[tilespmem:s29], [sflag:$0x9] =	stream.linear.gather [hbm4b:s10+s3], $0x100, $0x38;
	[tilespmem:$0x1DD00] =	vst v63  }
0xf9: {  	_ =	swait.ge [sflag:s21], $0x100  }
0xfa: {  	[sflag:s21] =	ssyncset.done $0x0  }
0xfb: {  	[sflag:s21] =	ssyncadd.s32 $0xFFFFFF00  }
0xfc: {  	[tilespmem:s30], [sflag:$0x3] =	stream.indirect.gather [hbm4b:s6+s23], $0x80, s29, s23, $0xb8;
	[tilespmem:$0x1DD00] =	vst v63  }
0xfd: {  	_ =	swait.ge [sflag:s31], $0x2800  }
0xfe: {  	s10 =	simm.s32 $0x3;
	[sflag:s31] =	ssyncset.done $0x0  }
0xff: {  	s13 =	simm.s32 @!p3 $0x8;
	s10 =	simm.s32 @p3 $0x3;
	[sflag:s31] =	ssyncadd.s32 $0xFFFFD800  }
0x100: {  	[spmem:s1] =	stream.indirect.scatter.add.f32 [tilespmem:s24], [sflag:$0x5], $0x80, s0, s23, $0xb8;
	[tilespmem:$0x1DD00] =	vst v63  }
0x101: {  	s10 =	sadd.s32 s14, s10;
	_ =	swait.ge @!p3 [sflag:s13], $0x2800  }
0x102: {  	s10 =	sshll.u32 s10, $0x5;
	[sflag:s13] =	ssyncset.done @!p3 $0x0  }
0x103: {  	s10 =	sadd.s32 s4, s10;
	[sflag:s13] =	ssyncadd.s32 @!p3 $0xFFFFD800  }
0x104: {  	[tilespmem:s16], [sflag:$0x9] =	stream.linear.gather [hbm4b:s10+s3], $0x100, $0x38;
	[tilespmem:$0x1DD00] =	vst v63  }
0x105: {  	_ =	swait.ge [sflag:s21], $0x100  }
0x106: {  	[sflag:s21] =	ssyncset.done $0x0  }
0x107: {  	[sflag:s21] =	ssyncadd.s32 $0xFFFFFF00  }
0x108: {  	[tilespmem:s17], [sflag:$0x4] =	stream.indirect.gather [hbm4b:s6+s23], $0x80, s16, s23, $0xb8;
	[tilespmem:$0x1DD00] =	vst v63  }
0x109: {  	_ =	swait.ge [sflag:s28], $0x2800  }
0x10a: {  	[sflag:s28] =	ssyncset.done $0x0  }
0x10b: {  	[sflag:s28] =	ssyncadd.s32 $0xFFFFD800  }
0x10c: {  	[spmem:s1] =	stream.indirect.scatter.add.f32 [tilespmem:s26], [sflag:$0x6], $0x80, s7, s23, $0xb8;
	[tilespmem:$0x1DD00] =	vst v63  }
0x10d: {  	_ =	swait.ge [sflag:s8], $0x2800  }
0x10e: {  	[sflag:s8] =	ssyncset.done $0x0;
	s19 =	rddreg [dreg:$0xe]  }
0x10f: {  	[sflag:s8] =	ssyncadd.s32 $0xFFFFD800;
	s22 =	sadd.s32 $0xFFFFFFE0, s19  }
0x110: {  	[tilespmem:s3], [sflag:$0x9] =	stream.linear.gather [hbm4b:s22+s3], $0x100, $0x38;
	[tilespmem:$0x1DD00] =	vst v63  }
0x111: {  	_ =	swait.ge [sflag:s21], $0x100  }
0x112: {  	[sflag:s21] =	ssyncset.done $0x0  }
0x113: {  	[sflag:s21] =	ssyncadd.s32 $0xFFFFFF00  }
0x114: {  	[tilespmem:s24], [sflag:$0x1] =	stream.indirect.gather [hbm4b:s6+s23], $0x80, s3, s23, $0xb8;
	[tilespmem:$0x1DD00] =	vst v63  }
0x115: {  	_ =	swait.ge [sflag:s2], $0x2800  }
0x116: {  	[sflag:s2] =	ssyncset.done $0x0  }
0x117: {  	[sflag:s2] =	ssyncadd.s32 $0xFFFFD800  }
0x118: {  	[spmem:s1] =	stream.indirect.scatter.add.f32 [tilespmem:s30], [sflag:$0x7], $0x80, s11, s23, $0xb8;
	[tilespmem:$0x1DD00] =	vst v63  }
0x119: {  	_ =	swait.ge [sflag:s9], $0x2800  }
0x11a: {  	[sflag:s9] =	ssyncset.done $0x0  }
0x11b: {  	[sflag:s9] =	ssyncadd.s32 $0xFFFFD800  }
0x11c: {  	[tilespmem:s25], [sflag:$0x9] =	stream.linear.gather [hbm4b:s19+s3], $0x100, $0x38;
	[tilespmem:$0x1DD00] =	vst v63  }
0x11d: {  	_ =	swait.ge [sflag:s21], $0x100  }
0x11e: {  	s20 =	simm.s32 $0xB;
	p4 =	por $0x0, $0x0;
	[sflag:s21] =	ssyncset.done $0x0  }
0x11f: {  	s18 =	sadd.s32 $0x80, s19;
	s22 =	simm.s32 $0x7;
	[sflag:s21] =	ssyncadd.s32 $0xFFFFFF00  }
0x120: {  	[tilespmem:s26], [sflag:$0x2] =	stream.indirect.gather [hbm4b:s6+s23], $0x80, s25, s23, $0xb8;
	[tilespmem:$0x1DD00] =	vst v63  }
.LBB2_6:
0x121: {  	s10 =	simm.s32 @!p4 $0x7  }
0x122: {  	s13 =	sadd.s32 @!p4 $0xFFFFFFFF, s22;
	s19 =	smov.u32 s20;
	s20 =	sadd.s32 $0x4, s20  }
0x123: {  	p3 =	sne.s32 s20, $0xFB;
	s13 =	simm.s32 @p4 $0x2;
	_ =	swait.ge [sflag:s12], $0x2800  }
0x124: {  	s13 =	sadd.s32 s14, s13;
	[sflag:s12] =	ssyncset.done $0x0  }
0x125: {  	s13 =	sshll.u32 s13, $0x5;
	[sflag:s12] =	ssyncadd.s32 $0xFFFFD800  }
0x126: {  	[spmem:s1] =	stream.indirect.scatter.add.f32 [tilespmem:s17], [sflag:$0x8], $0x80, s15, s23, $0xb8;
	[tilespmem:$0x1DD00] =	vst v63  }
0x127: {  	_ =	swait.ge @!p4 [sflag:s10], $0x2800  }
0x128: {  	[sflag:s10] =	ssyncset.done @!p4 $0x0  }
0x129: {  	[sflag:s10] =	ssyncadd.s32 @!p4 $0xFFFFD800;
	s10 =	sadd.s32 s4, s13  }
0x12a: {  	[tilespmem:s29], [sflag:$0x9] =	stream.linear.gather [hbm4b:s10+s3], $0x100, $0x38;
	[tilespmem:$0x1DD00] =	vst v63  }
0x12b: {  	_ =	swait.ge [sflag:s21], $0x100  }
0x12c: {  	[sflag:s21] =	ssyncset.done $0x0  }
0x12d: {  	[sflag:s21] =	ssyncadd.s32 $0xFFFFFF00  }
0x12e: {  	[tilespmem:s30], [sflag:$0x3] =	stream.indirect.gather [hbm4b:s6+s23], $0x80, s29, s23, $0xb8;
	[tilespmem:$0x1DD00] =	vst v63  }
0x12f: {  	_ =	swait.ge [sflag:s31], $0x2800  }
0x130: {  	[sflag:s31] =	ssyncset.done $0x0  }
0x131: {  	s22 =	simm.s32 @p4 $0x3;
	s10 =	simm.s32 @!p4 $0x8;
	[sflag:s31] =	ssyncadd.s32 $0xFFFFD800  }
0x132: {  	[spmem:s1] =	stream.indirect.scatter.add.f32 [tilespmem:s24], [sflag:$0x5], $0x80, s0, s23, $0xb8;
	[tilespmem:$0x1DD00] =	vst v63  }
0x133: {  	s13 =	sadd.s32 s14, s22;
	s22 =	smov.u32 s19;
	_ =	swait.ge @!p4 [sflag:s10], $0x2800  }
0x134: {  	s13 =	sshll.u32 s13, $0x5;
	[sflag:s10] =	ssyncset.done @!p4 $0x0  }
0x135: {  	[sflag:s10] =	ssyncadd.s32 @!p4 $0xFFFFD800;
	s10 =	sadd.s32 s4, s13  }
0x136: {  	[tilespmem:s16], [sflag:$0x9] =	stream.linear.gather [hbm4b:s10+s3], $0x100, $0x38;
	[tilespmem:$0x1DD00] =	vst v63  }
0x137: {  	_ =	swait.ge [sflag:s21], $0x100  }
0x138: {  	[sflag:s21] =	ssyncset.done $0x0  }
0x139: {  	[sflag:s21] =	ssyncadd.s32 $0xFFFFFF00  }
0x13a: {  	[tilespmem:s17], [sflag:$0x4] =	stream.indirect.gather [hbm4b:s6+s23], $0x80, s16, s23, $0xb8;
	[tilespmem:$0x1DD00] =	vst v63  }
0x13b: {  	_ =	swait.ge [sflag:s28], $0x2800  }
0x13c: {  	[sflag:s28] =	ssyncset.done $0x0  }
0x13d: {  	[sflag:s28] =	ssyncadd.s32 $0xFFFFD800  }
0x13e: {  	[spmem:s1] =	stream.indirect.scatter.add.f32 [tilespmem:s26], [sflag:$0x6], $0x80, s7, s23, $0xb8;
	[tilespmem:$0x1DD00] =	vst v63  }
0x13f: {  	_ =	swait.ge [sflag:s8], $0x2800  }
0x140: {  	[sflag:s8] =	ssyncset.done $0x0  }
0x141: {  	s10 =	sadd.s32 $0xFFFFFFE0, s18;
	[sflag:s8] =	ssyncadd.s32 $0xFFFFD800  }
0x142: {  	[tilespmem:s3], [sflag:$0x9] =	stream.linear.gather [hbm4b:s10+s3], $0x100, $0x38;
	[tilespmem:$0x1DD00] =	vst v63  }
0x143: {  	_ =	swait.ge [sflag:s21], $0x100  }
0x144: {  	[sflag:s21] =	ssyncset.done $0x0  }
0x145: {  	[sflag:s21] =	ssyncadd.s32 $0xFFFFFF00  }
0x146: {  	[tilespmem:s24], [sflag:$0x1] =	stream.indirect.gather [hbm4b:s6+s23], $0x80, s3, s23, $0xb8;
	[tilespmem:$0x1DD00] =	vst v63  }
0x147: {  	_ =	swait.ge [sflag:s2], $0x2800  }
0x148: {  	[sflag:s2] =	ssyncset.done $0x0  }
0x149: {  	[sflag:s2] =	ssyncadd.s32 $0xFFFFD800  }
0x14a: {  	[spmem:s1] =	stream.indirect.scatter.add.f32 [tilespmem:s30], [sflag:$0x7], $0x80, s11, s23, $0xb8;
	[tilespmem:$0x1DD00] =	vst v63  }
0x14b: {  	_ =	swait.ge [sflag:s9], $0x2800  }
0x14c: {  	[sflag:s9] =	ssyncset.done $0x0  }
0x14d: {  	[sflag:s9] =	ssyncadd.s32 $0xFFFFD800  }
0x14e: {  	[tilespmem:s25], [sflag:$0x9] =	stream.linear.gather [hbm4b:s18+s3], $0x100, $0x38;
	[tilespmem:$0x1DD00] =	vst v63  }
.Ltmp6:
0x14f: {  	_ = 	snop;
	(pc) =	sbr.rel @p3 .LBB2_6-.Ltmp6, $4  }
0x150: {  	_ =	swait.ge [sflag:s21], $0x100  }
0x151: {  	[sflag:s21] =	ssyncset.done $0x0  }
0x152: {  	p4 =	seq.s32 s22, $0x3;
	s18 =	sadd.s32 $0x80, s18;
	[sflag:s21] =	ssyncadd.s32 $0xFFFFFF00  }
0x153: {  	[tilespmem:s26], [sflag:$0x2] =	stream.indirect.gather [hbm4b:s6+s23], $0x80, s25, s23, $0xb8;
	[tilespmem:$0x1DD00] =	vst v63  }
0x154: {  	_ =	swait.ge [sflag:s12], $0x2800  }
0x155: {  	s10 =	sadd.s32 @!p4 $0xFFFFFFFF, s22;
	[sflag:s12] =	ssyncset.done $0x0  }
0x156: {  	s13 =	simm.s32 @!p4 $0x7;
	s10 =	simm.s32 @p4 $0x2;
	[sflag:s12] =	ssyncadd.s32 $0xFFFFD800  }
0x157: {  	[spmem:s1] =	stream.indirect.scatter.add.f32 [tilespmem:s17], [sflag:$0x8], $0x80, s15, s23, $0xb8;
	[tilespmem:$0x1DD00] =	vst v63  }
0x158: {  	s10 =	sadd.s32 s14, s10;
	_ =	swait.ge @!p4 [sflag:s13], $0x2800  }
0x159: {  	s10 =	sshll.u32 s10, $0x5;
	[sflag:s13] =	ssyncset.done @!p4 $0x0  }
0x15a: {  	s10 =	sadd.s32 s4, s10;
	[sflag:s13] =	ssyncadd.s32 @!p4 $0xFFFFD800  }
0x15b: {  	[tilespmem:s29], [sflag:$0x9] =	stream.linear.gather [hbm4b:s10+s3], $0x100, $0x38;
	[tilespmem:$0x1DD00] =	vst v63  }
0x15c: {  	_ =	swait.ge [sflag:s21], $0x100  }
0x15d: {  	[sflag:s21] =	ssyncset.done $0x0  }
0x15e: {  	[sflag:s21] =	ssyncadd.s32 $0xFFFFFF00  }
0x15f: {  	[tilespmem:s30], [sflag:$0x3] =	stream.indirect.gather [hbm4b:s6+s23], $0x80, s29, s23, $0xb8;
	[tilespmem:$0x1DD00] =	vst v63  }
0x160: {  	_ =	swait.ge [sflag:s31], $0x2800  }
0x161: {  	[sflag:s31] =	ssyncset.done $0x0  }
0x162: {  	s22 =	simm.s32 @p4 $0x3;
	s10 =	simm.s32 @!p4 $0x8;
	[sflag:s31] =	ssyncadd.s32 $0xFFFFD800  }
0x163: {  	[spmem:s1] =	stream.indirect.scatter.add.f32 [tilespmem:s24], [sflag:$0x5], $0x80, s0, s23, $0xb8;
	[tilespmem:$0x1DD00] =	vst v63  }
0x164: {  	s20 =	sadd.s32 s14, s22;
	_ =	swait.ge @!p4 [sflag:s10], $0x2800  }
0x165: {  	s13 =	sshll.u32 s20, $0x5;
	[sflag:s10] =	ssyncset.done @!p4 $0x0  }
0x166: {  	s22 =	sadd.s32 s4, s13;
	[sflag:s10] =	ssyncadd.s32 @!p4 $0xFFFFD800  }
0x167: {  	[tilespmem:s16], [sflag:$0x9] =	stream.linear.gather [hbm4b:s22+s3], $0x100, $0x38;
	[tilespmem:$0x1DD00] =	vst v63  }
0x168: {  	_ =	swait.ge [sflag:s21], $0x100  }
0x169: {  	[sflag:s21] =	ssyncset.done $0x0  }
0x16a: {  	[sflag:s21] =	ssyncadd.s32 $0xFFFFFF00  }
0x16b: {  	[tilespmem:s17], [sflag:$0x4] =	stream.indirect.gather [hbm4b:s6+s23], $0x80, s16, s23, $0xb8;
	[tilespmem:$0x1DD00] =	vst v63  }
0x16c: {  	_ =	swait.ge [sflag:s28], $0x2800  }
0x16d: {  	[sflag:s28] =	ssyncset.done $0x0  }
0x16e: {  	[sflag:s28] =	ssyncadd.s32 $0xFFFFD800  }
0x16f: {  	[spmem:s1] =	stream.indirect.scatter.add.f32 [tilespmem:s26], [sflag:$0x6], $0x80, s7, s23, $0xb8;
	[tilespmem:$0x1DD00] =	vst v63  }
0x170: {  	_ =	swait.ge [sflag:s8], $0x2800  }
0x171: {  	[sflag:s8] =	ssyncset.done $0x0  }
0x172: {  	s13 =	sadd.s32 $0xFFFFFFE0, s18;
	[sflag:s8] =	ssyncadd.s32 $0xFFFFD800  }
0x173: {  	[tilespmem:s3], [sflag:$0x9] =	stream.linear.gather [hbm4b:s13+s3], $0x100, $0x38;
	[tilespmem:$0x1DD00] =	vst v63  }
0x174: {  	_ =	swait.ge [sflag:s21], $0x100  }
0x175: {  	[sflag:s21] =	ssyncset.done $0x0  }
0x176: {  	[sflag:s21] =	ssyncadd.s32 $0xFFFFFF00  }
0x177: {  	[tilespmem:s24], [sflag:$0x1] =	stream.indirect.gather [hbm4b:s6+s23], $0x80, s3, s23, $0xb8;
	[tilespmem:$0x1DD00] =	vst v63  }
0x178: {  	_ =	swait.ge [sflag:s2], $0x2800  }
0x179: {  	[sflag:s2] =	ssyncset.done $0x0  }
0x17a: {  	[sflag:s2] =	ssyncadd.s32 $0xFFFFD800  }
0x17b: {  	[spmem:s1] =	stream.indirect.scatter.add.f32 [tilespmem:s30], [sflag:$0x7], $0x80, s11, s23, $0xb8;
	[tilespmem:$0x1DD00] =	vst v63  }
0x17c: {  	_ =	swait.ge [sflag:s9], $0x2800  }
0x17d: {  	[sflag:s9] =	ssyncset.done $0x0  }
0x17e: {  	[sflag:s9] =	ssyncadd.s32 $0xFFFFD800  }
0x17f: {  	[tilespmem:s25], [sflag:$0x9] =	stream.linear.gather [hbm4b:s18+s3], $0x100, $0x38;
	[tilespmem:$0x1DD00] =	vst v63  }
0x180: {  	_ =	swait.ge [sflag:s21], $0x100  }
0x181: {  	[sflag:s21] =	ssyncset.done $0x0  }
0x182: {  	[sflag:s21] =	ssyncadd.s32 $0xFFFFFF00  }
0x183: {  	[tilespmem:s26], [sflag:$0x2] =	stream.indirect.gather [hbm4b:s6+s23], $0x80, s25, s23, $0xb8;
	[tilespmem:$0x1DD00] =	vst v63  }
0x184: {  	_ =	swait.ge [sflag:s12], $0x2800  }
0x185: {  	[sflag:s12] =	ssyncset.done $0x0  }
0x186: {  	s19 =	simm.s32 $0x7;
	[sflag:s12] =	ssyncadd.s32 $0xFFFFD800  }
0x187: {  	[spmem:s1] =	stream.indirect.scatter.add.f32 [tilespmem:s17], [sflag:$0x8], $0x80, s15, s23, $0xb8;
	[tilespmem:$0x1DD00] =	vst v63  }
0x188: {  	_ =	swait.ge [sflag:s19], $0x2800  }
0x189: {  	[sflag:s19] =	ssyncset.done $0x0  }
0x18a: {  	[sflag:s19] =	ssyncadd.s32 $0xFFFFD800  }
0x18b: {  	_ =	swait.ge [sflag:s31], $0x2800  }
0x18c: {  	[sflag:s31] =	ssyncset.done $0x0  }
0x18d: {  	s20 =	simm.s32 $0x8;
	[sflag:s31] =	ssyncadd.s32 $0xFFFFD800  }
0x18e: {  	[spmem:s1] =	stream.indirect.scatter.add.f32 [tilespmem:s24], [sflag:$0x5], $0x80, s0, s23, $0xb8;
	[tilespmem:$0x1DD00] =	vst v63  }
0x18f: {  	_ =	swait.ge [sflag:s20], $0x2800  }
0x190: {  	[sflag:s20] =	ssyncset.done $0x0  }
0x191: {  	[sflag:s20] =	ssyncadd.s32 $0xFFFFD800  }
0x192: {  	_ =	swait.ge [sflag:s28], $0x2800  }
0x193: {  	[sflag:s28] =	ssyncset.done $0x0  }
0x194: {  	[sflag:s28] =	ssyncadd.s32 $0xFFFFD800  }
0x195: {  	[spmem:s1] =	stream.indirect.scatter.add.f32 [tilespmem:s26], [sflag:$0x6], $0x80, s7, s23, $0xb8;
	[tilespmem:$0x1DD00] =	vst v63  }
0x196: {  	_ =	swait.ge [sflag:s8], $0x2800  }
0x197: {  	[sflag:s8] =	ssyncset.done $0x0  }
0x198: {  	[sflag:s8] =	ssyncadd.s32 $0xFFFFD800  }
0x199: {  	_ =	swait.ge [sflag:s9], $0x2800  }
0x19a: {  	[sflag:s9] =	ssyncset.done $0x0  }
0x19b: {  	[sflag:s9] =	ssyncadd.s32 $0xFFFFD800  }
0x19c: {  	[bflag:$0x0] =	sbarrier.arrive $0xFFFF  }
0x19d: {  	s19 =	rddreg [dreg:$0x6]  }
0x19e: {  	s22 =	rddreg [dreg:$0xb]  }
0x19f: {  	s20 =	rddreg [dreg:$0xf]  }
0x1a0: {  	[hbm:s22], [sflag:s19] =	dma.local [spmem:s20], $0x2700  }
.Ltmp7:
0x1a1: {  	_ = 	snop;
	(pc) =	sbr.rel @p0 .LBB2_9-.Ltmp7, $4  }
.Ltmp8:
0x1a2: {  	_ = 	snop;
	(pc) =	sbr.rel @!p0 .LBB2_8-.Ltmp8, $4  }
0x1a3: {  	_ =	swait.ge [sflag:s21], $0x2700  }
0x1a4: {  	[sflag:s21] =	ssyncset.done $0x0;
	s18 =	rddreg [dreg:$0x4]  }
0x1a5: {  	s22 =	rddreg [dreg:$0x11];
	[sflag:s21] =	ssyncadd.s32 $0xFFFFD900  }
0x1a6: {  	_ = 	snop  }
.LBB2_10:
0x1a7: {  	_ =	sfence.sel $0x180000  }
0x1a8: {  	[bflag:$0x0] =	sbarrier.arrive $0xFFFF  }
0x1a9: {  	_ =	strace $0x9000004D  }
0x1aa: {  	s0 =	stileid.u32;
	[bflag:$0x2] =	sbarrier.arrive $0xFFFF  }
0x1ab: {  	p0 =	sne.s32 s0, $0x0;
	s0 =	rddreg [dreg:$0x2]  }
0x1ac: {  	s0 =	sadd.s32 @!p0 $0x100000, s0  }
0x1ad: {  	[sflag:s0] =	ssyncadd.tile.s32 @!p0 $0x1;
	_ =	shalt  }
.Lfunc_end2:
_tile_overlayer_lowered:
.L_overlay_start_2:
0x1ae: {  	(tag) =	ssettag $0x2  }
0x1af: {  	s0 =	rddreg [dreg:$0x0];
	s2 =	stileid.u32  }
0x1b0: {  	s1 =	rddreg [dreg:$0x1];
	p0 =	sne.s32 s2, $0x0  }
0x1b1: {  	s3 =	rddreg [dreg:$0x2];
	[bflag:$0x3] =	sbarrier.arrive $0xFFFF;
	s2 =	simm.s32 @!p0 $0x1C09  }
0x1b2: {  	[timem:s3], [sflag:s2] =	dma.local @!p0 [hbm:s0], s1  }
0x1b3: {  	s0 =	simm.s32 @!p0 $0x9  }
0x1b4: {  	_ =	swait.ge @!p0 [sflag:s0], s1  }
0x1b5: {  	s1 =	ssub.s32 @!p0 $0x0, s1;
	[sflag:s0] =	ssyncset.done @!p0 $0x0  }
0x1b6: {  	[sflag:s0] =	ssyncadd.s32 @!p0 s1  }
0x1b7: {  	[bflag:$0x3] =	sbarrier.arrive $0xFFFF  }
0x1b8: {  	_ =	shalt  }

// kernel: kernel.9.cloned.1.call-start
scs
__scs_entry_jumppad:
0x0: {  	(pc) =	sbr.rel $0x88, $3  }
0x1: {  	(tag) =	ssettag $0x0;
	lr =	simm.s32 $0x1  }
0x2: {  	[smem:$0x3F95] =	sst lr;
	_ =	strace $0xD0000000  }
0x3: {  	_ = 	snop  }
0x4: {  	_ = 	snop  }
0x5: {  	_ = 	snop  }
0x6: {  	_ = 	snop  }
0x7: {  	_ = 	snop  }
__scs_overlays_trampoline_lowered:
0x8: {  	[smem:$0x3FA4] =	sst s0  }
0x9: {  	[smem:$0x3FA5] =	sst s1  }
0xa: {  	[smem:$0x3FA6] =	sst s2  }
0xb: {  	[smem:$0x3FA7] =	sst s3  }
0xc: {  	[smem:$0x3FA8] =	sst s4  }
0xd: {  	[smem:$0x3FA9] =	sst s5  }
0xe: {  	[smem:$0x3FAA] =	sst s6  }
0xf: {  	[smem:$0x3FAB] =	sst s7  }
0x10: {  	[smem:$0x3FAC] =	sst s8  }
0x11: {  	[smem:$0x3FAD] =	sst s9;
	s0 =	simm.s32 @!p0 $0x0  }
0x12: {  	s1 =	sld [smem:$0x3F93];
	s0 =	simm.s32 @p0 $0x1  }
0x13: {  	[smem:$0x3FAE] =	sst s0;
	s0 =	simm.s32 @!p1 $0x0  }
0x14: {  	s2 =	sld [smem:$0x3F92];
	s0 =	simm.s32 @p1 $0x1  }
0x15: {  	[smem:$0x3FAF] =	sst s0;
	s0 =	simm.s32 @!p2 $0x0  }
0x16: {  	s3 =	sld [smem:$0x3FDB];
	s0 =	simm.s32 @p2 $0x1  }
0x17: {  	s4 =	simm.s32 $0x1BF5;
	[smem:$0x3FB1] =	sst s0  }
0x18: {  	s0 =	sld [smem:$0x3F94];
	_ =	swait.ge [sflag:s4], $0x0  }
0x19: {  	s7 =	sld [smem:$0x3F95]  }
0x1a: {  	s8 =	sadd.s32 $0xFFFFE003, lr  }
0x1b: {  	s9 =	sadd.s32 $0xFFFFFEF7, lr;
	s5 =	simm.s32 $0xFFFFFFFF;
	p2 =	slt.u32 s8, $0xFFFFF086  }
0x1c: {  	p1 =	slt.u32 s9, $0xF7A;
	s5 =	simm.s32 @!p2 $0x0  }
0x1d: {  	s5 =	simm.s32 @p1 $0x1;
	p0 =	seq.s32 s7, s2  }
0x1e: {  	s7 =	smul.u32 @!p0 $0xF7A, s2;
	p2 =	seq.s32 @!p0 s5, $0x0  }
0x1f: {  	s9 =	smul.u32 $0xF7A, s1;
	s8 =	simm.s32 @!p0 $0x1BF5;
	p2 =	por !p2, p0  }
0x20: {  	[sflag:s8] =	ssyncset.s32 @!p0 $0xFFFFF086;
	s6 =	sadd.s32 @!p0 s3, s7;
	s7 =	simm.s32 @!p0 $0x108  }
0x21: {  	s3 =	sadd.s32 s3, s9;
	s6 =	sadd.s32 @!p0 $0x88, s6;
	s7 =	simm.s32 @p2 $0x1082  }
0x22: {  	[simem:s7], [sflag:s8] =	dma.local @!p0 [hbm:s6], $0xF7A  }
0x23: {  	s9 =	sor.u32 $0xD0000000, s2;
	s6 =	simm.s32 $0x108;
	_ =	swait.ge @!p0 [sflag:s8], $0x0  }
0x24: {  	s3 =	sadd.s32 $0x88, s3;
	s6 =	simm.s32 @!p1 $0x1082;
	[sflag:s4] =	ssyncset.s32 $0xFFFFF086  }
0x25: {  	[simem:s6], [sflag:s4] =	dma.local [hbm:s3], $0xF7A  }
0x26: {  	[smem:$0x3F95] =	sst s1;
	(tag) =	ssettag s2;
	_ =	strace s9  }
0x27: {  	s1 =	sld [smem:$0x3FA5]  }
0x28: {  	s2 =	sld [smem:$0x3FA6]  }
0x29: {  	s4 =	sld [smem:$0x3FA8]  }
0x2a: {  	p0 =	seq.s32 s5, $0x0;
	s5 =	sld [smem:$0x3FA9]  }
0x2b: {  	s6 =	sld [smem:$0x3FAA]  }
0x2c: {  	s7 =	sld [smem:$0x3FAB]  }
0x2d: {  	s3 =	simm.s32 $0x108;
	s8 =	sld [smem:$0x3FAC]  }
0x2e: {  	s3 =	simm.s32 @!p0 $0x1082;
	s9 =	sld [smem:$0x3FAD]  }
0x2f: {  	lr =	sadd.s32 s0, s3;
	s0 =	sld [smem:$0x3FA4]  }
0x30: {  	s3 =	sld [smem:$0x3FA7]  }
0x31: {  	[smem:$0x3FB0] =	sst s10  }
0x32: {  	s10 =	sld [smem:$0x3FAE];
	_ =	sdelay $0x3  }
0x33: {  	p0 =	seq.s32 s10, $0x1;
	s10 =	sld [smem:$0x3FB0];
	_ =	sdelay $0x3  }
0x34: {  	[smem:$0x3FB0] =	sst s10  }
0x35: {  	s10 =	sld [smem:$0x3FAF];
	_ =	sdelay $0x3  }
0x36: {  	p1 =	seq.s32 s10, $0x1;
	s10 =	sld [smem:$0x3FB0];
	_ =	sdelay $0x3  }
0x37: {  	[smem:$0x3FB0] =	sst s10  }
0x38: {  	s10 =	sld [smem:$0x3FB1]  }
0x39: {  	_ = 	snop;
	(pc) =	sbr.ind lr, $3  }
0x3a: {  	_ = 	snop  }
0x3b: {  	_ = 	snop  }
0x3c: {  	p2 =	seq.s32 s10, $0x1;
	s10 =	sld [smem:$0x3FB0]  }
0x3d: {  	_ =	shalt  }
0x3e: {  	_ =	shalt  }
0x3f: {  	_ =	shalt  }
0x40: {  	_ =	shalt  }
0x41: {  	_ =	shalt  }
0x42: {  	_ =	shalt  }
0x43: {  	_ =	shalt  }
0x44: {  	_ =	shalt  }
0x45: {  	_ =	shalt  }
0x46: {  	_ =	shalt  }
0x47: {  	_ =	shalt  }
0x48: {  	_ =	shalt  }
0x49: {  	_ =	shalt  }
0x4a: {  	_ =	shalt  }
0x4b: {  	_ =	shalt  }
0x4c: {  	_ =	shalt  }
0x4d: {  	_ =	shalt  }
0x4e: {  	_ =	shalt  }
0x4f: {  	_ =	shalt  }
0x50: {  	_ =	shalt  }
0x51: {  	_ =	shalt  }
0x52: {  	_ =	shalt  }
0x53: {  	_ =	shalt  }
0x54: {  	_ =	shalt  }
0x55: {  	_ =	shalt  }
0x56: {  	_ =	shalt  }
0x57: {  	_ =	shalt  }
0x58: {  	_ =	shalt  }
0x59: {  	_ =	shalt  }
0x5a: {  	_ =	shalt  }
0x5b: {  	_ =	shalt  }
0x5c: {  	_ =	shalt  }
0x5d: {  	_ =	shalt  }
0x5e: {  	_ =	shalt  }
0x5f: {  	_ =	shalt  }
0x60: {  	_ =	shalt  }
0x61: {  	_ =	shalt  }
0x62: {  	_ =	shalt  }
0x63: {  	_ =	shalt  }
0x64: {  	_ =	shalt  }
0x65: {  	_ =	shalt  }
0x66: {  	_ =	shalt  }
0x67: {  	_ =	shalt  }
0x68: {  	_ =	shalt  }
0x69: {  	_ =	shalt  }
0x6a: {  	_ =	shalt  }
0x6b: {  	_ =	shalt  }
0x6c: {  	_ =	shalt  }
0x6d: {  	_ =	shalt  }
0x6e: {  	_ =	shalt  }
0x6f: {  	_ =	shalt  }
0x70: {  	_ =	shalt  }
0x71: {  	_ =	shalt  }
0x72: {  	_ =	shalt  }
0x73: {  	_ =	shalt  }
0x74: {  	_ =	shalt  }
0x75: {  	_ =	shalt  }
0x76: {  	_ =	shalt  }
0x77: {  	_ =	shalt  }
0x78: {  	_ =	shalt  }
0x79: {  	_ =	shalt  }
0x7a: {  	_ =	shalt  }
0x7b: {  	_ =	shalt  }
0x7c: {  	_ =	shalt  }
0x7d: {  	_ =	shalt  }
0x7e: {  	_ =	shalt  }
0x7f: {  	_ =	shalt  }
0x80: {  	_ =	shalt  }
0x81: {  	_ =	shalt  }
0x82: {  	_ =	shalt  }
0x83: {  	_ =	shalt  }
0x84: {  	_ =	shalt  }
0x85: {  	_ =	shalt  }
0x86: {  	_ =	shalt  }
0x87: {  	_ =	shalt  }
.Lfunc_end0:
.L_simem_size_0:
called_computation_lowered:
.L_overlay_start_0:
0x88: {  	s2 =	sld [smem:$0x3FD9]  }
0x89: {  	s3 =	sld [smem:$0x3FFE];
	_ =	sdelay $0x1  }
0x8a: {  	s1 =	srdreg.scid  }
0x8b: {  	s0 =	sand.u32 $0x1, s1  }
0x8c: {  	s16 =	sshll.u32 s0, $0xA;
	s2 =	sadd.s32 s3, s2  }
0x8d: {  	s2 =	sadd.s32 s2, s16  }
0x8e: {  	[smem:$0x3FBC] =	sst s2  }
0x8f: {  	_ = 	snop  }
0x90: {  	(tm) =	ssettm $0x1  }
0x91: {  	s17 =	sld [smem:$0x3FFB];
	_ =	sdelay $0x3  }
0x92: {  	_ =	strace s17  }
0x93: {  	s2 =	sld [smem:$0x3FFC];
	_ =	sdelay $0x3  }
0x94: {  	_ =	strace s2  }
0x95: {  	s2 =	sld [smem:$0x3FFD];
	_ =	sdelay $0x3  }
0x96: {  	_ =	strace s2  }
0x97: {  	_ =	strace $0x8FFFFFFF  }
0x98: {  	s18 =	sld [smem:$0x3FDB];
	_ =	sdelay $0x1  }
0x99: {  	s19 =	simm.s32 $_scs_section_size  }
0x9a: {  	s4 =	simm.s32 $_size__tile_overlayer_lowered;
	s5 =	simm.s32 $_tile_overlayer_lowered  }
0x9b: {  	s22 =	simm.s32 $0x1BFF;
	s21 =	sshll.u32 s5, $0x1;
	s2 =	sadd.s32 s19, s18  }
0x9c: {  	s6 =	simm.s32 $0x0;
	s20 =	sshll.u32 s4, $0x1;
	s4 =	sadd.s32 s21, s2  }
0x9d: {  	[timem:s6], [sflag:s22] =	dma.local [hbm:s4], s20  }
0x9e: {  	_ =	swait.ge [sflag:s22], s20  }
0x9f: {  	s3 =	ssub.s32 $0x0, s20;
	[sflag:s22] =	ssyncset.done $0x0  }
0xa0: {  	[sflag:s22] =	ssyncadd.s32 s3;
	_ =	sdelay $0x1  }
0xa1: {  	s23 =	simm.s32 $0x1B8B  }
0xa2: {  	_ =	swait.ge [sflag:s23], $0x1  }
0xa3: {  	[sflag:s23] =	ssyncset.done $0x0  }
0xa4: {  	s25 =	simm.s32 $0x1B8E;
	s24 =	sld [smem:$0x3FFE];
	[sflag:s23] =	ssyncadd.s32 $0xFFFFFFFF  }
0xa5: {  	s26 =	simm.s32 $execute0_lowered;
	[smem:$0x3FD2] =	sst s25  }
0xa6: {  	s4 =	sshll.u32 s26, $0x1;
	_ =	strace $0x80000046;
	[dreg:$0x1] =	wrdreg $0xFFFFFFFF  }
0xa7: {  	s28 =	simm.s32 $_size_execute0_lowered;
	s2 =	sadd.s32 s2, s4;
	[dreg:$0x0] =	wrdreg $0x0  }
0xa8: {  	s4 =	sshll.u32 s28, $0x1;
	[dreg:$0x2] =	wrdreg s2  }
0xa9: {  	[dreg:$0x3] =	wrdreg s4  }
0xaa: {  	[dreg:$0x4] =	wrdreg $0xC0  }
0xab: {  	_ =	task [dreg:s6], $0x5FFFF  }
0xac: {  	[dreg:$0x1] =	wrdreg $0xFFFFFFFF  }
0xad: {  	[dreg:$0x0] =	wrdreg $0x60  }
0xae: {  	[dreg:$0x2] =	wrdreg s24  }
0xaf: {  	[dreg:$0x3] =	wrdreg $0xA4000  }
0xb0: {  	[dreg:$0x4] =	wrdreg $0x9  }
0xb1: {  	_ =	task.clear_ibuf [dreg:s6], $0x5FFFF;
	_ =	strace $0x90000046  }
0xb2: {  	s29 =	simm.s32 $0x9;
	_ =	strace $0x80000048  }
0xb3: {  	_ =	swait.ge [sflag:s29], $0x1  }
0xb4: {  	[sflag:s29] =	ssyncadd.s32 $0xFFFFFFFF  }
0xb5: {  	_ =	strace $0x90000048  }
0xb6: {  	_ =	sfence  }
0xb7: {  	s30 =	sld [smem:$0x0];
	_ =	sdelay $0x2  }
0xb8: {  	s31 =	sshll.u32 s1, $0xD;
	s1 =	sshrl.u32 s1, $0x2  }
0xb9: {  	s3 =	sand.u32 $0x4000, s31;
	s1 =	sadd.s32 s1, s30  }
0xba: {  	s0 =	sor.u32 s3, s0;
	s1 =	sshll.u32 s1, $0x11  }
0xbb: {  	s0 =	sor.u32 s1, s0  }
0xbc: {  	s0 =	sadd.s32 $0x8F2B, s0  }
0xbd: {  	[sflag:s0] =	ssyncadd.remote.s32 $0x1  }
0xbe: {  	_ =	sfence.sel $0xFFFF  }
0xbf: {  	[dreg:$0x0] =	wrdreg $0xFFFFFFFF;
	(pc) =	sbr.abs _section_cstart, $3  }
0xc0: {  	[dreg:$0x1] =	wrdreg $0xFFFFFFFF  }
0xc1: {  	_ =	task.clear_ibuf [dreg:s6], $0x2FFFF;
	_ =	strace $0x9FFFFFFF  }
0xc2: {  	(tm) =	ssettm $0x7FFFFFFF  }
0xc3: {  	_ =	shalt  }
tec
execute0_lowered:
.L_overlay_start_1:
0x0: {  	(tag) =	ssettag $0x1  }
0x1: {  	s0 =	rddreg [dreg:$0x0]  }
0x2: {  	s2 =	rddreg [dreg:$0x1];
	s3 =	simm.s32 $0x0  }
0x3: {  	s15 =	stileid.u32;
	s7 =	srdreg.scid;
	s28 =	simm.s32 $0x2  }
0x4: {  	s29 =	simm.s32 $0x200;
	s30 =	simm.s32 $0x5400;
	s31 =	simm.s32 $0x1  }
0x5: {  	[smem:$0x7FF] =	sst s3;
	s1 =	smul.u32 $0x2700, s15;
	s4 =	sadd.s32 $0x2B200, s0  }
0x6: {  	s5 =	sadd.s32 $0x4000, s0;
	s16 =	sadd.s32 $0x71800, s0;
	s7 =	sand.u32 $0x1, s7  }
0x7: {  	s8 =	smul.u32 $0x4E000, s15;
	s17 =	sadd.s32 $0x98A00, s0;
	s24 =	sshll.u32 s15, $0x6  }
0x8: {  	s25 =	smul.u32 $0x7D, s15;
	p1 =	sne.s32 s15, $0xF;
	p2 =	seq.s32 s15, $0xF  }
0x9: {  	_ =	strace $0x80000047;
	s9 =	ssub.s32 $0x2, s7;
	s10 =	sshll.u32 s7, $0x4  }
0xa: {  	s13 =	smul.u32 $0x7D0, s7;
	s18 =	sor.u32 $0x1C09, s24;
	[dreg:$0x6] =	wrdreg s16  }
0xb: {  	p0 =	seq.s32 s7, $0x1;
	[dreg:$0x7] =	wrdreg s17;
	s24 =	simm.s32 $0x180  }
0xc: {  	s7 =	simm.s32 $0x6;
	s6 =	sadd.s32 s1, s0;
	s11 =	sshrl.u32 s9, $0x1  }
0xd: {  	s10 =	sor.u32 s15, s10;
	s8 =	sshrl.u32 s8, $0x2;
	s0 =	sadd.s32 $0x71600, s0  }
0xe: {  	s21 =	sadd.s32 s16, s1;
	s1 =	sadd.s32 s17, s1;
	[dreg:$0x3] =	wrdreg s24  }
0xf: {  	s24 =	simm.s32 $0x400;
	s15 =	simm.s32 $0x300;
	s16 =	simm.s32 $0x5  }
0x10: {  	[dreg:$0x9] =	wrdreg s18;
	s11 =	ssub.s32 s9, s11;
	s8 =	sadd.s32 s8, s2  }
0x11: {  	s12 =	smul.u32 $0x7D00, s10;
	s6 =	sadd.s32 $0x4A600, s6;
	[dreg:$0xb] =	wrdreg s0  }
0x12: {  	s9 =	sadd.s32 $0x138000, s2;
	s26 =	smul.u32 $0xFA0, s10;
	[dreg:$0xe] =	wrdreg s21  }
0x13: {  	[dreg:$0xf] =	wrdreg s1;
	s21 =	simm.s32 $0x9;
	s1 =	simm.s32 $0x3  }
0x14: {  	[dreg:$0x8] =	wrdreg s6;
	s6 =	sadd.s32 s25, s13;
	s22 =	smax.u32 s11, $0x1  }
0x15: {  	s11 =	sshrl.u32 s8, $0x3;
	[dreg:$0xa] =	wrdreg s9;
	s25 =	simm.s32 $0x280  }
0x16: {  	s13 =	simm.s32 $0x0;
	s14 =	sshrl.u32 s12, $0x3;
	[dreg:$0x10] =	wrdreg s22  }
0x17: {  	s12 =	smul.u32 $0x7D, s10;
	s0 =	sadd.s32 s4, s26;
	[dreg:$0x4] =	wrdreg s25  }
0x18: {  	s20 =	sshll.u32 s6, $0x5;
	s26 =	simm.s32 $0x380;
	[dreg:$0x13] =	wrdreg s11  }
0x19: {  	s14 =	sadd.s32 s4, s14;
	[dreg:$0xc] =	wrdreg s0;
	s0 =	sadd.s32 s20, s4  }
.Ltmp0:
0x1a: {  	[dreg:$0x5] =	wrdreg s26;
	s19 =	sadd.s32 $0x20, s14;
	(pc) =	sbr.rel .LBB2_1-.Ltmp0, $4  }
0x1b: {  	s6 =	simm.s32 $0x7C00;
	s23 =	sadd.s32 $0xA0, s0;
	[dreg:$0xd] =	wrdreg s19  }
0x1c: {  	s10 =	simm.s32 $0x4;
	s0 =	sadd.s32 $0x80, s0;
	[dreg:$0x11] =	wrdreg s23  }
0x1d: {  	s26 =	simm.s32 $0x2C00;
	[dreg:$0x12] =	wrdreg s0;
	s0 =	sshrl.u32 @!p1 s9, $0x3  }
0x1e: {  	s23 =	simm.s32 $0x50;
	[dreg:$0x14] =	wrdreg s0;
	s0 =	simm.s32 $0x80  }
.LBB2_6:
0x1f: {  	s9 =	rddreg [dreg:$0xa]  }
0x20: {  	s8 =	sadd.s32 $0x27000, s8;
	s9 =	sshrl.u32 s9, $0x3  }
0x21: {  	[hbm:s8], [sflag:s18] =	dma.local [spmem:s9], $0x100  }
0x22: {  	_ =	swait.ge [sflag:s21], $0x100  }
0x23: {  	[sflag:s21] =	ssyncset.done $0x0  }
0x24: {  	[sflag:s21] =	ssyncadd.s32 $0xFFFFFF00  }
.LBB2_7:
0x25: {  	s13 =	sadd.s32 $0x1, s13;
	s8 =	rddreg [dreg:$0x10]  }
0x26: {  	p3 =	sne.s32 s13, s8  }
.Ltmp1:
0x27: {  	_ = 	snop;
	(pc) =	sbr.rel @!p3 .LBB2_8-.Ltmp1, $1  }
0x28: {  	_ =	sdelay $0x3  }
.LBB2_1:
0x29: {  	s8 =	rddreg [dreg:$0x8]  }
0x2a: {  	[spmem:s11], [sflag:s18] =	dma.local [hbm:s8], $0x2700  }
0x2b: {  	_ =	swait.ge [sflag:s21], $0x2700  }
0x2c: {  	[sflag:s21] =	ssyncset.done $0x0;
	s8 =	rddreg [dreg:$0xb]  }
0x2d: {  	s9 =	rddreg [dreg:$0x14];
	[sflag:s21] =	ssyncadd.s32 $0xFFFFD900  }
0x2e: {  	[spmem:s9], [sflag:s18] =	dma.local @!p1 [hbm:s8], $0x100  }
0x2f: {  	s8 =	simm.s32 @!p1 $0x9  }
0x30: {  	_ =	swait.ge @!p1 [sflag:s8], $0x100  }
0x31: {  	[sflag:s8] =	ssyncset.done @!p1 $0x0  }
0x32: {  	s14 =	rddreg [dreg:$0xc];
	[sflag:s8] =	ssyncadd.s32 @!p1 $0xFFFFFF00  }
0x33: {  	[tilespmem:s3], [sflag:$0x9] =	stream.linear.gather [hbm4b:s14+s3], $0x100, $0x38;
	[tilespmem:$0x1DD00] =	vst v63  }
0x34: {  	_ =	swait.ge [sflag:s21], $0x100  }
0x35: {  	[sflag:s21] =	ssyncset.done $0x0  }
0x36: {  	[sflag:s21] =	ssyncadd.s32 $0xFFFFFF00  }
0x37: {  	[tilespmem:s24], [sflag:$0x1] =	stream.indirect.gather [hbm4b:s5+s23], $0x80, s3, s23, $0xb8;
	[tilespmem:$0x1DD00] =	vst v63  }
0x38: {  	s18 =	simm.s32 $0x100;
	s17 =	rddreg [dreg:$0xd]  }
0x39: {  	[tilespmem:s18], [sflag:$0x9] =	stream.linear.gather [hbm4b:s17+s3], $0x100, $0x38;
	[tilespmem:$0x1DD00] =	vst v63  }
0x3a: {  	p3 =	por $0x1, $0x1;
	_ =	swait.ge [sflag:s21], $0x100  }
0x3b: {  	s8 =	simm.s32 @!p3 $0x2;
	[sflag:s21] =	ssyncset.done $0x0  }
0x3c: {  	s8 =	simm.s32 @p3 $0x2;
	[sflag:s21] =	ssyncadd.s32 $0xFFFFFF00  }
0x3d: {  	[tilespmem:s26], [sflag:$0x2] =	stream.indirect.gather [hbm4b:s5+s23], $0x80, s18, s23, $0xb8;
	[tilespmem:$0x1DD00] =	vst v63  }
0x3e: {  	s11 =	simm.s32 @!p3 $0x7;
	s8 =	sadd.s32 s12, s8;
	[bflag:$0x0] =	sbarrier.arrive $0xFFFF  }
0x3f: {  	s8 =	sshll.u32 s8, $0x5;
	_ =	swait.ge @!p3 [sflag:s11], $0x2800  }
0x40: {  	s8 =	sand.u32 $0x1FFFFFE0, s8;
	[sflag:s11] =	ssyncset.done @!p3 $0x0  }
0x41: {  	s8 =	sadd.s32 s4, s8;
	[sflag:s11] =	ssyncadd.s32 @!p3 $0xFFFFD800  }
0x42: {  	[tilespmem:s29], [sflag:$0x9] =	stream.linear.gather [hbm4b:s8+s3], $0x100, $0x38;
	[tilespmem:$0x1DD00] =	vst v63  }
0x43: {  	_ =	swait.ge [sflag:s21], $0x100  }
0x44: {  	[sflag:s21] =	ssyncset.done $0x0  }
0x45: {  	[sflag:s21] =	ssyncadd.s32 $0xFFFFFF00  }
0x46: {  	[tilespmem:s30], [sflag:$0x3] =	stream.indirect.gather [hbm4b:s5+s23], $0x80, s29, s23, $0xb8;
	[tilespmem:$0x1DD00] =	vst v63  }
0x47: {  	s8 =	simm.s32 $0x3;
	_ =	swait.ge [sflag:s31], $0x2800  }
0x48: {  	s8 =	simm.s32 @p3 $0x3;
	[sflag:s31] =	ssyncset.done $0x0  }
0x49: {  	s11 =	simm.s32 @!p3 $0x8;
	s8 =	sadd.s32 s12, s8;
	[sflag:s31] =	ssyncadd.s32 $0xFFFFD800  }
0x4a: {  	[spmem:s2] =	stream.indirect.scatter.add.f32 [tilespmem:s24], [sflag:$0x5], $0x80, s0, s23, $0xb8;
	[tilespmem:$0x1DD00] =	vst v63  }
0x4b: {  	s8 =	sshll.u32 s8, $0x5;
	_ =	swait.ge @!p3 [sflag:s11], $0x2800  }
0x4c: {  	s8 =	sand.u32 $0x1FFFFFE0, s8;
	[sflag:s11] =	ssyncset.done @!p3 $0x0  }
0x4d: {  	s8 =	sadd.s32 s4, s8;
	[sflag:s11] =	ssyncadd.s32 @!p3 $0xFFFFD800  }
0x4e: {  	[tilespmem:s15], [sflag:$0x9] =	stream.linear.gather [hbm4b:s8+s3], $0x100, $0x38;
	[tilespmem:$0x1DD00] =	vst v63  }
0x4f: {  	_ =	swait.ge [sflag:s21], $0x100  }
0x50: {  	[sflag:s21] =	ssyncset.done $0x0  }
0x51: {  	[sflag:s21] =	ssyncadd.s32 $0xFFFFFF00  }
0x52: {  	[tilespmem:s6], [sflag:$0x4] =	stream.indirect.gather [hbm4b:s5+s23], $0x80, s15, s23, $0xb8;
	[tilespmem:$0x1DD00] =	vst v63  }
0x53: {  	_ =	swait.ge [sflag:s28], $0x2800  }
0x54: {  	[sflag:s28] =	ssyncset.done $0x0  }
0x55: {  	s19 =	rddreg [dreg:$0x3];
	[sflag:s28] =	ssyncadd.s32 $0xFFFFD800  }
0x56: {  	[spmem:s2] =	stream.indirect.scatter.add.f32 [tilespmem:s26], [sflag:$0x6], $0x80, s19, s23, $0xb8;
	[tilespmem:$0x1DD00] =	vst v63  }
0x57: {  	_ =	swait.ge [sflag:s16], $0x2800  }
0x58: {  	[sflag:s16] =	ssyncset.done $0x0  }
0x59: {  	s20 =	rddreg [dreg:$0x12];
	[sflag:s16] =	ssyncadd.s32 $0xFFFFD800  }
0x5a: {  	[tilespmem:s3], [sflag:$0x9] =	stream.linear.gather [hbm4b:s20+s3], $0x100, $0x38;
	[tilespmem:$0x1DD00] =	vst v63  }
0x5b: {  	_ =	swait.ge [sflag:s21], $0x100  }
0x5c: {  	[sflag:s21] =	ssyncset.done $0x0  }
0x5d: {  	[sflag:s21] =	ssyncadd.s32 $0xFFFFFF00  }
0x5e: {  	[tilespmem:s24], [sflag:$0x1] =	stream.indirect.gather [hbm4b:s5+s23], $0x80, s3, s23, $0xb8;
	[tilespmem:$0x1DD00] =	vst v63  }
0x5f: {  	_ =	swait.ge [sflag:s1], $0x2800  }
0x60: {  	[sflag:s1] =	ssyncset.done $0x0  }
0x61: {  	s25 =	rddreg [dreg:$0x4];
	[sflag:s1] =	ssyncadd.s32 $0xFFFFD800  }
0x62: {  	[spmem:s2] =	stream.indirect.scatter.add.f32 [tilespmem:s30], [sflag:$0x7], $0x80, s25, s23, $0xb8;
	[tilespmem:$0x1DD00] =	vst v63  }
0x63: {  	p3 =	por $0x0, $0x0;
	_ =	swait.ge [sflag:s7], $0x2800  }
0x64: {  	s8 =	simm.s32 @!p3 $0x0;
	[sflag:s7] =	ssyncset.done $0x0  }
0x65: {  	s11 =	simm.s32 @!p3 $0x100;
	s9 =	rddreg [dreg:$0x11];
	[sflag:s7] =	ssyncadd.s32 $0xFFFFD800  }
0x66: {  	[tilespmem:s11], [sflag:$0x9] =	stream.linear.gather @!p3 [hbm4b:s9+s8], $0x100, $0x38;
	[tilespmem:$0x1DD00] =	vst v63  }
0x67: {  	s8 =	simm.s32 @!p3 $0x9  }
0x68: {  	_ =	swait.ge @!p3 [sflag:s8], $0x100  }
0x69: {  	p4 =	por $0x0, $0x0;
	s14 =	simm.s32 $0x7;
	[sflag:s8] =	ssyncset.done @!p3 $0x0  }
0x6a: {  	s17 =	simm.s32 @!p3 $0x2C00;
	s22 =	simm.s32 @!p3 $0x50;
	[sflag:s8] =	ssyncadd.s32 @!p3 $0xFFFFFF00  }
0x6b: {  	[tilespmem:s17], [sflag:$0x2] =	stream.indirect.gather @!p3 [hbm4b:s5+s22], $0x80, s11, s22, $0xb8;
	[tilespmem:$0x1DD00] =	vst v63  }
0x6c: {  	s25 =	simm.s32 $0xB;
	s8 =	simm.s32 $0x7;
	s22 =	sadd.s32 $0x80, s20  }
0x6d: {  	s17 =	sadd.s32 $0x80, s9;
	s11 =	simm.s32 @!p4 $0x6;
	s8 =	simm.s32 @p4 $0x3  }
.LBB2_2:
0x6e: {  	_ =	swait.ge [sflag:s10], $0x2800  }
0x6f: {  	s11 =	simm.s32 @p4 $0x2;
	s20 =	simm.s32 @!p4 $0x7;
	[sflag:s10] =	ssyncset.done $0x0  }
0x70: {  	s11 =	sadd.s32 s12, s11;
	s19 =	rddreg [dreg:$0x5];
	[sflag:s10] =	ssyncadd.s32 $0xFFFFD800  }
0x71: {  	[spmem:s2] =	stream.indirect.scatter.add.f32 [tilespmem:s6], [sflag:$0x8], $0x80, s19, s23, $0xb8;
	[tilespmem:$0x1DD00] =	vst v63  }
0x72: {  	s11 =	sshll.u32 s11, $0x5;
	_ =	swait.ge @!p4 [sflag:s20], $0x2800  }
0x73: {  	s11 =	sand.u32 $0x1FFFFFE0, s11;
	[sflag:s20] =	ssyncset.done @!p4 $0x0  }
0x74: {  	s11 =	sadd.s32 s4, s11;
	[sflag:s20] =	ssyncadd.s32 @!p4 $0xFFFFD800  }
0x75: {  	[tilespmem:s29], [sflag:$0x9] =	stream.linear.gather [hbm4b:s11+s3], $0x100, $0x38;
	[tilespmem:$0x1DD00] =	vst v63  }
0x76: {  	_ =	swait.ge [sflag:s21], $0x100  }
0x77: {  	[sflag:s21] =	ssyncset.done $0x0  }
0x78: {  	[sflag:s21] =	ssyncadd.s32 $0xFFFFFF00  }
0x79: {  	[tilespmem:s30], [sflag:$0x3] =	stream.indirect.gather [hbm4b:s5+s23], $0x80, s29, s23, $0xb8;
	[tilespmem:$0x1DD00] =	vst v63  }
0x7a: {  	_ =	swait.ge [sflag:s31], $0x2800  }
0x7b: {  	[sflag:s31] =	ssyncset.done $0x0  }
0x7c: {  	s18 =	sadd.s32 s12, s8;
	s11 =	simm.s32 @!p4 $0x8;
	[sflag:s31] =	ssyncadd.s32 $0xFFFFD800  }
0x7d: {  	[spmem:s2] =	stream.indirect.scatter.add.f32 [tilespmem:s24], [sflag:$0x5], $0x80, s0, s23, $0xb8;
	[tilespmem:$0x1DD00] =	vst v63  }
0x7e: {  	s18 =	sshll.u32 s18, $0x5;
	_ =	swait.ge @!p4 [sflag:s11], $0x2800  }
0x7f: {  	s18 =	sand.u32 $0x1FFFFFE0, s18;
	[sflag:s11] =	ssyncset.done @!p4 $0x0  }
0x80: {  	s18 =	sadd.s32 s4, s18;
	[sflag:s11] =	ssyncadd.s32 @!p4 $0xFFFFD800  }
0x81: {  	[tilespmem:s15], [sflag:$0x9] =	stream.linear.gather [hbm4b:s18+s3], $0x100, $0x38;
	[tilespmem:$0x1DD00] =	vst v63  }
0x82: {  	_ =	swait.ge [sflag:s21], $0x100  }
0x83: {  	[sflag:s21] =	ssyncset.done $0x0  }
0x84: {  	[sflag:s21] =	ssyncadd.s32 $0xFFFFFF00  }
0x85: {  	[tilespmem:s6], [sflag:$0x4] =	stream.indirect.gather [hbm4b:s5+s23], $0x80, s15, s23, $0xb8;
	[tilespmem:$0x1DD00] =	vst v63  }
0x86: {  	_ =	swait.ge [sflag:s28], $0x2800  }
0x87: {  	[sflag:s28] =	ssyncset.done $0x0  }
0x88: {  	s19 =	rddreg [dreg:$0x3];
	[sflag:s28] =	ssyncadd.s32 $0xFFFFD800  }
0x89: {  	[spmem:s2] =	stream.indirect.scatter.add.f32 [tilespmem:s26], [sflag:$0x6], $0x80, s19, s23, $0xb8;
	[tilespmem:$0x1DD00] =	vst v63  }
0x8a: {  	_ =	swait.ge [sflag:s16], $0x2800  }
0x8b: {  	[sflag:s16] =	ssyncset.done $0x0  }
0x8c: {  	[sflag:s16] =	ssyncadd.s32 $0xFFFFD800  }
0x8d: {  	[tilespmem:s3], [sflag:$0x9] =	stream.linear.gather [hbm4b:s22+s3], $0x100, $0x38;
	[tilespmem:$0x1DD00] =	vst v63  }
0x8e: {  	_ =	swait.ge [sflag:s21], $0x100  }
0x8f: {  	[sflag:s21] =	ssyncset.done $0x0  }
0x90: {  	[sflag:s21] =	ssyncadd.s32 $0xFFFFFF00  }
0x91: {  	[tilespmem:s24], [sflag:$0x1] =	stream.indirect.gather [hbm4b:s5+s23], $0x80, s3, s23, $0xb8;
	[tilespmem:$0x1DD00] =	vst v63  }
0x92: {  	_ =	swait.ge [sflag:s1], $0x2800  }
0x93: {  	s9 =	smov.u32 s25;
	[sflag:s1] =	ssyncset.done $0x0  }
0x94: {  	s25 =	sadd.s32 $0x4, s25;
	s20 =	rddreg [dreg:$0x4];
	[sflag:s1] =	ssyncadd.s32 $0xFFFFD800  }
0x95: {  	[spmem:s2] =	stream.indirect.scatter.add.f32 [tilespmem:s30], [sflag:$0x7], $0x80, s20, s23, $0xb8;
	[tilespmem:$0x1DD00] =	vst v63  }
0x96: {  	p5 =	seq.s32 s14, $0x7B;
	p3 =	sne.s32 s25, $0x7F;
	_ =	swait.ge [sflag:s7], $0x2800  }
0x97: {  	s14 =	smov.u32 s9;
	s8 =	simm.s32 @!p5 $0x0;
	[sflag:s7] =	ssyncset.done $0x0  }
0x98: {  	s9 =	simm.s32 @!p5 $0x50;
	s18 =	simm.s32 @!p5 $0x100;
	[sflag:s7] =	ssyncadd.s32 $0xFFFFD800  }
0x99: {  	[tilespmem:s18], [sflag:$0x9] =	stream.linear.gather @!p5 [hbm4b:s17+s8], $0x100, $0x38;
	[tilespmem:$0x1DD00] =	vst v63  }
.Ltmp2:
0x9a: {  	p4 =	seq.s32 s14, $0x3;
	s19 =	simm.s32 @!p5 $0x9;
	(pc) =	sbr.rel @p3 .LBB2_2-.Ltmp2, $4  }
0x9b: {  	s11 =	sadd.s32 @!p4 $0xFFFFFFFF, s14;
	s22 =	sadd.s32 $0x80, s22;
	_ =	swait.ge @!p5 [sflag:s19], $0x100  }
0x9c: {  	s20 =	simm.s32 @!p5 $0x2C00;
	s8 =	smov.u32 s14;
	[sflag:s19] =	ssyncset.done @!p5 $0x0  }
0x9d: {  	s17 =	sadd.s32 $0x80, s17;
	s8 =	simm.s32 @p4 $0x3;
	[sflag:s19] =	ssyncadd.s32 @!p5 $0xFFFFFF00  }
0x9e: {  	[tilespmem:s20], [sflag:$0x2] =	stream.indirect.gather @!p5 [hbm4b:s5+s9], $0x80, s18, s9, $0xb8;
	[tilespmem:$0x1DD00] =	vst v63  }
0x9f: {  	_ =	swait.ge [sflag:s10], $0x2800  }
0xa0: {  	s11 =	simm.s32 @p4 $0x2;
	s9 =	rddreg [dreg:$0x5];
	[sflag:s10] =	ssyncset.done $0x0  }
0xa1: {  	s25 =	sadd.s32 s12, s11;
	s11 =	simm.s32 @!p4 $0x7;
	[sflag:s10] =	ssyncadd.s32 $0xFFFFD800  }
0xa2: {  	[spmem:s2] =	stream.indirect.scatter.add.f32 [tilespmem:s6], [sflag:$0x8], $0x80, s9, s23, $0xb8;
	[tilespmem:$0x1DD00] =	vst v63  }
0xa3: {  	s9 =	sshll.u32 s25, $0x5;
	_ =	swait.ge @!p4 [sflag:s11], $0x2800  }
0xa4: {  	s9 =	sand.u32 $0x1FFFFFE0, s9;
	[sflag:s11] =	ssyncset.done @!p4 $0x0  }
0xa5: {  	s9 =	sadd.s32 s4, s9;
	[sflag:s11] =	ssyncadd.s32 @!p4 $0xFFFFD800  }
0xa6: {  	[tilespmem:s29], [sflag:$0x9] =	stream.linear.gather [hbm4b:s9+s3], $0x100, $0x38;
	[tilespmem:$0x1DD00] =	vst v63  }
0xa7: {  	_ =	swait.ge [sflag:s21], $0x100  }
0xa8: {  	[sflag:s21] =	ssyncset.done $0x0  }
0xa9: {  	[sflag:s21] =	ssyncadd.s32 $0xFFFFFF00  }
0xaa: {  	[tilespmem:s30], [sflag:$0x3] =	stream.indirect.gather [hbm4b:s5+s23], $0x80, s29, s23, $0xb8;
	[tilespmem:$0x1DD00] =	vst v63  }
0xab: {  	_ =	swait.ge [sflag:s31], $0x2800  }
0xac: {  	[sflag:s31] =	ssyncset.done $0x0  }
0xad: {  	s8 =	sadd.s32 s12, s8;
	s9 =	simm.s32 @!p4 $0x8;
	[sflag:s31] =	ssyncadd.s32 $0xFFFFD800  }
0xae: {  	[spmem:s2] =	stream.indirect.scatter.add.f32 [tilespmem:s24], [sflag:$0x5], $0x80, s0, s23, $0xb8;
	[tilespmem:$0x1DD00] =	vst v63  }
0xaf: {  	s8 =	sshll.u32 s8, $0x5;
	_ =	swait.ge @!p4 [sflag:s9], $0x2800  }
0xb0: {  	s8 =	sand.u32 $0x1FFFFFE0, s8;
	[sflag:s9] =	ssyncset.done @!p4 $0x0  }
0xb1: {  	s8 =	sadd.s32 s4, s8;
	[sflag:s9] =	ssyncadd.s32 @!p4 $0xFFFFD800  }
0xb2: {  	[tilespmem:s15], [sflag:$0x9] =	stream.linear.gather [hbm4b:s8+s3], $0x100, $0x38;
	[tilespmem:$0x1DD00] =	vst v63  }
0xb3: {  	_ =	swait.ge [sflag:s21], $0x100  }
0xb4: {  	[sflag:s21] =	ssyncset.done $0x0  }
0xb5: {  	[sflag:s21] =	ssyncadd.s32 $0xFFFFFF00  }
0xb6: {  	[tilespmem:s6], [sflag:$0x4] =	stream.indirect.gather [hbm4b:s5+s23], $0x80, s15, s23, $0xb8;
	[tilespmem:$0x1DD00] =	vst v63  }
0xb7: {  	_ =	swait.ge [sflag:s28], $0x2800  }
0xb8: {  	[sflag:s28] =	ssyncset.done $0x0  }
0xb9: {  	s18 =	rddreg [dreg:$0x3];
	[sflag:s28] =	ssyncadd.s32 $0xFFFFD800  }
0xba: {  	[spmem:s2] =	stream.indirect.scatter.add.f32 [tilespmem:s26], [sflag:$0x6], $0x80, s18, s23, $0xb8;
	[tilespmem:$0x1DD00] =	vst v63  }
0xbb: {  	_ =	swait.ge [sflag:s16], $0x2800  }
0xbc: {  	[sflag:s16] =	ssyncset.done $0x0  }
0xbd: {  	[sflag:s16] =	ssyncadd.s32 $0xFFFFD800  }
0xbe: {  	[tilespmem:s3], [sflag:$0x9] =	stream.linear.gather [hbm4b:s22+s3], $0x100, $0x38;
	[tilespmem:$0x1DD00] =	vst v63  }
0xbf: {  	_ =	swait.ge [sflag:s21], $0x100  }
0xc0: {  	[sflag:s21] =	ssyncset.done $0x0  }
0xc1: {  	[sflag:s21] =	ssyncadd.s32 $0xFFFFFF00  }
0xc2: {  	[tilespmem:s24], [sflag:$0x1] =	stream.indirect.gather [hbm4b:s5+s23], $0x80, s3, s23, $0xb8;
	[tilespmem:$0x1DD00] =	vst v63  }
0xc3: {  	_ =	swait.ge [sflag:s1], $0x2800  }
0xc4: {  	[sflag:s1] =	ssyncset.done $0x0  }
0xc5: {  	s19 =	rddreg [dreg:$0x4];
	[sflag:s1] =	ssyncadd.s32 $0xFFFFD800  }
0xc6: {  	[spmem:s2] =	stream.indirect.scatter.add.f32 [tilespmem:s30], [sflag:$0x7], $0x80, s19, s23, $0xb8;
	[tilespmem:$0x1DD00] =	vst v63  }
0xc7: {  	_ =	swait.ge [sflag:s7], $0x2800  }
0xc8: {  	p3 =	seq.s32 s14, $0x7B;
	[sflag:s7] =	ssyncset.done $0x0  }
0xc9: {  	s9 =	simm.s32 @!p3 $0x100;
	s8 =	simm.s32 @!p3 $0x0;
	[sflag:s7] =	ssyncadd.s32 $0xFFFFD800  }
0xca: {  	[tilespmem:s9], [sflag:$0x9] =	stream.linear.gather @!p3 [hbm4b:s17+s8], $0x100, $0x38;
	[tilespmem:$0x1DD00] =	vst v63  }
0xcb: {  	s8 =	simm.s32 @!p3 $0x9  }
0xcc: {  	_ =	swait.ge @!p3 [sflag:s8], $0x100  }
0xcd: {  	[sflag:s8] =	ssyncset.done @!p3 $0x0  }
0xce: {  	s11 =	simm.s32 @!p3 $0x2C00;
	[sflag:s8] =	ssyncadd.s32 @!p3 $0xFFFFFF00;
	s8 =	simm.s32 @!p3 $0x50  }
0xcf: {  	[tilespmem:s11], [sflag:$0x2] =	stream.indirect.gather @!p3 [hbm4b:s5+s8], $0x80, s9, s8, $0xb8;
	[tilespmem:$0x1DD00] =	vst v63  }
0xd0: {  	_ =	swait.ge [sflag:s10], $0x2800  }
0xd1: {  	[sflag:s10] =	ssyncset.done $0x0  }
0xd2: {  	s22 =	simm.s32 $0x7;
	s20 =	rddreg [dreg:$0x5];
	[sflag:s10] =	ssyncadd.s32 $0xFFFFD800  }
0xd3: {  	[spmem:s2] =	stream.indirect.scatter.add.f32 [tilespmem:s6], [sflag:$0x8], $0x80, s20, s23, $0xb8;
	[tilespmem:$0x1DD00] =	vst v63  }
0xd4: {  	_ =	swait.ge [sflag:s22], $0x2800  }
0xd5: {  	[sflag:s22] =	ssyncset.done $0x0  }
0xd6: {  	[sflag:s22] =	ssyncadd.s32 $0xFFFFD800  }
0xd7: {  	_ =	swait.ge [sflag:s31], $0x2800  }
0xd8: {  	[sflag:s31] =	ssyncset.done $0x0  }
0xd9: {  	s25 =	simm.s32 $0x8;
	[sflag:s31] =	ssyncadd.s32 $0xFFFFD800  }
0xda: {  	[spmem:s2] =	stream.indirect.scatter.add.f32 [tilespmem:s24], [sflag:$0x5], $0x80, s0, s23, $0xb8;
	[tilespmem:$0x1DD00] =	vst v63  }
0xdb: {  	_ =	swait.ge [sflag:s25], $0x2800  }
0xdc: {  	[sflag:s25] =	ssyncset.done $0x0  }
0xdd: {  	[sflag:s25] =	ssyncadd.s32 $0xFFFFD800  }
.Ltmp3:
0xde: {  	_ =	swait.ge [sflag:s16], $0x2800;
	(pc) =	sbr.rel @!p0 .LBB2_4-.Ltmp3, $3  }
0xdf: {  	[sflag:s16] =	ssyncset.done $0x0  }
0xe0: {  	[sflag:s16] =	ssyncadd.s32 $0xFFFFD800  }
0xe1: {  	[bflag:$0x0] =	sbarrier.arrive $0xFFFF;
	_ =	sdelay $0x1  }
0xe2: {  	s18 =	rddreg [dreg:$0x9]  }
0xe3: {  	s8 =	rddreg [dreg:$0xf]  }
0xe4: {  	s11 =	rddreg [dreg:$0x13]  }
0xe5: {  	[hbm:s8], [sflag:s18] =	dma.local [spmem:s11], $0x2700  }
.Ltmp4:
0xe6: {  	_ = 	snop;
	(pc) =	sbr.rel @p1 .LBB2_7-.Ltmp4, $4  }
.Ltmp5:
0xe7: {  	_ = 	snop;
	(pc) =	sbr.rel @!p1 .LBB2_6-.Ltmp5, $4  }
0xe8: {  	_ =	swait.ge [sflag:s21], $0x2700  }
0xe9: {  	[sflag:s21] =	ssyncset.done $0x0  }
0xea: {  	s8 =	rddreg [dreg:$0x7];
	[sflag:s21] =	ssyncadd.s32 $0xFFFFD900  }
0xeb: {  	_ = 	snop  }
.LBB2_4:
0xec: {  	s18 =	rddreg [dreg:$0x9]  }
0xed: {  	s8 =	rddreg [dreg:$0xe]  }
0xee: {  	s11 =	rddreg [dreg:$0x13]  }
0xef: {  	[hbm:s8], [sflag:s18] =	dma.local [spmem:s11], $0x2700  }
.Ltmp6:
0xf0: {  	_ = 	snop;
	(pc) =	sbr.rel @p2 .LBB2_6-.Ltmp6, $4  }
.Ltmp7:
0xf1: {  	_ = 	snop;
	(pc) =	sbr.rel @!p2 .LBB2_7-.Ltmp7, $4  }
0xf2: {  	_ =	swait.ge [sflag:s21], $0x2700  }
0xf3: {  	[sflag:s21] =	ssyncset.done $0x0  }
0xf4: {  	s8 =	rddreg [dreg:$0x6];
	[sflag:s21] =	ssyncadd.s32 $0xFFFFD900  }
0xf5: {  	_ = 	snop  }
.LBB2_8:
0xf6: {  	_ =	sfence.sel $0x180000  }
0xf7: {  	[bflag:$0x0] =	sbarrier.arrive $0xFFFF  }
0xf8: {  	_ =	strace $0x90000047  }
0xf9: {  	s0 =	stileid.u32;
	[bflag:$0x2] =	sbarrier.arrive $0xFFFF  }
0xfa: {  	p0 =	sne.s32 s0, $0x0;
	s0 =	rddreg [dreg:$0x2]  }
0xfb: {  	s0 =	sadd.s32 @!p0 $0x100000, s0  }
0xfc: {  	[sflag:s0] =	ssyncadd.tile.s32 @!p0 $0x1;
	_ =	shalt  }
.Lfunc_end2:
_tile_overlayer_lowered:
.L_overlay_start_2:
0xfd: {  	(tag) =	ssettag $0x2  }
0xfe: {  	s0 =	rddreg [dreg:$0x0];
	s2 =	stileid.u32  }
0xff: {  	s1 =	rddreg [dreg:$0x1];
	p0 =	sne.s32 s2, $0x0  }
0x100: {  	s3 =	rddreg [dreg:$0x2];
	[bflag:$0x3] =	sbarrier.arrive $0xFFFF;
	s2 =	simm.s32 @!p0 $0x1C09  }
0x101: {  	[timem:s3], [sflag:s2] =	dma.local @!p0 [hbm:s0], s1  }
0x102: {  	s0 =	simm.s32 @!p0 $0x9  }
0x103: {  	_ =	swait.ge @!p0 [sflag:s0], s1  }
0x104: {  	s1 =	ssub.s32 @!p0 $0x0, s1;
	[sflag:s0] =	ssyncset.done @!p0 $0x0  }
0x105: {  	[sflag:s0] =	ssyncadd.s32 @!p0 s1  }
0x106: {  	[bflag:$0x3] =	sbarrier.arrive $0xFFFF  }
0x107: {  	_ =	shalt  }

</sc_bundles>
